<compile_context>
chip_gen: v7x
topology: tpu7x:2x2x1
jax: 0.10.2.dev20260603
libtpu: 0.0.44.dev20260713+nightly
codegen_flags: <defaults>
</compile_context>

<pallas_src>
import functools

import jax
import jax.numpy as jnp
from jax import lax
from jax.experimental import pallas as pl
from jax.experimental.pallas import tpu as pltpu
from jax.experimental.pallas import tpu_sc as plsc

N_NODES = 10000
D_FEAT = 128
HIDDEN = 16
N_DRUGS = 1024

NC = 2
NS = 16
NW = NC * NS
L = 16

G = 8
N_PAD = 10240
NG = N_PAD // G
NG_REAL = N_NODES // G
RPT = N_PAD // NS
GPT = NG // NS
CHUNK = 1000
NBUF = 6
NSEM = 8


def _sc_mesh():
    return plsc.VectorSubcoreMesh(
        core_axis_name="c", subcore_axis_name="s", num_cores=NC, num_subcores=NS
    )


_SC_PARAMS = pltpu.CompilerParams(use_tc_tiling_on_sc=False)


def _make_deg_kernel(k_per_tile):

    @functools.partial(
        pl.kernel,
        out_type=jax.ShapeDtypeStruct((NC, N_PAD, L), jnp.float32),
        mesh=_sc_mesh(),
        scratch_types=[
            pltpu.VMEM((k_per_tile, CHUNK), jnp.int32),
            pltpu.VMEM((CHUNK, L), jnp.float32),
            pltpu.VMEM_SHARED((N_PAD, L), jnp.float32),
            pltpu.SemaphoreType.DMA((NSEM,)),
        ],
        compiler_params=_SC_PARAMS,
    )
    def deg_kernel(ei3, ones_hbm, zeros_hbm, out, dst_v, ones_v, acc_sh, sems):
        cid = lax.axis_index("c")
        sid = lax.axis_index("s")
        wid = sid * NC + cid
        pltpu.sync_copy(zeros_hbm, acc_sh.at[pl.ds(sid * RPT, RPT)])
        pltpu.sync_copy(ei3.at[1, pl.ds(wid * k_per_tile, k_per_tile)], dst_v)
        pltpu.sync_copy(ones_hbm, ones_v)
        plsc.subcore_barrier()
        sd = []
        for j in range(k_per_tile):
            sd.append(pltpu.async_copy(
                ones_v, acc_sh.at[dst_v.at[j]], sems.at[j % NSEM], add=True
            ))
        for d in sd:
            d.wait()
        plsc.subcore_barrier()
        pltpu.sync_copy(
            acc_sh.at[pl.ds(sid * RPT, RPT)],
            out.at[cid, pl.ds(sid * RPT, RPT)],
        )

    return deg_kernel


def _make_edge_kernel(k_per_tile):

    @functools.partial(
        pl.kernel,
        out_type=jax.ShapeDtypeStruct((NC, N_PAD, L), jnp.float32),
        mesh=_sc_mesh(),
        scratch_types=[
            pltpu.VMEM((k_per_tile, CHUNK), jnp.int32),
            pltpu.VMEM((k_per_tile, CHUNK), jnp.int32),
            pltpu.VMEM((NBUF, CHUNK, L), jnp.float32),
            pltpu.VMEM_SHARED((N_PAD, L), jnp.float32),
            pltpu.SemaphoreType.DMA((NBUF,)),
            pltpu.SemaphoreType.DMA((NBUF,)),
        ],
        compiler_params=_SC_PARAMS,
    )
    def edge_kernel(y_hbm, ei3, zeros_hbm, out, src_v, dst_v, rows_v,
                    acc_sh, gsem, ssem):
        cid = lax.axis_index("c")
        sid = lax.axis_index("s")
        wid = sid * NC + cid
        pltpu.sync_copy(zeros_hbm, acc_sh.at[pl.ds(sid * RPT, RPT)])
        pltpu.sync_copy(ei3.at[0, pl.ds(wid * k_per_tile, k_per_tile)], src_v)
        pltpu.sync_copy(ei3.at[1, pl.ds(wid * k_per_tile, k_per_tile)], dst_v)
        plsc.subcore_barrier()
        gd = {}
        sd = {}
        for j in range(min(NBUF, k_per_tile)):
            gd[j] = pltpu.async_copy(
                y_hbm.at[src_v.at[j]], rows_v.at[j % NBUF], gsem.at[j % NBUF]
            )
        lag = NBUF // 2
        for j in range(k_per_tile):
            b = j % NBUF
            gd[j].wait()
            sd[j] = pltpu.async_copy(
                rows_v.at[b], acc_sh.at[dst_v.at[j]], ssem.at[b], add=True
            )
            jj = j - lag
            if jj >= 0 and jj + NBUF < k_per_tile:
                nj = jj + NBUF
                sd[jj].wait()
                gd[nj] = pltpu.async_copy(
                    y_hbm.at[src_v.at[nj]], rows_v.at[nj % NBUF],
                    gsem.at[nj % NBUF]
                )
        for j in range(max(k_per_tile - NBUF, 0), k_per_tile):
            sd[j].wait()
        plsc.subcore_barrier()
        pltpu.sync_copy(
            acc_sh.at[pl.ds(sid * RPT, RPT)],
            out.at[cid, pl.ds(sid * RPT, RPT)],
        )

    return edge_kernel


def _block_diag(w, reps):
    r, c = w.shape
    tiled = jnp.tile(w, (reps, reps))
    i0 = lax.broadcasted_iota(jnp.int32, (r * reps, c * reps), 0) // r
    i1 = lax.broadcasted_iota(jnp.int32, (r * reps, c * reps), 1) // c
    return jnp.where(i0 == i1, tiled, 0.0)


def _tca_body(xg_ref, w1_ref, xw_ref):
    bd = _block_diag(w1_ref[...], G)
    xw = jnp.dot(xg_ref[...], bd, preferred_element_type=jnp.float32)
    xw_ref[...] = jnp.concatenate(
        [xw, jnp.zeros((NG - NG_REAL, G * HIDDEN), jnp.float32)], axis=0
    )


def _tcb_body(degp_ref, xw_ref, dis_ref, y1_ref):
    dis = lax.rsqrt(degp_ref[0] + degp_ref[1] + 1.0)
    dis_ref[...] = dis
    y1_ref[...] = dis * xw_ref[...]


def _tc2_body(sp_ref, y1_ref, dis_ref, w2_ref, b1_ref, y2_ref):
    dis = dis_ref[...]
    h1 = jnp.maximum(dis * (sp_ref[0] + sp_ref[1] + y1_ref[...]) + b1_ref[...],
                     0.0)
    bd = _block_diag(w2_ref[...], G)
    y2_ref[...] = dis * jnp.dot(h1, bd, preferred_element_type=jnp.float32)


def _tc3_body(sp_ref, y2_ref, dis_ref, b2_ref, pred_ref, out_ref):
    h2_g = dis_ref[...] * (sp_ref[0] + sp_ref[1] + y2_ref[...]) + b2_ref[...]
    rows = lax.broadcasted_iota(jnp.int32, (N_DRUGS, N_DRUGS // G), 0)
    cols = lax.broadcasted_iota(jnp.int32, (N_DRUGS, N_DRUGS // G), 1)
    h2 = jnp.zeros((N_DRUGS, HIDDEN), jnp.float32)
    for i in range(G):
        e_i = jnp.where((rows % G == i) & (rows // G == cols), 1.0, 0.0)
        h2 = h2 + jnp.dot(e_i, h2_g[:, i * HIDDEN:(i + 1) * HIDDEN],
                          preferred_element_type=jnp.float32)
    t = jnp.dot(h2, pred_ref[...], preferred_element_type=jnp.float32)
    out_ref[...] = lax.dot_general(
        t, h2, (((1,), (1,)), ((), ())), preferred_element_type=jnp.float32
    )


def kernel(x, edge_index, number_of_drugs, W1, b1, W2, b2, predictor):
    del number_of_drugs
    e = edge_index.shape[1]
    k_per_tile = e // (NW * CHUNK)
    ei3 = edge_index.astype(jnp.int32).reshape(2, NW * k_per_tile, CHUNK)

    zeros = jnp.zeros((RPT, L), jnp.float32)
    ones = jnp.ones((CHUNK, L), jnp.float32)
    b1t = jnp.tile(b1, G).reshape(1, G * HIDDEN)
    b2t = jnp.tile(b2, G).reshape(1, G * HIDDEN)
    nd_g = N_DRUGS // G

    deg_kernel = _make_deg_kernel(k_per_tile)
    edge_kernel = _make_edge_kernel(k_per_tile)

    xw_g = pl.pallas_call(
        _tca_body,
        out_shape=jax.ShapeDtypeStruct((NG, G * HIDDEN), jnp.float32),
    )(x.reshape(NG_REAL, G * D_FEAT), W1)

    degp = deg_kernel(ei3, ones, zeros).reshape(NC, NG, G * HIDDEN)

    dis_g, y1_g = pl.pallas_call(
        _tcb_body,
        out_shape=[
            jax.ShapeDtypeStruct((NG, G * HIDDEN), jnp.float32),
            jax.ShapeDtypeStruct((NG, G * HIDDEN), jnp.float32),
        ],
    )(degp, xw_g)

    sp1 = edge_kernel(y1_g.reshape(N_PAD, L), ei3, zeros).reshape(
        NC, NG, G * HIDDEN)

    y2_g = pl.pallas_call(
        _tc2_body,
        out_shape=jax.ShapeDtypeStruct((NG, G * HIDDEN), jnp.float32),
    )(sp1, y1_g, dis_g, W2, b1t)

    sp2 = edge_kernel(y2_g.reshape(N_PAD, L), ei3, zeros)

    sp2_g = sp2.reshape(NC, NG, G * HIDDEN)
    scores = pl.pallas_call(
        _tc3_body,
        out_shape=jax.ShapeDtypeStruct((N_DRUGS, N_DRUGS), jnp.float32),
    )(sp2_g[:, :nd_g], y2_g[:nd_g], dis_g[:nd_g], b2t, predictor)

    return scores

# --- scband reference (transcript-rebuilt; emitter-appended) ---
"""Pipeline reference for scband-monte-carlo-gcn-37744172597765 (READ-ONLY COPY).

The authoritative reference and input builder live on the scoring server;
editing this copy changes nothing except your own understanding.
"""

import jax, jax.numpy as jnp
import numpy as np

N_NODES = 10000
N_EDGES = 320000
D_FEAT = 128
HIDDEN = 16
N_DRUGS = 1024


def gcn_conv(x, edge_index, W, b):
    num_nodes = x.shape[0]
    src = edge_index[0]
    dst = edge_index[1]
    # add self loops (GCNConv default: add_self_loops=True)
    loop = jnp.arange(num_nodes, dtype=edge_index.dtype)
    src = jnp.concatenate([src, loop])
    dst = jnp.concatenate([dst, loop])
    # symmetric normalization: deg computed on dst (col) with self loops
    ones = jnp.ones(src.shape[0], dtype=x.dtype)
    deg = jnp.zeros(num_nodes, dtype=x.dtype).at[dst].add(ones)
    deg_inv_sqrt = jnp.where(deg > 0, jax.lax.rsqrt(deg), 0.0)
    norm = deg_inv_sqrt[src] * deg_inv_sqrt[dst]
    # linear transform then gather / scatter-add message passing
    xw = x @ W
    msg = xw[src] * norm[:, None]
    out = jnp.zeros((num_nodes, W.shape[1]), dtype=x.dtype).at[dst].add(msg)
    return out + b


def setup_inputs(seed: int = 0) -> dict:
    key = jax.random.key(seed)
    k_x, k_e, k_w1, k_b1, k_w2, k_b2, k_p = jax.random.split(key, 7)
    x = jax.random.normal(k_x, (N_NODES, D_FEAT), dtype=jnp.float32)
    edge_index = jax.random.randint(k_e, (2, N_EDGES), 0, N_NODES, dtype=jnp.int64)
    # GCNConv glorot-style init
    s1 = float(np.sqrt(6.0 / (D_FEAT + HIDDEN)))
    s2 = float(np.sqrt(6.0 / (HIDDEN + HIDDEN)))
    W1 = jax.random.uniform(k_w1, (D_FEAT, HIDDEN), jnp.float32, -s1, s1)
    b1 = jnp.zeros((HIDDEN,), dtype=jnp.float32)
    W2 = jax.random.uniform(k_w2, (HIDDEN, HIDDEN), jnp.float32, -s2, s2)
    b2 = jnp.zeros((HIDDEN,), dtype=jnp.float32)
    predictor = jax.random.normal(k_p, (HIDDEN, HIDDEN), dtype=jnp.float32)
    return {"x": x, "edge_index": edge_index, "number_of_drugs": N_DRUGS,
            "W1": W1, "b1": b1, "W2": W2, "b2": b2, "predictor": predictor}


def reference(x, edge_index, number_of_drugs, W1, b1, W2, b2, predictor):
    # eval-mode forward (self.training == False): single_pass_forward, dropout inactive
    h = gcn_conv(x, edge_index, W1, b1)
    h = jax.nn.relu(h)
    # F.dropout(training=False) is identity
    h = gcn_conv(h, edge_index, W2, b2)
    hd = jax.lax.dynamic_slice_in_dim(h, number_of_drugs - number_of_drugs, N_DRUGS, axis=0)
    scores = hd @ predictor @ hd.T
    return scores

if __name__ == "__main__":
    import jax
    _d = setup_inputs()
    print(jax.jit(kernel)(*tuple(_d.values())))

</pallas_src>

<mosaic_0001>
#map = affine_map<(d0, d1) -> (0, 0)>
#map1 = affine_map<(d0, d1) -> (0, 0, 0)>
module attributes {stable_mosaic.version = 14 : i64} {
  func.func @edge_kernel(%arg0: i32, %arg1: i32, %arg2: memref<10240x16xf32, #tpu.memory_space<hbm>>, %arg3: memref<2x320x1000xi32, #tpu.memory_space<hbm>>, %arg4: memref<640x16xf32, #tpu.memory_space<hbm>>, %arg5: memref<2x10240x16xf32, #tpu.memory_space<hbm>>, %arg6: memref<10x1000xi32, #tpu.memory_space<vmem>>, %arg7: memref<10x1000xi32, #tpu.memory_space<vmem>>, %arg8: memref<6x1000x16xf32, #tpu.memory_space<vmem>>, %arg9: memref<10240x16xf32, #tpu.memory_space<vmem_shared>>, %arg10: memref<6x!tpu.dma_semaphore, #tpu.memory_space<semaphore_mem>>, %arg11: memref<6x!tpu.dma_semaphore, #tpu.memory_space<semaphore_mem>>) attributes {dimension_semantics = [#tpu.dimension_semantics<core_parallel>, #tpu.dimension_semantics<subcore_parallel>], iteration_bounds = array<i64: 2, 16>, scalar_prefetch = 0 : i64, scratch_operands = 6 : i64, tpu.core_type = #tpu.core_type<sc_vector_subcore>, window_params = [{transform_indices = #map}, {transform_indices = #map1}, {transform_indices = #map}, {transform_indices = #map1}]} {
    %mul3A = arith.constant 2 : i32
    %mul3A_0 = arith.muli %arg1, %mul3A : i32
    %add3A = arith.addi %mul3A_0, %arg0 : i32
    %mul3A_1 = arith.constant 640 : i32
    %mul3A_2 = arith.muli %arg1, %mul3A_1 : i32
    "tpu.region"() ({
      %run_scoped3A_611 = tpu.sem_alloc : memref<!tpu.dma_semaphore, #tpu.memory_space<semaphore_mem>>
      %dma_start3A_612 = arith.constant 0 : i32
      %dma_start3A_613 = tpu.memref_slice %arg9[%mul3A_2, %dma_start3A_612] : memref<10240x16xf32, #tpu.memory_space<vmem_shared>> -> memref<640x16xf32, #tpu.memory_space<vmem_shared>>
      tpu.enqueue_dma source(%arg4 : memref<640x16xf32, #tpu.memory_space<hbm>>) target(%dma_start3A_613 : memref<640x16xf32, #tpu.memory_space<vmem_shared>>) target_semaphore(%run_scoped3A_611 : memref<!tpu.dma_semaphore, #tpu.memory_space<semaphore_mem>>)
      %dma_wait3A_614 = arith.constant 0 : i32
      %dma_wait3A_615 = tpu.memref_slice %arg9[%mul3A_2, %dma_wait3A_614] : memref<10240x16xf32, #tpu.memory_space<vmem_shared>> -> memref<640x16xf32, #tpu.memory_space<vmem_shared>>
      tpu.wait_dma2 semaphore(%run_scoped3A_611 : memref<!tpu.dma_semaphore, #tpu.memory_space<semaphore_mem>>) src(%arg4 : memref<640x16xf32, #tpu.memory_space<hbm>>) dst(%dma_wait3A_615 : memref<640x16xf32, #tpu.memory_space<vmem_shared>>)
      tpu.yield
    }) : () -> ()
    %mul3A_3 = arith.constant 10 : i32
    %mul3A_4 = arith.muli %add3A, %mul3A_3 : i32
    %run_scoped3A = arith.constant 0 : i32
    "tpu.region"() ({
      %run_scoped3A_611 = tpu.sem_alloc : memref<!tpu.dma_semaphore, #tpu.memory_space<semaphore_mem>>
      %dma_start3A_612 = arith.constant 0 : i32
      %dma_start3A_613 = tpu.memref_slice %arg3[%run_scoped3A, %mul3A_4, %dma_start3A_612] : memref<2x320x1000xi32, #tpu.memory_space<hbm>> -> memref<1x10x1000xi32, #tpu.memory_space<hbm>>
      %dma_start3A_614 = tpu.memref_squeeze %dma_start3A_613 : memref<1x10x1000xi32, #tpu.memory_space<hbm>> -> memref<10x1000xi32, #tpu.memory_space<hbm>>
      %dma_start3A_615 = arith.constant 0 : i32
      %dma_start3A_616 = tpu.memref_slice %arg3[%run_scoped3A, %mul3A_4, %dma_start3A_615] : memref<2x320x1000xi32, #tpu.memory_space<hbm>> -> memref<1x10x1000xi32, #tpu.memory_space<hbm>>
      %dma_start3A_617 = tpu.memref_squeeze %dma_start3A_616 : memref<1x10x1000xi32, #tpu.memory_space<hbm>> -> memref<10x1000xi32, #tpu.memory_space<hbm>>
      tpu.enqueue_dma source(%dma_start3A_617 : memref<10x1000xi32, #tpu.memory_space<hbm>>) target(%arg6 : memref<10x1000xi32, #tpu.memory_space<vmem>>) target_semaphore(%run_scoped3A_611 : memref<!tpu.dma_semaphore, #tpu.memory_space<semaphore_mem>>)
      %dma_wait3A_618 = arith.constant 0 : i32
      %dma_wait3A_619 = tpu.memref_slice %arg3[%run_scoped3A, %mul3A_4, %dma_wait3A_618] : memref<2x320x1000xi32, #tpu.memory_space<hbm>> -> memref<1x10x1000xi32, #tpu.memory_space<hbm>>
      %dma_wait3A_620 = tpu.memref_squeeze %dma_wait3A_619 : memref<1x10x1000xi32, #tpu.memory_space<hbm>> -> memref<10x1000xi32, #tpu.memory_space<hbm>>
      %dma_wait3A_621 = arith.constant 0 : i32
      %dma_wait3A_622 = tpu.memref_slice %arg3[%run_scoped3A, %mul3A_4, %dma_wait3A_621] : memref<2x320x1000xi32, #tpu.memory_space<hbm>> -> memref<1x10x1000xi32, #tpu.memory_space<hbm>>
      %dma_wait3A_623 = tpu.memref_squeeze %dma_wait3A_622 : memref<1x10x1000xi32, #tpu.memory_space<hbm>> -> memref<10x1000xi32, #tpu.memory_space<hbm>>
      tpu.wait_dma2 semaphore(%run_scoped3A_611 : memref<!tpu.dma_semaphore, #tpu.memory_space<semaphore_mem>>) src(%dma_wait3A_623 : memref<10x1000xi32, #tpu.memory_space<hbm>>) dst(%arg6 : memref<10x1000xi32, #tpu.memory_space<vmem>>)
      tpu.yield
    }) : () -> ()
    %mul3A_5 = arith.constant 10 : i32
    %mul3A_6 = arith.muli %add3A, %mul3A_5 : i32
    %run_scoped3A_7 = arith.constant 1 : i32
    "tpu.region"() ({
      %run_scoped3A_611 = tpu.sem_alloc : memref<!tpu.dma_semaphore, #tpu.memory_space<semaphore_mem>>
      %dma_start3A_612 = arith.constant 0 : i32
      %dma_start3A_613 = tpu.memref_slice %arg3[%run_scoped3A_7, %mul3A_6, %dma_start3A_612] : memref<2x320x1000xi32, #tpu.memory_space<hbm>> -> memref<1x10x1000xi32, #tpu.memory_space<hbm>>
      %dma_start3A_614 = tpu.memref_squeeze %dma_start3A_613 : memref<1x10x1000xi32, #tpu.memory_space<hbm>> -> memref<10x1000xi32, #tpu.memory_space<hbm>>
      %dma_start3A_615 = arith.constant 0 : i32
      %dma_start3A_616 = tpu.memref_slice %arg3[%run_scoped3A_7, %mul3A_6, %dma_start3A_615] : memref<2x320x1000xi32, #tpu.memory_space<hbm>> -> memref<1x10x1000xi32, #tpu.memory_space<hbm>>
      %dma_start3A_617 = tpu.memref_squeeze %dma_start3A_616 : memref<1x10x1000xi32, #tpu.memory_space<hbm>> -> memref<10x1000xi32, #tpu.memory_space<hbm>>
      tpu.enqueue_dma source(%dma_start3A_617 : memref<10x1000xi32, #tpu.memory_space<hbm>>) target(%arg7 : memref<10x1000xi32, #tpu.memory_space<vmem>>) target_semaphore(%run_scoped3A_611 : memref<!tpu.dma_semaphore, #tpu.memory_space<semaphore_mem>>)
      %dma_wait3A_618 = arith.constant 0 : i32
      %dma_wait3A_619 = tpu.memref_slice %arg3[%run_scoped3A_7, %mul3A_6, %dma_wait3A_618] : memref<2x320x1000xi32, #tpu.memory_space<hbm>> -> memref<1x10x1000xi32, #tpu.memory_space<hbm>>
      %dma_wait3A_620 = tpu.memref_squeeze %dma_wait3A_619 : memref<1x10x1000xi32, #tpu.memory_space<hbm>> -> memref<10x1000xi32, #tpu.memory_space<hbm>>
      %dma_wait3A_621 = arith.constant 0 : i32
      %dma_wait3A_622 = tpu.memref_slice %arg3[%run_scoped3A_7, %mul3A_6, %dma_wait3A_621] : memref<2x320x1000xi32, #tpu.memory_space<hbm>> -> memref<1x10x1000xi32, #tpu.memory_space<hbm>>
      %dma_wait3A_623 = tpu.memref_squeeze %dma_wait3A_622 : memref<1x10x1000xi32, #tpu.memory_space<hbm>> -> memref<10x1000xi32, #tpu.memory_space<hbm>>
      tpu.wait_dma2 semaphore(%run_scoped3A_611 : memref<!tpu.dma_semaphore, #tpu.memory_space<semaphore_mem>>) src(%dma_wait3A_623 : memref<10x1000xi32, #tpu.memory_space<hbm>>) dst(%arg7 : memref<10x1000xi32, #tpu.memory_space<vmem>>)
      tpu.yield
    }) : () -> ()
    %barrier3A = arith.constant 0 : index
    tpu.barrier barrier_id(%barrier3A)
    %dma_start3A = arith.constant 0 : i32
    %dma_start3A_8 = arith.constant 0 : i32
    %dma_start3A_9 = arith.constant 0 : i32
    %dma_start3A_10 = arith.constant 0 : i32
    %dma_start3A_11 = arith.constant 0 : i32
    %dma_start3A_12 = tpu.memref_slice %arg8[%dma_start3A_8, %dma_start3A_10, %dma_start3A_11] : memref<6x1000x16xf32, #tpu.memory_space<vmem>> -> memref<1x1000x16xf32, #tpu.memory_space<vmem>>
    %dma_start3A_13 = tpu.memref_squeeze %dma_start3A_12 : memref<1x1000x16xf32, #tpu.memory_space<vmem>> -> memref<1000x16xf32, #tpu.memory_space<vmem>>
    %dma_start3A_14 = arith.constant 0 : i32
    %dma_start3A_15 = tpu.memref_slice %arg6[%dma_start3A, %dma_start3A_14] : memref<10x1000xi32, #tpu.memory_space<vmem>> -> memref<1x1000xi32, #tpu.memory_space<vmem>>
    %dma_start3A_16 = tpu.memref_squeeze %dma_start3A_15 : memref<1x1000xi32, #tpu.memory_space<vmem>> -> memref<1000xi32, #tpu.memory_space<vmem>>
    %dma_start3A_17 = arith.constant 0 : i32
    %dma_start3A_18 = arith.constant 0 : i32
    %dma_start3A_19 = tpu.memref_slice %arg2[%dma_start3A_17, %dma_start3A_18] : memref<10240x16xf32, #tpu.memory_space<hbm>> -> memref<10240x16xf32, #tpu.memory_space<hbm>>
    %dma_start3A_20 = tpu.memref_slice %arg10[%dma_start3A_9] : memref<6x!tpu.dma_semaphore, #tpu.memory_space<semaphore_mem>> -> memref<1x!tpu.dma_semaphore, #tpu.memory_space<semaphore_mem>>
    %dma_start3A_21 = tpu.memref_squeeze %dma_start3A_20 : memref<1x!tpu.dma_semaphore, #tpu.memory_space<semaphore_mem>> -> memref<!tpu.dma_semaphore, #tpu.memory_space<semaphore_mem>>
    tpu.enqueue_indirect_dma source(%dma_start3A_19 : memref<10240x16xf32, #tpu.memory_space<hbm>>) target(%dma_start3A_13 : memref<1000x16xf32, #tpu.memory_space<vmem>>) offsets(%dma_start3A_16 : memref<1000xi32, #tpu.memory_space<vmem>>) semaphore(%dma_start3A_21 : memref<!tpu.dma_semaphore, #tpu.memory_space<semaphore_mem>>)
    %dma_start3A_22 = arith.constant 1 : i32
    %dma_start3A_23 = arith.constant 1 : i32
    %dma_start3A_24 = arith.constant 1 : i32
    %dma_start3A_25 = arith.constant 0 : i32
    %dma_start3A_26 = arith.constant 0 : i32
    %dma_start3A_27 = tpu.memref_slice %arg8[%dma_start3A_23, %dma_start3A_25, %dma_start3A_26] : memref<6x1000x16xf32, #tpu.memory_space<vmem>> -> memref<1x1000x16xf32, #tpu.memory_space<vmem>>
    %dma_start3A_28 = tpu.memref_squeeze %dma_start3A_27 : memref<1x1000x16xf32, #tpu.memory_space<vmem>> -> memref<1000x16xf32, #tpu.memory_space<vmem>>
    %dma_start3A_29 = arith.constant 0 : i32
    %dma_start3A_30 = tpu.memref_slice %arg6[%dma_start3A_22, %dma_start3A_29] : memref<10x1000xi32, #tpu.memory_space<vmem>> -> memref<1x1000xi32, #tpu.memory_space<vmem>>
    %dma_start3A_31 = tpu.memref_squeeze %dma_start3A_30 : memref<1x1000xi32, #tpu.memory_space<vmem>> -> memref<1000xi32, #tpu.memory_space<vmem>>
    %dma_start3A_32 = arith.constant 0 : i32
    %dma_start3A_33 = arith.constant 0 : i32
    %dma_start3A_34 = tpu.memref_slice %arg2[%dma_start3A_32, %dma_start3A_33] : memref<10240x16xf32, #tpu.memory_space<hbm>> -> memref<10240x16xf32, #tpu.memory_space<hbm>>
    %dma_start3A_35 = tpu.memref_slice %arg10[%dma_start3A_24] : memref<6x!tpu.dma_semaphore, #tpu.memory_space<semaphore_mem>> -> memref<1x!tpu.dma_semaphore, #tpu.memory_space<semaphore_mem>>
    %dma_start3A_36 = tpu.memref_squeeze %dma_start3A_35 : memref<1x!tpu.dma_semaphore, #tpu.memory_space<semaphore_mem>> -> memref<!tpu.dma_semaphore, #tpu.memory_space<semaphore_mem>>
    tpu.enqueue_indirect_dma source(%dma_start3A_34 : memref<10240x16xf32, #tpu.memory_space<hbm>>) target(%dma_start3A_28 : memref<1000x16xf32, #tpu.memory_space<vmem>>) offsets(%dma_start3A_31 : memref<1000xi32, #tpu.memory_space<vmem>>) semaphore(%dma_start3A_36 : memref<!tpu.dma_semaphore, #tpu.memory_space<semaphore_mem>>)
    %dma_start3A_37 = arith.constant 2 : i32
    %dma_start3A_38 = arith.constant 2 : i32
    %dma_start3A_39 = arith.constant 2 : i32
    %dma_start3A_40 = arith.constant 0 : i32
    %dma_start3A_41 = arith.constant 0 : i32
    %dma_start3A_42 = tpu.memref_slice %arg8[%dma_start3A_38, %dma_start3A_40, %dma_start3A_41] : memref<6x1000x16xf32, #tpu.memory_space<vmem>> -> memref<1x1000x16xf32, #tpu.memory_space<vmem>>
    %dma_start3A_43 = tpu.memref_squeeze %dma_start3A_42 : memref<1x1000x16xf32, #tpu.memory_space<vmem>> -> memref<1000x16xf32, #tpu.memory_space<vmem>>
    %dma_start3A_44 = arith.constant 0 : i32
    %dma_start3A_45 = tpu.memref_slice %arg6[%dma_start3A_37, %dma_start3A_44] : memref<10x1000xi32, #tpu.memory_space<vmem>> -> memref<1x1000xi32, #tpu.memory_space<vmem>>
    %dma_start3A_46 = tpu.memref_squeeze %dma_start3A_45 : memref<1x1000xi32, #tpu.memory_space<vmem>> -> memref<1000xi32, #tpu.memory_space<vmem>>
    %dma_start3A_47 = arith.constant 0 : i32
    %dma_start3A_48 = arith.constant 0 : i32
    %dma_start3A_49 = tpu.memref_slice %arg2[%dma_start3A_47, %dma_start3A_48] : memref<10240x16xf32, #tpu.memory_space<hbm>> -> memref<10240x16xf32, #tpu.memory_space<hbm>>
    %dma_start3A_50 = tpu.memref_slice %arg10[%dma_start3A_39] : memref<6x!tpu.dma_semaphore, #tpu.memory_space<semaphore_mem>> -> memref<1x!tpu.dma_semaphore, #tpu.memory_space<semaphore_mem>>
    %dma_start3A_51 = tpu.memref_squeeze %dma_start3A_50 : memref<1x!tpu.dma_semaphore, #tpu.memory_space<semaphore_mem>> -> memref<!tpu.dma_semaphore, #tpu.memory_space<semaphore_mem>>
    tpu.enqueue_indirect_dma source(%dma_start3A_49 : memref<10240x16xf32, #tpu.memory_space<hbm>>) target(%dma_start3A_43 : memref<1000x16xf32, #tpu.memory_space<vmem>>) offsets(%dma_start3A_46 : memref<1000xi32, #tpu.memory_space<vmem>>) semaphore(%dma_start3A_51 : memref<!tpu.dma_semaphore, #tpu.memory_space<semaphore_mem>>)
    %dma_start3A_52 = arith.constant 3 : i32
    %dma_start3A_53 = arith.constant 3 : i32
    %dma_start3A_54 = arith.constant 3 : i32
    %dma_start3A_55 = arith.constant 0 : i32
    %dma_start3A_56 = arith.constant 0 : i32
    %dma_start3A_57 = tpu.memref_slice %arg8[%dma_start3A_53, %dma_start3A_55, %dma_start3A_56] : memref<6x1000x16xf32, #tpu.memory_space<vmem>> -> memref<1x1000x16xf32, #tpu.memory_space<vmem>>
    %dma_start3A_58 = tpu.memref_squeeze %dma_start3A_57 : memref<1x1000x16xf32, #tpu.memory_space<vmem>> -> memref<1000x16xf32, #tpu.memory_space<vmem>>
    %dma_start3A_59 = arith.constant 0 : i32
    %dma_start3A_60 = tpu.memref_slice %arg6[%dma_start3A_52, %dma_start3A_59] : memref<10x1000xi32, #tpu.memory_space<vmem>> -> memref<1x1000xi32, #tpu.memory_space<vmem>>
    %dma_start3A_61 = tpu.memref_squeeze %dma_start3A_60 : memref<1x1000xi32, #tpu.memory_space<vmem>> -> memref<1000xi32, #tpu.memory_space<vmem>>
    %dma_start3A_62 = arith.constant 0 : i32
    %dma_start3A_63 = arith.constant 0 : i32
    %dma_start3A_64 = tpu.memref_slice %arg2[%dma_start3A_62, %dma_start3A_63] : memref<10240x16xf32, #tpu.memory_space<hbm>> -> memref<10240x16xf32, #tpu.memory_space<hbm>>
    %dma_start3A_65 = tpu.memref_slice %arg10[%dma_start3A_54] : memref<6x!tpu.dma_semaphore, #tpu.memory_space<semaphore_mem>> -> memref<1x!tpu.dma_semaphore, #tpu.memory_space<semaphore_mem>>
    %dma_start3A_66 = tpu.memref_squeeze %dma_start3A_65 : memref<1x!tpu.dma_semaphore, #tpu.memory_space<semaphore_mem>> -> memref<!tpu.dma_semaphore, #tpu.memory_space<semaphore_mem>>
    tpu.enqueue_indirect_dma source(%dma_start3A_64 : memref<10240x16xf32, #tpu.memory_space<hbm>>) target(%dma_start3A_58 : memref<1000x16xf32, #tpu.memory_space<vmem>>) offsets(%dma_start3A_61 : memref<1000xi32, #tpu.memory_space<vmem>>) semaphore(%dma_start3A_66 : memref<!tpu.dma_semaphore, #tpu.memory_space<semaphore_mem>>)
    %dma_start3A_67 = arith.constant 4 : i32
    %dma_start3A_68 = arith.constant 4 : i32
    %dma_start3A_69 = arith.constant 4 : i32
    %dma_start3A_70 = arith.constant 0 : i32
    %dma_start3A_71 = arith.constant 0 : i32
    %dma_start3A_72 = tpu.memref_slice %arg8[%dma_start3A_68, %dma_start3A_70, %dma_start3A_71] : memref<6x1000x16xf32, #tpu.memory_space<vmem>> -> memref<1x1000x16xf32, #tpu.memory_space<vmem>>
    %dma_start3A_73 = tpu.memref_squeeze %dma_start3A_72 : memref<1x1000x16xf32, #tpu.memory_space<vmem>> -> memref<1000x16xf32, #tpu.memory_space<vmem>>
    %dma_start3A_74 = arith.constant 0 : i32
    %dma_start3A_75 = tpu.memref_slice %arg6[%dma_start3A_67, %dma_start3A_74] : memref<10x1000xi32, #tpu.memory_space<vmem>> -> memref<1x1000xi32, #tpu.memory_space<vmem>>
    %dma_start3A_76 = tpu.memref_squeeze %dma_start3A_75 : memref<1x1000xi32, #tpu.memory_space<vmem>> -> memref<1000xi32, #tpu.memory_space<vmem>>
    %dma_start3A_77 = arith.constant 0 : i32
    %dma_start3A_78 = arith.constant 0 : i32
    %dma_start3A_79 = tpu.memref_slice %arg2[%dma_start3A_77, %dma_start3A_78] : memref<10240x16xf32, #tpu.memory_space<hbm>> -> memref<10240x16xf32, #tpu.memory_space<hbm>>
    %dma_start3A_80 = tpu.memref_slice %arg10[%dma_start3A_69] : memref<6x!tpu.dma_semaphore, #tpu.memory_space<semaphore_mem>> -> memref<1x!tpu.dma_semaphore, #tpu.memory_space<semaphore_mem>>
    %dma_start3A_81 = tpu.memref_squeeze %dma_start3A_80 : memref<1x!tpu.dma_semaphore, #tpu.memory_space<semaphore_mem>> -> memref<!tpu.dma_semaphore, #tpu.memory_space<semaphore_mem>>
    tpu.enqueue_indirect_dma source(%dma_start3A_79 : memref<10240x16xf32, #tpu.memory_space<hbm>>) target(%dma_start3A_73 : memref<1000x16xf32, #tpu.memory_space<vmem>>) offsets(%dma_start3A_76 : memref<1000xi32, #tpu.memory_space<vmem>>) semaphore(%dma_start3A_81 : memref<!tpu.dma_semaphore, #tpu.memory_space<semaphore_mem>>)
    %dma_start3A_82 = arith.constant 5 : i32
    %dma_start3A_83 = arith.constant 5 : i32
    %dma_start3A_84 = arith.constant 5 : i32
    %dma_start3A_85 = arith.constant 0 : i32
    %dma_start3A_86 = arith.constant 0 : i32
    %dma_start3A_87 = tpu.memref_slice %arg8[%dma_start3A_83, %dma_start3A_85, %dma_start3A_86] : memref<6x1000x16xf32, #tpu.memory_space<vmem>> -> memref<1x1000x16xf32, #tpu.memory_space<vmem>>
    %dma_start3A_88 = tpu.memref_squeeze %dma_start3A_87 : memref<1x1000x16xf32, #tpu.memory_space<vmem>> -> memref<1000x16xf32, #tpu.memory_space<vmem>>
    %dma_start3A_89 = arith.constant 0 : i32
    %dma_start3A_90 = tpu.memref_slice %arg6[%dma_start3A_82, %dma_start3A_89] : memref<10x1000xi32, #tpu.memory_space<vmem>> -> memref<1x1000xi32, #tpu.memory_space<vmem>>
    %dma_start3A_91 = tpu.memref_squeeze %dma_start3A_90 : memref<1x1000xi32, #tpu.memory_space<vmem>> -> memref<1000xi32, #tpu.memory_space<vmem>>
    %dma_start3A_92 = arith.constant 0 : i32
    %dma_start3A_93 = arith.constant 0 : i32
    %dma_start3A_94 = tpu.memref_slice %arg2[%dma_start3A_92, %dma_start3A_93] : memref<10240x16xf32, #tpu.memory_space<hbm>> -> memref<10240x16xf32, #tpu.memory_space<hbm>>
    %dma_start3A_95 = tpu.memref_slice %arg10[%dma_start3A_84] : memref<6x!tpu.dma_semaphore, #tpu.memory_space<semaphore_mem>> -> memref<1x!tpu.dma_semaphore, #tpu.memory_space<semaphore_mem>>
    %dma_start3A_96 = tpu.memref_squeeze %dma_start3A_95 : memref<1x!tpu.dma_semaphore, #tpu.memory_space<semaphore_mem>> -> memref<!tpu.dma_semaphore, #tpu.memory_space<semaphore_mem>>
    tpu.enqueue_indirect_dma source(%dma_start3A_94 : memref<10240x16xf32, #tpu.memory_space<hbm>>) target(%dma_start3A_88 : memref<1000x16xf32, #tpu.memory_space<vmem>>) offsets(%dma_start3A_91 : memref<1000xi32, #tpu.memory_space<vmem>>) semaphore(%dma_start3A_96 : memref<!tpu.dma_semaphore, #tpu.memory_space<semaphore_mem>>)
    %dma_wait3A = arith.constant 0 : i32
    %dma_wait3A_97 = arith.constant 0 : i32
    %dma_wait3A_98 = arith.constant 0 : i32
    %dma_wait3A_99 = arith.constant 0 : i32
    %dma_wait3A_100 = arith.constant 0 : i32
    %dma_wait3A_101 = tpu.memref_slice %arg8[%dma_wait3A_97, %dma_wait3A_99, %dma_wait3A_100] : memref<6x1000x16xf32, #tpu.memory_space<vmem>> -> memref<1x1000x16xf32, #tpu.memory_space<vmem>>
    %dma_wait3A_102 = tpu.memref_squeeze %dma_wait3A_101 : memref<1x1000x16xf32, #tpu.memory_space<vmem>> -> memref<1000x16xf32, #tpu.memory_space<vmem>>
    %dma_wait3A_103 = arith.constant 0 : i32
    %dma_wait3A_104 = tpu.memref_slice %arg6[%dma_wait3A, %dma_wait3A_103] : memref<10x1000xi32, #tpu.memory_space<vmem>> -> memref<1x1000xi32, #tpu.memory_space<vmem>>
    %dma_wait3A_105 = tpu.memref_squeeze %dma_wait3A_104 : memref<1x1000xi32, #tpu.memory_space<vmem>> -> memref<1000xi32, #tpu.memory_space<vmem>>
    %dma_wait3A_106 = arith.constant 0 : i32
    %dma_wait3A_107 = arith.constant 0 : i32
    %dma_wait3A_108 = tpu.memref_slice %arg2[%dma_wait3A_106, %dma_wait3A_107] : memref<10240x16xf32, #tpu.memory_space<hbm>> -> memref<10240x16xf32, #tpu.memory_space<hbm>>
    %dma_wait3A_109 = tpu.memref_slice %arg10[%dma_wait3A_98] : memref<6x!tpu.dma_semaphore, #tpu.memory_space<semaphore_mem>> -> memref<1x!tpu.dma_semaphore, #tpu.memory_space<semaphore_mem>>
    %dma_wait3A_110 = tpu.memref_squeeze %dma_wait3A_109 : memref<1x!tpu.dma_semaphore, #tpu.memory_space<semaphore_mem>> -> memref<!tpu.dma_semaphore, #tpu.memory_space<semaphore_mem>>
    tpu.wait_indirect_dma semaphore(%dma_wait3A_110 : memref<!tpu.dma_semaphore, #tpu.memory_space<semaphore_mem>>) src(%dma_wait3A_108 : memref<10240x16xf32, #tpu.memory_space<hbm>>) dst(%dma_wait3A_102 : memref<1000x16xf32, #tpu.memory_space<vmem>>)
    %dma_start3A_111 = arith.constant 0 : i32
    %dma_start3A_112 = arith.constant 0 : i32
    %dma_start3A_113 = arith.constant 0 : i32
    %dma_start3A_114 = arith.constant 0 : i32
    %dma_start3A_115 = arith.constant 0 : i32
    %dma_start3A_116 = tpu.memref_slice %arg8[%dma_start3A_111, %dma_start3A_114, %dma_start3A_115] : memref<6x1000x16xf32, #tpu.memory_space<vmem>> -> memref<1x1000x16xf32, #tpu.memory_space<vmem>>
    %dma_start3A_117 = tpu.memref_squeeze %dma_start3A_116 : memref<1x1000x16xf32, #tpu.memory_space<vmem>> -> memref<1000x16xf32, #tpu.memory_space<vmem>>
    %dma_start3A_118 = arith.constant 0 : i32
    %dma_start3A_119 = tpu.memref_slice %arg7[%dma_start3A_112, %dma_start3A_118] : memref<10x1000xi32, #tpu.memory_space<vmem>> -> memref<1x1000xi32, #tpu.memory_space<vmem>>
    %dma_start3A_120 = tpu.memref_squeeze %dma_start3A_119 : memref<1x1000xi32, #tpu.memory_space<vmem>> -> memref<1000xi32, #tpu.memory_space<vmem>>
    %dma_start3A_121 = arith.constant 0 : i32
    %dma_start3A_122 = arith.constant 0 : i32
    %dma_start3A_123 = tpu.memref_slice %arg9[%dma_start3A_121, %dma_start3A_122] : memref<10240x16xf32, #tpu.memory_space<vmem_shared>> -> memref<10240x16xf32, #tpu.memory_space<vmem_shared>>
    %dma_start3A_124 = tpu.memref_slice %arg11[%dma_start3A_113] : memref<6x!tpu.dma_semaphore, #tpu.memory_space<semaphore_mem>> -> memref<1x!tpu.dma_semaphore, #tpu.memory_space<semaphore_mem>>
    %dma_start3A_125 = tpu.memref_squeeze %dma_start3A_124 : memref<1x!tpu.dma_semaphore, #tpu.memory_space<semaphore_mem>> -> memref<!tpu.dma_semaphore, #tpu.memory_space<semaphore_mem>>
    tpu.enqueue_indirect_dma source(%dma_start3A_117 : memref<1000x16xf32, #tpu.memory_space<vmem>>) target(%dma_start3A_123 : memref<10240x16xf32, #tpu.memory_space<vmem_shared>>) offsets(%dma_start3A_120 : memref<1000xi32, #tpu.memory_space<vmem>>) semaphore(%dma_start3A_125 : memref<!tpu.dma_semaphore, #tpu.memory_space<semaphore_mem>>) {add = true}
    %dma_wait3A_126 = arith.constant 1 : i32
    %dma_wait3A_127 = arith.constant 1 : i32
    %dma_wait3A_128 = arith.constant 1 : i32
    %dma_wait3A_129 = arith.constant 0 : i32
    %dma_wait3A_130 = arith.constant 0 : i32
    %dma_wait3A_131 = tpu.memref_slice %arg8[%dma_wait3A_127, %dma_wait3A_129, %dma_wait3A_130] : memref<6x1000x16xf32, #tpu.memory_space<vmem>> -> memref<1x1000x16xf32, #tpu.memory_space<vmem>>
    %dma_wait3A_132 = tpu.memref_squeeze %dma_wait3A_131 : memref<1x1000x16xf32, #tpu.memory_space<vmem>> -> memref<1000x16xf32, #tpu.memory_space<vmem>>
    %dma_wait3A_133 = arith.constant 0 : i32
    %dma_wait3A_134 = tpu.memref_slice %arg6[%dma_wait3A_126, %dma_wait3A_133] : memref<10x1000xi32, #tpu.memory_space<vmem>> -> memref<1x1000xi32, #tpu.memory_space<vmem>>
    %dma_wait3A_135 = tpu.memref_squeeze %dma_wait3A_134 : memref<1x1000xi32, #tpu.memory_space<vmem>> -> memref<1000xi32, #tpu.memory_space<vmem>>
    %dma_wait3A_136 = arith.constant 0 : i32
    %dma_wait3A_137 = arith.constant 0 : i32
    %dma_wait3A_138 = tpu.memref_slice %arg2[%dma_wait3A_136, %dma_wait3A_137] : memref<10240x16xf32, #tpu.memory_space<hbm>> -> memref<10240x16xf32, #tpu.memory_space<hbm>>
    %dma_wait3A_139 = tpu.memref_slice %arg10[%dma_wait3A_128] : memref<6x!tpu.dma_semaphore, #tpu.memory_space<semaphore_mem>> -> memref<1x!tpu.dma_semaphore, #tpu.memory_space<semaphore_mem>>
    %dma_wait3A_140 = tpu.memref_squeeze %dma_wait3A_139 : memref<1x!tpu.dma_semaphore, #tpu.memory_space<semaphore_mem>> -> memref<!tpu.dma_semaphore, #tpu.memory_space<semaphore_mem>>
    tpu.wait_indirect_dma semaphore(%dma_wait3A_140 : memref<!tpu.dma_semaphore, #tpu.memory_space<semaphore_mem>>) src(%dma_wait3A_138 : memref<10240x16xf32, #tpu.memory_space<hbm>>) dst(%dma_wait3A_132 : memref<1000x16xf32, #tpu.memory_space<vmem>>)
    %dma_start3A_141 = arith.constant 1 : i32
    %dma_start3A_142 = arith.constant 1 : i32
    %dma_start3A_143 = arith.constant 1 : i32
    %dma_start3A_144 = arith.constant 0 : i32
    %dma_start3A_145 = arith.constant 0 : i32
    %dma_start3A_146 = tpu.memref_slice %arg8[%dma_start3A_141, %dma_start3A_144, %dma_start3A_145] : memref<6x1000x16xf32, #tpu.memory_space<vmem>> -> memref<1x1000x16xf32, #tpu.memory_space<vmem>>
    %dma_start3A_147 = tpu.memref_squeeze %dma_start3A_146 : memref<1x1000x16xf32, #tpu.memory_space<vmem>> -> memref<1000x16xf32, #tpu.memory_space<vmem>>
    %dma_start3A_148 = arith.constant 0 : i32
    %dma_start3A_149 = tpu.memref_slice %arg7[%dma_start3A_142, %dma_start3A_148] : memref<10x1000xi32, #tpu.memory_space<vmem>> -> memref<1x1000xi32, #tpu.memory_space<vmem>>
    %dma_start3A_150 = tpu.memref_squeeze %dma_start3A_149 : memref<1x1000xi32, #tpu.memory_space<vmem>> -> memref<1000xi32, #tpu.memory_space<vmem>>
    %dma_start3A_151 = arith.constant 0 : i32
    %dma_start3A_152 = arith.constant 0 : i32
    %dma_start3A_153 = tpu.memref_slice %arg9[%dma_start3A_151, %dma_start3A_152] : memref<10240x16xf32, #tpu.memory_space<vmem_shared>> -> memref<10240x16xf32, #tpu.memory_space<vmem_shared>>
    %dma_start3A_154 = tpu.memref_slice %arg11[%dma_start3A_143] : memref<6x!tpu.dma_semaphore, #tpu.memory_space<semaphore_mem>> -> memref<1x!tpu.dma_semaphore, #tpu.memory_space<semaphore_mem>>
    %dma_start3A_155 = tpu.memref_squeeze %dma_start3A_154 : memref<1x!tpu.dma_semaphore, #tpu.memory_space<semaphore_mem>> -> memref<!tpu.dma_semaphore, #tpu.memory_space<semaphore_mem>>
    tpu.enqueue_indirect_dma source(%dma_start3A_147 : memref<1000x16xf32, #tpu.memory_space<vmem>>) target(%dma_start3A_153 : memref<10240x16xf32, #tpu.memory_space<vmem_shared>>) offsets(%dma_start3A_150 : memref<1000xi32, #tpu.memory_space<vmem>>) semaphore(%dma_start3A_155 : memref<!tpu.dma_semaphore, #tpu.memory_space<semaphore_mem>>) {add = true}
    %dma_wait3A_156 = arith.constant 2 : i32
    %dma_wait3A_157 = arith.constant 2 : i32
    %dma_wait3A_158 = arith.constant 2 : i32
    %dma_wait3A_159 = arith.constant 0 : i32
    %dma_wait3A_160 = arith.constant 0 : i32
    %dma_wait3A_161 = tpu.memref_slice %arg8[%dma_wait3A_157, %dma_wait3A_159, %dma_wait3A_160] : memref<6x1000x16xf32, #tpu.memory_space<vmem>> -> memref<1x1000x16xf32, #tpu.memory_space<vmem>>
    %dma_wait3A_162 = tpu.memref_squeeze %dma_wait3A_161 : memref<1x1000x16xf32, #tpu.memory_space<vmem>> -> memref<1000x16xf32, #tpu.memory_space<vmem>>
    %dma_wait3A_163 = arith.constant 0 : i32
    %dma_wait3A_164 = tpu.memref_slice %arg6[%dma_wait3A_156, %dma_wait3A_163] : memref<10x1000xi32, #tpu.memory_space<vmem>> -> memref<1x1000xi32, #tpu.memory_space<vmem>>
    %dma_wait3A_165 = tpu.memref_squeeze %dma_wait3A_164 : memref<1x1000xi32, #tpu.memory_space<vmem>> -> memref<1000xi32, #tpu.memory_space<vmem>>
    %dma_wait3A_166 = arith.constant 0 : i32
    %dma_wait3A_167 = arith.constant 0 : i32
    %dma_wait3A_168 = tpu.memref_slice %arg2[%dma_wait3A_166, %dma_wait3A_167] : memref<10240x16xf32, #tpu.memory_space<hbm>> -> memref<10240x16xf32, #tpu.memory_space<hbm>>
    %dma_wait3A_169 = tpu.memref_slice %arg10[%dma_wait3A_158] : memref<6x!tpu.dma_semaphore, #tpu.memory_space<semaphore_mem>> -> memref<1x!tpu.dma_semaphore, #tpu.memory_space<semaphore_mem>>
    %dma_wait3A_170 = tpu.memref_squeeze %dma_wait3A_169 : memref<1x!tpu.dma_semaphore, #tpu.memory_space<semaphore_mem>> -> memref<!tpu.dma_semaphore, #tpu.memory_space<semaphore_mem>>
    tpu.wait_indirect_dma semaphore(%dma_wait3A_170 : memref<!tpu.dma_semaphore, #tpu.memory_space<semaphore_mem>>) src(%dma_wait3A_168 : memref<10240x16xf32, #tpu.memory_space<hbm>>) dst(%dma_wait3A_162 : memref<1000x16xf32, #tpu.memory_space<vmem>>)
    %dma_start3A_171 = arith.constant 2 : i32
    %dma_start3A_172 = arith.constant 2 : i32
    %dma_start3A_173 = arith.constant 2 : i32
    %dma_start3A_174 = arith.constant 0 : i32
    %dma_start3A_175 = arith.constant 0 : i32
    %dma_start3A_176 = tpu.memref_slice %arg8[%dma_start3A_171, %dma_start3A_174, %dma_start3A_175] : memref<6x1000x16xf32, #tpu.memory_space<vmem>> -> memref<1x1000x16xf32, #tpu.memory_space<vmem>>
    %dma_start3A_177 = tpu.memref_squeeze %dma_start3A_176 : memref<1x1000x16xf32, #tpu.memory_space<vmem>> -> memref<1000x16xf32, #tpu.memory_space<vmem>>
    %dma_start3A_178 = arith.constant 0 : i32
    %dma_start3A_179 = tpu.memref_slice %arg7[%dma_start3A_172, %dma_start3A_178] : memref<10x1000xi32, #tpu.memory_space<vmem>> -> memref<1x1000xi32, #tpu.memory_space<vmem>>
    %dma_start3A_180 = tpu.memref_squeeze %dma_start3A_179 : memref<1x1000xi32, #tpu.memory_space<vmem>> -> memref<1000xi32, #tpu.memory_space<vmem>>
    %dma_start3A_181 = arith.constant 0 : i32
    %dma_start3A_182 = arith.constant 0 : i32
    %dma_start3A_183 = tpu.memref_slice %arg9[%dma_start3A_181, %dma_start3A_182] : memref<10240x16xf32, #tpu.memory_space<vmem_shared>> -> memref<10240x16xf32, #tpu.memory_space<vmem_shared>>
    %dma_start3A_184 = tpu.memref_slice %arg11[%dma_start3A_173] : memref<6x!tpu.dma_semaphore, #tpu.memory_space<semaphore_mem>> -> memref<1x!tpu.dma_semaphore, #tpu.memory_space<semaphore_mem>>
    %dma_start3A_185 = tpu.memref_squeeze %dma_start3A_184 : memref<1x!tpu.dma_semaphore, #tpu.memory_space<semaphore_mem>> -> memref<!tpu.dma_semaphore, #tpu.memory_space<semaphore_mem>>
    tpu.enqueue_indirect_dma source(%dma_start3A_177 : memref<1000x16xf32, #tpu.memory_space<vmem>>) target(%dma_start3A_183 : memref<10240x16xf32, #tpu.memory_space<vmem_shared>>) offsets(%dma_start3A_180 : memref<1000xi32, #tpu.memory_space<vmem>>) semaphore(%dma_start3A_185 : memref<!tpu.dma_semaphore, #tpu.memory_space<semaphore_mem>>) {add = true}
    %dma_wait3A_186 = arith.constant 3 : i32
    %dma_wait3A_187 = arith.constant 3 : i32
    %dma_wait3A_188 = arith.constant 3 : i32
    %dma_wait3A_189 = arith.constant 0 : i32
    %dma_wait3A_190 = arith.constant 0 : i32
    %dma_wait3A_191 = tpu.memref_slice %arg8[%dma_wait3A_187, %dma_wait3A_189, %dma_wait3A_190] : memref<6x1000x16xf32, #tpu.memory_space<vmem>> -> memref<1x1000x16xf32, #tpu.memory_space<vmem>>
    %dma_wait3A_192 = tpu.memref_squeeze %dma_wait3A_191 : memref<1x1000x16xf32, #tpu.memory_space<vmem>> -> memref<1000x16xf32, #tpu.memory_space<vmem>>
    %dma_wait3A_193 = arith.constant 0 : i32
    %dma_wait3A_194 = tpu.memref_slice %arg6[%dma_wait3A_186, %dma_wait3A_193] : memref<10x1000xi32, #tpu.memory_space<vmem>> -> memref<1x1000xi32, #tpu.memory_space<vmem>>
    %dma_wait3A_195 = tpu.memref_squeeze %dma_wait3A_194 : memref<1x1000xi32, #tpu.memory_space<vmem>> -> memref<1000xi32, #tpu.memory_space<vmem>>
    %dma_wait3A_196 = arith.constant 0 : i32
    %dma_wait3A_197 = arith.constant 0 : i32
    %dma_wait3A_198 = tpu.memref_slice %arg2[%dma_wait3A_196, %dma_wait3A_197] : memref<10240x16xf32, #tpu.memory_space<hbm>> -> memref<10240x16xf32, #tpu.memory_space<hbm>>
    %dma_wait3A_199 = tpu.memref_slice %arg10[%dma_wait3A_188] : memref<6x!tpu.dma_semaphore, #tpu.memory_space<semaphore_mem>> -> memref<1x!tpu.dma_semaphore, #tpu.memory_space<semaphore_mem>>
    %dma_wait3A_200 = tpu.memref_squeeze %dma_wait3A_199 : memref<1x!tpu.dma_semaphore, #tpu.memory_space<semaphore_mem>> -> memref<!tpu.dma_semaphore, #tpu.memory_space<semaphore_mem>>
    tpu.wait_indirect_dma semaphore(%dma_wait3A_200 : memref<!tpu.dma_semaphore, #tpu.memory_space<semaphore_mem>>) src(%dma_wait3A_198 : memref<10240x16xf32, #tpu.memory_space<hbm>>) dst(%dma_wait3A_192 : memref<1000x16xf32, #tpu.memory_space<vmem>>)
    %dma_start3A_201 = arith.constant 3 : i32
    %dma_start3A_202 = arith.constant 3 : i32
    %dma_start3A_203 = arith.constant 3 : i32
    %dma_start3A_204 = arith.constant 0 : i32
    %dma_start3A_205 = arith.constant 0 : i32
    %dma_start3A_206 = tpu.memref_slice %arg8[%dma_start3A_201, %dma_start3A_204, %dma_start3A_205] : memref<6x1000x16xf32, #tpu.memory_space<vmem>> -> memref<1x1000x16xf32, #tpu.memory_space<vmem>>
    %dma_start3A_207 = tpu.memref_squeeze %dma_start3A_206 : memref<1x1000x16xf32, #tpu.memory_space<vmem>> -> memref<1000x16xf32, #tpu.memory_space<vmem>>
    %dma_start3A_208 = arith.constant 0 : i32
    %dma_start3A_209 = tpu.memref_slice %arg7[%dma_start3A_202, %dma_start3A_208] : memref<10x1000xi32, #tpu.memory_space<vmem>> -> memref<1x1000xi32, #tpu.memory_space<vmem>>
    %dma_start3A_210 = tpu.memref_squeeze %dma_start3A_209 : memref<1x1000xi32, #tpu.memory_space<vmem>> -> memref<1000xi32, #tpu.memory_space<vmem>>
    %dma_start3A_211 = arith.constant 0 : i32
    %dma_start3A_212 = arith.constant 0 : i32
    %dma_start3A_213 = tpu.memref_slice %arg9[%dma_start3A_211, %dma_start3A_212] : memref<10240x16xf32, #tpu.memory_space<vmem_shared>> -> memref<10240x16xf32, #tpu.memory_space<vmem_shared>>
    %dma_start3A_214 = tpu.memref_slice %arg11[%dma_start3A_203] : memref<6x!tpu.dma_semaphore, #tpu.memory_space<semaphore_mem>> -> memref<1x!tpu.dma_semaphore, #tpu.memory_space<semaphore_mem>>
    %dma_start3A_215 = tpu.memref_squeeze %dma_start3A_214 : memref<1x!tpu.dma_semaphore, #tpu.memory_space<semaphore_mem>> -> memref<!tpu.dma_semaphore, #tpu.memory_space<semaphore_mem>>
    tpu.enqueue_indirect_dma source(%dma_start3A_207 : memref<1000x16xf32, #tpu.memory_space<vmem>>) target(%dma_start3A_213 : memref<10240x16xf32, #tpu.memory_space<vmem_shared>>) offsets(%dma_start3A_210 : memref<1000xi32, #tpu.memory_space<vmem>>) semaphore(%dma_start3A_215 : memref<!tpu.dma_semaphore, #tpu.memory_space<semaphore_mem>>) {add = true}
    %dma_wait3A_216 = arith.constant 0 : i32
    %dma_wait3A_217 = arith.constant 0 : i32
    %dma_wait3A_218 = arith.constant 0 : i32
    %dma_wait3A_219 = arith.constant 0 : i32
    %dma_wait3A_220 = arith.constant 0 : i32
    %dma_wait3A_221 = tpu.memref_slice %arg8[%dma_wait3A_216, %dma_wait3A_219, %dma_wait3A_220] : memref<6x1000x16xf32, #tpu.memory_space<vmem>> -> memref<1x1000x16xf32, #tpu.memory_space<vmem>>
    %dma_wait3A_222 = tpu.memref_squeeze %dma_wait3A_221 : memref<1x1000x16xf32, #tpu.memory_space<vmem>> -> memref<1000x16xf32, #tpu.memory_space<vmem>>
    %dma_wait3A_223 = arith.constant 0 : i32
    %dma_wait3A_224 = tpu.memref_slice %arg7[%dma_wait3A_217, %dma_wait3A_223] : memref<10x1000xi32, #tpu.memory_space<vmem>> -> memref<1x1000xi32, #tpu.memory_space<vmem>>
    %dma_wait3A_225 = tpu.memref_squeeze %dma_wait3A_224 : memref<1x1000xi32, #tpu.memory_space<vmem>> -> memref<1000xi32, #tpu.memory_space<vmem>>
    %dma_wait3A_226 = arith.constant 0 : i32
    %dma_wait3A_227 = arith.constant 0 : i32
    %dma_wait3A_228 = tpu.memref_slice %arg9[%dma_wait3A_226, %dma_wait3A_227] : memref<10240x16xf32, #tpu.memory_space<vmem_shared>> -> memref<10240x16xf32, #tpu.memory_space<vmem_shared>>
    %dma_wait3A_229 = tpu.memref_slice %arg11[%dma_wait3A_218] : memref<6x!tpu.dma_semaphore, #tpu.memory_space<semaphore_mem>> -> memref<1x!tpu.dma_semaphore, #tpu.memory_space<semaphore_mem>>
    %dma_wait3A_230 = tpu.memref_squeeze %dma_wait3A_229 : memref<1x!tpu.dma_semaphore, #tpu.memory_space<semaphore_mem>> -> memref<!tpu.dma_semaphore, #tpu.memory_space<semaphore_mem>>
    tpu.wait_indirect_dma semaphore(%dma_wait3A_230 : memref<!tpu.dma_semaphore, #tpu.memory_space<semaphore_mem>>) src(%dma_wait3A_222 : memref<1000x16xf32, #tpu.memory_space<vmem>>) dst(%dma_wait3A_228 : memref<10240x16xf32, #tpu.memory_space<vmem_shared>>)
    %dma_start3A_231 = arith.constant 6 : i32
    %dma_start3A_232 = arith.constant 0 : i32
    %dma_start3A_233 = arith.constant 0 : i32
    %dma_start3A_234 = arith.constant 0 : i32
    %dma_start3A_235 = arith.constant 0 : i32
    %dma_start3A_236 = tpu.memref_slice %arg8[%dma_start3A_232, %dma_start3A_234, %dma_start3A_235] : memref<6x1000x16xf32, #tpu.memory_space<vmem>> -> memref<1x1000x16xf32, #tpu.memory_space<vmem>>
    %dma_start3A_237 = tpu.memref_squeeze %dma_start3A_236 : memref<1x1000x16xf32, #tpu.memory_space<vmem>> -> memref<1000x16xf32, #tpu.memory_space<vmem>>
    %dma_start3A_238 = arith.constant 0 : i32
    %dma_start3A_239 = tpu.memref_slice %arg6[%dma_start3A_231, %dma_start3A_238] : memref<10x1000xi32, #tpu.memory_space<vmem>> -> memref<1x1000xi32, #tpu.memory_space<vmem>>
    %dma_start3A_240 = tpu.memref_squeeze %dma_start3A_239 : memref<1x1000xi32, #tpu.memory_space<vmem>> -> memref<1000xi32, #tpu.memory_space<vmem>>
    %dma_start3A_241 = arith.constant 0 : i32
    %dma_start3A_242 = arith.constant 0 : i32
    %dma_start3A_243 = tpu.memref_slice %arg2[%dma_start3A_241, %dma_start3A_242] : memref<10240x16xf32, #tpu.memory_space<hbm>> -> memref<10240x16xf32, #tpu.memory_space<hbm>>
    %dma_start3A_244 = tpu.memref_slice %arg10[%dma_start3A_233] : memref<6x!tpu.dma_semaphore, #tpu.memory_space<semaphore_mem>> -> memref<1x!tpu.dma_semaphore, #tpu.memory_space<semaphore_mem>>
    %dma_start3A_245 = tpu.memref_squeeze %dma_start3A_244 : memref<1x!tpu.dma_semaphore, #tpu.memory_space<semaphore_mem>> -> memref<!tpu.dma_semaphore, #tpu.memory_space<semaphore_mem>>
    tpu.enqueue_indirect_dma source(%dma_start3A_243 : memref<10240x16xf32, #tpu.memory_space<hbm>>) target(%dma_start3A_237 : memref<1000x16xf32, #tpu.memory_space<vmem>>) offsets(%dma_start3A_240 : memref<1000xi32, #tpu.memory_space<vmem>>) semaphore(%dma_start3A_245 : memref<!tpu.dma_semaphore, #tpu.memory_space<semaphore_mem>>)
    %dma_wait3A_246 = arith.constant 4 : i32
    %dma_wait3A_247 = arith.constant 4 : i32
    %dma_wait3A_248 = arith.constant 4 : i32
    %dma_wait3A_249 = arith.constant 0 : i32
    %dma_wait3A_250 = arith.constant 0 : i32
    %dma_wait3A_251 = tpu.memref_slice %arg8[%dma_wait3A_247, %dma_wait3A_249, %dma_wait3A_250] : memref<6x1000x16xf32, #tpu.memory_space<vmem>> -> memref<1x1000x16xf32, #tpu.memory_space<vmem>>
    %dma_wait3A_252 = tpu.memref_squeeze %dma_wait3A_251 : memref<1x1000x16xf32, #tpu.memory_space<vmem>> -> memref<1000x16xf32, #tpu.memory_space<vmem>>
    %dma_wait3A_253 = arith.constant 0 : i32
    %dma_wait3A_254 = tpu.memref_slice %arg6[%dma_wait3A_246, %dma_wait3A_253] : memref<10x1000xi32, #tpu.memory_space<vmem>> -> memref<1x1000xi32, #tpu.memory_space<vmem>>
    %dma_wait3A_255 = tpu.memref_squeeze %dma_wait3A_254 : memref<1x1000xi32, #tpu.memory_space<vmem>> -> memref<1000xi32, #tpu.memory_space<vmem>>
    %dma_wait3A_256 = arith.constant 0 : i32
    %dma_wait3A_257 = arith.constant 0 : i32
    %dma_wait3A_258 = tpu.memref_slice %arg2[%dma_wait3A_256, %dma_wait3A_257] : memref<10240x16xf32, #tpu.memory_space<hbm>> -> memref<10240x16xf32, #tpu.memory_space<hbm>>
    %dma_wait3A_259 = tpu.memref_slice %arg10[%dma_wait3A_248] : memref<6x!tpu.dma_semaphore, #tpu.memory_space<semaphore_mem>> -> memref<1x!tpu.dma_semaphore, #tpu.memory_space<semaphore_mem>>
    %dma_wait3A_260 = tpu.memref_squeeze %dma_wait3A_259 : memref<1x!tpu.dma_semaphore, #tpu.memory_space<semaphore_mem>> -> memref<!tpu.dma_semaphore, #tpu.memory_space<semaphore_mem>>
    tpu.wait_indirect_dma semaphore(%dma_wait3A_260 : memref<!tpu.dma_semaphore, #tpu.memory_space<semaphore_mem>>) src(%dma_wait3A_258 : memref<10240x16xf32, #tpu.memory_space<hbm>>) dst(%dma_wait3A_252 : memref<1000x16xf32, #tpu.memory_space<vmem>>)
    %dma_start3A_261 = arith.constant 4 : i32
    %dma_start3A_262 = arith.constant 4 : i32
    %dma_start3A_263 = arith.constant 4 : i32
    %dma_start3A_264 = arith.constant 0 : i32
    %dma_start3A_265 = arith.constant 0 : i32
    %dma_start3A_266 = tpu.memref_slice %arg8[%dma_start3A_261, %dma_start3A_264, %dma_start3A_265] : memref<6x1000x16xf32, #tpu.memory_space<vmem>> -> memref<1x1000x16xf32, #tpu.memory_space<vmem>>
    %dma_start3A_267 = tpu.memref_squeeze %dma_start3A_266 : memref<1x1000x16xf32, #tpu.memory_space<vmem>> -> memref<1000x16xf32, #tpu.memory_space<vmem>>
    %dma_start3A_268 = arith.constant 0 : i32
    %dma_start3A_269 = tpu.memref_slice %arg7[%dma_start3A_262, %dma_start3A_268] : memref<10x1000xi32, #tpu.memory_space<vmem>> -> memref<1x1000xi32, #tpu.memory_space<vmem>>
    %dma_start3A_270 = tpu.memref_squeeze %dma_start3A_269 : memref<1x1000xi32, #tpu.memory_space<vmem>> -> memref<1000xi32, #tpu.memory_space<vmem>>
    %dma_start3A_271 = arith.constant 0 : i32
    %dma_start3A_272 = arith.constant 0 : i32
    %dma_start3A_273 = tpu.memref_slice %arg9[%dma_start3A_271, %dma_start3A_272] : memref<10240x16xf32, #tpu.memory_space<vmem_shared>> -> memref<10240x16xf32, #tpu.memory_space<vmem_shared>>
    %dma_start3A_274 = tpu.memref_slice %arg11[%dma_start3A_263] : memref<6x!tpu.dma_semaphore, #tpu.memory_space<semaphore_mem>> -> memref<1x!tpu.dma_semaphore, #tpu.memory_space<semaphore_mem>>
    %dma_start3A_275 = tpu.memref_squeeze %dma_start3A_274 : memref<1x!tpu.dma_semaphore, #tpu.memory_space<semaphore_mem>> -> memref<!tpu.dma_semaphore, #tpu.memory_space<semaphore_mem>>
    tpu.enqueue_indirect_dma source(%dma_start3A_267 : memref<1000x16xf32, #tpu.memory_space<vmem>>) target(%dma_start3A_273 : memref<10240x16xf32, #tpu.memory_space<vmem_shared>>) offsets(%dma_start3A_270 : memref<1000xi32, #tpu.memory_space<vmem>>) semaphore(%dma_start3A_275 : memref<!tpu.dma_semaphore, #tpu.memory_space<semaphore_mem>>) {add = true}
    %dma_wait3A_276 = arith.constant 1 : i32
    %dma_wait3A_277 = arith.constant 1 : i32
    %dma_wait3A_278 = arith.constant 1 : i32
    %dma_wait3A_279 = arith.constant 0 : i32
    %dma_wait3A_280 = arith.constant 0 : i32
    %dma_wait3A_281 = tpu.memref_slice %arg8[%dma_wait3A_276, %dma_wait3A_279, %dma_wait3A_280] : memref<6x1000x16xf32, #tpu.memory_space<vmem>> -> memref<1x1000x16xf32, #tpu.memory_space<vmem>>
    %dma_wait3A_282 = tpu.memref_squeeze %dma_wait3A_281 : memref<1x1000x16xf32, #tpu.memory_space<vmem>> -> memref<1000x16xf32, #tpu.memory_space<vmem>>
    %dma_wait3A_283 = arith.constant 0 : i32
    %dma_wait3A_284 = tpu.memref_slice %arg7[%dma_wait3A_277, %dma_wait3A_283] : memref<10x1000xi32, #tpu.memory_space<vmem>> -> memref<1x1000xi32, #tpu.memory_space<vmem>>
    %dma_wait3A_285 = tpu.memref_squeeze %dma_wait3A_284 : memref<1x1000xi32, #tpu.memory_space<vmem>> -> memref<1000xi32, #tpu.memory_space<vmem>>
    %dma_wait3A_286 = arith.constant 0 : i32
    %dma_wait3A_287 = arith.constant 0 : i32
    %dma_wait3A_288 = tpu.memref_slice %arg9[%dma_wait3A_286, %dma_wait3A_287] : memref<10240x16xf32, #tpu.memory_space<vmem_shared>> -> memref<10240x16xf32, #tpu.memory_space<vmem_shared>>
    %dma_wait3A_289 = tpu.memref_slice %arg11[%dma_wait3A_278] : memref<6x!tpu.dma_semaphore, #tpu.memory_space<semaphore_mem>> -> memref<1x!tpu.dma_semaphore, #tpu.memory_space<semaphore_mem>>
    %dma_wait3A_290 = tpu.memref_squeeze %dma_wait3A_289 : memref<1x!tpu.dma_semaphore, #tpu.memory_space<semaphore_mem>> -> memref<!tpu.dma_semaphore, #tpu.memory_space<semaphore_mem>>
    tpu.wait_indirect_dma semaphore(%dma_wait3A_290 : memref<!tpu.dma_semaphore, #tpu.memory_space<semaphore_mem>>) src(%dma_wait3A_282 : memref<1000x16xf32, #tpu.memory_space<vmem>>) dst(%dma_wait3A_288 : memref<10240x16xf32, #tpu.memory_space<vmem_shared>>)
    %dma_start3A_291 = arith.constant 7 : i32
    %dma_start3A_292 = arith.constant 1 : i32
    %dma_start3A_293 = arith.constant 1 : i32
    %dma_start3A_294 = arith.constant 0 : i32
    %dma_start3A_295 = arith.constant 0 : i32
    %dma_start3A_296 = tpu.memref_slice %arg8[%dma_start3A_292, %dma_start3A_294, %dma_start3A_295] : memref<6x1000x16xf32, #tpu.memory_space<vmem>> -> memref<1x1000x16xf32, #tpu.memory_space<vmem>>
    %dma_start3A_297 = tpu.memref_squeeze %dma_start3A_296 : memref<1x1000x16xf32, #tpu.memory_space<vmem>> -> memref<1000x16xf32, #tpu.memory_space<vmem>>
    %dma_start3A_298 = arith.constant 0 : i32
    %dma_start3A_299 = tpu.memref_slice %arg6[%dma_start3A_291, %dma_start3A_298] : memref<10x1000xi32, #tpu.memory_space<vmem>> -> memref<1x1000xi32, #tpu.memory_space<vmem>>
    %dma_start3A_300 = tpu.memref_squeeze %dma_start3A_299 : memref<1x1000xi32, #tpu.memory_space<vmem>> -> memref<1000xi32, #tpu.memory_space<vmem>>
    %dma_start3A_301 = arith.constant 0 : i32
    %dma_start3A_302 = arith.constant 0 : i32
    %dma_start3A_303 = tpu.memref_slice %arg2[%dma_start3A_301, %dma_start3A_302] : memref<10240x16xf32, #tpu.memory_space<hbm>> -> memref<10240x16xf32, #tpu.memory_space<hbm>>
    %dma_start3A_304 = tpu.memref_slice %arg10[%dma_start3A_293] : memref<6x!tpu.dma_semaphore, #tpu.memory_space<semaphore_mem>> -> memref<1x!tpu.dma_semaphore, #tpu.memory_space<semaphore_mem>>
    %dma_start3A_305 = tpu.memref_squeeze %dma_start3A_304 : memref<1x!tpu.dma_semaphore, #tpu.memory_space<semaphore_mem>> -> memref<!tpu.dma_semaphore, #tpu.memory_space<semaphore_mem>>
    tpu.enqueue_indirect_dma source(%dma_start3A_303 : memref<10240x16xf32, #tpu.memory_space<hbm>>) target(%dma_start3A_297 : memref<1000x16xf32, #tpu.memory_space<vmem>>) offsets(%dma_start3A_300 : memref<1000xi32, #tpu.memory_space<vmem>>) semaphore(%dma_start3A_305 : memref<!tpu.dma_semaphore, #tpu.memory_space<semaphore_mem>>)
    %dma_wait3A_306 = arith.constant 5 : i32
    %dma_wait3A_307 = arith.constant 5 : i32
    %dma_wait3A_308 = arith.constant 5 : i32
    %dma_wait3A_309 = arith.constant 0 : i32
    %dma_wait3A_310 = arith.constant 0 : i32
    %dma_wait3A_311 = tpu.memref_slice %arg8[%dma_wait3A_307, %dma_wait3A_309, %dma_wait3A_310] : memref<6x1000x16xf32, #tpu.memory_space<vmem>> -> memref<1x1000x16xf32, #tpu.memory_space<vmem>>
    %dma_wait3A_312 = tpu.memref_squeeze %dma_wait3A_311 : memref<1x1000x16xf32, #tpu.memory_space<vmem>> -> memref<1000x16xf32, #tpu.memory_space<vmem>>
    %dma_wait3A_313 = arith.constant 0 : i32
    %dma_wait3A_314 = tpu.memref_slice %arg6[%dma_wait3A_306, %dma_wait3A_313] : memref<10x1000xi32, #tpu.memory_space<vmem>> -> memref<1x1000xi32, #tpu.memory_space<vmem>>
    %dma_wait3A_315 = tpu.memref_squeeze %dma_wait3A_314 : memref<1x1000xi32, #tpu.memory_space<vmem>> -> memref<1000xi32, #tpu.memory_space<vmem>>
    %dma_wait3A_316 = arith.constant 0 : i32
    %dma_wait3A_317 = arith.constant 0 : i32
    %dma_wait3A_318 = tpu.memref_slice %arg2[%dma_wait3A_316, %dma_wait3A_317] : memref<10240x16xf32, #tpu.memory_space<hbm>> -> memref<10240x16xf32, #tpu.memory_space<hbm>>
    %dma_wait3A_319 = tpu.memref_slice %arg10[%dma_wait3A_308] : memref<6x!tpu.dma_semaphore, #tpu.memory_space<semaphore_mem>> -> memref<1x!tpu.dma_semaphore, #tpu.memory_space<semaphore_mem>>
    %dma_wait3A_320 = tpu.memref_squeeze %dma_wait3A_319 : memref<1x!tpu.dma_semaphore, #tpu.memory_space<semaphore_mem>> -> memref<!tpu.dma_semaphore, #tpu.memory_space<semaphore_mem>>
    tpu.wait_indirect_dma semaphore(%dma_wait3A_320 : memref<!tpu.dma_semaphore, #tpu.memory_space<semaphore_mem>>) src(%dma_wait3A_318 : memref<10240x16xf32, #tpu.memory_space<hbm>>) dst(%dma_wait3A_312 : memref<1000x16xf32, #tpu.memory_space<vmem>>)
    %dma_start3A_321 = arith.constant 5 : i32
    %dma_start3A_322 = arith.constant 5 : i32
    %dma_start3A_323 = arith.constant 5 : i32
    %dma_start3A_324 = arith.constant 0 : i32
    %dma_start3A_325 = arith.constant 0 : i32
    %dma_start3A_326 = tpu.memref_slice %arg8[%dma_start3A_321, %dma_start3A_324, %dma_start3A_325] : memref<6x1000x16xf32, #tpu.memory_space<vmem>> -> memref<1x1000x16xf32, #tpu.memory_space<vmem>>
    %dma_start3A_327 = tpu.memref_squeeze %dma_start3A_326 : memref<1x1000x16xf32, #tpu.memory_space<vmem>> -> memref<1000x16xf32, #tpu.memory_space<vmem>>
    %dma_start3A_328 = arith.constant 0 : i32
    %dma_start3A_329 = tpu.memref_slice %arg7[%dma_start3A_322, %dma_start3A_328] : memref<10x1000xi32, #tpu.memory_space<vmem>> -> memref<1x1000xi32, #tpu.memory_space<vmem>>
    %dma_start3A_330 = tpu.memref_squeeze %dma_start3A_329 : memref<1x1000xi32, #tpu.memory_space<vmem>> -> memref<1000xi32, #tpu.memory_space<vmem>>
    %dma_start3A_331 = arith.constant 0 : i32
    %dma_start3A_332 = arith.constant 0 : i32
    %dma_start3A_333 = tpu.memref_slice %arg9[%dma_start3A_331, %dma_start3A_332] : memref<10240x16xf32, #tpu.memory_space<vmem_shared>> -> memref<10240x16xf32, #tpu.memory_space<vmem_shared>>
    %dma_start3A_334 = tpu.memref_slice %arg11[%dma_start3A_323] : memref<6x!tpu.dma_semaphore, #tpu.memory_space<semaphore_mem>> -> memref<1x!tpu.dma_semaphore, #tpu.memory_space<semaphore_mem>>
    %dma_start3A_335 = tpu.memref_squeeze %dma_start3A_334 : memref<1x!tpu.dma_semaphore, #tpu.memory_space<semaphore_mem>> -> memref<!tpu.dma_semaphore, #tpu.memory_space<semaphore_mem>>
    tpu.enqueue_indirect_dma source(%dma_start3A_327 : memref<1000x16xf32, #tpu.memory_space<vmem>>) target(%dma_start3A_333 : memref<10240x16xf32, #tpu.memory_space<vmem_shared>>) offsets(%dma_start3A_330 : memref<1000xi32, #tpu.memory_space<vmem>>) semaphore(%dma_start3A_335 : memref<!tpu.dma_semaphore, #tpu.memory_space<semaphore_mem>>) {add = true}
    %dma_wait3A_336 = arith.constant 2 : i32
    %dma_wait3A_337 = arith.constant 2 : i32
    %dma_wait3A_338 = arith.constant 2 : i32
    %dma_wait3A_339 = arith.constant 0 : i32
    %dma_wait3A_340 = arith.constant 0 : i32
    %dma_wait3A_341 = tpu.memref_slice %arg8[%dma_wait3A_336, %dma_wait3A_339, %dma_wait3A_340] : memref<6x1000x16xf32, #tpu.memory_space<vmem>> -> memref<1x1000x16xf32, #tpu.memory_space<vmem>>
    %dma_wait3A_342 = tpu.memref_squeeze %dma_wait3A_341 : memref<1x1000x16xf32, #tpu.memory_space<vmem>> -> memref<1000x16xf32, #tpu.memory_space<vmem>>
    %dma_wait3A_343 = arith.constant 0 : i32
    %dma_wait3A_344 = tpu.memref_slice %arg7[%dma_wait3A_337, %dma_wait3A_343] : memref<10x1000xi32, #tpu.memory_space<vmem>> -> memref<1x1000xi32, #tpu.memory_space<vmem>>
    %dma_wait3A_345 = tpu.memref_squeeze %dma_wait3A_344 : memref<1x1000xi32, #tpu.memory_space<vmem>> -> memref<1000xi32, #tpu.memory_space<vmem>>
    %dma_wait3A_346 = arith.constant 0 : i32
    %dma_wait3A_347 = arith.constant 0 : i32
    %dma_wait3A_348 = tpu.memref_slice %arg9[%dma_wait3A_346, %dma_wait3A_347] : memref<10240x16xf32, #tpu.memory_space<vmem_shared>> -> memref<10240x16xf32, #tpu.memory_space<vmem_shared>>
    %dma_wait3A_349 = tpu.memref_slice %arg11[%dma_wait3A_338] : memref<6x!tpu.dma_semaphore, #tpu.memory_space<semaphore_mem>> -> memref<1x!tpu.dma_semaphore, #tpu.memory_space<semaphore_mem>>
    %dma_wait3A_350 = tpu.memref_squeeze %dma_wait3A_349 : memref<1x!tpu.dma_semaphore, #tpu.memory_space<semaphore_mem>> -> memref<!tpu.dma_semaphore, #tpu.memory_space<semaphore_mem>>
    tpu.wait_indirect_dma semaphore(%dma_wait3A_350 : memref<!tpu.dma_semaphore, #tpu.memory_space<semaphore_mem>>) src(%dma_wait3A_342 : memref<1000x16xf32, #tpu.memory_space<vmem>>) dst(%dma_wait3A_348 : memref<10240x16xf32, #tpu.memory_space<vmem_shared>>)
    %dma_start3A_351 = arith.constant 8 : i32
    %dma_start3A_352 = arith.constant 2 : i32
    %dma_start3A_353 = arith.constant 2 : i32
    %dma_start3A_354 = arith.constant 0 : i32
    %dma_start3A_355 = arith.constant 0 : i32
    %dma_start3A_356 = tpu.memref_slice %arg8[%dma_start3A_352, %dma_start3A_354, %dma_start3A_355] : memref<6x1000x16xf32, #tpu.memory_space<vmem>> -> memref<1x1000x16xf32, #tpu.memory_space<vmem>>
    %dma_start3A_357 = tpu.memref_squeeze %dma_start3A_356 : memref<1x1000x16xf32, #tpu.memory_space<vmem>> -> memref<1000x16xf32, #tpu.memory_space<vmem>>
    %dma_start3A_358 = arith.constant 0 : i32
    %dma_start3A_359 = tpu.memref_slice %arg6[%dma_start3A_351, %dma_start3A_358] : memref<10x1000xi32, #tpu.memory_space<vmem>> -> memref<1x1000xi32, #tpu.memory_space<vmem>>
    %dma_start3A_360 = tpu.memref_squeeze %dma_start3A_359 : memref<1x1000xi32, #tpu.memory_space<vmem>> -> memref<1000xi32, #tpu.memory_space<vmem>>
    %dma_start3A_361 = arith.constant 0 : i32
    %dma_start3A_362 = arith.constant 0 : i32
    %dma_start3A_363 = tpu.memref_slice %arg2[%dma_start3A_361, %dma_start3A_362] : memref<10240x16xf32, #tpu.memory_space<hbm>> -> memref<10240x16xf32, #tpu.memory_space<hbm>>
    %dma_start3A_364 = tpu.memref_slice %arg10[%dma_start3A_353] : memref<6x!tpu.dma_semaphore, #tpu.memory_space<semaphore_mem>> -> memref<1x!tpu.dma_semaphore, #tpu.memory_space<semaphore_mem>>
    %dma_start3A_365 = tpu.memref_squeeze %dma_start3A_364 : memref<1x!tpu.dma_semaphore, #tpu.memory_space<semaphore_mem>> -> memref<!tpu.dma_semaphore, #tpu.memory_space<semaphore_mem>>
    tpu.enqueue_indirect_dma source(%dma_start3A_363 : memref<10240x16xf32, #tpu.memory_space<hbm>>) target(%dma_start3A_357 : memref<1000x16xf32, #tpu.memory_space<vmem>>) offsets(%dma_start3A_360 : memref<1000xi32, #tpu.memory_space<vmem>>) semaphore(%dma_start3A_365 : memref<!tpu.dma_semaphore, #tpu.memory_space<semaphore_mem>>)
    %dma_wait3A_366 = arith.constant 6 : i32
    %dma_wait3A_367 = arith.constant 0 : i32
    %dma_wait3A_368 = arith.constant 0 : i32
    %dma_wait3A_369 = arith.constant 0 : i32
    %dma_wait3A_370 = arith.constant 0 : i32
    %dma_wait3A_371 = tpu.memref_slice %arg8[%dma_wait3A_367, %dma_wait3A_369, %dma_wait3A_370] : memref<6x1000x16xf32, #tpu.memory_space<vmem>> -> memref<1x1000x16xf32, #tpu.memory_space<vmem>>
    %dma_wait3A_372 = tpu.memref_squeeze %dma_wait3A_371 : memref<1x1000x16xf32, #tpu.memory_space<vmem>> -> memref<1000x16xf32, #tpu.memory_space<vmem>>
    %dma_wait3A_373 = arith.constant 0 : i32
    %dma_wait3A_374 = tpu.memref_slice %arg6[%dma_wait3A_366, %dma_wait3A_373] : memref<10x1000xi32, #tpu.memory_space<vmem>> -> memref<1x1000xi32, #tpu.memory_space<vmem>>
    %dma_wait3A_375 = tpu.memref_squeeze %dma_wait3A_374 : memref<1x1000xi32, #tpu.memory_space<vmem>> -> memref<1000xi32, #tpu.memory_space<vmem>>
    %dma_wait3A_376 = arith.constant 0 : i32
    %dma_wait3A_377 = arith.constant 0 : i32
    %dma_wait3A_378 = tpu.memref_slice %arg2[%dma_wait3A_376, %dma_wait3A_377] : memref<10240x16xf32, #tpu.memory_space<hbm>> -> memref<10240x16xf32, #tpu.memory_space<hbm>>
    %dma_wait3A_379 = tpu.memref_slice %arg10[%dma_wait3A_368] : memref<6x!tpu.dma_semaphore, #tpu.memory_space<semaphore_mem>> -> memref<1x!tpu.dma_semaphore, #tpu.memory_space<semaphore_mem>>
    %dma_wait3A_380 = tpu.memref_squeeze %dma_wait3A_379 : memref<1x!tpu.dma_semaphore, #tpu.memory_space<semaphore_mem>> -> memref<!tpu.dma_semaphore, #tpu.memory_space<semaphore_mem>>
    tpu.wait_indirect_dma semaphore(%dma_wait3A_380 : memref<!tpu.dma_semaphore, #tpu.memory_space<semaphore_mem>>) src(%dma_wait3A_378 : memref<10240x16xf32, #tpu.memory_space<hbm>>) dst(%dma_wait3A_372 : memref<1000x16xf32, #tpu.memory_space<vmem>>)
    %dma_start3A_381 = arith.constant 0 : i32
    %dma_start3A_382 = arith.constant 6 : i32
    %dma_start3A_383 = arith.constant 0 : i32
    %dma_start3A_384 = arith.constant 0 : i32
    %dma_start3A_385 = arith.constant 0 : i32
    %dma_start3A_386 = tpu.memref_slice %arg8[%dma_start3A_381, %dma_start3A_384, %dma_start3A_385] : memref<6x1000x16xf32, #tpu.memory_space<vmem>> -> memref<1x1000x16xf32, #tpu.memory_space<vmem>>
    %dma_start3A_387 = tpu.memref_squeeze %dma_start3A_386 : memref<1x1000x16xf32, #tpu.memory_space<vmem>> -> memref<1000x16xf32, #tpu.memory_space<vmem>>
    %dma_start3A_388 = arith.constant 0 : i32
    %dma_start3A_389 = tpu.memref_slice %arg7[%dma_start3A_382, %dma_start3A_388] : memref<10x1000xi32, #tpu.memory_space<vmem>> -> memref<1x1000xi32, #tpu.memory_space<vmem>>
    %dma_start3A_390 = tpu.memref_squeeze %dma_start3A_389 : memref<1x1000xi32, #tpu.memory_space<vmem>> -> memref<1000xi32, #tpu.memory_space<vmem>>
    %dma_start3A_391 = arith.constant 0 : i32
    %dma_start3A_392 = arith.constant 0 : i32
    %dma_start3A_393 = tpu.memref_slice %arg9[%dma_start3A_391, %dma_start3A_392] : memref<10240x16xf32, #tpu.memory_space<vmem_shared>> -> memref<10240x16xf32, #tpu.memory_space<vmem_shared>>
    %dma_start3A_394 = tpu.memref_slice %arg11[%dma_start3A_383] : memref<6x!tpu.dma_semaphore, #tpu.memory_space<semaphore_mem>> -> memref<1x!tpu.dma_semaphore, #tpu.memory_space<semaphore_mem>>
    %dma_start3A_395 = tpu.memref_squeeze %dma_start3A_394 : memref<1x!tpu.dma_semaphore, #tpu.memory_space<semaphore_mem>> -> memref<!tpu.dma_semaphore, #tpu.memory_space<semaphore_mem>>
    tpu.enqueue_indirect_dma source(%dma_start3A_387 : memref<1000x16xf32, #tpu.memory_space<vmem>>) target(%dma_start3A_393 : memref<10240x16xf32, #tpu.memory_space<vmem_shared>>) offsets(%dma_start3A_390 : memref<1000xi32, #tpu.memory_space<vmem>>) semaphore(%dma_start3A_395 : memref<!tpu.dma_semaphore, #tpu.memory_space<semaphore_mem>>) {add = true}
    %dma_wait3A_396 = arith.constant 3 : i32
    %dma_wait3A_397 = arith.constant 3 : i32
    %dma_wait3A_398 = arith.constant 3 : i32
    %dma_wait3A_399 = arith.constant 0 : i32
    %dma_wait3A_400 = arith.constant 0 : i32
    %dma_wait3A_401 = tpu.memref_slice %arg8[%dma_wait3A_396, %dma_wait3A_399, %dma_wait3A_400] : memref<6x1000x16xf32, #tpu.memory_space<vmem>> -> memref<1x1000x16xf32, #tpu.memory_space<vmem>>
    %dma_wait3A_402 = tpu.memref_squeeze %dma_wait3A_401 : memref<1x1000x16xf32, #tpu.memory_space<vmem>> -> memref<1000x16xf32, #tpu.memory_space<vmem>>
    %dma_wait3A_403 = arith.constant 0 : i32
    %dma_wait3A_404 = tpu.memref_slice %arg7[%dma_wait3A_397, %dma_wait3A_403] : memref<10x1000xi32, #tpu.memory_space<vmem>> -> memref<1x1000xi32, #tpu.memory_space<vmem>>
    %dma_wait3A_405 = tpu.memref_squeeze %dma_wait3A_404 : memref<1x1000xi32, #tpu.memory_space<vmem>> -> memref<1000xi32, #tpu.memory_space<vmem>>
    %dma_wait3A_406 = arith.constant 0 : i32
    %dma_wait3A_407 = arith.constant 0 : i32
    %dma_wait3A_408 = tpu.memref_slice %arg9[%dma_wait3A_406, %dma_wait3A_407] : memref<10240x16xf32, #tpu.memory_space<vmem_shared>> -> memref<10240x16xf32, #tpu.memory_space<vmem_shared>>
    %dma_wait3A_409 = tpu.memref_slice %arg11[%dma_wait3A_398] : memref<6x!tpu.dma_semaphore, #tpu.memory_space<semaphore_mem>> -> memref<1x!tpu.dma_semaphore, #tpu.memory_space<semaphore_mem>>
    %dma_wait3A_410 = tpu.memref_squeeze %dma_wait3A_409 : memref<1x!tpu.dma_semaphore, #tpu.memory_space<semaphore_mem>> -> memref<!tpu.dma_semaphore, #tpu.memory_space<semaphore_mem>>
    tpu.wait_indirect_dma semaphore(%dma_wait3A_410 : memref<!tpu.dma_semaphore, #tpu.memory_space<semaphore_mem>>) src(%dma_wait3A_402 : memref<1000x16xf32, #tpu.memory_space<vmem>>) dst(%dma_wait3A_408 : memref<10240x16xf32, #tpu.memory_space<vmem_shared>>)
    %dma_start3A_411 = arith.constant 9 : i32
    %dma_start3A_412 = arith.constant 3 : i32
    %dma_start3A_413 = arith.constant 3 : i32
    %dma_start3A_414 = arith.constant 0 : i32
    %dma_start3A_415 = arith.constant 0 : i32
    %dma_start3A_416 = tpu.memref_slice %arg8[%dma_start3A_412, %dma_start3A_414, %dma_start3A_415] : memref<6x1000x16xf32, #tpu.memory_space<vmem>> -> memref<1x1000x16xf32, #tpu.memory_space<vmem>>
    %dma_start3A_417 = tpu.memref_squeeze %dma_start3A_416 : memref<1x1000x16xf32, #tpu.memory_space<vmem>> -> memref<1000x16xf32, #tpu.memory_space<vmem>>
    %dma_start3A_418 = arith.constant 0 : i32
    %dma_start3A_419 = tpu.memref_slice %arg6[%dma_start3A_411, %dma_start3A_418] : memref<10x1000xi32, #tpu.memory_space<vmem>> -> memref<1x1000xi32, #tpu.memory_space<vmem>>
    %dma_start3A_420 = tpu.memref_squeeze %dma_start3A_419 : memref<1x1000xi32, #tpu.memory_space<vmem>> -> memref<1000xi32, #tpu.memory_space<vmem>>
    %dma_start3A_421 = arith.constant 0 : i32
    %dma_start3A_422 = arith.constant 0 : i32
    %dma_start3A_423 = tpu.memref_slice %arg2[%dma_start3A_421, %dma_start3A_422] : memref<10240x16xf32, #tpu.memory_space<hbm>> -> memref<10240x16xf32, #tpu.memory_space<hbm>>
    %dma_start3A_424 = tpu.memref_slice %arg10[%dma_start3A_413] : memref<6x!tpu.dma_semaphore, #tpu.memory_space<semaphore_mem>> -> memref<1x!tpu.dma_semaphore, #tpu.memory_space<semaphore_mem>>
    %dma_start3A_425 = tpu.memref_squeeze %dma_start3A_424 : memref<1x!tpu.dma_semaphore, #tpu.memory_space<semaphore_mem>> -> memref<!tpu.dma_semaphore, #tpu.memory_space<semaphore_mem>>
    tpu.enqueue_indirect_dma source(%dma_start3A_423 : memref<10240x16xf32, #tpu.memory_space<hbm>>) target(%dma_start3A_417 : memref<1000x16xf32, #tpu.memory_space<vmem>>) offsets(%dma_start3A_420 : memref<1000xi32, #tpu.memory_space<vmem>>) semaphore(%dma_start3A_425 : memref<!tpu.dma_semaphore, #tpu.memory_space<semaphore_mem>>)
    %dma_wait3A_426 = arith.constant 7 : i32
    %dma_wait3A_427 = arith.constant 1 : i32
    %dma_wait3A_428 = arith.constant 1 : i32
    %dma_wait3A_429 = arith.constant 0 : i32
    %dma_wait3A_430 = arith.constant 0 : i32
    %dma_wait3A_431 = tpu.memref_slice %arg8[%dma_wait3A_427, %dma_wait3A_429, %dma_wait3A_430] : memref<6x1000x16xf32, #tpu.memory_space<vmem>> -> memref<1x1000x16xf32, #tpu.memory_space<vmem>>
    %dma_wait3A_432 = tpu.memref_squeeze %dma_wait3A_431 : memref<1x1000x16xf32, #tpu.memory_space<vmem>> -> memref<1000x16xf32, #tpu.memory_space<vmem>>
    %dma_wait3A_433 = arith.constant 0 : i32
    %dma_wait3A_434 = tpu.memref_slice %arg6[%dma_wait3A_426, %dma_wait3A_433] : memref<10x1000xi32, #tpu.memory_space<vmem>> -> memref<1x1000xi32, #tpu.memory_space<vmem>>
    %dma_wait3A_435 = tpu.memref_squeeze %dma_wait3A_434 : memref<1x1000xi32, #tpu.memory_space<vmem>> -> memref<1000xi32, #tpu.memory_space<vmem>>
    %dma_wait3A_436 = arith.constant 0 : i32
    %dma_wait3A_437 = arith.constant 0 : i32
    %dma_wait3A_438 = tpu.memref_slice %arg2[%dma_wait3A_436, %dma_wait3A_437] : memref<10240x16xf32, #tpu.memory_space<hbm>> -> memref<10240x16xf32, #tpu.memory_space<hbm>>
    %dma_wait3A_439 = tpu.memref_slice %arg10[%dma_wait3A_428] : memref<6x!tpu.dma_semaphore, #tpu.memory_space<semaphore_mem>> -> memref<1x!tpu.dma_semaphore, #tpu.memory_space<semaphore_mem>>
    %dma_wait3A_440 = tpu.memref_squeeze %dma_wait3A_439 : memref<1x!tpu.dma_semaphore, #tpu.memory_space<semaphore_mem>> -> memref<!tpu.dma_semaphore, #tpu.memory_space<semaphore_mem>>
    tpu.wait_indirect_dma semaphore(%dma_wait3A_440 : memref<!tpu.dma_semaphore, #tpu.memory_space<semaphore_mem>>) src(%dma_wait3A_438 : memref<10240x16xf32, #tpu.memory_space<hbm>>) dst(%dma_wait3A_432 : memref<1000x16xf32, #tpu.memory_space<vmem>>)
    %dma_start3A_441 = arith.constant 1 : i32
    %dma_start3A_442 = arith.constant 7 : i32
    %dma_start3A_443 = arith.constant 1 : i32
    %dma_start3A_444 = arith.constant 0 : i32
    %dma_start3A_445 = arith.constant 0 : i32
    %dma_start3A_446 = tpu.memref_slice %arg8[%dma_start3A_441, %dma_start3A_444, %dma_start3A_445] : memref<6x1000x16xf32, #tpu.memory_space<vmem>> -> memref<1x1000x16xf32, #tpu.memory_space<vmem>>
    %dma_start3A_447 = tpu.memref_squeeze %dma_start3A_446 : memref<1x1000x16xf32, #tpu.memory_space<vmem>> -> memref<1000x16xf32, #tpu.memory_space<vmem>>
    %dma_start3A_448 = arith.constant 0 : i32
    %dma_start3A_449 = tpu.memref_slice %arg7[%dma_start3A_442, %dma_start3A_448] : memref<10x1000xi32, #tpu.memory_space<vmem>> -> memref<1x1000xi32, #tpu.memory_space<vmem>>
    %dma_start3A_450 = tpu.memref_squeeze %dma_start3A_449 : memref<1x1000xi32, #tpu.memory_space<vmem>> -> memref<1000xi32, #tpu.memory_space<vmem>>
    %dma_start3A_451 = arith.constant 0 : i32
    %dma_start3A_452 = arith.constant 0 : i32
    %dma_start3A_453 = tpu.memref_slice %arg9[%dma_start3A_451, %dma_start3A_452] : memref<10240x16xf32, #tpu.memory_space<vmem_shared>> -> memref<10240x16xf32, #tpu.memory_space<vmem_shared>>
    %dma_start3A_454 = tpu.memref_slice %arg11[%dma_start3A_443] : memref<6x!tpu.dma_semaphore, #tpu.memory_space<semaphore_mem>> -> memref<1x!tpu.dma_semaphore, #tpu.memory_space<semaphore_mem>>
    %dma_start3A_455 = tpu.memref_squeeze %dma_start3A_454 : memref<1x!tpu.dma_semaphore, #tpu.memory_space<semaphore_mem>> -> memref<!tpu.dma_semaphore, #tpu.memory_space<semaphore_mem>>
    tpu.enqueue_indirect_dma source(%dma_start3A_447 : memref<1000x16xf32, #tpu.memory_space<vmem>>) target(%dma_start3A_453 : memref<10240x16xf32, #tpu.memory_space<vmem_shared>>) offsets(%dma_start3A_450 : memref<1000xi32, #tpu.memory_space<vmem>>) semaphore(%dma_start3A_455 : memref<!tpu.dma_semaphore, #tpu.memory_space<semaphore_mem>>) {add = true}
    %dma_wait3A_456 = arith.constant 8 : i32
    %dma_wait3A_457 = arith.constant 2 : i32
    %dma_wait3A_458 = arith.constant 2 : i32
    %dma_wait3A_459 = arith.constant 0 : i32
    %dma_wait3A_460 = arith.constant 0 : i32
    %dma_wait3A_461 = tpu.memref_slice %arg8[%dma_wait3A_457, %dma_wait3A_459, %dma_wait3A_460] : memref<6x1000x16xf32, #tpu.memory_space<vmem>> -> memref<1x1000x16xf32, #tpu.memory_space<vmem>>
    %dma_wait3A_462 = tpu.memref_squeeze %dma_wait3A_461 : memref<1x1000x16xf32, #tpu.memory_space<vmem>> -> memref<1000x16xf32, #tpu.memory_space<vmem>>
    %dma_wait3A_463 = arith.constant 0 : i32
    %dma_wait3A_464 = tpu.memref_slice %arg6[%dma_wait3A_456, %dma_wait3A_463] : memref<10x1000xi32, #tpu.memory_space<vmem>> -> memref<1x1000xi32, #tpu.memory_space<vmem>>
    %dma_wait3A_465 = tpu.memref_squeeze %dma_wait3A_464 : memref<1x1000xi32, #tpu.memory_space<vmem>> -> memref<1000xi32, #tpu.memory_space<vmem>>
    %dma_wait3A_466 = arith.constant 0 : i32
    %dma_wait3A_467 = arith.constant 0 : i32
    %dma_wait3A_468 = tpu.memref_slice %arg2[%dma_wait3A_466, %dma_wait3A_467] : memref<10240x16xf32, #tpu.memory_space<hbm>> -> memref<10240x16xf32, #tpu.memory_space<hbm>>
    %dma_wait3A_469 = tpu.memref_slice %arg10[%dma_wait3A_458] : memref<6x!tpu.dma_semaphore, #tpu.memory_space<semaphore_mem>> -> memref<1x!tpu.dma_semaphore, #tpu.memory_space<semaphore_mem>>
    %dma_wait3A_470 = tpu.memref_squeeze %dma_wait3A_469 : memref<1x!tpu.dma_semaphore, #tpu.memory_space<semaphore_mem>> -> memref<!tpu.dma_semaphore, #tpu.memory_space<semaphore_mem>>
    tpu.wait_indirect_dma semaphore(%dma_wait3A_470 : memref<!tpu.dma_semaphore, #tpu.memory_space<semaphore_mem>>) src(%dma_wait3A_468 : memref<10240x16xf32, #tpu.memory_space<hbm>>) dst(%dma_wait3A_462 : memref<1000x16xf32, #tpu.memory_space<vmem>>)
    %dma_start3A_471 = arith.constant 2 : i32
    %dma_start3A_472 = arith.constant 8 : i32
    %dma_start3A_473 = arith.constant 2 : i32
    %dma_start3A_474 = arith.constant 0 : i32
    %dma_start3A_475 = arith.constant 0 : i32
    %dma_start3A_476 = tpu.memref_slice %arg8[%dma_start3A_471, %dma_start3A_474, %dma_start3A_475] : memref<6x1000x16xf32, #tpu.memory_space<vmem>> -> memref<1x1000x16xf32, #tpu.memory_space<vmem>>
    %dma_start3A_477 = tpu.memref_squeeze %dma_start3A_476 : memref<1x1000x16xf32, #tpu.memory_space<vmem>> -> memref<1000x16xf32, #tpu.memory_space<vmem>>
    %dma_start3A_478 = arith.constant 0 : i32
    %dma_start3A_479 = tpu.memref_slice %arg7[%dma_start3A_472, %dma_start3A_478] : memref<10x1000xi32, #tpu.memory_space<vmem>> -> memref<1x1000xi32, #tpu.memory_space<vmem>>
    %dma_start3A_480 = tpu.memref_squeeze %dma_start3A_479 : memref<1x1000xi32, #tpu.memory_space<vmem>> -> memref<1000xi32, #tpu.memory_space<vmem>>
    %dma_start3A_481 = arith.constant 0 : i32
    %dma_start3A_482 = arith.constant 0 : i32
    %dma_start3A_483 = tpu.memref_slice %arg9[%dma_start3A_481, %dma_start3A_482] : memref<10240x16xf32, #tpu.memory_space<vmem_shared>> -> memref<10240x16xf32, #tpu.memory_space<vmem_shared>>
    %dma_start3A_484 = tpu.memref_slice %arg11[%dma_start3A_473] : memref<6x!tpu.dma_semaphore, #tpu.memory_space<semaphore_mem>> -> memref<1x!tpu.dma_semaphore, #tpu.memory_space<semaphore_mem>>
    %dma_start3A_485 = tpu.memref_squeeze %dma_start3A_484 : memref<1x!tpu.dma_semaphore, #tpu.memory_space<semaphore_mem>> -> memref<!tpu.dma_semaphore, #tpu.memory_space<semaphore_mem>>
    tpu.enqueue_indirect_dma source(%dma_start3A_477 : memref<1000x16xf32, #tpu.memory_space<vmem>>) target(%dma_start3A_483 : memref<10240x16xf32, #tpu.memory_space<vmem_shared>>) offsets(%dma_start3A_480 : memref<1000xi32, #tpu.memory_space<vmem>>) semaphore(%dma_start3A_485 : memref<!tpu.dma_semaphore, #tpu.memory_space<semaphore_mem>>) {add = true}
    %dma_wait3A_486 = arith.constant 9 : i32
    %dma_wait3A_487 = arith.constant 3 : i32
    %dma_wait3A_488 = arith.constant 3 : i32
    %dma_wait3A_489 = arith.constant 0 : i32
    %dma_wait3A_490 = arith.constant 0 : i32
    %dma_wait3A_491 = tpu.memref_slice %arg8[%dma_wait3A_487, %dma_wait3A_489, %dma_wait3A_490] : memref<6x1000x16xf32, #tpu.memory_space<vmem>> -> memref<1x1000x16xf32, #tpu.memory_space<vmem>>
    %dma_wait3A_492 = tpu.memref_squeeze %dma_wait3A_491 : memref<1x1000x16xf32, #tpu.memory_space<vmem>> -> memref<1000x16xf32, #tpu.memory_space<vmem>>
    %dma_wait3A_493 = arith.constant 0 : i32
    %dma_wait3A_494 = tpu.memref_slice %arg6[%dma_wait3A_486, %dma_wait3A_493] : memref<10x1000xi32, #tpu.memory_space<vmem>> -> memref<1x1000xi32, #tpu.memory_space<vmem>>
    %dma_wait3A_495 = tpu.memref_squeeze %dma_wait3A_494 : memref<1x1000xi32, #tpu.memory_space<vmem>> -> memref<1000xi32, #tpu.memory_space<vmem>>
    %dma_wait3A_496 = arith.constant 0 : i32
    %dma_wait3A_497 = arith.constant 0 : i32
    %dma_wait3A_498 = tpu.memref_slice %arg2[%dma_wait3A_496, %dma_wait3A_497] : memref<10240x16xf32, #tpu.memory_space<hbm>> -> memref<10240x16xf32, #tpu.memory_space<hbm>>
    %dma_wait3A_499 = tpu.memref_slice %arg10[%dma_wait3A_488] : memref<6x!tpu.dma_semaphore, #tpu.memory_space<semaphore_mem>> -> memref<1x!tpu.dma_semaphore, #tpu.memory_space<semaphore_mem>>
    %dma_wait3A_500 = tpu.memref_squeeze %dma_wait3A_499 : memref<1x!tpu.dma_semaphore, #tpu.memory_space<semaphore_mem>> -> memref<!tpu.dma_semaphore, #tpu.memory_space<semaphore_mem>>
    tpu.wait_indirect_dma semaphore(%dma_wait3A_500 : memref<!tpu.dma_semaphore, #tpu.memory_space<semaphore_mem>>) src(%dma_wait3A_498 : memref<10240x16xf32, #tpu.memory_space<hbm>>) dst(%dma_wait3A_492 : memref<1000x16xf32, #tpu.memory_space<vmem>>)
    %dma_start3A_501 = arith.constant 3 : i32
    %dma_start3A_502 = arith.constant 9 : i32
    %dma_start3A_503 = arith.constant 3 : i32
    %dma_start3A_504 = arith.constant 0 : i32
    %dma_start3A_505 = arith.constant 0 : i32
    %dma_start3A_506 = tpu.memref_slice %arg8[%dma_start3A_501, %dma_start3A_504, %dma_start3A_505] : memref<6x1000x16xf32, #tpu.memory_space<vmem>> -> memref<1x1000x16xf32, #tpu.memory_space<vmem>>
    %dma_start3A_507 = tpu.memref_squeeze %dma_start3A_506 : memref<1x1000x16xf32, #tpu.memory_space<vmem>> -> memref<1000x16xf32, #tpu.memory_space<vmem>>
    %dma_start3A_508 = arith.constant 0 : i32
    %dma_start3A_509 = tpu.memref_slice %arg7[%dma_start3A_502, %dma_start3A_508] : memref<10x1000xi32, #tpu.memory_space<vmem>> -> memref<1x1000xi32, #tpu.memory_space<vmem>>
    %dma_start3A_510 = tpu.memref_squeeze %dma_start3A_509 : memref<1x1000xi32, #tpu.memory_space<vmem>> -> memref<1000xi32, #tpu.memory_space<vmem>>
    %dma_start3A_511 = arith.constant 0 : i32
    %dma_start3A_512 = arith.constant 0 : i32
    %dma_start3A_513 = tpu.memref_slice %arg9[%dma_start3A_511, %dma_start3A_512] : memref<10240x16xf32, #tpu.memory_space<vmem_shared>> -> memref<10240x16xf32, #tpu.memory_space<vmem_shared>>
    %dma_start3A_514 = tpu.memref_slice %arg11[%dma_start3A_503] : memref<6x!tpu.dma_semaphore, #tpu.memory_space<semaphore_mem>> -> memref<1x!tpu.dma_semaphore, #tpu.memory_space<semaphore_mem>>
    %dma_start3A_515 = tpu.memref_squeeze %dma_start3A_514 : memref<1x!tpu.dma_semaphore, #tpu.memory_space<semaphore_mem>> -> memref<!tpu.dma_semaphore, #tpu.memory_space<semaphore_mem>>
    tpu.enqueue_indirect_dma source(%dma_start3A_507 : memref<1000x16xf32, #tpu.memory_space<vmem>>) target(%dma_start3A_513 : memref<10240x16xf32, #tpu.memory_space<vmem_shared>>) offsets(%dma_start3A_510 : memref<1000xi32, #tpu.memory_space<vmem>>) semaphore(%dma_start3A_515 : memref<!tpu.dma_semaphore, #tpu.memory_space<semaphore_mem>>) {add = true}
    %dma_wait3A_516 = arith.constant 4 : i32
    %dma_wait3A_517 = arith.constant 4 : i32
    %dma_wait3A_518 = arith.constant 4 : i32
    %dma_wait3A_519 = arith.constant 0 : i32
    %dma_wait3A_520 = arith.constant 0 : i32
    %dma_wait3A_521 = tpu.memref_slice %arg8[%dma_wait3A_516, %dma_wait3A_519, %dma_wait3A_520] : memref<6x1000x16xf32, #tpu.memory_space<vmem>> -> memref<1x1000x16xf32, #tpu.memory_space<vmem>>
    %dma_wait3A_522 = tpu.memref_squeeze %dma_wait3A_521 : memref<1x1000x16xf32, #tpu.memory_space<vmem>> -> memref<1000x16xf32, #tpu.memory_space<vmem>>
    %dma_wait3A_523 = arith.constant 0 : i32
    %dma_wait3A_524 = tpu.memref_slice %arg7[%dma_wait3A_517, %dma_wait3A_523] : memref<10x1000xi32, #tpu.memory_space<vmem>> -> memref<1x1000xi32, #tpu.memory_space<vmem>>
    %dma_wait3A_525 = tpu.memref_squeeze %dma_wait3A_524 : memref<1x1000xi32, #tpu.memory_space<vmem>> -> memref<1000xi32, #tpu.memory_space<vmem>>
    %dma_wait3A_526 = arith.constant 0 : i32
    %dma_wait3A_527 = arith.constant 0 : i32
    %dma_wait3A_528 = tpu.memref_slice %arg9[%dma_wait3A_526, %dma_wait3A_527] : memref<10240x16xf32, #tpu.memory_space<vmem_shared>> -> memref<10240x16xf32, #tpu.memory_space<vmem_shared>>
    %dma_wait3A_529 = tpu.memref_slice %arg11[%dma_wait3A_518] : memref<6x!tpu.dma_semaphore, #tpu.memory_space<semaphore_mem>> -> memref<1x!tpu.dma_semaphore, #tpu.memory_space<semaphore_mem>>
    %dma_wait3A_530 = tpu.memref_squeeze %dma_wait3A_529 : memref<1x!tpu.dma_semaphore, #tpu.memory_space<semaphore_mem>> -> memref<!tpu.dma_semaphore, #tpu.memory_space<semaphore_mem>>
    tpu.wait_indirect_dma semaphore(%dma_wait3A_530 : memref<!tpu.dma_semaphore, #tpu.memory_space<semaphore_mem>>) src(%dma_wait3A_522 : memref<1000x16xf32, #tpu.memory_space<vmem>>) dst(%dma_wait3A_528 : memref<10240x16xf32, #tpu.memory_space<vmem_shared>>)
    %dma_wait3A_531 = arith.constant 5 : i32
    %dma_wait3A_532 = arith.constant 5 : i32
    %dma_wait3A_533 = arith.constant 5 : i32
    %dma_wait3A_534 = arith.constant 0 : i32
    %dma_wait3A_535 = arith.constant 0 : i32
    %dma_wait3A_536 = tpu.memref_slice %arg8[%dma_wait3A_531, %dma_wait3A_534, %dma_wait3A_535] : memref<6x1000x16xf32, #tpu.memory_space<vmem>> -> memref<1x1000x16xf32, #tpu.memory_space<vmem>>
    %dma_wait3A_537 = tpu.memref_squeeze %dma_wait3A_536 : memref<1x1000x16xf32, #tpu.memory_space<vmem>> -> memref<1000x16xf32, #tpu.memory_space<vmem>>
    %dma_wait3A_538 = arith.constant 0 : i32
    %dma_wait3A_539 = tpu.memref_slice %arg7[%dma_wait3A_532, %dma_wait3A_538] : memref<10x1000xi32, #tpu.memory_space<vmem>> -> memref<1x1000xi32, #tpu.memory_space<vmem>>
    %dma_wait3A_540 = tpu.memref_squeeze %dma_wait3A_539 : memref<1x1000xi32, #tpu.memory_space<vmem>> -> memref<1000xi32, #tpu.memory_space<vmem>>
    %dma_wait3A_541 = arith.constant 0 : i32
    %dma_wait3A_542 = arith.constant 0 : i32
    %dma_wait3A_543 = tpu.memref_slice %arg9[%dma_wait3A_541, %dma_wait3A_542] : memref<10240x16xf32, #tpu.memory_space<vmem_shared>> -> memref<10240x16xf32, #tpu.memory_space<vmem_shared>>
    %dma_wait3A_544 = tpu.memref_slice %arg11[%dma_wait3A_533] : memref<6x!tpu.dma_semaphore, #tpu.memory_space<semaphore_mem>> -> memref<1x!tpu.dma_semaphore, #tpu.memory_space<semaphore_mem>>
    %dma_wait3A_545 = tpu.memref_squeeze %dma_wait3A_544 : memref<1x!tpu.dma_semaphore, #tpu.memory_space<semaphore_mem>> -> memref<!tpu.dma_semaphore, #tpu.memory_space<semaphore_mem>>
    tpu.wait_indirect_dma semaphore(%dma_wait3A_545 : memref<!tpu.dma_semaphore, #tpu.memory_space<semaphore_mem>>) src(%dma_wait3A_537 : memref<1000x16xf32, #tpu.memory_space<vmem>>) dst(%dma_wait3A_543 : memref<10240x16xf32, #tpu.memory_space<vmem_shared>>)
    %dma_wait3A_546 = arith.constant 0 : i32
    %dma_wait3A_547 = arith.constant 6 : i32
    %dma_wait3A_548 = arith.constant 0 : i32
    %dma_wait3A_549 = arith.constant 0 : i32
    %dma_wait3A_550 = arith.constant 0 : i32
    %dma_wait3A_551 = tpu.memref_slice %arg8[%dma_wait3A_546, %dma_wait3A_549, %dma_wait3A_550] : memref<6x1000x16xf32, #tpu.memory_space<vmem>> -> memref<1x1000x16xf32, #tpu.memory_space<vmem>>
    %dma_wait3A_552 = tpu.memref_squeeze %dma_wait3A_551 : memref<1x1000x16xf32, #tpu.memory_space<vmem>> -> memref<1000x16xf32, #tpu.memory_space<vmem>>
    %dma_wait3A_553 = arith.constant 0 : i32
    %dma_wait3A_554 = tpu.memref_slice %arg7[%dma_wait3A_547, %dma_wait3A_553] : memref<10x1000xi32, #tpu.memory_space<vmem>> -> memref<1x1000xi32, #tpu.memory_space<vmem>>
    %dma_wait3A_555 = tpu.memref_squeeze %dma_wait3A_554 : memref<1x1000xi32, #tpu.memory_space<vmem>> -> memref<1000xi32, #tpu.memory_space<vmem>>
    %dma_wait3A_556 = arith.constant 0 : i32
    %dma_wait3A_557 = arith.constant 0 : i32
    %dma_wait3A_558 = tpu.memref_slice %arg9[%dma_wait3A_556, %dma_wait3A_557] : memref<10240x16xf32, #tpu.memory_space<vmem_shared>> -> memref<10240x16xf32, #tpu.memory_space<vmem_shared>>
    %dma_wait3A_559 = tpu.memref_slice %arg11[%dma_wait3A_548] : memref<6x!tpu.dma_semaphore, #tpu.memory_space<semaphore_mem>> -> memref<1x!tpu.dma_semaphore, #tpu.memory_space<semaphore_mem>>
    %dma_wait3A_560 = tpu.memref_squeeze %dma_wait3A_559 : memref<1x!tpu.dma_semaphore, #tpu.memory_space<semaphore_mem>> -> memref<!tpu.dma_semaphore, #tpu.memory_space<semaphore_mem>>
    tpu.wait_indirect_dma semaphore(%dma_wait3A_560 : memref<!tpu.dma_semaphore, #tpu.memory_space<semaphore_mem>>) src(%dma_wait3A_552 : memref<1000x16xf32, #tpu.memory_space<vmem>>) dst(%dma_wait3A_558 : memref<10240x16xf32, #tpu.memory_space<vmem_shared>>)
    %dma_wait3A_561 = arith.constant 1 : i32
    %dma_wait3A_562 = arith.constant 7 : i32
    %dma_wait3A_563 = arith.constant 1 : i32
    %dma_wait3A_564 = arith.constant 0 : i32
    %dma_wait3A_565 = arith.constant 0 : i32
    %dma_wait3A_566 = tpu.memref_slice %arg8[%dma_wait3A_561, %dma_wait3A_564, %dma_wait3A_565] : memref<6x1000x16xf32, #tpu.memory_space<vmem>> -> memref<1x1000x16xf32, #tpu.memory_space<vmem>>
    %dma_wait3A_567 = tpu.memref_squeeze %dma_wait3A_566 : memref<1x1000x16xf32, #tpu.memory_space<vmem>> -> memref<1000x16xf32, #tpu.memory_space<vmem>>
    %dma_wait3A_568 = arith.constant 0 : i32
    %dma_wait3A_569 = tpu.memref_slice %arg7[%dma_wait3A_562, %dma_wait3A_568] : memref<10x1000xi32, #tpu.memory_space<vmem>> -> memref<1x1000xi32, #tpu.memory_space<vmem>>
    %dma_wait3A_570 = tpu.memref_squeeze %dma_wait3A_569 : memref<1x1000xi32, #tpu.memory_space<vmem>> -> memref<1000xi32, #tpu.memory_space<vmem>>
    %dma_wait3A_571 = arith.constant 0 : i32
    %dma_wait3A_572 = arith.constant 0 : i32
    %dma_wait3A_573 = tpu.memref_slice %arg9[%dma_wait3A_571, %dma_wait3A_572] : memref<10240x16xf32, #tpu.memory_space<vmem_shared>> -> memref<10240x16xf32, #tpu.memory_space<vmem_shared>>
    %dma_wait3A_574 = tpu.memref_slice %arg11[%dma_wait3A_563] : memref<6x!tpu.dma_semaphore, #tpu.memory_space<semaphore_mem>> -> memref<1x!tpu.dma_semaphore, #tpu.memory_space<semaphore_mem>>
    %dma_wait3A_575 = tpu.memref_squeeze %dma_wait3A_574 : memref<1x!tpu.dma_semaphore, #tpu.memory_space<semaphore_mem>> -> memref<!tpu.dma_semaphore, #tpu.memory_space<semaphore_mem>>
    tpu.wait_indirect_dma semaphore(%dma_wait3A_575 : memref<!tpu.dma_semaphore, #tpu.memory_space<semaphore_mem>>) src(%dma_wait3A_567 : memref<1000x16xf32, #tpu.memory_space<vmem>>) dst(%dma_wait3A_573 : memref<10240x16xf32, #tpu.memory_space<vmem_shared>>)
    %dma_wait3A_576 = arith.constant 2 : i32
    %dma_wait3A_577 = arith.constant 8 : i32
    %dma_wait3A_578 = arith.constant 2 : i32
    %dma_wait3A_579 = arith.constant 0 : i32
    %dma_wait3A_580 = arith.constant 0 : i32
    %dma_wait3A_581 = tpu.memref_slice %arg8[%dma_wait3A_576, %dma_wait3A_579, %dma_wait3A_580] : memref<6x1000x16xf32, #tpu.memory_space<vmem>> -> memref<1x1000x16xf32, #tpu.memory_space<vmem>>
    %dma_wait3A_582 = tpu.memref_squeeze %dma_wait3A_581 : memref<1x1000x16xf32, #tpu.memory_space<vmem>> -> memref<1000x16xf32, #tpu.memory_space<vmem>>
    %dma_wait3A_583 = arith.constant 0 : i32
    %dma_wait3A_584 = tpu.memref_slice %arg7[%dma_wait3A_577, %dma_wait3A_583] : memref<10x1000xi32, #tpu.memory_space<vmem>> -> memref<1x1000xi32, #tpu.memory_space<vmem>>
    %dma_wait3A_585 = tpu.memref_squeeze %dma_wait3A_584 : memref<1x1000xi32, #tpu.memory_space<vmem>> -> memref<1000xi32, #tpu.memory_space<vmem>>
    %dma_wait3A_586 = arith.constant 0 : i32
    %dma_wait3A_587 = arith.constant 0 : i32
    %dma_wait3A_588 = tpu.memref_slice %arg9[%dma_wait3A_586, %dma_wait3A_587] : memref<10240x16xf32, #tpu.memory_space<vmem_shared>> -> memref<10240x16xf32, #tpu.memory_space<vmem_shared>>
    %dma_wait3A_589 = tpu.memref_slice %arg11[%dma_wait3A_578] : memref<6x!tpu.dma_semaphore, #tpu.memory_space<semaphore_mem>> -> memref<1x!tpu.dma_semaphore, #tpu.memory_space<semaphore_mem>>
    %dma_wait3A_590 = tpu.memref_squeeze %dma_wait3A_589 : memref<1x!tpu.dma_semaphore, #tpu.memory_space<semaphore_mem>> -> memref<!tpu.dma_semaphore, #tpu.memory_space<semaphore_mem>>
    tpu.wait_indirect_dma semaphore(%dma_wait3A_590 : memref<!tpu.dma_semaphore, #tpu.memory_space<semaphore_mem>>) src(%dma_wait3A_582 : memref<1000x16xf32, #tpu.memory_space<vmem>>) dst(%dma_wait3A_588 : memref<10240x16xf32, #tpu.memory_space<vmem_shared>>)
    %dma_wait3A_591 = arith.constant 3 : i32
    %dma_wait3A_592 = arith.constant 9 : i32
    %dma_wait3A_593 = arith.constant 3 : i32
    %dma_wait3A_594 = arith.constant 0 : i32
    %dma_wait3A_595 = arith.constant 0 : i32
    %dma_wait3A_596 = tpu.memref_slice %arg8[%dma_wait3A_591, %dma_wait3A_594, %dma_wait3A_595] : memref<6x1000x16xf32, #tpu.memory_space<vmem>> -> memref<1x1000x16xf32, #tpu.memory_space<vmem>>
    %dma_wait3A_597 = tpu.memref_squeeze %dma_wait3A_596 : memref<1x1000x16xf32, #tpu.memory_space<vmem>> -> memref<1000x16xf32, #tpu.memory_space<vmem>>
    %dma_wait3A_598 = arith.constant 0 : i32
    %dma_wait3A_599 = tpu.memref_slice %arg7[%dma_wait3A_592, %dma_wait3A_598] : memref<10x1000xi32, #tpu.memory_space<vmem>> -> memref<1x1000xi32, #tpu.memory_space<vmem>>
    %dma_wait3A_600 = tpu.memref_squeeze %dma_wait3A_599 : memref<1x1000xi32, #tpu.memory_space<vmem>> -> memref<1000xi32, #tpu.memory_space<vmem>>
    %dma_wait3A_601 = arith.constant 0 : i32
    %dma_wait3A_602 = arith.constant 0 : i32
    %dma_wait3A_603 = tpu.memref_slice %arg9[%dma_wait3A_601, %dma_wait3A_602] : memref<10240x16xf32, #tpu.memory_space<vmem_shared>> -> memref<10240x16xf32, #tpu.memory_space<vmem_shared>>
    %dma_wait3A_604 = tpu.memref_slice %arg11[%dma_wait3A_593] : memref<6x!tpu.dma_semaphore, #tpu.memory_space<semaphore_mem>> -> memref<1x!tpu.dma_semaphore, #tpu.memory_space<semaphore_mem>>
    %dma_wait3A_605 = tpu.memref_squeeze %dma_wait3A_604 : memref<1x!tpu.dma_semaphore, #tpu.memory_space<semaphore_mem>> -> memref<!tpu.dma_semaphore, #tpu.memory_space<semaphore_mem>>
    tpu.wait_indirect_dma semaphore(%dma_wait3A_605 : memref<!tpu.dma_semaphore, #tpu.memory_space<semaphore_mem>>) src(%dma_wait3A_597 : memref<1000x16xf32, #tpu.memory_space<vmem>>) dst(%dma_wait3A_603 : memref<10240x16xf32, #tpu.memory_space<vmem_shared>>)
    %barrier3A_606 = arith.constant 0 : index
    tpu.barrier barrier_id(%barrier3A_606)
    %mul3A_607 = arith.constant 640 : i32
    %mul3A_608 = arith.muli %arg1, %mul3A_607 : i32
    %mul3A_609 = arith.constant 640 : i32
    %mul3A_610 = arith.muli %arg1, %mul3A_609 : i32
    "tpu.region"() ({
      %run_scoped3A_611 = tpu.sem_alloc : memref<!tpu.dma_semaphore, #tpu.memory_space<semaphore_mem>>
      %dma_start3A_612 = arith.constant 0 : i32
      %dma_start3A_613 = tpu.memref_slice %arg5[%arg0, %mul3A_610, %dma_start3A_612] : memref<2x10240x16xf32, #tpu.memory_space<hbm>> -> memref<1x640x16xf32, #tpu.memory_space<hbm>>
      %dma_start3A_614 = tpu.memref_squeeze %dma_start3A_613 : memref<1x640x16xf32, #tpu.memory_space<hbm>> -> memref<640x16xf32, #tpu.memory_space<hbm>>
      %dma_start3A_615 = arith.constant 0 : i32
      %dma_start3A_616 = tpu.memref_slice %arg9[%mul3A_608, %dma_start3A_615] : memref<10240x16xf32, #tpu.memory_space<vmem_shared>> -> memref<640x16xf32, #tpu.memory_space<vmem_shared>>
      tpu.enqueue_dma source(%dma_start3A_616 : memref<640x16xf32, #tpu.memory_space<vmem_shared>>) target(%dma_start3A_614 : memref<640x16xf32, #tpu.memory_space<hbm>>) target_semaphore(%run_scoped3A_611 : memref<!tpu.dma_semaphore, #tpu.memory_space<semaphore_mem>>)
      %dma_wait3A_617 = arith.constant 0 : i32
      %dma_wait3A_618 = tpu.memref_slice %arg5[%arg0, %mul3A_610, %dma_wait3A_617] : memref<2x10240x16xf32, #tpu.memory_space<hbm>> -> memref<1x640x16xf32, #tpu.memory_space<hbm>>
      %dma_wait3A_619 = tpu.memref_squeeze %dma_wait3A_618 : memref<1x640x16xf32, #tpu.memory_space<hbm>> -> memref<640x16xf32, #tpu.memory_space<hbm>>
      %dma_wait3A_620 = arith.constant 0 : i32
      %dma_wait3A_621 = tpu.memref_slice %arg9[%mul3A_608, %dma_wait3A_620] : memref<10240x16xf32, #tpu.memory_space<vmem_shared>> -> memref<640x16xf32, #tpu.memory_space<vmem_shared>>
      tpu.wait_dma2 semaphore(%run_scoped3A_611 : memref<!tpu.dma_semaphore, #tpu.memory_space<semaphore_mem>>) src(%dma_wait3A_621 : memref<640x16xf32, #tpu.memory_space<vmem_shared>>) dst(%dma_wait3A_619 : memref<640x16xf32, #tpu.memory_space<hbm>>)
      tpu.yield
    }) : () -> ()
    return
  }
}

#map = affine_map<(d0, d1) -> (0, 0)>
#map1 = affine_map<(d0, d1) -> (0, 0, 0)>
module attributes {stable_mosaic.version = 14 : i64} {
  func.func @edge_kernel(%arg0: i32, %arg1: i32, %arg2: memref<10240x16xf32, #tpu.memory_space<hbm>>, %arg3: memref<2x320x1000xi32, #tpu.memory_space<hbm>>, %arg4: memref<640x16xf32, #tpu.memory_space<hbm>>, %arg5: memref<2x10240x16xf32, #tpu.memory_space<hbm>>, %arg6: memref<10x1000xi32, #tpu.memory_space<vmem>>, %arg7: memref<10x1000xi32, #tpu.memory_space<vmem>>, %arg8: memref<6x1000x16xf32, #tpu.memory_space<vmem>>, %arg9: memref<10240x16xf32, #tpu.memory_space<vmem_shared>>, %arg10: memref<6x!tpu.dma_semaphore, #tpu.memory_space<semaphore_mem>>, %arg11: memref<6x!tpu.dma_semaphore, #tpu.memory_space<semaphore_mem>>) attributes {dimension_semantics = [#tpu.dimension_semantics<core_parallel>, #tpu.dimension_semantics<subcore_parallel>], iteration_bounds = array<i64: 2, 16>, scalar_prefetch = 0 : i64, scratch_operands = 6 : i64, tpu.core_type = #tpu.core_type<sc_vector_subcore>, window_params = [{transform_indices = #map}, {transform_indices = #map1}, {transform_indices = #map}, {transform_indices = #map1}]} {
    %mul3A = arith.constant 2 : i32
    %mul3A_0 = arith.muli %arg1, %mul3A : i32
    %add3A = arith.addi %mul3A_0, %arg0 : i32
    %mul3A_1 = arith.constant 640 : i32
    %mul3A_2 = arith.muli %arg1, %mul3A_1 : i32
    "tpu.region"() ({
      %run_scoped3A_611 = tpu.sem_alloc : memref<!tpu.dma_semaphore, #tpu.memory_space<semaphore_mem>>
      %dma_start3A_612 = arith.constant 0 : i32
      %dma_start3A_613 = tpu.memref_slice %arg9[%mul3A_2, %dma_start3A_612] : memref<10240x16xf32, #tpu.memory_space<vmem_shared>> -> memref<640x16xf32, #tpu.memory_space<vmem_shared>>
      tpu.enqueue_dma source(%arg4 : memref<640x16xf32, #tpu.memory_space<hbm>>) target(%dma_start3A_613 : memref<640x16xf32, #tpu.memory_space<vmem_shared>>) target_semaphore(%run_scoped3A_611 : memref<!tpu.dma_semaphore, #tpu.memory_space<semaphore_mem>>)
      %dma_wait3A_614 = arith.constant 0 : i32
      %dma_wait3A_615 = tpu.memref_slice %arg9[%mul3A_2, %dma_wait3A_614] : memref<10240x16xf32, #tpu.memory_space<vmem_shared>> -> memref<640x16xf32, #tpu.memory_space<vmem_shared>>
      tpu.wait_dma2 semaphore(%run_scoped3A_611 : memref<!tpu.dma_semaphore, #tpu.memory_space<semaphore_mem>>) src(%arg4 : memref<640x16xf32, #tpu.memory_space<hbm>>) dst(%dma_wait3A_615 : memref<640x16xf32, #tpu.memory_space<vmem_shared>>)
      tpu.yield
    }) : () -> ()
    %mul3A_3 = arith.constant 10 : i32
    %mul3A_4 = arith.muli %add3A, %mul3A_3 : i32
    %run_scoped3A = arith.constant 0 : i32
    "tpu.region"() ({
      %run_scoped3A_611 = tpu.sem_alloc : memref<!tpu.dma_semaphore, #tpu.memory_space<semaphore_mem>>
      %dma_start3A_612 = arith.constant 0 : i32
      %dma_start3A_613 = tpu.memref_slice %arg3[%run_scoped3A, %mul3A_4, %dma_start3A_612] : memref<2x320x1000xi32, #tpu.memory_space<hbm>> -> memref<1x10x1000xi32, #tpu.memory_space<hbm>>
      %dma_start3A_614 = tpu.memref_squeeze %dma_start3A_613 : memref<1x10x1000xi32, #tpu.memory_space<hbm>> -> memref<10x1000xi32, #tpu.memory_space<hbm>>
      %dma_start3A_615 = arith.constant 0 : i32
      %dma_start3A_616 = tpu.memref_slice %arg3[%run_scoped3A, %mul3A_4, %dma_start3A_615] : memref<2x320x1000xi32, #tpu.memory_space<hbm>> -> memref<1x10x1000xi32, #tpu.memory_space<hbm>>
      %dma_start3A_617 = tpu.memref_squeeze %dma_start3A_616 : memref<1x10x1000xi32, #tpu.memory_space<hbm>> -> memref<10x1000xi32, #tpu.memory_space<hbm>>
      tpu.enqueue_dma source(%dma_start3A_617 : memref<10x1000xi32, #tpu.memory_space<hbm>>) target(%arg6 : memref<10x1000xi32, #tpu.memory_space<vmem>>) target_semaphore(%run_scoped3A_611 : memref<!tpu.dma_semaphore, #tpu.memory_space<semaphore_mem>>)
      %dma_wait3A_618 = arith.constant 0 : i32
      %dma_wait3A_619 = tpu.memref_slice %arg3[%run_scoped3A, %mul3A_4, %dma_wait3A_618] : memref<2x320x1000xi32, #tpu.memory_space<hbm>> -> memref<1x10x1000xi32, #tpu.memory_space<hbm>>
      %dma_wait3A_620 = tpu.memref_squeeze %dma_wait3A_619 : memref<1x10x1000xi32, #tpu.memory_space<hbm>> -> memref<10x1000xi32, #tpu.memory_space<hbm>>
      %dma_wait3A_621 = arith.constant 0 : i32
      %dma_wait3A_622 = tpu.memref_slice %arg3[%run_scoped3A, %mul3A_4, %dma_wait3A_621] : memref<2x320x1000xi32, #tpu.memory_space<hbm>> -> memref<1x10x1000xi32, #tpu.memory_space<hbm>>
      %dma_wait3A_623 = tpu.memref_squeeze %dma_wait3A_622 : memref<1x10x1000xi32, #tpu.memory_space<hbm>> -> memref<10x1000xi32, #tpu.memory_space<hbm>>
      tpu.wait_dma2 semaphore(%run_scoped3A_611 : memref<!tpu.dma_semaphore, #tpu.memory_space<semaphore_mem>>) src(%dma_wait3A_623 : memref<10x1000xi32, #tpu.memory_space<hbm>>) dst(%arg6 : memref<10x1000xi32, #tpu.memory_space<vmem>>)
      tpu.yield
    }) : () -> ()
    %mul3A_5 = arith.constant 10 : i32
    %mul3A_6 = arith.muli %add3A, %mul3A_5 : i32
    %run_scoped3A_7 = arith.constant 1 : i32
    "tpu.region"() ({
      %run_scoped3A_611 = tpu.sem_alloc : memref<!tpu.dma_semaphore, #tpu.memory_space<semaphore_mem>>
      %dma_start3A_612 = arith.constant 0 : i32
      %dma_start3A_613 = tpu.memref_slice %arg3[%run_scoped3A_7, %mul3A_6, %dma_start3A_612] : memref<2x320x1000xi32, #tpu.memory_space<hbm>> -> memref<1x10x1000xi32, #tpu.memory_space<hbm>>
      %dma_start3A_614 = tpu.memref_squeeze %dma_start3A_613 : memref<1x10x1000xi32, #tpu.memory_space<hbm>> -> memref<10x1000xi32, #tpu.memory_space<hbm>>
      %dma_start3A_615 = arith.constant 0 : i32
      %dma_start3A_616 = tpu.memref_slice %arg3[%run_scoped3A_7, %mul3A_6, %dma_start3A_615] : memref<2x320x1000xi32, #tpu.memory_space<hbm>> -> memref<1x10x1000xi32, #tpu.memory_space<hbm>>
      %dma_start3A_617 = tpu.memref_squeeze %dma_start3A_616 : memref<1x10x1000xi32, #tpu.memory_space<hbm>> -> memref<10x1000xi32, #tpu.memory_space<hbm>>
      tpu.enqueue_dma source(%dma_start3A_617 : memref<10x1000xi32, #tpu.memory_space<hbm>>) target(%arg7 : memref<10x1000xi32, #tpu.memory_space<vmem>>) target_semaphore(%run_scoped3A_611 : memref<!tpu.dma_semaphore, #tpu.memory_space<semaphore_mem>>)
      %dma_wait3A_618 = arith.constant 0 : i32
      %dma_wait3A_619 = tpu.memref_slice %arg3[%run_scoped3A_7, %mul3A_6, %dma_wait3A_618] : memref<2x320x1000xi32, #tpu.memory_space<hbm>> -> memref<1x10x1000xi32, #tpu.memory_space<hbm>>
      %dma_wait3A_620 = tpu.memref_squeeze %dma_wait3A_619 : memref<1x10x1000xi32, #tpu.memory_space<hbm>> -> memref<10x1000xi32, #tpu.memory_space<hbm>>
      %dma_wait3A_621 = arith.constant 0 : i32
      %dma_wait3A_622 = tpu.memref_slice %arg3[%run_scoped3A_7, %mul3A_6, %dma_wait3A_621] : memref<2x320x1000xi32, #tpu.memory_space<hbm>> -> memref<1x10x1000xi32, #tpu.memory_space<hbm>>
      %dma_wait3A_623 = tpu.memref_squeeze %dma_wait3A_622 : memref<1x10x1000xi32, #tpu.memory_space<hbm>> -> memref<10x1000xi32, #tpu.memory_space<hbm>>
      tpu.wait_dma2 semaphore(%run_scoped3A_611 : memref<!tpu.dma_semaphore, #tpu.memory_space<semaphore_mem>>) src(%dma_wait3A_623 : memref<10x1000xi32, #tpu.memory_space<hbm>>) dst(%arg7 : memref<10x1000xi32, #tpu.memory_space<vmem>>)
      tpu.yield
    }) : () -> ()
    %barrier3A = arith.constant 0 : index
    tpu.barrier barrier_id(%barrier3A)
    %dma_start3A = arith.constant 0 : i32
    %dma_start3A_8 = arith.constant 0 : i32
    %dma_start3A_9 = arith.constant 0 : i32
    %dma_start3A_10 = arith.constant 0 : i32
    %dma_start3A_11 = arith.constant 0 : i32
    %dma_start3A_12 = tpu.memref_slice %arg8[%dma_start3A_8, %dma_start3A_10, %dma_start3A_11] : memref<6x1000x16xf32, #tpu.memory_space<vmem>> -> memref<1x1000x16xf32, #tpu.memory_space<vmem>>
    %dma_start3A_13 = tpu.memref_squeeze %dma_start3A_12 : memref<1x1000x16xf32, #tpu.memory_space<vmem>> -> memref<1000x16xf32, #tpu.memory_space<vmem>>
    %dma_start3A_14 = arith.constant 0 : i32
    %dma_start3A_15 = tpu.memref_slice %arg6[%dma_start3A, %dma_start3A_14] : memref<10x1000xi32, #tpu.memory_space<vmem>> -> memref<1x1000xi32, #tpu.memory_space<vmem>>
    %dma_start3A_16 = tpu.memref_squeeze %dma_start3A_15 : memref<1x1000xi32, #tpu.memory_space<vmem>> -> memref<1000xi32, #tpu.memory_space<vmem>>
    %dma_start3A_17 = arith.constant 0 : i32
    %dma_start3A_18 = arith.constant 0 : i32
    %dma_start3A_19 = tpu.memref_slice %arg2[%dma_start3A_17, %dma_start3A_18] : memref<10240x16xf32, #tpu.memory_space<hbm>> -> memref<10240x16xf32, #tpu.memory_space<hbm>>
    %dma_start3A_20 = tpu.memref_slice %arg10[%dma_start3A_9] : memref<6x!tpu.dma_semaphore, #tpu.memory_space<semaphore_mem>> -> memref<1x!tpu.dma_semaphore, #tpu.memory_space<semaphore_mem>>
    %dma_start3A_21 = tpu.memref_squeeze %dma_start3A_20 : memref<1x!tpu.dma_semaphore, #tpu.memory_space<semaphore_mem>> -> memref<!tpu.dma_semaphore, #tpu.memory_space<semaphore_mem>>
    tpu.enqueue_indirect_dma source(%dma_start3A_19 : memref<10240x16xf32, #tpu.memory_space<hbm>>) target(%dma_start3A_13 : memref<1000x16xf32, #tpu.memory_space<vmem>>) offsets(%dma_start3A_16 : memref<1000xi32, #tpu.memory_space<vmem>>) semaphore(%dma_start3A_21 : memref<!tpu.dma_semaphore, #tpu.memory_space<semaphore_mem>>)
    %dma_start3A_22 = arith.constant 1 : i32
    %dma_start3A_23 = arith.constant 1 : i32
    %dma_start3A_24 = arith.constant 1 : i32
    %dma_start3A_25 = arith.constant 0 : i32
    %dma_start3A_26 = arith.constant 0 : i32
    %dma_start3A_27 = tpu.memref_slice %arg8[%dma_start3A_23, %dma_start3A_25, %dma_start3A_26] : memref<6x1000x16xf32, #tpu.memory_space<vmem>> -> memref<1x1000x16xf32, #tpu.memory_space<vmem>>
    %dma_start3A_28 = tpu.memref_squeeze %dma_start3A_27 : memref<1x1000x16xf32, #tpu.memory_space<vmem>> -> memref<1000x16xf32, #tpu.memory_space<vmem>>
    %dma_start3A_29 = arith.constant 0 : i32
    %dma_start3A_30 = tpu.memref_slice %arg6[%dma_start3A_22, %dma_start3A_29] : memref<10x1000xi32, #tpu.memory_space<vmem>> -> memref<1x1000xi32, #tpu.memory_space<vmem>>
    %dma_start3A_31 = tpu.memref_squeeze %dma_start3A_30 : memref<1x1000xi32, #tpu.memory_space<vmem>> -> memref<1000xi32, #tpu.memory_space<vmem>>
    %dma_start3A_32 = arith.constant 0 : i32
    %dma_start3A_33 = arith.constant 0 : i32
    %dma_start3A_34 = tpu.memref_slice %arg2[%dma_start3A_32, %dma_start3A_33] : memref<10240x16xf32, #tpu.memory_space<hbm>> -> memref<10240x16xf32, #tpu.memory_space<hbm>>
    %dma_start3A_35 = tpu.memref_slice %arg10[%dma_start3A_24] : memref<6x!tpu.dma_semaphore, #tpu.memory_space<semaphore_mem>> -> memref<1x!tpu.dma_semaphore, #tpu.memory_space<semaphore_mem>>
    %dma_start3A_36 = tpu.memref_squeeze %dma_start3A_35 : memref<1x!tpu.dma_semaphore, #tpu.memory_space<semaphore_mem>> -> memref<!tpu.dma_semaphore, #tpu.memory_space<semaphore_mem>>
    tpu.enqueue_indirect_dma source(%dma_start3A_34 : memref<10240x16xf32, #tpu.memory_space<hbm>>) target(%dma_start3A_28 : memref<1000x16xf32, #tpu.memory_space<vmem>>) offsets(%dma_start3A_31 : memref<1000xi32, #tpu.memory_space<vmem>>) semaphore(%dma_start3A_36 : memref<!tpu.dma_semaphore, #tpu.memory_space<semaphore_mem>>)
    %dma_start3A_37 = arith.constant 2 : i32
    %dma_start3A_38 = arith.constant 2 : i32
    %dma_start3A_39 = arith.constant 2 : i32
    %dma_start3A_40 = arith.constant 0 : i32
    %dma_start3A_41 = arith.constant 0 : i32
    %dma_start3A_42 = tpu.memref_slice %arg8[%dma_start3A_38, %dma_start3A_40, %dma_start3A_41] : memref<6x1000x16xf32, #tpu.memory_space<vmem>> -> memref<1x1000x16xf32, #tpu.memory_space<vmem>>
    %dma_start3A_43 = tpu.memref_squeeze %dma_start3A_42 : memref<1x1000x16xf32, #tpu.memory_space<vmem>> -> memref<1000x16xf32, #tpu.memory_space<vmem>>
    %dma_start3A_44 = arith.constant 0 : i32
    %dma_start3A_45 = tpu.memref_slice %arg6[%dma_start3A_37, %dma_start3A_44] : memref<10x1000xi32, #tpu.memory_space<vmem>> -> memref<1x1000xi32, #tpu.memory_space<vmem>>
    %dma_start3A_46 = tpu.memref_squeeze %dma_start3A_45 : memref<1x1000xi32, #tpu.memory_space<vmem>> -> memref<1000xi32, #tpu.memory_space<vmem>>
    %dma_start3A_47 = arith.constant 0 : i32
    %dma_start3A_48 = arith.constant 0 : i32
    %dma_start3A_49 = tpu.memref_slice %arg2[%dma_start3A_47, %dma_start3A_48] : memref<10240x16xf32, #tpu.memory_space<hbm>> -> memref<10240x16xf32, #tpu.memory_space<hbm>>
    %dma_start3A_50 = tpu.memref_slice %arg10[%dma_start3A_39] : memref<6x!tpu.dma_semaphore, #tpu.memory_space<semaphore_mem>> -> memref<1x!tpu.dma_semaphore, #tpu.memory_space<semaphore_mem>>
    %dma_start3A_51 = tpu.memref_squeeze %dma_start3A_50 : memref<1x!tpu.dma_semaphore, #tpu.memory_space<semaphore_mem>> -> memref<!tpu.dma_semaphore, #tpu.memory_space<semaphore_mem>>
    tpu.enqueue_indirect_dma source(%dma_start3A_49 : memref<10240x16xf32, #tpu.memory_space<hbm>>) target(%dma_start3A_43 : memref<1000x16xf32, #tpu.memory_space<vmem>>) offsets(%dma_start3A_46 : memref<1000xi32, #tpu.memory_space<vmem>>) semaphore(%dma_start3A_51 : memref<!tpu.dma_semaphore, #tpu.memory_space<semaphore_mem>>)
    %dma_start3A_52 = arith.constant 3 : i32
    %dma_start3A_53 = arith.constant 3 : i32
    %dma_start3A_54 = arith.constant 3 : i32
    %dma_start3A_55 = arith.constant 0 : i32
    %dma_start3A_56 = arith.constant 0 : i32
    %dma_start3A_57 = tpu.memref_slice %arg8[%dma_start3A_53, %dma_start3A_55, %dma_start3A_56] : memref<6x1000x16xf32, #tpu.memory_space<vmem>> -> memref<1x1000x16xf32, #tpu.memory_space<vmem>>
    %dma_start3A_58 = tpu.memref_squeeze %dma_start3A_57 : memref<1x1000x16xf32, #tpu.memory_space<vmem>> -> memref<1000x16xf32, #tpu.memory_space<vmem>>
    %dma_start3A_59 = arith.constant 0 : i32
    %dma_start3A_60 = tpu.memref_slice %arg6[%dma_start3A_52, %dma_start3A_59] : memref<10x1000xi32, #tpu.memory_space<vmem>> -> memref<1x1000xi32, #tpu.memory_space<vmem>>
    %dma_start3A_61 = tpu.memref_squeeze %dma_start3A_60 : memref<1x1000xi32, #tpu.memory_space<vmem>> -> memref<1000xi32, #tpu.memory_space<vmem>>
    %dma_start3A_62 = arith.constant 0 : i32
    %dma_start3A_63 = arith.constant 0 : i32
    %dma_start3A_64 = tpu.memref_slice %arg2[%dma_start3A_62, %dma_start3A_63] : memref<10240x16xf32, #tpu.memory_space<hbm>> -> memref<10240x16xf32, #tpu.memory_space<hbm>>
    %dma_start3A_65 = tpu.memref_slice %arg10[%dma_start3A_54] : memref<6x!tpu.dma_semaphore, #tpu.memory_space<semaphore_mem>> -> memref<1x!tpu.dma_semaphore, #tpu.memory_space<semaphore_mem>>
    %dma_start3A_66 = tpu.memref_squeeze %dma_start3A_65 : memref<1x!tpu.dma_semaphore, #tpu.memory_space<semaphore_mem>> -> memref<!tpu.dma_semaphore, #tpu.memory_space<semaphore_mem>>
    tpu.enqueue_indirect_dma source(%dma_start3A_64 : memref<10240x16xf32, #tpu.memory_space<hbm>>) target(%dma_start3A_58 : memref<1000x16xf32, #tpu.memory_space<vmem>>) offsets(%dma_start3A_61 : memref<1000xi32, #tpu.memory_space<vmem>>) semaphore(%dma_start3A_66 : memref<!tpu.dma_semaphore, #tpu.memory_space<semaphore_mem>>)
    %dma_start3A_67 = arith.constant 4 : i32
    %dma_start3A_68 = arith.constant 4 : i32
    %dma_start3A_69 = arith.constant 4 : i32
    %dma_start3A_70 = arith.constant 0 : i32
    %dma_start3A_71 = arith.constant 0 : i32
    %dma_start3A_72 = tpu.memref_slice %arg8[%dma_start3A_68, %dma_start3A_70, %dma_start3A_71] : memref<6x1000x16xf32, #tpu.memory_space<vmem>> -> memref<1x1000x16xf32, #tpu.memory_space<vmem>>
    %dma_start3A_73 = tpu.memref_squeeze %dma_start3A_72 : memref<1x1000x16xf32, #tpu.memory_space<vmem>> -> memref<1000x16xf32, #tpu.memory_space<vmem>>
    %dma_start3A_74 = arith.constant 0 : i32
    %dma_start3A_75 = tpu.memref_slice %arg6[%dma_start3A_67, %dma_start3A_74] : memref<10x1000xi32, #tpu.memory_space<vmem>> -> memref<1x1000xi32, #tpu.memory_space<vmem>>
    %dma_start3A_76 = tpu.memref_squeeze %dma_start3A_75 : memref<1x1000xi32, #tpu.memory_space<vmem>> -> memref<1000xi32, #tpu.memory_space<vmem>>
    %dma_start3A_77 = arith.constant 0 : i32
    %dma_start3A_78 = arith.constant 0 : i32
    %dma_start3A_79 = tpu.memref_slice %arg2[%dma_start3A_77, %dma_start3A_78] : memref<10240x16xf32, #tpu.memory_space<hbm>> -> memref<10240x16xf32, #tpu.memory_space<hbm>>
    %dma_start3A_80 = tpu.memref_slice %arg10[%dma_start3A_69] : memref<6x!tpu.dma_semaphore, #tpu.memory_space<semaphore_mem>> -> memref<1x!tpu.dma_semaphore, #tpu.memory_space<semaphore_mem>>
    %dma_start3A_81 = tpu.memref_squeeze %dma_start3A_80 : memref<1x!tpu.dma_semaphore, #tpu.memory_space<semaphore_mem>> -> memref<!tpu.dma_semaphore, #tpu.memory_space<semaphore_mem>>
    tpu.enqueue_indirect_dma source(%dma_start3A_79 : memref<10240x16xf32, #tpu.memory_space<hbm>>) target(%dma_start3A_73 : memref<1000x16xf32, #tpu.memory_space<vmem>>) offsets(%dma_start3A_76 : memref<1000xi32, #tpu.memory_space<vmem>>) semaphore(%dma_start3A_81 : memref<!tpu.dma_semaphore, #tpu.memory_space<semaphore_mem>>)
    %dma_start3A_82 = arith.constant 5 : i32
    %dma_start3A_83 = arith.constant 5 : i32
    %dma_start3A_84 = arith.constant 5 : i32
    %dma_start3A_85 = arith.constant 0 : i32
    %dma_start3A_86 = arith.constant 0 : i32
    %dma_start3A_87 = tpu.memref_slice %arg8[%dma_start3A_83, %dma_start3A_85, %dma_start3A_86] : memref<6x1000x16xf32, #tpu.memory_space<vmem>> -> memref<1x1000x16xf32, #tpu.memory_space<vmem>>
    %dma_start3A_88 = tpu.memref_squeeze %dma_start3A_87 : memref<1x1000x16xf32, #tpu.memory_space<vmem>> -> memref<1000x16xf32, #tpu.memory_space<vmem>>
    %dma_start3A_89 = arith.constant 0 : i32
    %dma_start3A_90 = tpu.memref_slice %arg6[%dma_start3A_82, %dma_start3A_89] : memref<10x1000xi32, #tpu.memory_space<vmem>> -> memref<1x1000xi32, #tpu.memory_space<vmem>>
    %dma_start3A_91 = tpu.memref_squeeze %dma_start3A_90 : memref<1x1000xi32, #tpu.memory_space<vmem>> -> memref<1000xi32, #tpu.memory_space<vmem>>
    %dma_start3A_92 = arith.constant 0 : i32
    %dma_start3A_93 = arith.constant 0 : i32
    %dma_start3A_94 = tpu.memref_slice %arg2[%dma_start3A_92, %dma_start3A_93] : memref<10240x16xf32, #tpu.memory_space<hbm>> -> memref<10240x16xf32, #tpu.memory_space<hbm>>
    %dma_start3A_95 = tpu.memref_slice %arg10[%dma_start3A_84] : memref<6x!tpu.dma_semaphore, #tpu.memory_space<semaphore_mem>> -> memref<1x!tpu.dma_semaphore, #tpu.memory_space<semaphore_mem>>
    %dma_start3A_96 = tpu.memref_squeeze %dma_start3A_95 : memref<1x!tpu.dma_semaphore, #tpu.memory_space<semaphore_mem>> -> memref<!tpu.dma_semaphore, #tpu.memory_space<semaphore_mem>>
    tpu.enqueue_indirect_dma source(%dma_start3A_94 : memref<10240x16xf32, #tpu.memory_space<hbm>>) target(%dma_start3A_88 : memref<1000x16xf32, #tpu.memory_space<vmem>>) offsets(%dma_start3A_91 : memref<1000xi32, #tpu.memory_space<vmem>>) semaphore(%dma_start3A_96 : memref<!tpu.dma_semaphore, #tpu.memory_space<semaphore_mem>>)
    %dma_wait3A = arith.constant 0 : i32
    %dma_wait3A_97 = arith.constant 0 : i32
    %dma_wait3A_98 = arith.constant 0 : i32
    %dma_wait3A_99 = arith.constant 0 : i32
    %dma_wait3A_100 = arith.constant 0 : i32
    %dma_wait3A_101 = tpu.memref_slice %arg8[%dma_wait3A_97, %dma_wait3A_99, %dma_wait3A_100] : memref<6x1000x16xf32, #tpu.memory_space<vmem>> -> memref<1x1000x16xf32, #tpu.memory_space<vmem>>
    %dma_wait3A_102 = tpu.memref_squeeze %dma_wait3A_101 : memref<1x1000x16xf32, #tpu.memory_space<vmem>> -> memref<1000x16xf32, #tpu.memory_space<vmem>>
    %dma_wait3A_103 = arith.constant 0 : i32
    %dma_wait3A_104 = tpu.memref_slice %arg6[%dma_wait3A, %dma_wait3A_103] : memref<10x1000xi32, #tpu.memory_space<vmem>> -> memref<1x1000xi32, #tpu.memory_space<vmem>>
    %dma_wait3A_105 = tpu.memref_squeeze %dma_wait3A_104 : memref<1x1000xi32, #tpu.memory_space<vmem>> -> memref<1000xi32, #tpu.memory_space<vmem>>
    %dma_wait3A_106 = arith.constant 0 : i32
    %dma_wait3A_107 = arith.constant 0 : i32
    %dma_wait3A_108 = tpu.memref_slice %arg2[%dma_wait3A_106, %dma_wait3A_107] : memref<10240x16xf32, #tpu.memory_space<hbm>> -> memref<10240x16xf32, #tpu.memory_space<hbm>>
    %dma_wait3A_109 = tpu.memref_slice %arg10[%dma_wait3A_98] : memref<6x!tpu.dma_semaphore, #tpu.memory_space<semaphore_mem>> -> memref<1x!tpu.dma_semaphore, #tpu.memory_space<semaphore_mem>>
    %dma_wait3A_110 = tpu.memref_squeeze %dma_wait3A_109 : memref<1x!tpu.dma_semaphore, #tpu.memory_space<semaphore_mem>> -> memref<!tpu.dma_semaphore, #tpu.memory_space<semaphore_mem>>
    tpu.wait_indirect_dma semaphore(%dma_wait3A_110 : memref<!tpu.dma_semaphore, #tpu.memory_space<semaphore_mem>>) src(%dma_wait3A_108 : memref<10240x16xf32, #tpu.memory_space<hbm>>) dst(%dma_wait3A_102 : memref<1000x16xf32, #tpu.memory_space<vmem>>)
    %dma_start3A_111 = arith.constant 0 : i32
    %dma_start3A_112 = arith.constant 0 : i32
    %dma_start3A_113 = arith.constant 0 : i32
    %dma_start3A_114 = arith.constant 0 : i32
    %dma_start3A_115 = arith.constant 0 : i32
    %dma_start3A_116 = tpu.memref_slice %arg8[%dma_start3A_111, %dma_start3A_114, %dma_start3A_115] : memref<6x1000x16xf32, #tpu.memory_space<vmem>> -> memref<1x1000x16xf32, #tpu.memory_space<vmem>>
    %dma_start3A_117 = tpu.memref_squeeze %dma_start3A_116 : memref<1x1000x16xf32, #tpu.memory_space<vmem>> -> memref<1000x16xf32, #tpu.memory_space<vmem>>
    %dma_start3A_118 = arith.constant 0 : i32
    %dma_start3A_119 = tpu.memref_slice %arg7[%dma_start3A_112, %dma_start3A_118] : memref<10x1000xi32, #tpu.memory_space<vmem>> -> memref<1x1000xi32, #tpu.memory_space<vmem>>
    %dma_start3A_120 = tpu.memref_squeeze %dma_start3A_119 : memref<1x1000xi32, #tpu.memory_space<vmem>> -> memref<1000xi32, #tpu.memory_space<vmem>>
    %dma_start3A_121 = arith.constant 0 : i32
    %dma_start3A_122 = arith.constant 0 : i32
    %dma_start3A_123 = tpu.memref_slice %arg9[%dma_start3A_121, %dma_start3A_122] : memref<10240x16xf32, #tpu.memory_space<vmem_shared>> -> memref<10240x16xf32, #tpu.memory_space<vmem_shared>>
    %dma_start3A_124 = tpu.memref_slice %arg11[%dma_start3A_113] : memref<6x!tpu.dma_semaphore, #tpu.memory_space<semaphore_mem>> -> memref<1x!tpu.dma_semaphore, #tpu.memory_space<semaphore_mem>>
    %dma_start3A_125 = tpu.memref_squeeze %dma_start3A_124 : memref<1x!tpu.dma_semaphore, #tpu.memory_space<semaphore_mem>> -> memref<!tpu.dma_semaphore, #tpu.memory_space<semaphore_mem>>
    tpu.enqueue_indirect_dma source(%dma_start3A_117 : memref<1000x16xf32, #tpu.memory_space<vmem>>) target(%dma_start3A_123 : memref<10240x16xf32, #tpu.memory_space<vmem_shared>>) offsets(%dma_start3A_120 : memref<1000xi32, #tpu.memory_space<vmem>>) semaphore(%dma_start3A_125 : memref<!tpu.dma_semaphore, #tpu.memory_space<semaphore_mem>>) {add = true}
    %dma_wait3A_126 = arith.constant 1 : i32
    %dma_wait3A_127 = arith.constant 1 : i32
    %dma_wait3A_128 = arith.constant 1 : i32
    %dma_wait3A_129 = arith.constant 0 : i32
    %dma_wait3A_130 = arith.constant 0 : i32
    %dma_wait3A_131 = tpu.memref_slice %arg8[%dma_wait3A_127, %dma_wait3A_129, %dma_wait3A_130] : memref<6x1000x16xf32, #tpu.memory_space<vmem>> -> memref<1x1000x16xf32, #tpu.memory_space<vmem>>
    %dma_wait3A_132 = tpu.memref_squeeze %dma_wait3A_131 : memref<1x1000x16xf32, #tpu.memory_space<vmem>> -> memref<1000x16xf32, #tpu.memory_space<vmem>>
    %dma_wait3A_133 = arith.constant 0 : i32
    %dma_wait3A_134 = tpu.memref_slice %arg6[%dma_wait3A_126, %dma_wait3A_133] : memref<10x1000xi32, #tpu.memory_space<vmem>> -> memref<1x1000xi32, #tpu.memory_space<vmem>>
    %dma_wait3A_135 = tpu.memref_squeeze %dma_wait3A_134 : memref<1x1000xi32, #tpu.memory_space<vmem>> -> memref<1000xi32, #tpu.memory_space<vmem>>
    %dma_wait3A_136 = arith.constant 0 : i32
    %dma_wait3A_137 = arith.constant 0 : i32
    %dma_wait3A_138 = tpu.memref_slice %arg2[%dma_wait3A_136, %dma_wait3A_137] : memref<10240x16xf32, #tpu.memory_space<hbm>> -> memref<10240x16xf32, #tpu.memory_space<hbm>>
    %dma_wait3A_139 = tpu.memref_slice %arg10[%dma_wait3A_128] : memref<6x!tpu.dma_semaphore, #tpu.memory_space<semaphore_mem>> -> memref<1x!tpu.dma_semaphore, #tpu.memory_space<semaphore_mem>>
    %dma_wait3A_140 = tpu.memref_squeeze %dma_wait3A_139 : memref<1x!tpu.dma_semaphore, #tpu.memory_space<semaphore_mem>> -> memref<!tpu.dma_semaphore, #tpu.memory_space<semaphore_mem>>
    tpu.wait_indirect_dma semaphore(%dma_wait3A_140 : memref<!tpu.dma_semaphore, #tpu.memory_space<semaphore_mem>>) src(%dma_wait3A_138 : memref<10240x16xf32, #tpu.memory_space<hbm>>) dst(%dma_wait3A_132 : memref<1000x16xf32, #tpu.memory_space<vmem>>)
    %dma_start3A_141 = arith.constant 1 : i32
    %dma_start3A_142 = arith.constant 1 : i32
    %dma_start3A_143 = arith.constant 1 : i32
    %dma_start3A_144 = arith.constant 0 : i32
    %dma_start3A_145 = arith.constant 0 : i32
    %dma_start3A_146 = tpu.memref_slice %arg8[%dma_start3A_141, %dma_start3A_144, %dma_start3A_145] : memref<6x1000x16xf32, #tpu.memory_space<vmem>> -> memref<1x1000x16xf32, #tpu.memory_space<vmem>>
    %dma_start3A_147 = tpu.memref_squeeze %dma_start3A_146 : memref<1x1000x16xf32, #tpu.memory_space<vmem>> -> memref<1000x16xf32, #tpu.memory_space<vmem>>
    %dma_start3A_148 = arith.constant 0 : i32
    %dma_start3A_149 = tpu.memref_slice %arg7[%dma_start3A_142, %dma_start3A_148] : memref<10x1000xi32, #tpu.memory_space<vmem>> -> memref<1x1000xi32, #tpu.memory_space<vmem>>
    %dma_start3A_150 = tpu.memref_squeeze %dma_start3A_149 : memref<1x1000xi32, #tpu.memory_space<vmem>> -> memref<1000xi32, #tpu.memory_space<vmem>>
    %dma_start3A_151 = arith.constant 0 : i32
    %dma_start3A_152 = arith.constant 0 : i32
    %dma_start3A_153 = tpu.memref_slice %arg9[%dma_start3A_151, %dma_start3A_152] : memref<10240x16xf32, #tpu.memory_space<vmem_shared>> -> memref<10240x16xf32, #tpu.memory_space<vmem_shared>>
    %dma_start3A_154 = tpu.memref_slice %arg11[%dma_start3A_143] : memref<6x!tpu.dma_semaphore, #tpu.memory_space<semaphore_mem>> -> memref<1x!tpu.dma_semaphore, #tpu.memory_space<semaphore_mem>>
    %dma_start3A_155 = tpu.memref_squeeze %dma_start3A_154 : memref<1x!tpu.dma_semaphore, #tpu.memory_space<semaphore_mem>> -> memref<!tpu.dma_semaphore, #tpu.memory_space<semaphore_mem>>
    tpu.enqueue_indirect_dma source(%dma_start3A_147 : memref<1000x16xf32, #tpu.memory_space<vmem>>) target(%dma_start3A_153 : memref<10240x16xf32, #tpu.memory_space<vmem_shared>>) offsets(%dma_start3A_150 : memref<1000xi32, #tpu.memory_space<vmem>>) semaphore(%dma_start3A_155 : memref<!tpu.dma_semaphore, #tpu.memory_space<semaphore_mem>>) {add = true}
    %dma_wait3A_156 = arith.constant 2 : i32
    %dma_wait3A_157 = arith.constant 2 : i32
    %dma_wait3A_158 = arith.constant 2 : i32
    %dma_wait3A_159 = arith.constant 0 : i32
    %dma_wait3A_160 = arith.constant 0 : i32
    %dma_wait3A_161 = tpu.memref_slice %arg8[%dma_wait3A_157, %dma_wait3A_159, %dma_wait3A_160] : memref<6x1000x16xf32, #tpu.memory_space<vmem>> -> memref<1x1000x16xf32, #tpu.memory_space<vmem>>
    %dma_wait3A_162 = tpu.memref_squeeze %dma_wait3A_161 : memref<1x1000x16xf32, #tpu.memory_space<vmem>> -> memref<1000x16xf32, #tpu.memory_space<vmem>>
    %dma_wait3A_163 = arith.constant 0 : i32
    %dma_wait3A_164 = tpu.memref_slice %arg6[%dma_wait3A_156, %dma_wait3A_163] : memref<10x1000xi32, #tpu.memory_space<vmem>> -> memref<1x1000xi32, #tpu.memory_space<vmem>>
    %dma_wait3A_165 = tpu.memref_squeeze %dma_wait3A_164 : memref<1x1000xi32, #tpu.memory_space<vmem>> -> memref<1000xi32, #tpu.memory_space<vmem>>
    %dma_wait3A_166 = arith.constant 0 : i32
    %dma_wait3A_167 = arith.constant 0 : i32
    %dma_wait3A_168 = tpu.memref_slice %arg2[%dma_wait3A_166, %dma_wait3A_167] : memref<10240x16xf32, #tpu.memory_space<hbm>> -> memref<10240x16xf32, #tpu.memory_space<hbm>>
    %dma_wait3A_169 = tpu.memref_slice %arg10[%dma_wait3A_158] : memref<6x!tpu.dma_semaphore, #tpu.memory_space<semaphore_mem>> -> memref<1x!tpu.dma_semaphore, #tpu.memory_space<semaphore_mem>>
    %dma_wait3A_170 = tpu.memref_squeeze %dma_wait3A_169 : memref<1x!tpu.dma_semaphore, #tpu.memory_space<semaphore_mem>> -> memref<!tpu.dma_semaphore, #tpu.memory_space<semaphore_mem>>
    tpu.wait_indirect_dma semaphore(%dma_wait3A_170 : memref<!tpu.dma_semaphore, #tpu.memory_space<semaphore_mem>>) src(%dma_wait3A_168 : memref<10240x16xf32, #tpu.memory_space<hbm>>) dst(%dma_wait3A_162 : memref<1000x16xf32, #tpu.memory_space<vmem>>)
    %dma_start3A_171 = arith.constant 2 : i32
    %dma_start3A_172 = arith.constant 2 : i32
    %dma_start3A_173 = arith.constant 2 : i32
    %dma_start3A_174 = arith.constant 0 : i32
    %dma_start3A_175 = arith.constant 0 : i32
    %dma_start3A_176 = tpu.memref_slice %arg8[%dma_start3A_171, %dma_start3A_174, %dma_start3A_175] : memref<6x1000x16xf32, #tpu.memory_space<vmem>> -> memref<1x1000x16xf32, #tpu.memory_space<vmem>>
    %dma_start3A_177 = tpu.memref_squeeze %dma_start3A_176 : memref<1x1000x16xf32, #tpu.memory_space<vmem>> -> memref<1000x16xf32, #tpu.memory_space<vmem>>
    %dma_start3A_178 = arith.constant 0 : i32
    %dma_start3A_179 = tpu.memref_slice %arg7[%dma_start3A_172, %dma_start3A_178] : memref<10x1000xi32, #tpu.memory_space<vmem>> -> memref<1x1000xi32, #tpu.memory_space<vmem>>
    %dma_start3A_180 = tpu.memref_squeeze %dma_start3A_179 : memref<1x1000xi32, #tpu.memory_space<vmem>> -> memref<1000xi32, #tpu.memory_space<vmem>>
    %dma_start3A_181 = arith.constant 0 : i32
    %dma_start3A_182 = arith.constant 0 : i32
    %dma_start3A_183 = tpu.memref_slice %arg9[%dma_start3A_181, %dma_start3A_182] : memref<10240x16xf32, #tpu.memory_space<vmem_shared>> -> memref<10240x16xf32, #tpu.memory_space<vmem_shared>>
    %dma_start3A_184 = tpu.memref_slice %arg11[%dma_start3A_173] : memref<6x!tpu.dma_semaphore, #tpu.memory_space<semaphore_mem>> -> memref<1x!tpu.dma_semaphore, #tpu.memory_space<semaphore_mem>>
    %dma_start3A_185 = tpu.memref_squeeze %dma_start3A_184 : memref<1x!tpu.dma_semaphore, #tpu.memory_space<semaphore_mem>> -> memref<!tpu.dma_semaphore, #tpu.memory_space<semaphore_mem>>
    tpu.enqueue_indirect_dma source(%dma_start3A_177 : memref<1000x16xf32, #tpu.memory_space<vmem>>) target(%dma_start3A_183 : memref<10240x16xf32, #tpu.memory_space<vmem_shared>>) offsets(%dma_start3A_180 : memref<1000xi32, #tpu.memory_space<vmem>>) semaphore(%dma_start3A_185 : memref<!tpu.dma_semaphore, #tpu.memory_space<semaphore_mem>>) {add = true}
    %dma_wait3A_186 = arith.constant 3 : i32
    %dma_wait3A_187 = arith.constant 3 : i32
    %dma_wait3A_188 = arith.constant 3 : i32
    %dma_wait3A_189 = arith.constant 0 : i32
    %dma_wait3A_190 = arith.constant 0 : i32
    %dma_wait3A_191 = tpu.memref_slice %arg8[%dma_wait3A_187, %dma_wait3A_189, %dma_wait3A_190] : memref<6x1000x16xf32, #tpu.memory_space<vmem>> -> memref<1x1000x16xf32, #tpu.memory_space<vmem>>
    %dma_wait3A_192 = tpu.memref_squeeze %dma_wait3A_191 : memref<1x1000x16xf32, #tpu.memory_space<vmem>> -> memref<1000x16xf32, #tpu.memory_space<vmem>>
    %dma_wait3A_193 = arith.constant 0 : i32
    %dma_wait3A_194 = tpu.memref_slice %arg6[%dma_wait3A_186, %dma_wait3A_193] : memref<10x1000xi32, #tpu.memory_space<vmem>> -> memref<1x1000xi32, #tpu.memory_space<vmem>>
    %dma_wait3A_195 = tpu.memref_squeeze %dma_wait3A_194 : memref<1x1000xi32, #tpu.memory_space<vmem>> -> memref<1000xi32, #tpu.memory_space<vmem>>
    %dma_wait3A_196 = arith.constant 0 : i32
    %dma_wait3A_197 = arith.constant 0 : i32
    %dma_wait3A_198 = tpu.memref_slice %arg2[%dma_wait3A_196, %dma_wait3A_197] : memref<10240x16xf32, #tpu.memory_space<hbm>> -> memref<10240x16xf32, #tpu.memory_space<hbm>>
    %dma_wait3A_199 = tpu.memref_slice %arg10[%dma_wait3A_188] : memref<6x!tpu.dma_semaphore, #tpu.memory_space<semaphore_mem>> -> memref<1x!tpu.dma_semaphore, #tpu.memory_space<semaphore_mem>>
    %dma_wait3A_200 = tpu.memref_squeeze %dma_wait3A_199 : memref<1x!tpu.dma_semaphore, #tpu.memory_space<semaphore_mem>> -> memref<!tpu.dma_semaphore, #tpu.memory_space<semaphore_mem>>
    tpu.wait_indirect_dma semaphore(%dma_wait3A_200 : memref<!tpu.dma_semaphore, #tpu.memory_space<semaphore_mem>>) src(%dma_wait3A_198 : memref<10240x16xf32, #tpu.memory_space<hbm>>) dst(%dma_wait3A_192 : memref<1000x16xf32, #tpu.memory_space<vmem>>)
    %dma_start3A_201 = arith.constant 3 : i32
    %dma_start3A_202 = arith.constant 3 : i32
    %dma_start3A_203 = arith.constant 3 : i32
    %dma_start3A_204 = arith.constant 0 : i32
    %dma_start3A_205 = arith.constant 0 : i32
    %dma_start3A_206 = tpu.memref_slice %arg8[%dma_start3A_201, %dma_start3A_204, %dma_start3A_205] : memref<6x1000x16xf32, #tpu.memory_space<vmem>> -> memref<1x1000x16xf32, #tpu.memory_space<vmem>>
    %dma_start3A_207 = tpu.memref_squeeze %dma_start3A_206 : memref<1x1000x16xf32, #tpu.memory_space<vmem>> -> memref<1000x16xf32, #tpu.memory_space<vmem>>
    %dma_start3A_208 = arith.constant 0 : i32
    %dma_start3A_209 = tpu.memref_slice %arg7[%dma_start3A_202, %dma_start3A_208] : memref<10x1000xi32, #tpu.memory_space<vmem>> -> memref<1x1000xi32, #tpu.memory_space<vmem>>
    %dma_start3A_210 = tpu.memref_squeeze %dma_start3A_209 : memref<1x1000xi32, #tpu.memory_space<vmem>> -> memref<1000xi32, #tpu.memory_space<vmem>>
    %dma_start3A_211 = arith.constant 0 : i32
    %dma_start3A_212 = arith.constant 0 : i32
    %dma_start3A_213 = tpu.memref_slice %arg9[%dma_start3A_211, %dma_start3A_212] : memref<10240x16xf32, #tpu.memory_space<vmem_shared>> -> memref<10240x16xf32, #tpu.memory_space<vmem_shared>>
    %dma_start3A_214 = tpu.memref_slice %arg11[%dma_start3A_203] : memref<6x!tpu.dma_semaphore, #tpu.memory_space<semaphore_mem>> -> memref<1x!tpu.dma_semaphore, #tpu.memory_space<semaphore_mem>>
    %dma_start3A_215 = tpu.memref_squeeze %dma_start3A_214 : memref<1x!tpu.dma_semaphore, #tpu.memory_space<semaphore_mem>> -> memref<!tpu.dma_semaphore, #tpu.memory_space<semaphore_mem>>
    tpu.enqueue_indirect_dma source(%dma_start3A_207 : memref<1000x16xf32, #tpu.memory_space<vmem>>) target(%dma_start3A_213 : memref<10240x16xf32, #tpu.memory_space<vmem_shared>>) offsets(%dma_start3A_210 : memref<1000xi32, #tpu.memory_space<vmem>>) semaphore(%dma_start3A_215 : memref<!tpu.dma_semaphore, #tpu.memory_space<semaphore_mem>>) {add = true}
    %dma_wait3A_216 = arith.constant 0 : i32
    %dma_wait3A_217 = arith.constant 0 : i32
    %dma_wait3A_218 = arith.constant 0 : i32
    %dma_wait3A_219 = arith.constant 0 : i32
    %dma_wait3A_220 = arith.constant 0 : i32
    %dma_wait3A_221 = tpu.memref_slice %arg8[%dma_wait3A_216, %dma_wait3A_219, %dma_wait3A_220] : memref<6x1000x16xf32, #tpu.memory_space<vmem>> -> memref<1x1000x16xf32, #tpu.memory_space<vmem>>
    %dma_wait3A_222 = tpu.memref_squeeze %dma_wait3A_221 : memref<1x1000x16xf32, #tpu.memory_space<vmem>> -> memref<1000x16xf32, #tpu.memory_space<vmem>>
    %dma_wait3A_223 = arith.constant 0 : i32
    %dma_wait3A_224 = tpu.memref_slice %arg7[%dma_wait3A_217, %dma_wait3A_223] : memref<10x1000xi32, #tpu.memory_space<vmem>> -> memref<1x1000xi32, #tpu.memory_space<vmem>>
    %dma_wait3A_225 = tpu.memref_squeeze %dma_wait3A_224 : memref<1x1000xi32, #tpu.memory_space<vmem>> -> memref<1000xi32, #tpu.memory_space<vmem>>
    %dma_wait3A_226 = arith.constant 0 : i32
    %dma_wait3A_227 = arith.constant 0 : i32
    %dma_wait3A_228 = tpu.memref_slice %arg9[%dma_wait3A_226, %dma_wait3A_227] : memref<10240x16xf32, #tpu.memory_space<vmem_shared>> -> memref<10240x16xf32, #tpu.memory_space<vmem_shared>>
    %dma_wait3A_229 = tpu.memref_slice %arg11[%dma_wait3A_218] : memref<6x!tpu.dma_semaphore, #tpu.memory_space<semaphore_mem>> -> memref<1x!tpu.dma_semaphore, #tpu.memory_space<semaphore_mem>>
    %dma_wait3A_230 = tpu.memref_squeeze %dma_wait3A_229 : memref<1x!tpu.dma_semaphore, #tpu.memory_space<semaphore_mem>> -> memref<!tpu.dma_semaphore, #tpu.memory_space<semaphore_mem>>
    tpu.wait_indirect_dma semaphore(%dma_wait3A_230 : memref<!tpu.dma_semaphore, #tpu.memory_space<semaphore_mem>>) src(%dma_wait3A_222 : memref<1000x16xf32, #tpu.memory_space<vmem>>) dst(%dma_wait3A_228 : memref<10240x16xf32, #tpu.memory_space<vmem_shared>>)
    %dma_start3A_231 = arith.constant 6 : i32
    %dma_start3A_232 = arith.constant 0 : i32
    %dma_start3A_233 = arith.constant 0 : i32
    %dma_start3A_234 = arith.constant 0 : i32
    %dma_start3A_235 = arith.constant 0 : i32
    %dma_start3A_236 = tpu.memref_slice %arg8[%dma_start3A_232, %dma_start3A_234, %dma_start3A_235] : memref<6x1000x16xf32, #tpu.memory_space<vmem>> -> memref<1x1000x16xf32, #tpu.memory_space<vmem>>
    %dma_start3A_237 = tpu.memref_squeeze %dma_start3A_236 : memref<1x1000x16xf32, #tpu.memory_space<vmem>> -> memref<1000x16xf32, #tpu.memory_space<vmem>>
    %dma_start3A_238 = arith.constant 0 : i32
    %dma_start3A_239 = tpu.memref_slice %arg6[%dma_start3A_231, %dma_start3A_238] : memref<10x1000xi32, #tpu.memory_space<vmem>> -> memref<1x1000xi32, #tpu.memory_space<vmem>>
    %dma_start3A_240 = tpu.memref_squeeze %dma_start3A_239 : memref<1x1000xi32, #tpu.memory_space<vmem>> -> memref<1000xi32, #tpu.memory_space<vmem>>
    %dma_start3A_241 = arith.constant 0 : i32
    %dma_start3A_242 = arith.constant 0 : i32
    %dma_start3A_243 = tpu.memref_slice %arg2[%dma_start3A_241, %dma_start3A_242] : memref<10240x16xf32, #tpu.memory_space<hbm>> -> memref<10240x16xf32, #tpu.memory_space<hbm>>
    %dma_start3A_244 = tpu.memref_slice %arg10[%dma_start3A_233] : memref<6x!tpu.dma_semaphore, #tpu.memory_space<semaphore_mem>> -> memref<1x!tpu.dma_semaphore, #tpu.memory_space<semaphore_mem>>
    %dma_start3A_245 = tpu.memref_squeeze %dma_start3A_244 : memref<1x!tpu.dma_semaphore, #tpu.memory_space<semaphore_mem>> -> memref<!tpu.dma_semaphore, #tpu.memory_space<semaphore_mem>>
    tpu.enqueue_indirect_dma source(%dma_start3A_243 : memref<10240x16xf32, #tpu.memory_space<hbm>>) target(%dma_start3A_237 : memref<1000x16xf32, #tpu.memory_space<vmem>>) offsets(%dma_start3A_240 : memref<1000xi32, #tpu.memory_space<vmem>>) semaphore(%dma_start3A_245 : memref<!tpu.dma_semaphore, #tpu.memory_space<semaphore_mem>>)
    %dma_wait3A_246 = arith.constant 4 : i32
    %dma_wait3A_247 = arith.constant 4 : i32
    %dma_wait3A_248 = arith.constant 4 : i32
    %dma_wait3A_249 = arith.constant 0 : i32
    %dma_wait3A_250 = arith.constant 0 : i32
    %dma_wait3A_251 = tpu.memref_slice %arg8[%dma_wait3A_247, %dma_wait3A_249, %dma_wait3A_250] : memref<6x1000x16xf32, #tpu.memory_space<vmem>> -> memref<1x1000x16xf32, #tpu.memory_space<vmem>>
    %dma_wait3A_252 = tpu.memref_squeeze %dma_wait3A_251 : memref<1x1000x16xf32, #tpu.memory_space<vmem>> -> memref<1000x16xf32, #tpu.memory_space<vmem>>
    %dma_wait3A_253 = arith.constant 0 : i32
    %dma_wait3A_254 = tpu.memref_slice %arg6[%dma_wait3A_246, %dma_wait3A_253] : memref<10x1000xi32, #tpu.memory_space<vmem>> -> memref<1x1000xi32, #tpu.memory_space<vmem>>
    %dma_wait3A_255 = tpu.memref_squeeze %dma_wait3A_254 : memref<1x1000xi32, #tpu.memory_space<vmem>> -> memref<1000xi32, #tpu.memory_space<vmem>>
    %dma_wait3A_256 = arith.constant 0 : i32
    %dma_wait3A_257 = arith.constant 0 : i32
    %dma_wait3A_258 = tpu.memref_slice %arg2[%dma_wait3A_256, %dma_wait3A_257] : memref<10240x16xf32, #tpu.memory_space<hbm>> -> memref<10240x16xf32, #tpu.memory_space<hbm>>
    %dma_wait3A_259 = tpu.memref_slice %arg10[%dma_wait3A_248] : memref<6x!tpu.dma_semaphore, #tpu.memory_space<semaphore_mem>> -> memref<1x!tpu.dma_semaphore, #tpu.memory_space<semaphore_mem>>
    %dma_wait3A_260 = tpu.memref_squeeze %dma_wait3A_259 : memref<1x!tpu.dma_semaphore, #tpu.memory_space<semaphore_mem>> -> memref<!tpu.dma_semaphore, #tpu.memory_space<semaphore_mem>>
    tpu.wait_indirect_dma semaphore(%dma_wait3A_260 : memref<!tpu.dma_semaphore, #tpu.memory_space<semaphore_mem>>) src(%dma_wait3A_258 : memref<10240x16xf32, #tpu.memory_space<hbm>>) dst(%dma_wait3A_252 : memref<1000x16xf32, #tpu.memory_space<vmem>>)
    %dma_start3A_261 = arith.constant 4 : i32
    %dma_start3A_262 = arith.constant 4 : i32
    %dma_start3A_263 = arith.constant 4 : i32
    %dma_start3A_264 = arith.constant 0 : i32
    %dma_start3A_265 = arith.constant 0 : i32
    %dma_start3A_266 = tpu.memref_slice %arg8[%dma_start3A_261, %dma_start3A_264, %dma_start3A_265] : memref<6x1000x16xf32, #tpu.memory_space<vmem>> -> memref<1x1000x16xf32, #tpu.memory_space<vmem>>
    %dma_start3A_267 = tpu.memref_squeeze %dma_start3A_266 : memref<1x1000x16xf32, #tpu.memory_space<vmem>> -> memref<1000x16xf32, #tpu.memory_space<vmem>>
    %dma_start3A_268 = arith.constant 0 : i32
    %dma_start3A_269 = tpu.memref_slice %arg7[%dma_start3A_262, %dma_start3A_268] : memref<10x1000xi32, #tpu.memory_space<vmem>> -> memref<1x1000xi32, #tpu.memory_space<vmem>>
    %dma_start3A_270 = tpu.memref_squeeze %dma_start3A_269 : memref<1x1000xi32, #tpu.memory_space<vmem>> -> memref<1000xi32, #tpu.memory_space<vmem>>
    %dma_start3A_271 = arith.constant 0 : i32
    %dma_start3A_272 = arith.constant 0 : i32
    %dma_start3A_273 = tpu.memref_slice %arg9[%dma_start3A_271, %dma_start3A_272] : memref<10240x16xf32, #tpu.memory_space<vmem_shared>> -> memref<10240x16xf32, #tpu.memory_space<vmem_shared>>
    %dma_start3A_274 = tpu.memref_slice %arg11[%dma_start3A_263] : memref<6x!tpu.dma_semaphore, #tpu.memory_space<semaphore_mem>> -> memref<1x!tpu.dma_semaphore, #tpu.memory_space<semaphore_mem>>
    %dma_start3A_275 = tpu.memref_squeeze %dma_start3A_274 : memref<1x!tpu.dma_semaphore, #tpu.memory_space<semaphore_mem>> -> memref<!tpu.dma_semaphore, #tpu.memory_space<semaphore_mem>>
    tpu.enqueue_indirect_dma source(%dma_start3A_267 : memref<1000x16xf32, #tpu.memory_space<vmem>>) target(%dma_start3A_273 : memref<10240x16xf32, #tpu.memory_space<vmem_shared>>) offsets(%dma_start3A_270 : memref<1000xi32, #tpu.memory_space<vmem>>) semaphore(%dma_start3A_275 : memref<!tpu.dma_semaphore, #tpu.memory_space<semaphore_mem>>) {add = true}
    %dma_wait3A_276 = arith.constant 1 : i32
    %dma_wait3A_277 = arith.constant 1 : i32
    %dma_wait3A_278 = arith.constant 1 : i32
    %dma_wait3A_279 = arith.constant 0 : i32
    %dma_wait3A_280 = arith.constant 0 : i32
    %dma_wait3A_281 = tpu.memref_slice %arg8[%dma_wait3A_276, %dma_wait3A_279, %dma_wait3A_280] : memref<6x1000x16xf32, #tpu.memory_space<vmem>> -> memref<1x1000x16xf32, #tpu.memory_space<vmem>>
    %dma_wait3A_282 = tpu.memref_squeeze %dma_wait3A_281 : memref<1x1000x16xf32, #tpu.memory_space<vmem>> -> memref<1000x16xf32, #tpu.memory_space<vmem>>
    %dma_wait3A_283 = arith.constant 0 : i32
    %dma_wait3A_284 = tpu.memref_slice %arg7[%dma_wait3A_277, %dma_wait3A_283] : memref<10x1000xi32, #tpu.memory_space<vmem>> -> memref<1x1000xi32, #tpu.memory_space<vmem>>
    %dma_wait3A_285 = tpu.memref_squeeze %dma_wait3A_284 : memref<1x1000xi32, #tpu.memory_space<vmem>> -> memref<1000xi32, #tpu.memory_space<vmem>>
    %dma_wait3A_286 = arith.constant 0 : i32
    %dma_wait3A_287 = arith.constant 0 : i32
    %dma_wait3A_288 = tpu.memref_slice %arg9[%dma_wait3A_286, %dma_wait3A_287] : memref<10240x16xf32, #tpu.memory_space<vmem_shared>> -> memref<10240x16xf32, #tpu.memory_space<vmem_shared>>
    %dma_wait3A_289 = tpu.memref_slice %arg11[%dma_wait3A_278] : memref<6x!tpu.dma_semaphore, #tpu.memory_space<semaphore_mem>> -> memref<1x!tpu.dma_semaphore, #tpu.memory_space<semaphore_mem>>
    %dma_wait3A_290 = tpu.memref_squeeze %dma_wait3A_289 : memref<1x!tpu.dma_semaphore, #tpu.memory_space<semaphore_mem>> -> memref<!tpu.dma_semaphore, #tpu.memory_space<semaphore_mem>>
    tpu.wait_indirect_dma semaphore(%dma_wait3A_290 : memref<!tpu.dma_semaphore, #tpu.memory_space<semaphore_mem>>) src(%dma_wait3A_282 : memref<1000x16xf32, #tpu.memory_space<vmem>>) dst(%dma_wait3A_288 : memref<10240x16xf32, #tpu.memory_space<vmem_shared>>)
    %dma_start3A_291 = arith.constant 7 : i32
    %dma_start3A_292 = arith.constant 1 : i32
    %dma_start3A_293 = arith.constant 1 : i32
    %dma_start3A_294 = arith.constant 0 : i32
    %dma_start3A_295 = arith.constant 0 : i32
    %dma_start3A_296 = tpu.memref_slice %arg8[%dma_start3A_292, %dma_start3A_294, %dma_start3A_295] : memref<6x1000x16xf32, #tpu.memory_space<vmem>> -> memref<1x1000x16xf32, #tpu.memory_space<vmem>>
    %dma_start3A_297 = tpu.memref_squeeze %dma_start3A_296 : memref<1x1000x16xf32, #tpu.memory_space<vmem>> -> memref<1000x16xf32, #tpu.memory_space<vmem>>
    %dma_start3A_298 = arith.constant 0 : i32
    %dma_start3A_299 = tpu.memref_slice %arg6[%dma_start3A_291, %dma_start3A_298] : memref<10x1000xi32, #tpu.memory_space<vmem>> -> memref<1x1000xi32, #tpu.memory_space<vmem>>
    %dma_start3A_300 = tpu.memref_squeeze %dma_start3A_299 : memref<1x1000xi32, #tpu.memory_space<vmem>> -> memref<1000xi32, #tpu.memory_space<vmem>>
    %dma_start3A_301 = arith.constant 0 : i32
    %dma_start3A_302 = arith.constant 0 : i32
    %dma_start3A_303 = tpu.memref_slice %arg2[%dma_start3A_301, %dma_start3A_302] : memref<10240x16xf32, #tpu.memory_space<hbm>> -> memref<10240x16xf32, #tpu.memory_space<hbm>>
    %dma_start3A_304 = tpu.memref_slice %arg10[%dma_start3A_293] : memref<6x!tpu.dma_semaphore, #tpu.memory_space<semaphore_mem>> -> memref<1x!tpu.dma_semaphore, #tpu.memory_space<semaphore_mem>>
    %dma_start3A_305 = tpu.memref_squeeze %dma_start3A_304 : memref<1x!tpu.dma_semaphore, #tpu.memory_space<semaphore_mem>> -> memref<!tpu.dma_semaphore, #tpu.memory_space<semaphore_mem>>
    tpu.enqueue_indirect_dma source(%dma_start3A_303 : memref<10240x16xf32, #tpu.memory_space<hbm>>) target(%dma_start3A_297 : memref<1000x16xf32, #tpu.memory_space<vmem>>) offsets(%dma_start3A_300 : memref<1000xi32, #tpu.memory_space<vmem>>) semaphore(%dma_start3A_305 : memref<!tpu.dma_semaphore, #tpu.memory_space<semaphore_mem>>)
    %dma_wait3A_306 = arith.constant 5 : i32
    %dma_wait3A_307 = arith.constant 5 : i32
    %dma_wait3A_308 = arith.constant 5 : i32
    %dma_wait3A_309 = arith.constant 0 : i32
    %dma_wait3A_310 = arith.constant 0 : i32
    %dma_wait3A_311 = tpu.memref_slice %arg8[%dma_wait3A_307, %dma_wait3A_309, %dma_wait3A_310] : memref<6x1000x16xf32, #tpu.memory_space<vmem>> -> memref<1x1000x16xf32, #tpu.memory_space<vmem>>
    %dma_wait3A_312 = tpu.memref_squeeze %dma_wait3A_311 : memref<1x1000x16xf32, #tpu.memory_space<vmem>> -> memref<1000x16xf32, #tpu.memory_space<vmem>>
    %dma_wait3A_313 = arith.constant 0 : i32
    %dma_wait3A_314 = tpu.memref_slice %arg6[%dma_wait3A_306, %dma_wait3A_313] : memref<10x1000xi32, #tpu.memory_space<vmem>> -> memref<1x1000xi32, #tpu.memory_space<vmem>>
    %dma_wait3A_315 = tpu.memref_squeeze %dma_wait3A_314 : memref<1x1000xi32, #tpu.memory_space<vmem>> -> memref<1000xi32, #tpu.memory_space<vmem>>
    %dma_wait3A_316 = arith.constant 0 : i32
    %dma_wait3A_317 = arith.constant 0 : i32
    %dma_wait3A_318 = tpu.memref_slice %arg2[%dma_wait3A_316, %dma_wait3A_317] : memref<10240x16xf32, #tpu.memory_space<hbm>> -> memref<10240x16xf32, #tpu.memory_space<hbm>>
    %dma_wait3A_319 = tpu.memref_slice %arg10[%dma_wait3A_308] : memref<6x!tpu.dma_semaphore, #tpu.memory_space<semaphore_mem>> -> memref<1x!tpu.dma_semaphore, #tpu.memory_space<semaphore_mem>>
    %dma_wait3A_320 = tpu.memref_squeeze %dma_wait3A_319 : memref<1x!tpu.dma_semaphore, #tpu.memory_space<semaphore_mem>> -> memref<!tpu.dma_semaphore, #tpu.memory_space<semaphore_mem>>
    tpu.wait_indirect_dma semaphore(%dma_wait3A_320 : memref<!tpu.dma_semaphore, #tpu.memory_space<semaphore_mem>>) src(%dma_wait3A_318 : memref<10240x16xf32, #tpu.memory_space<hbm>>) dst(%dma_wait3A_312 : memref<1000x16xf32, #tpu.memory_space<vmem>>)
    %dma_start3A_321 = arith.constant 5 : i32
    %dma_start3A_322 = arith.constant 5 : i32
    %dma_start3A_323 = arith.constant 5 : i32
    %dma_start3A_324 = arith.constant 0 : i32
    %dma_start3A_325 = arith.constant 0 : i32
    %dma_start3A_326 = tpu.memref_slice %arg8[%dma_start3A_321, %dma_start3A_324, %dma_start3A_325] : memref<6x1000x16xf32, #tpu.memory_space<vmem>> -> memref<1x1000x16xf32, #tpu.memory_space<vmem>>
    %dma_start3A_327 = tpu.memref_squeeze %dma_start3A_326 : memref<1x1000x16xf32, #tpu.memory_space<vmem>> -> memref<1000x16xf32, #tpu.memory_space<vmem>>
    %dma_start3A_328 = arith.constant 0 : i32
    %dma_start3A_329 = tpu.memref_slice %arg7[%dma_start3A_322, %dma_start3A_328] : memref<10x1000xi32, #tpu.memory_space<vmem>> -> memref<1x1000xi32, #tpu.memory_space<vmem>>
    %dma_start3A_330 = tpu.memref_squeeze %dma_start3A_329 : memref<1x1000xi32, #tpu.memory_space<vmem>> -> memref<1000xi32, #tpu.memory_space<vmem>>
    %dma_start3A_331 = arith.constant 0 : i32
    %dma_start3A_332 = arith.constant 0 : i32
    %dma_start3A_333 = tpu.memref_slice %arg9[%dma_start3A_331, %dma_start3A_332] : memref<10240x16xf32, #tpu.memory_space<vmem_shared>> -> memref<10240x16xf32, #tpu.memory_space<vmem_shared>>
    %dma_start3A_334 = tpu.memref_slice %arg11[%dma_start3A_323] : memref<6x!tpu.dma_semaphore, #tpu.memory_space<semaphore_mem>> -> memref<1x!tpu.dma_semaphore, #tpu.memory_space<semaphore_mem>>
    %dma_start3A_335 = tpu.memref_squeeze %dma_start3A_334 : memref<1x!tpu.dma_semaphore, #tpu.memory_space<semaphore_mem>> -> memref<!tpu.dma_semaphore, #tpu.memory_space<semaphore_mem>>
    tpu.enqueue_indirect_dma source(%dma_start3A_327 : memref<1000x16xf32, #tpu.memory_space<vmem>>) target(%dma_start3A_333 : memref<10240x16xf32, #tpu.memory_space<vmem_shared>>) offsets(%dma_start3A_330 : memref<1000xi32, #tpu.memory_space<vmem>>) semaphore(%dma_start3A_335 : memref<!tpu.dma_semaphore, #tpu.memory_space<semaphore_mem>>) {add = true}
    %dma_wait3A_336 = arith.constant 2 : i32
    %dma_wait3A_337 = arith.constant 2 : i32
    %dma_wait3A_338 = arith.constant 2 : i32
    %dma_wait3A_339 = arith.constant 0 : i32
    %dma_wait3A_340 = arith.constant 0 : i32
    %dma_wait3A_341 = tpu.memref_slice %arg8[%dma_wait3A_336, %dma_wait3A_339, %dma_wait3A_340] : memref<6x1000x16xf32, #tpu.memory_space<vmem>> -> memref<1x1000x16xf32, #tpu.memory_space<vmem>>
    %dma_wait3A_342 = tpu.memref_squeeze %dma_wait3A_341 : memref<1x1000x16xf32, #tpu.memory_space<vmem>> -> memref<1000x16xf32, #tpu.memory_space<vmem>>
    %dma_wait3A_343 = arith.constant 0 : i32
    %dma_wait3A_344 = tpu.memref_slice %arg7[%dma_wait3A_337, %dma_wait3A_343] : memref<10x1000xi32, #tpu.memory_space<vmem>> -> memref<1x1000xi32, #tpu.memory_space<vmem>>
    %dma_wait3A_345 = tpu.memref_squeeze %dma_wait3A_344 : memref<1x1000xi32, #tpu.memory_space<vmem>> -> memref<1000xi32, #tpu.memory_space<vmem>>
    %dma_wait3A_346 = arith.constant 0 : i32
    %dma_wait3A_347 = arith.constant 0 : i32
    %dma_wait3A_348 = tpu.memref_slice %arg9[%dma_wait3A_346, %dma_wait3A_347] : memref<10240x16xf32, #tpu.memory_space<vmem_shared>> -> memref<10240x16xf32, #tpu.memory_space<vmem_shared>>
    %dma_wait3A_349 = tpu.memref_slice %arg11[%dma_wait3A_338] : memref<6x!tpu.dma_semaphore, #tpu.memory_space<semaphore_mem>> -> memref<1x!tpu.dma_semaphore, #tpu.memory_space<semaphore_mem>>
    %dma_wait3A_350 = tpu.memref_squeeze %dma_wait3A_349 : memref<1x!tpu.dma_semaphore, #tpu.memory_space<semaphore_mem>> -> memref<!tpu.dma_semaphore, #tpu.memory_space<semaphore_mem>>
    tpu.wait_indirect_dma semaphore(%dma_wait3A_350 : memref<!tpu.dma_semaphore, #tpu.memory_space<semaphore_mem>>) src(%dma_wait3A_342 : memref<1000x16xf32, #tpu.memory_space<vmem>>) dst(%dma_wait3A_348 : memref<10240x16xf32, #tpu.memory_space<vmem_shared>>)
    %dma_start3A_351 = arith.constant 8 : i32
    %dma_start3A_352 = arith.constant 2 : i32
    %dma_start3A_353 = arith.constant 2 : i32
    %dma_start3A_354 = arith.constant 0 : i32
    %dma_start3A_355 = arith.constant 0 : i32
    %dma_start3A_356 = tpu.memref_slice %arg8[%dma_start3A_352, %dma_start3A_354, %dma_start3A_355] : memref<6x1000x16xf32, #tpu.memory_space<vmem>> -> memref<1x1000x16xf32, #tpu.memory_space<vmem>>
    %dma_start3A_357 = tpu.memref_squeeze %dma_start3A_356 : memref<1x1000x16xf32, #tpu.memory_space<vmem>> -> memref<1000x16xf32, #tpu.memory_space<vmem>>
    %dma_start3A_358 = arith.constant 0 : i32
    %dma_start3A_359 = tpu.memref_slice %arg6[%dma_start3A_351, %dma_start3A_358] : memref<10x1000xi32, #tpu.memory_space<vmem>> -> memref<1x1000xi32, #tpu.memory_space<vmem>>
    %dma_start3A_360 = tpu.memref_squeeze %dma_start3A_359 : memref<1x1000xi32, #tpu.memory_space<vmem>> -> memref<1000xi32, #tpu.memory_space<vmem>>
    %dma_start3A_361 = arith.constant 0 : i32
    %dma_start3A_362 = arith.constant 0 : i32
    %dma_start3A_363 = tpu.memref_slice %arg2[%dma_start3A_361, %dma_start3A_362] : memref<10240x16xf32, #tpu.memory_space<hbm>> -> memref<10240x16xf32, #tpu.memory_space<hbm>>
    %dma_start3A_364 = tpu.memref_slice %arg10[%dma_start3A_353] : memref<6x!tpu.dma_semaphore, #tpu.memory_space<semaphore_mem>> -> memref<1x!tpu.dma_semaphore, #tpu.memory_space<semaphore_mem>>
    %dma_start3A_365 = tpu.memref_squeeze %dma_start3A_364 : memref<1x!tpu.dma_semaphore, #tpu.memory_space<semaphore_mem>> -> memref<!tpu.dma_semaphore, #tpu.memory_space<semaphore_mem>>
    tpu.enqueue_indirect_dma source(%dma_start3A_363 : memref<10240x16xf32, #tpu.memory_space<hbm>>) target(%dma_start3A_357 : memref<1000x16xf32, #tpu.memory_space<vmem>>) offsets(%dma_start3A_360 : memref<1000xi32, #tpu.memory_space<vmem>>) semaphore(%dma_start3A_365 : memref<!tpu.dma_semaphore, #tpu.memory_space<semaphore_mem>>)
    %dma_wait3A_366 = arith.constant 6 : i32
    %dma_wait3A_367 = arith.constant 0 : i32
    %dma_wait3A_368 = arith.constant 0 : i32
    %dma_wait3A_369 = arith.constant 0 : i32
    %dma_wait3A_370 = arith.constant 0 : i32
    %dma_wait3A_371 = tpu.memref_slice %arg8[%dma_wait3A_367, %dma_wait3A_369, %dma_wait3A_370] : memref<6x1000x16xf32, #tpu.memory_space<vmem>> -> memref<1x1000x16xf32, #tpu.memory_space<vmem>>
    %dma_wait3A_372 = tpu.memref_squeeze %dma_wait3A_371 : memref<1x1000x16xf32, #tpu.memory_space<vmem>> -> memref<1000x16xf32, #tpu.memory_space<vmem>>
    %dma_wait3A_373 = arith.constant 0 : i32
    %dma_wait3A_374 = tpu.memref_slice %arg6[%dma_wait3A_366, %dma_wait3A_373] : memref<10x1000xi32, #tpu.memory_space<vmem>> -> memref<1x1000xi32, #tpu.memory_space<vmem>>
    %dma_wait3A_375 = tpu.memref_squeeze %dma_wait3A_374 : memref<1x1000xi32, #tpu.memory_space<vmem>> -> memref<1000xi32, #tpu.memory_space<vmem>>
    %dma_wait3A_376 = arith.constant 0 : i32
    %dma_wait3A_377 = arith.constant 0 : i32
    %dma_wait3A_378 = tpu.memref_slice %arg2[%dma_wait3A_376, %dma_wait3A_377] : memref<10240x16xf32, #tpu.memory_space<hbm>> -> memref<10240x16xf32, #tpu.memory_space<hbm>>
    %dma_wait3A_379 = tpu.memref_slice %arg10[%dma_wait3A_368] : memref<6x!tpu.dma_semaphore, #tpu.memory_space<semaphore_mem>> -> memref<1x!tpu.dma_semaphore, #tpu.memory_space<semaphore_mem>>
    %dma_wait3A_380 = tpu.memref_squeeze %dma_wait3A_379 : memref<1x!tpu.dma_semaphore, #tpu.memory_space<semaphore_mem>> -> memref<!tpu.dma_semaphore, #tpu.memory_space<semaphore_mem>>
    tpu.wait_indirect_dma semaphore(%dma_wait3A_380 : memref<!tpu.dma_semaphore, #tpu.memory_space<semaphore_mem>>) src(%dma_wait3A_378 : memref<10240x16xf32, #tpu.memory_space<hbm>>) dst(%dma_wait3A_372 : memref<1000x16xf32, #tpu.memory_space<vmem>>)
    %dma_start3A_381 = arith.constant 0 : i32
    %dma_start3A_382 = arith.constant 6 : i32
    %dma_start3A_383 = arith.constant 0 : i32
    %dma_start3A_384 = arith.constant 0 : i32
    %dma_start3A_385 = arith.constant 0 : i32
    %dma_start3A_386 = tpu.memref_slice %arg8[%dma_start3A_381, %dma_start3A_384, %dma_start3A_385] : memref<6x1000x16xf32, #tpu.memory_space<vmem>> -> memref<1x1000x16xf32, #tpu.memory_space<vmem>>
    %dma_start3A_387 = tpu.memref_squeeze %dma_start3A_386 : memref<1x1000x16xf32, #tpu.memory_space<vmem>> -> memref<1000x16xf32, #tpu.memory_space<vmem>>
    %dma_start3A_388 = arith.constant 0 : i32
    %dma_start3A_389 = tpu.memref_slice %arg7[%dma_start3A_382, %dma_start3A_388] : memref<10x1000xi32, #tpu.memory_space<vmem>> -> memref<1x1000xi32, #tpu.memory_space<vmem>>
    %dma_start3A_390 = tpu.memref_squeeze %dma_start3A_389 : memref<1x1000xi32, #tpu.memory_space<vmem>> -> memref<1000xi32, #tpu.memory_space<vmem>>
    %dma_start3A_391 = arith.constant 0 : i32
    %dma_start3A_392 = arith.constant 0 : i32
    %dma_start3A_393 = tpu.memref_slice %arg9[%dma_start3A_391, %dma_start3A_392] : memref<10240x16xf32, #tpu.memory_space<vmem_shared>> -> memref<10240x16xf32, #tpu.memory_space<vmem_shared>>
    %dma_start3A_394 = tpu.memref_slice %arg11[%dma_start3A_383] : memref<6x!tpu.dma_semaphore, #tpu.memory_space<semaphore_mem>> -> memref<1x!tpu.dma_semaphore, #tpu.memory_space<semaphore_mem>>
    %dma_start3A_395 = tpu.memref_squeeze %dma_start3A_394 : memref<1x!tpu.dma_semaphore, #tpu.memory_space<semaphore_mem>> -> memref<!tpu.dma_semaphore, #tpu.memory_space<semaphore_mem>>
    tpu.enqueue_indirect_dma source(%dma_start3A_387 : memref<1000x16xf32, #tpu.memory_space<vmem>>) target(%dma_start3A_393 : memref<10240x16xf32, #tpu.memory_space<vmem_shared>>) offsets(%dma_start3A_390 : memref<1000xi32, #tpu.memory_space<vmem>>) semaphore(%dma_start3A_395 : memref<!tpu.dma_semaphore, #tpu.memory_space<semaphore_mem>>) {add = true}
    %dma_wait3A_396 = arith.constant 3 : i32
    %dma_wait3A_397 = arith.constant 3 : i32
    %dma_wait3A_398 = arith.constant 3 : i32
    %dma_wait3A_399 = arith.constant 0 : i32
    %dma_wait3A_400 = arith.constant 0 : i32
    %dma_wait3A_401 = tpu.memref_slice %arg8[%dma_wait3A_396, %dma_wait3A_399, %dma_wait3A_400] : memref<6x1000x16xf32, #tpu.memory_space<vmem>> -> memref<1x1000x16xf32, #tpu.memory_space<vmem>>
    %dma_wait3A_402 = tpu.memref_squeeze %dma_wait3A_401 : memref<1x1000x16xf32, #tpu.memory_space<vmem>> -> memref<1000x16xf32, #tpu.memory_space<vmem>>
    %dma_wait3A_403 = arith.constant 0 : i32
    %dma_wait3A_404 = tpu.memref_slice %arg7[%dma_wait3A_397, %dma_wait3A_403] : memref<10x1000xi32, #tpu.memory_space<vmem>> -> memref<1x1000xi32, #tpu.memory_space<vmem>>
    %dma_wait3A_405 = tpu.memref_squeeze %dma_wait3A_404 : memref<1x1000xi32, #tpu.memory_space<vmem>> -> memref<1000xi32, #tpu.memory_space<vmem>>
    %dma_wait3A_406 = arith.constant 0 : i32
    %dma_wait3A_407 = arith.constant 0 : i32
    %dma_wait3A_408 = tpu.memref_slice %arg9[%dma_wait3A_406, %dma_wait3A_407] : memref<10240x16xf32, #tpu.memory_space<vmem_shared>> -> memref<10240x16xf32, #tpu.memory_space<vmem_shared>>
    %dma_wait3A_409 = tpu.memref_slice %arg11[%dma_wait3A_398] : memref<6x!tpu.dma_semaphore, #tpu.memory_space<semaphore_mem>> -> memref<1x!tpu.dma_semaphore, #tpu.memory_space<semaphore_mem>>
    %dma_wait3A_410 = tpu.memref_squeeze %dma_wait3A_409 : memref<1x!tpu.dma_semaphore, #tpu.memory_space<semaphore_mem>> -> memref<!tpu.dma_semaphore, #tpu.memory_space<semaphore_mem>>
    tpu.wait_indirect_dma semaphore(%dma_wait3A_410 : memref<!tpu.dma_semaphore, #tpu.memory_space<semaphore_mem>>) src(%dma_wait3A_402 : memref<1000x16xf32, #tpu.memory_space<vmem>>) dst(%dma_wait3A_408 : memref<10240x16xf32, #tpu.memory_space<vmem_shared>>)
    %dma_start3A_411 = arith.constant 9 : i32
    %dma_start3A_412 = arith.constant 3 : i32
    %dma_start3A_413 = arith.constant 3 : i32
    %dma_start3A_414 = arith.constant 0 : i32
    %dma_start3A_415 = arith.constant 0 : i32
    %dma_start3A_416 = tpu.memref_slice %arg8[%dma_start3A_412, %dma_start3A_414, %dma_start3A_415] : memref<6x1000x16xf32, #tpu.memory_space<vmem>> -> memref<1x1000x16xf32, #tpu.memory_space<vmem>>
    %dma_start3A_417 = tpu.memref_squeeze %dma_start3A_416 : memref<1x1000x16xf32, #tpu.memory_space<vmem>> -> memref<1000x16xf32, #tpu.memory_space<vmem>>
    %dma_start3A_418 = arith.constant 0 : i32
    %dma_start3A_419 = tpu.memref_slice %arg6[%dma_start3A_411, %dma_start3A_418] : memref<10x1000xi32, #tpu.memory_space<vmem>> -> memref<1x1000xi32, #tpu.memory_space<vmem>>
    %dma_start3A_420 = tpu.memref_squeeze %dma_start3A_419 : memref<1x1000xi32, #tpu.memory_space<vmem>> -> memref<1000xi32, #tpu.memory_space<vmem>>
    %dma_start3A_421 = arith.constant 0 : i32
    %dma_start3A_422 = arith.constant 0 : i32
    %dma_start3A_423 = tpu.memref_slice %arg2[%dma_start3A_421, %dma_start3A_422] : memref<10240x16xf32, #tpu.memory_space<hbm>> -> memref<10240x16xf32, #tpu.memory_space<hbm>>
    %dma_start3A_424 = tpu.memref_slice %arg10[%dma_start3A_413] : memref<6x!tpu.dma_semaphore, #tpu.memory_space<semaphore_mem>> -> memref<1x!tpu.dma_semaphore, #tpu.memory_space<semaphore_mem>>
    %dma_start3A_425 = tpu.memref_squeeze %dma_start3A_424 : memref<1x!tpu.dma_semaphore, #tpu.memory_space<semaphore_mem>> -> memref<!tpu.dma_semaphore, #tpu.memory_space<semaphore_mem>>
    tpu.enqueue_indirect_dma source(%dma_start3A_423 : memref<10240x16xf32, #tpu.memory_space<hbm>>) target(%dma_start3A_417 : memref<1000x16xf32, #tpu.memory_space<vmem>>) offsets(%dma_start3A_420 : memref<1000xi32, #tpu.memory_space<vmem>>) semaphore(%dma_start3A_425 : memref<!tpu.dma_semaphore, #tpu.memory_space<semaphore_mem>>)
    %dma_wait3A_426 = arith.constant 7 : i32
    %dma_wait3A_427 = arith.constant 1 : i32
    %dma_wait3A_428 = arith.constant 1 : i32
    %dma_wait3A_429 = arith.constant 0 : i32
    %dma_wait3A_430 = arith.constant 0 : i32
    %dma_wait3A_431 = tpu.memref_slice %arg8[%dma_wait3A_427, %dma_wait3A_429, %dma_wait3A_430] : memref<6x1000x16xf32, #tpu.memory_space<vmem>> -> memref<1x1000x16xf32, #tpu.memory_space<vmem>>
    %dma_wait3A_432 = tpu.memref_squeeze %dma_wait3A_431 : memref<1x1000x16xf32, #tpu.memory_space<vmem>> -> memref<1000x16xf32, #tpu.memory_space<vmem>>
    %dma_wait3A_433 = arith.constant 0 : i32
    %dma_wait3A_434 = tpu.memref_slice %arg6[%dma_wait3A_426, %dma_wait3A_433] : memref<10x1000xi32, #tpu.memory_space<vmem>> -> memref<1x1000xi32, #tpu.memory_space<vmem>>
    %dma_wait3A_435 = tpu.memref_squeeze %dma_wait3A_434 : memref<1x1000xi32, #tpu.memory_space<vmem>> -> memref<1000xi32, #tpu.memory_space<vmem>>
    %dma_wait3A_436 = arith.constant 0 : i32
    %dma_wait3A_437 = arith.constant 0 : i32
    %dma_wait3A_438 = tpu.memref_slice %arg2[%dma_wait3A_436, %dma_wait3A_437] : memref<10240x16xf32, #tpu.memory_space<hbm>> -> memref<10240x16xf32, #tpu.memory_space<hbm>>
    %dma_wait3A_439 = tpu.memref_slice %arg10[%dma_wait3A_428] : memref<6x!tpu.dma_semaphore, #tpu.memory_space<semaphore_mem>> -> memref<1x!tpu.dma_semaphore, #tpu.memory_space<semaphore_mem>>
    %dma_wait3A_440 = tpu.memref_squeeze %dma_wait3A_439 : memref<1x!tpu.dma_semaphore, #tpu.memory_space<semaphore_mem>> -> memref<!tpu.dma_semaphore, #tpu.memory_space<semaphore_mem>>
    tpu.wait_indirect_dma semaphore(%dma_wait3A_440 : memref<!tpu.dma_semaphore, #tpu.memory_space<semaphore_mem>>) src(%dma_wait3A_438 : memref<10240x16xf32, #tpu.memory_space<hbm>>) dst(%dma_wait3A_432 : memref<1000x16xf32, #tpu.memory_space<vmem>>)
    %dma_start3A_441 = arith.constant 1 : i32
    %dma_start3A_442 = arith.constant 7 : i32
    %dma_start3A_443 = arith.constant 1 : i32
    %dma_start3A_444 = arith.constant 0 : i32
    %dma_start3A_445 = arith.constant 0 : i32
    %dma_start3A_446 = tpu.memref_slice %arg8[%dma_start3A_441, %dma_start3A_444, %dma_start3A_445] : memref<6x1000x16xf32, #tpu.memory_space<vmem>> -> memref<1x1000x16xf32, #tpu.memory_space<vmem>>
    %dma_start3A_447 = tpu.memref_squeeze %dma_start3A_446 : memref<1x1000x16xf32, #tpu.memory_space<vmem>> -> memref<1000x16xf32, #tpu.memory_space<vmem>>
    %dma_start3A_448 = arith.constant 0 : i32
    %dma_start3A_449 = tpu.memref_slice %arg7[%dma_start3A_442, %dma_start3A_448] : memref<10x1000xi32, #tpu.memory_space<vmem>> -> memref<1x1000xi32, #tpu.memory_space<vmem>>
    %dma_start3A_450 = tpu.memref_squeeze %dma_start3A_449 : memref<1x1000xi32, #tpu.memory_space<vmem>> -> memref<1000xi32, #tpu.memory_space<vmem>>
    %dma_start3A_451 = arith.constant 0 : i32
    %dma_start3A_452 = arith.constant 0 : i32
    %dma_start3A_453 = tpu.memref_slice %arg9[%dma_start3A_451, %dma_start3A_452] : memref<10240x16xf32, #tpu.memory_space<vmem_shared>> -> memref<10240x16xf32, #tpu.memory_space<vmem_shared>>
    %dma_start3A_454 = tpu.memref_slice %arg11[%dma_start3A_443] : memref<6x!tpu.dma_semaphore, #tpu.memory_space<semaphore_mem>> -> memref<1x!tpu.dma_semaphore, #tpu.memory_space<semaphore_mem>>
    %dma_start3A_455 = tpu.memref_squeeze %dma_start3A_454 : memref<1x!tpu.dma_semaphore, #tpu.memory_space<semaphore_mem>> -> memref<!tpu.dma_semaphore, #tpu.memory_space<semaphore_mem>>
    tpu.enqueue_indirect_dma source(%dma_start3A_447 : memref<1000x16xf32, #tpu.memory_space<vmem>>) target(%dma_start3A_453 : memref<10240x16xf32, #tpu.memory_space<vmem_shared>>) offsets(%dma_start3A_450 : memref<1000xi32, #tpu.memory_space<vmem>>) semaphore(%dma_start3A_455 : memref<!tpu.dma_semaphore, #tpu.memory_space<semaphore_mem>>) {add = true}
    %dma_wait3A_456 = arith.constant 8 : i32
    %dma_wait3A_457 = arith.constant 2 : i32
    %dma_wait3A_458 = arith.constant 2 : i32
    %dma_wait3A_459 = arith.constant 0 : i32
    %dma_wait3A_460 = arith.constant 0 : i32
    %dma_wait3A_461 = tpu.memref_slice %arg8[%dma_wait3A_457, %dma_wait3A_459, %dma_wait3A_460] : memref<6x1000x16xf32, #tpu.memory_space<vmem>> -> memref<1x1000x16xf32, #tpu.memory_space<vmem>>
    %dma_wait3A_462 = tpu.memref_squeeze %dma_wait3A_461 : memref<1x1000x16xf32, #tpu.memory_space<vmem>> -> memref<1000x16xf32, #tpu.memory_space<vmem>>
    %dma_wait3A_463 = arith.constant 0 : i32
    %dma_wait3A_464 = tpu.memref_slice %arg6[%dma_wait3A_456, %dma_wait3A_463] : memref<10x1000xi32, #tpu.memory_space<vmem>> -> memref<1x1000xi32, #tpu.memory_space<vmem>>
    %dma_wait3A_465 = tpu.memref_squeeze %dma_wait3A_464 : memref<1x1000xi32, #tpu.memory_space<vmem>> -> memref<1000xi32, #tpu.memory_space<vmem>>
    %dma_wait3A_466 = arith.constant 0 : i32
    %dma_wait3A_467 = arith.constant 0 : i32
    %dma_wait3A_468 = tpu.memref_slice %arg2[%dma_wait3A_466, %dma_wait3A_467] : memref<10240x16xf32, #tpu.memory_space<hbm>> -> memref<10240x16xf32, #tpu.memory_space<hbm>>
    %dma_wait3A_469 = tpu.memref_slice %arg10[%dma_wait3A_458] : memref<6x!tpu.dma_semaphore, #tpu.memory_space<semaphore_mem>> -> memref<1x!tpu.dma_semaphore, #tpu.memory_space<semaphore_mem>>
    %dma_wait3A_470 = tpu.memref_squeeze %dma_wait3A_469 : memref<1x!tpu.dma_semaphore, #tpu.memory_space<semaphore_mem>> -> memref<!tpu.dma_semaphore, #tpu.memory_space<semaphore_mem>>
    tpu.wait_indirect_dma semaphore(%dma_wait3A_470 : memref<!tpu.dma_semaphore, #tpu.memory_space<semaphore_mem>>) src(%dma_wait3A_468 : memref<10240x16xf32, #tpu.memory_space<hbm>>) dst(%dma_wait3A_462 : memref<1000x16xf32, #tpu.memory_space<vmem>>)
    %dma_start3A_471 = arith.constant 2 : i32
    %dma_start3A_472 = arith.constant 8 : i32
    %dma_start3A_473 = arith.constant 2 : i32
    %dma_start3A_474 = arith.constant 0 : i32
    %dma_start3A_475 = arith.constant 0 : i32
    %dma_start3A_476 = tpu.memref_slice %arg8[%dma_start3A_471, %dma_start3A_474, %dma_start3A_475] : memref<6x1000x16xf32, #tpu.memory_space<vmem>> -> memref<1x1000x16xf32, #tpu.memory_space<vmem>>
    %dma_start3A_477 = tpu.memref_squeeze %dma_start3A_476 : memref<1x1000x16xf32, #tpu.memory_space<vmem>> -> memref<1000x16xf32, #tpu.memory_space<vmem>>
    %dma_start3A_478 = arith.constant 0 : i32
    %dma_start3A_479 = tpu.memref_slice %arg7[%dma_start3A_472, %dma_start3A_478] : memref<10x1000xi32, #tpu.memory_space<vmem>> -> memref<1x1000xi32, #tpu.memory_space<vmem>>
    %dma_start3A_480 = tpu.memref_squeeze %dma_start3A_479 : memref<1x1000xi32, #tpu.memory_space<vmem>> -> memref<1000xi32, #tpu.memory_space<vmem>>
    %dma_start3A_481 = arith.constant 0 : i32
    %dma_start3A_482 = arith.constant 0 : i32
    %dma_start3A_483 = tpu.memref_slice %arg9[%dma_start3A_481, %dma_start3A_482] : memref<10240x16xf32, #tpu.memory_space<vmem_shared>> -> memref<10240x16xf32, #tpu.memory_space<vmem_shared>>
    %dma_start3A_484 = tpu.memref_slice %arg11[%dma_start3A_473] : memref<6x!tpu.dma_semaphore, #tpu.memory_space<semaphore_mem>> -> memref<1x!tpu.dma_semaphore, #tpu.memory_space<semaphore_mem>>
    %dma_start3A_485 = tpu.memref_squeeze %dma_start3A_484 : memref<1x!tpu.dma_semaphore, #tpu.memory_space<semaphore_mem>> -> memref<!tpu.dma_semaphore, #tpu.memory_space<semaphore_mem>>
    tpu.enqueue_indirect_dma source(%dma_start3A_477 : memref<1000x16xf32, #tpu.memory_space<vmem>>) target(%dma_start3A_483 : memref<10240x16xf32, #tpu.memory_space<vmem_shared>>) offsets(%dma_start3A_480 : memref<1000xi32, #tpu.memory_space<vmem>>) semaphore(%dma_start3A_485 : memref<!tpu.dma_semaphore, #tpu.memory_space<semaphore_mem>>) {add = true}
    %dma_wait3A_486 = arith.constant 9 : i32
    %dma_wait3A_487 = arith.constant 3 : i32
    %dma_wait3A_488 = arith.constant 3 : i32
    %dma_wait3A_489 = arith.constant 0 : i32
    %dma_wait3A_490 = arith.constant 0 : i32
    %dma_wait3A_491 = tpu.memref_slice %arg8[%dma_wait3A_487, %dma_wait3A_489, %dma_wait3A_490] : memref<6x1000x16xf32, #tpu.memory_space<vmem>> -> memref<1x1000x16xf32, #tpu.memory_space<vmem>>
    %dma_wait3A_492 = tpu.memref_squeeze %dma_wait3A_491 : memref<1x1000x16xf32, #tpu.memory_space<vmem>> -> memref<1000x16xf32, #tpu.memory_space<vmem>>
    %dma_wait3A_493 = arith.constant 0 : i32
    %dma_wait3A_494 = tpu.memref_slice %arg6[%dma_wait3A_486, %dma_wait3A_493] : memref<10x1000xi32, #tpu.memory_space<vmem>> -> memref<1x1000xi32, #tpu.memory_space<vmem>>
    %dma_wait3A_495 = tpu.memref_squeeze %dma_wait3A_494 : memref<1x1000xi32, #tpu.memory_space<vmem>> -> memref<1000xi32, #tpu.memory_space<vmem>>
    %dma_wait3A_496 = arith.constant 0 : i32
    %dma_wait3A_497 = arith.constant 0 : i32
    %dma_wait3A_498 = tpu.memref_slice %arg2[%dma_wait3A_496, %dma_wait3A_497] : memref<10240x16xf32, #tpu.memory_space<hbm>> -> memref<10240x16xf32, #tpu.memory_space<hbm>>
    %dma_wait3A_499 = tpu.memref_slice %arg10[%dma_wait3A_488] : memref<6x!tpu.dma_semaphore, #tpu.memory_space<semaphore_mem>> -> memref<1x!tpu.dma_semaphore, #tpu.memory_space<semaphore_mem>>
    %dma_wait3A_500 = tpu.memref_squeeze %dma_wait3A_499 : memref<1x!tpu.dma_semaphore, #tpu.memory_space<semaphore_mem>> -> memref<!tpu.dma_semaphore, #tpu.memory_space<semaphore_mem>>
    tpu.wait_indirect_dma semaphore(%dma_wait3A_500 : memref<!tpu.dma_semaphore, #tpu.memory_space<semaphore_mem>>) src(%dma_wait3A_498 : memref<10240x16xf32, #tpu.memory_space<hbm>>) dst(%dma_wait3A_492 : memref<1000x16xf32, #tpu.memory_space<vmem>>)
    %dma_start3A_501 = arith.constant 3 : i32
    %dma_start3A_502 = arith.constant 9 : i32
    %dma_start3A_503 = arith.constant 3 : i32
    %dma_start3A_504 = arith.constant 0 : i32
    %dma_start3A_505 = arith.constant 0 : i32
    %dma_start3A_506 = tpu.memref_slice %arg8[%dma_start3A_501, %dma_start3A_504, %dma_start3A_505] : memref<6x1000x16xf32, #tpu.memory_space<vmem>> -> memref<1x1000x16xf32, #tpu.memory_space<vmem>>
    %dma_start3A_507 = tpu.memref_squeeze %dma_start3A_506 : memref<1x1000x16xf32, #tpu.memory_space<vmem>> -> memref<1000x16xf32, #tpu.memory_space<vmem>>
    %dma_start3A_508 = arith.constant 0 : i32
    %dma_start3A_509 = tpu.memref_slice %arg7[%dma_start3A_502, %dma_start3A_508] : memref<10x1000xi32, #tpu.memory_space<vmem>> -> memref<1x1000xi32, #tpu.memory_space<vmem>>
    %dma_start3A_510 = tpu.memref_squeeze %dma_start3A_509 : memref<1x1000xi32, #tpu.memory_space<vmem>> -> memref<1000xi32, #tpu.memory_space<vmem>>
    %dma_start3A_511 = arith.constant 0 : i32
    %dma_start3A_512 = arith.constant 0 : i32
    %dma_start3A_513 = tpu.memref_slice %arg9[%dma_start3A_511, %dma_start3A_512] : memref<10240x16xf32, #tpu.memory_space<vmem_shared>> -> memref<10240x16xf32, #tpu.memory_space<vmem_shared>>
    %dma_start3A_514 = tpu.memref_slice %arg11[%dma_start3A_503] : memref<6x!tpu.dma_semaphore, #tpu.memory_space<semaphore_mem>> -> memref<1x!tpu.dma_semaphore, #tpu.memory_space<semaphore_mem>>
    %dma_start3A_515 = tpu.memref_squeeze %dma_start3A_514 : memref<1x!tpu.dma_semaphore, #tpu.memory_space<semaphore_mem>> -> memref<!tpu.dma_semaphore, #tpu.memory_space<semaphore_mem>>
    tpu.enqueue_indirect_dma source(%dma_start3A_507 : memref<1000x16xf32, #tpu.memory_space<vmem>>) target(%dma_start3A_513 : memref<10240x16xf32, #tpu.memory_space<vmem_shared>>) offsets(%dma_start3A_510 : memref<1000xi32, #tpu.memory_space<vmem>>) semaphore(%dma_start3A_515 : memref<!tpu.dma_semaphore, #tpu.memory_space<semaphore_mem>>) {add = true}
    %dma_wait3A_516 = arith.constant 4 : i32
    %dma_wait3A_517 = arith.constant 4 : i32
    %dma_wait3A_518 = arith.constant 4 : i32
    %dma_wait3A_519 = arith.constant 0 : i32
    %dma_wait3A_520 = arith.constant 0 : i32
    %dma_wait3A_521 = tpu.memref_slice %arg8[%dma_wait3A_516, %dma_wait3A_519, %dma_wait3A_520] : memref<6x1000x16xf32, #tpu.memory_space<vmem>> -> memref<1x1000x16xf32, #tpu.memory_space<vmem>>
    %dma_wait3A_522 = tpu.memref_squeeze %dma_wait3A_521 : memref<1x1000x16xf32, #tpu.memory_space<vmem>> -> memref<1000x16xf32, #tpu.memory_space<vmem>>
    %dma_wait3A_523 = arith.constant 0 : i32
    %dma_wait3A_524 = tpu.memref_slice %arg7[%dma_wait3A_517, %dma_wait3A_523] : memref<10x1000xi32, #tpu.memory_space<vmem>> -> memref<1x1000xi32, #tpu.memory_space<vmem>>
    %dma_wait3A_525 = tpu.memref_squeeze %dma_wait3A_524 : memref<1x1000xi32, #tpu.memory_space<vmem>> -> memref<1000xi32, #tpu.memory_space<vmem>>
    %dma_wait3A_526 = arith.constant 0 : i32
    %dma_wait3A_527 = arith.constant 0 : i32
    %dma_wait3A_528 = tpu.memref_slice %arg9[%dma_wait3A_526, %dma_wait3A_527] : memref<10240x16xf32, #tpu.memory_space<vmem_shared>> -> memref<10240x16xf32, #tpu.memory_space<vmem_shared>>
    %dma_wait3A_529 = tpu.memref_slice %arg11[%dma_wait3A_518] : memref<6x!tpu.dma_semaphore, #tpu.memory_space<semaphore_mem>> -> memref<1x!tpu.dma_semaphore, #tpu.memory_space<semaphore_mem>>
    %dma_wait3A_530 = tpu.memref_squeeze %dma_wait3A_529 : memref<1x!tpu.dma_semaphore, #tpu.memory_space<semaphore_mem>> -> memref<!tpu.dma_semaphore, #tpu.memory_space<semaphore_mem>>
    tpu.wait_indirect_dma semaphore(%dma_wait3A_530 : memref<!tpu.dma_semaphore, #tpu.memory_space<semaphore_mem>>) src(%dma_wait3A_522 : memref<1000x16xf32, #tpu.memory_space<vmem>>) dst(%dma_wait3A_528 : memref<10240x16xf32, #tpu.memory_space<vmem_shared>>)
    %dma_wait3A_531 = arith.constant 5 : i32
    %dma_wait3A_532 = arith.constant 5 : i32
    %dma_wait3A_533 = arith.constant 5 : i32
    %dma_wait3A_534 = arith.constant 0 : i32
    %dma_wait3A_535 = arith.constant 0 : i32
    %dma_wait3A_536 = tpu.memref_slice %arg8[%dma_wait3A_531, %dma_wait3A_534, %dma_wait3A_535] : memref<6x1000x16xf32, #tpu.memory_space<vmem>> -> memref<1x1000x16xf32, #tpu.memory_space<vmem>>
    %dma_wait3A_537 = tpu.memref_squeeze %dma_wait3A_536 : memref<1x1000x16xf32, #tpu.memory_space<vmem>> -> memref<1000x16xf32, #tpu.memory_space<vmem>>
    %dma_wait3A_538 = arith.constant 0 : i32
    %dma_wait3A_539 = tpu.memref_slice %arg7[%dma_wait3A_532, %dma_wait3A_538] : memref<10x1000xi32, #tpu.memory_space<vmem>> -> memref<1x1000xi32, #tpu.memory_space<vmem>>
    %dma_wait3A_540 = tpu.memref_squeeze %dma_wait3A_539 : memref<1x1000xi32, #tpu.memory_space<vmem>> -> memref<1000xi32, #tpu.memory_space<vmem>>
    %dma_wait3A_541 = arith.constant 0 : i32
    %dma_wait3A_542 = arith.constant 0 : i32
    %dma_wait3A_543 = tpu.memref_slice %arg9[%dma_wait3A_541, %dma_wait3A_542] : memref<10240x16xf32, #tpu.memory_space<vmem_shared>> -> memref<10240x16xf32, #tpu.memory_space<vmem_shared>>
    %dma_wait3A_544 = tpu.memref_slice %arg11[%dma_wait3A_533] : memref<6x!tpu.dma_semaphore, #tpu.memory_space<semaphore_mem>> -> memref<1x!tpu.dma_semaphore, #tpu.memory_space<semaphore_mem>>
    %dma_wait3A_545 = tpu.memref_squeeze %dma_wait3A_544 : memref<1x!tpu.dma_semaphore, #tpu.memory_space<semaphore_mem>> -> memref<!tpu.dma_semaphore, #tpu.memory_space<semaphore_mem>>
    tpu.wait_indirect_dma semaphore(%dma_wait3A_545 : memref<!tpu.dma_semaphore, #tpu.memory_space<semaphore_mem>>) src(%dma_wait3A_537 : memref<1000x16xf32, #tpu.memory_space<vmem>>) dst(%dma_wait3A_543 : memref<10240x16xf32, #tpu.memory_space<vmem_shared>>)
    %dma_wait3A_546 = arith.constant 0 : i32
    %dma_wait3A_547 = arith.constant 6 : i32
    %dma_wait3A_548 = arith.constant 0 : i32
    %dma_wait3A_549 = arith.constant 0 : i32
    %dma_wait3A_550 = arith.constant 0 : i32
    %dma_wait3A_551 = tpu.memref_slice %arg8[%dma_wait3A_546, %dma_wait3A_549, %dma_wait3A_550] : memref<6x1000x16xf32, #tpu.memory_space<vmem>> -> memref<1x1000x16xf32, #tpu.memory_space<vmem>>
    %dma_wait3A_552 = tpu.memref_squeeze %dma_wait3A_551 : memref<1x1000x16xf32, #tpu.memory_space<vmem>> -> memref<1000x16xf32, #tpu.memory_space<vmem>>
    %dma_wait3A_553 = arith.constant 0 : i32
    %dma_wait3A_554 = tpu.memref_slice %arg7[%dma_wait3A_547, %dma_wait3A_553] : memref<10x1000xi32, #tpu.memory_space<vmem>> -> memref<1x1000xi32, #tpu.memory_space<vmem>>
    %dma_wait3A_555 = tpu.memref_squeeze %dma_wait3A_554 : memref<1x1000xi32, #tpu.memory_space<vmem>> -> memref<1000xi32, #tpu.memory_space<vmem>>
    %dma_wait3A_556 = arith.constant 0 : i32
    %dma_wait3A_557 = arith.constant 0 : i32
    %dma_wait3A_558 = tpu.memref_slice %arg9[%dma_wait3A_556, %dma_wait3A_557] : memref<10240x16xf32, #tpu.memory_space<vmem_shared>> -> memref<10240x16xf32, #tpu.memory_space<vmem_shared>>
    %dma_wait3A_559 = tpu.memref_slice %arg11[%dma_wait3A_548] : memref<6x!tpu.dma_semaphore, #tpu.memory_space<semaphore_mem>> -> memref<1x!tpu.dma_semaphore, #tpu.memory_space<semaphore_mem>>
    %dma_wait3A_560 = tpu.memref_squeeze %dma_wait3A_559 : memref<1x!tpu.dma_semaphore, #tpu.memory_space<semaphore_mem>> -> memref<!tpu.dma_semaphore, #tpu.memory_space<semaphore_mem>>
    tpu.wait_indirect_dma semaphore(%dma_wait3A_560 : memref<!tpu.dma_semaphore, #tpu.memory_space<semaphore_mem>>) src(%dma_wait3A_552 : memref<1000x16xf32, #tpu.memory_space<vmem>>) dst(%dma_wait3A_558 : memref<10240x16xf32, #tpu.memory_space<vmem_shared>>)
    %dma_wait3A_561 = arith.constant 1 : i32
    %dma_wait3A_562 = arith.constant 7 : i32
    %dma_wait3A_563 = arith.constant 1 : i32
    %dma_wait3A_564 = arith.constant 0 : i32
    %dma_wait3A_565 = arith.constant 0 : i32
    %dma_wait3A_566 = tpu.memref_slice %arg8[%dma_wait3A_561, %dma_wait3A_564, %dma_wait3A_565] : memref<6x1000x16xf32, #tpu.memory_space<vmem>> -> memref<1x1000x16xf32, #tpu.memory_space<vmem>>
    %dma_wait3A_567 = tpu.memref_squeeze %dma_wait3A_566 : memref<1x1000x16xf32, #tpu.memory_space<vmem>> -> memref<1000x16xf32, #tpu.memory_space<vmem>>
    %dma_wait3A_568 = arith.constant 0 : i32
    %dma_wait3A_569 = tpu.memref_slice %arg7[%dma_wait3A_562, %dma_wait3A_568] : memref<10x1000xi32, #tpu.memory_space<vmem>> -> memref<1x1000xi32, #tpu.memory_space<vmem>>
    %dma_wait3A_570 = tpu.memref_squeeze %dma_wait3A_569 : memref<1x1000xi32, #tpu.memory_space<vmem>> -> memref<1000xi32, #tpu.memory_space<vmem>>
    %dma_wait3A_571 = arith.constant 0 : i32
    %dma_wait3A_572 = arith.constant 0 : i32
    %dma_wait3A_573 = tpu.memref_slice %arg9[%dma_wait3A_571, %dma_wait3A_572] : memref<10240x16xf32, #tpu.memory_space<vmem_shared>> -> memref<10240x16xf32, #tpu.memory_space<vmem_shared>>
    %dma_wait3A_574 = tpu.memref_slice %arg11[%dma_wait3A_563] : memref<6x!tpu.dma_semaphore, #tpu.memory_space<semaphore_mem>> -> memref<1x!tpu.dma_semaphore, #tpu.memory_space<semaphore_mem>>
    %dma_wait3A_575 = tpu.memref_squeeze %dma_wait3A_574 : memref<1x!tpu.dma_semaphore, #tpu.memory_space<semaphore_mem>> -> memref<!tpu.dma_semaphore, #tpu.memory_space<semaphore_mem>>
    tpu.wait_indirect_dma semaphore(%dma_wait3A_575 : memref<!tpu.dma_semaphore, #tpu.memory_space<semaphore_mem>>) src(%dma_wait3A_567 : memref<1000x16xf32, #tpu.memory_space<vmem>>) dst(%dma_wait3A_573 : memref<10240x16xf32, #tpu.memory_space<vmem_shared>>)
    %dma_wait3A_576 = arith.constant 2 : i32
    %dma_wait3A_577 = arith.constant 8 : i32
    %dma_wait3A_578 = arith.constant 2 : i32
    %dma_wait3A_579 = arith.constant 0 : i32
    %dma_wait3A_580 = arith.constant 0 : i32
    %dma_wait3A_581 = tpu.memref_slice %arg8[%dma_wait3A_576, %dma_wait3A_579, %dma_wait3A_580] : memref<6x1000x16xf32, #tpu.memory_space<vmem>> -> memref<1x1000x16xf32, #tpu.memory_space<vmem>>
    %dma_wait3A_582 = tpu.memref_squeeze %dma_wait3A_581 : memref<1x1000x16xf32, #tpu.memory_space<vmem>> -> memref<1000x16xf32, #tpu.memory_space<vmem>>
    %dma_wait3A_583 = arith.constant 0 : i32
    %dma_wait3A_584 = tpu.memref_slice %arg7[%dma_wait3A_577, %dma_wait3A_583] : memref<10x1000xi32, #tpu.memory_space<vmem>> -> memref<1x1000xi32, #tpu.memory_space<vmem>>
    %dma_wait3A_585 = tpu.memref_squeeze %dma_wait3A_584 : memref<1x1000xi32, #tpu.memory_space<vmem>> -> memref<1000xi32, #tpu.memory_space<vmem>>
    %dma_wait3A_586 = arith.constant 0 : i32
    %dma_wait3A_587 = arith.constant 0 : i32
    %dma_wait3A_588 = tpu.memref_slice %arg9[%dma_wait3A_586, %dma_wait3A_587] : memref<10240x16xf32, #tpu.memory_space<vmem_shared>> -> memref<10240x16xf32, #tpu.memory_space<vmem_shared>>
    %dma_wait3A_589 = tpu.memref_slice %arg11[%dma_wait3A_578] : memref<6x!tpu.dma_semaphore, #tpu.memory_space<semaphore_mem>> -> memref<1x!tpu.dma_semaphore, #tpu.memory_space<semaphore_mem>>
    %dma_wait3A_590 = tpu.memref_squeeze %dma_wait3A_589 : memref<1x!tpu.dma_semaphore, #tpu.memory_space<semaphore_mem>> -> memref<!tpu.dma_semaphore, #tpu.memory_space<semaphore_mem>>
    tpu.wait_indirect_dma semaphore(%dma_wait3A_590 : memref<!tpu.dma_semaphore, #tpu.memory_space<semaphore_mem>>) src(%dma_wait3A_582 : memref<1000x16xf32, #tpu.memory_space<vmem>>) dst(%dma_wait3A_588 : memref<10240x16xf32, #tpu.memory_space<vmem_shared>>)
    %dma_wait3A_591 = arith.constant 3 : i32
    %dma_wait3A_592 = arith.constant 9 : i32
    %dma_wait3A_593 = arith.constant 3 : i32
    %dma_wait3A_594 = arith.constant 0 : i32
    %dma_wait3A_595 = arith.constant 0 : i32
    %dma_wait3A_596 = tpu.memref_slice %arg8[%dma_wait3A_591, %dma_wait3A_594, %dma_wait3A_595] : memref<6x1000x16xf32, #tpu.memory_space<vmem>> -> memref<1x1000x16xf32, #tpu.memory_space<vmem>>
    %dma_wait3A_597 = tpu.memref_squeeze %dma_wait3A_596 : memref<1x1000x16xf32, #tpu.memory_space<vmem>> -> memref<1000x16xf32, #tpu.memory_space<vmem>>
    %dma_wait3A_598 = arith.constant 0 : i32
    %dma_wait3A_599 = tpu.memref_slice %arg7[%dma_wait3A_592, %dma_wait3A_598] : memref<10x1000xi32, #tpu.memory_space<vmem>> -> memref<1x1000xi32, #tpu.memory_space<vmem>>
    %dma_wait3A_600 = tpu.memref_squeeze %dma_wait3A_599 : memref<1x1000xi32, #tpu.memory_space<vmem>> -> memref<1000xi32, #tpu.memory_space<vmem>>
    %dma_wait3A_601 = arith.constant 0 : i32
    %dma_wait3A_602 = arith.constant 0 : i32
    %dma_wait3A_603 = tpu.memref_slice %arg9[%dma_wait3A_601, %dma_wait3A_602] : memref<10240x16xf32, #tpu.memory_space<vmem_shared>> -> memref<10240x16xf32, #tpu.memory_space<vmem_shared>>
    %dma_wait3A_604 = tpu.memref_slice %arg11[%dma_wait3A_593] : memref<6x!tpu.dma_semaphore, #tpu.memory_space<semaphore_mem>> -> memref<1x!tpu.dma_semaphore, #tpu.memory_space<semaphore_mem>>
    %dma_wait3A_605 = tpu.memref_squeeze %dma_wait3A_604 : memref<1x!tpu.dma_semaphore, #tpu.memory_space<semaphore_mem>> -> memref<!tpu.dma_semaphore, #tpu.memory_space<semaphore_mem>>
    tpu.wait_indirect_dma semaphore(%dma_wait3A_605 : memref<!tpu.dma_semaphore, #tpu.memory_space<semaphore_mem>>) src(%dma_wait3A_597 : memref<1000x16xf32, #tpu.memory_space<vmem>>) dst(%dma_wait3A_603 : memref<10240x16xf32, #tpu.memory_space<vmem_shared>>)
    %barrier3A_606 = arith.constant 0 : index
    tpu.barrier barrier_id(%barrier3A_606)
    %mul3A_607 = arith.constant 640 : i32
    %mul3A_608 = arith.muli %arg1, %mul3A_607 : i32
    %mul3A_609 = arith.constant 640 : i32
    %mul3A_610 = arith.muli %arg1, %mul3A_609 : i32
    "tpu.region"() ({
      %run_scoped3A_611 = tpu.sem_alloc : memref<!tpu.dma_semaphore, #tpu.memory_space<semaphore_mem>>
      %dma_start3A_612 = arith.constant 0 : i32
      %dma_start3A_613 = tpu.memref_slice %arg5[%arg0, %mul3A_610, %dma_start3A_612] : memref<2x10240x16xf32, #tpu.memory_space<hbm>> -> memref<1x640x16xf32, #tpu.memory_space<hbm>>
      %dma_start3A_614 = tpu.memref_squeeze %dma_start3A_613 : memref<1x640x16xf32, #tpu.memory_space<hbm>> -> memref<640x16xf32, #tpu.memory_space<hbm>>
      %dma_start3A_615 = arith.constant 0 : i32
      %dma_start3A_616 = tpu.memref_slice %arg9[%mul3A_608, %dma_start3A_615] : memref<10240x16xf32, #tpu.memory_space<vmem_shared>> -> memref<640x16xf32, #tpu.memory_space<vmem_shared>>
      tpu.enqueue_dma source(%dma_start3A_616 : memref<640x16xf32, #tpu.memory_space<vmem_shared>>) target(%dma_start3A_614 : memref<640x16xf32, #tpu.memory_space<hbm>>) target_semaphore(%run_scoped3A_611 : memref<!tpu.dma_semaphore, #tpu.memory_space<semaphore_mem>>)
      %dma_wait3A_617 = arith.constant 0 : i32
      %dma_wait3A_618 = tpu.memref_slice %arg5[%arg0, %mul3A_610, %dma_wait3A_617] : memref<2x10240x16xf32, #tpu.memory_space<hbm>> -> memref<1x640x16xf32, #tpu.memory_space<hbm>>
      %dma_wait3A_619 = tpu.memref_squeeze %dma_wait3A_618 : memref<1x640x16xf32, #tpu.memory_space<hbm>> -> memref<640x16xf32, #tpu.memory_space<hbm>>
      %dma_wait3A_620 = arith.constant 0 : i32
      %dma_wait3A_621 = tpu.memref_slice %arg9[%mul3A_608, %dma_wait3A_620] : memref<10240x16xf32, #tpu.memory_space<vmem_shared>> -> memref<640x16xf32, #tpu.memory_space<vmem_shared>>
      tpu.wait_dma2 semaphore(%run_scoped3A_611 : memref<!tpu.dma_semaphore, #tpu.memory_space<semaphore_mem>>) src(%dma_wait3A_621 : memref<640x16xf32, #tpu.memory_space<vmem_shared>>) dst(%dma_wait3A_619 : memref<640x16xf32, #tpu.memory_space<hbm>>)
      tpu.yield
    }) : () -> ()
    return
  }
}

#map = affine_map<(d0, d1) -> (0, 0, 0)>
#map1 = affine_map<(d0, d1) -> (0, 0)>
module attributes {stable_mosaic.version = 14 : i64} {
  func.func @deg_kernel(%arg0: i32, %arg1: i32, %arg2: memref<2x320x1000xi32, #tpu.memory_space<hbm>>, %arg3: memref<1000x16xf32, #tpu.memory_space<hbm>>, %arg4: memref<640x16xf32, #tpu.memory_space<hbm>>, %arg5: memref<2x10240x16xf32, #tpu.memory_space<hbm>>, %arg6: memref<10x1000xi32, #tpu.memory_space<vmem>>, %arg7: memref<1000x16xf32, #tpu.memory_space<vmem>>, %arg8: memref<10240x16xf32, #tpu.memory_space<vmem_shared>>, %arg9: memref<8x!tpu.dma_semaphore, #tpu.memory_space<semaphore_mem>>) attributes {dimension_semantics = [#tpu.dimension_semantics<core_parallel>, #tpu.dimension_semantics<subcore_parallel>], iteration_bounds = array<i64: 2, 16>, scalar_prefetch = 0 : i64, scratch_operands = 4 : i64, tpu.core_type = #tpu.core_type<sc_vector_subcore>, window_params = [{transform_indices = #map}, {transform_indices = #map1}, {transform_indices = #map1}, {transform_indices = #map}]} {
    %mul3A = arith.constant 2 : i32
    %mul3A_0 = arith.muli %arg1, %mul3A : i32
    %add3A = arith.addi %mul3A_0, %arg0 : i32
    %mul3A_1 = arith.constant 640 : i32
    %mul3A_2 = arith.muli %arg1, %mul3A_1 : i32
    "tpu.region"() ({
      %run_scoped3A_208 = tpu.sem_alloc : memref<!tpu.dma_semaphore, #tpu.memory_space<semaphore_mem>>
      %dma_start3A_209 = arith.constant 0 : i32
      %dma_start3A_210 = tpu.memref_slice %arg8[%mul3A_2, %dma_start3A_209] : memref<10240x16xf32, #tpu.memory_space<vmem_shared>> -> memref<640x16xf32, #tpu.memory_space<vmem_shared>>
      tpu.enqueue_dma source(%arg4 : memref<640x16xf32, #tpu.memory_space<hbm>>) target(%dma_start3A_210 : memref<640x16xf32, #tpu.memory_space<vmem_shared>>) target_semaphore(%run_scoped3A_208 : memref<!tpu.dma_semaphore, #tpu.memory_space<semaphore_mem>>)
      %dma_wait3A_211 = arith.constant 0 : i32
      %dma_wait3A_212 = tpu.memref_slice %arg8[%mul3A_2, %dma_wait3A_211] : memref<10240x16xf32, #tpu.memory_space<vmem_shared>> -> memref<640x16xf32, #tpu.memory_space<vmem_shared>>
      tpu.wait_dma2 semaphore(%run_scoped3A_208 : memref<!tpu.dma_semaphore, #tpu.memory_space<semaphore_mem>>) src(%arg4 : memref<640x16xf32, #tpu.memory_space<hbm>>) dst(%dma_wait3A_212 : memref<640x16xf32, #tpu.memory_space<vmem_shared>>)
      tpu.yield
    }) : () -> ()
    %mul3A_3 = arith.constant 10 : i32
    %mul3A_4 = arith.muli %add3A, %mul3A_3 : i32
    %run_scoped3A = arith.constant 1 : i32
    "tpu.region"() ({
      %run_scoped3A_208 = tpu.sem_alloc : memref<!tpu.dma_semaphore, #tpu.memory_space<semaphore_mem>>
      %dma_start3A_209 = arith.constant 0 : i32
      %dma_start3A_210 = tpu.memref_slice %arg2[%run_scoped3A, %mul3A_4, %dma_start3A_209] : memref<2x320x1000xi32, #tpu.memory_space<hbm>> -> memref<1x10x1000xi32, #tpu.memory_space<hbm>>
      %dma_start3A_211 = tpu.memref_squeeze %dma_start3A_210 : memref<1x10x1000xi32, #tpu.memory_space<hbm>> -> memref<10x1000xi32, #tpu.memory_space<hbm>>
      %dma_start3A_212 = arith.constant 0 : i32
      %dma_start3A_213 = tpu.memref_slice %arg2[%run_scoped3A, %mul3A_4, %dma_start3A_212] : memref<2x320x1000xi32, #tpu.memory_space<hbm>> -> memref<1x10x1000xi32, #tpu.memory_space<hbm>>
      %dma_start3A_214 = tpu.memref_squeeze %dma_start3A_213 : memref<1x10x1000xi32, #tpu.memory_space<hbm>> -> memref<10x1000xi32, #tpu.memory_space<hbm>>
      tpu.enqueue_dma source(%dma_start3A_214 : memref<10x1000xi32, #tpu.memory_space<hbm>>) target(%arg6 : memref<10x1000xi32, #tpu.memory_space<vmem>>) target_semaphore(%run_scoped3A_208 : memref<!tpu.dma_semaphore, #tpu.memory_space<semaphore_mem>>)
      %dma_wait3A_215 = arith.constant 0 : i32
      %dma_wait3A_216 = tpu.memref_slice %arg2[%run_scoped3A, %mul3A_4, %dma_wait3A_215] : memref<2x320x1000xi32, #tpu.memory_space<hbm>> -> memref<1x10x1000xi32, #tpu.memory_space<hbm>>
      %dma_wait3A_217 = tpu.memref_squeeze %dma_wait3A_216 : memref<1x10x1000xi32, #tpu.memory_space<hbm>> -> memref<10x1000xi32, #tpu.memory_space<hbm>>
      %dma_wait3A_218 = arith.constant 0 : i32
      %dma_wait3A_219 = tpu.memref_slice %arg2[%run_scoped3A, %mul3A_4, %dma_wait3A_218] : memref<2x320x1000xi32, #tpu.memory_space<hbm>> -> memref<1x10x1000xi32, #tpu.memory_space<hbm>>
      %dma_wait3A_220 = tpu.memref_squeeze %dma_wait3A_219 : memref<1x10x1000xi32, #tpu.memory_space<hbm>> -> memref<10x1000xi32, #tpu.memory_space<hbm>>
      tpu.wait_dma2 semaphore(%run_scoped3A_208 : memref<!tpu.dma_semaphore, #tpu.memory_space<semaphore_mem>>) src(%dma_wait3A_220 : memref<10x1000xi32, #tpu.memory_space<hbm>>) dst(%arg6 : memref<10x1000xi32, #tpu.memory_space<vmem>>)
      tpu.yield
    }) : () -> ()
    "tpu.region"() ({
      %run_scoped3A_208 = tpu.sem_alloc : memref<!tpu.dma_semaphore, #tpu.memory_space<semaphore_mem>>
      tpu.enqueue_dma source(%arg3 : memref<1000x16xf32, #tpu.memory_space<hbm>>) target(%arg7 : memref<1000x16xf32, #tpu.memory_space<vmem>>) target_semaphore(%run_scoped3A_208 : memref<!tpu.dma_semaphore, #tpu.memory_space<semaphore_mem>>)
      tpu.wait_dma2 semaphore(%run_scoped3A_208 : memref<!tpu.dma_semaphore, #tpu.memory_space<semaphore_mem>>) src(%arg3 : memref<1000x16xf32, #tpu.memory_space<hbm>>) dst(%arg7 : memref<1000x16xf32, #tpu.memory_space<vmem>>)
      tpu.yield
    }) : () -> ()
    %barrier3A = arith.constant 0 : index
    tpu.barrier barrier_id(%barrier3A)
    %dma_start3A = arith.constant 0 : i32
    %dma_start3A_5 = arith.constant 0 : i32
    %dma_start3A_6 = arith.constant 0 : i32
    %dma_start3A_7 = tpu.memref_slice %arg6[%dma_start3A, %dma_start3A_6] : memref<10x1000xi32, #tpu.memory_space<vmem>> -> memref<1x1000xi32, #tpu.memory_space<vmem>>
    %dma_start3A_8 = tpu.memref_squeeze %dma_start3A_7 : memref<1x1000xi32, #tpu.memory_space<vmem>> -> memref<1000xi32, #tpu.memory_space<vmem>>
    %dma_start3A_9 = arith.constant 0 : i32
    %dma_start3A_10 = arith.constant 0 : i32
    %dma_start3A_11 = tpu.memref_slice %arg8[%dma_start3A_9, %dma_start3A_10] : memref<10240x16xf32, #tpu.memory_space<vmem_shared>> -> memref<10240x16xf32, #tpu.memory_space<vmem_shared>>
    %dma_start3A_12 = tpu.memref_slice %arg9[%dma_start3A_5] : memref<8x!tpu.dma_semaphore, #tpu.memory_space<semaphore_mem>> -> memref<1x!tpu.dma_semaphore, #tpu.memory_space<semaphore_mem>>
    %dma_start3A_13 = tpu.memref_squeeze %dma_start3A_12 : memref<1x!tpu.dma_semaphore, #tpu.memory_space<semaphore_mem>> -> memref<!tpu.dma_semaphore, #tpu.memory_space<semaphore_mem>>
    tpu.enqueue_indirect_dma source(%arg7 : memref<1000x16xf32, #tpu.memory_space<vmem>>) target(%dma_start3A_11 : memref<10240x16xf32, #tpu.memory_space<vmem_shared>>) offsets(%dma_start3A_8 : memref<1000xi32, #tpu.memory_space<vmem>>) semaphore(%dma_start3A_13 : memref<!tpu.dma_semaphore, #tpu.memory_space<semaphore_mem>>) {add = true}
    %dma_start3A_14 = arith.constant 1 : i32
    %dma_start3A_15 = arith.constant 1 : i32
    %dma_start3A_16 = arith.constant 0 : i32
    %dma_start3A_17 = tpu.memref_slice %arg6[%dma_start3A_14, %dma_start3A_16] : memref<10x1000xi32, #tpu.memory_space<vmem>> -> memref<1x1000xi32, #tpu.memory_space<vmem>>
    %dma_start3A_18 = tpu.memref_squeeze %dma_start3A_17 : memref<1x1000xi32, #tpu.memory_space<vmem>> -> memref<1000xi32, #tpu.memory_space<vmem>>
    %dma_start3A_19 = arith.constant 0 : i32
    %dma_start3A_20 = arith.constant 0 : i32
    %dma_start3A_21 = tpu.memref_slice %arg8[%dma_start3A_19, %dma_start3A_20] : memref<10240x16xf32, #tpu.memory_space<vmem_shared>> -> memref<10240x16xf32, #tpu.memory_space<vmem_shared>>
    %dma_start3A_22 = tpu.memref_slice %arg9[%dma_start3A_15] : memref<8x!tpu.dma_semaphore, #tpu.memory_space<semaphore_mem>> -> memref<1x!tpu.dma_semaphore, #tpu.memory_space<semaphore_mem>>
    %dma_start3A_23 = tpu.memref_squeeze %dma_start3A_22 : memref<1x!tpu.dma_semaphore, #tpu.memory_space<semaphore_mem>> -> memref<!tpu.dma_semaphore, #tpu.memory_space<semaphore_mem>>
    tpu.enqueue_indirect_dma source(%arg7 : memref<1000x16xf32, #tpu.memory_space<vmem>>) target(%dma_start3A_21 : memref<10240x16xf32, #tpu.memory_space<vmem_shared>>) offsets(%dma_start3A_18 : memref<1000xi32, #tpu.memory_space<vmem>>) semaphore(%dma_start3A_23 : memref<!tpu.dma_semaphore, #tpu.memory_space<semaphore_mem>>) {add = true}
    %dma_start3A_24 = arith.constant 2 : i32
    %dma_start3A_25 = arith.constant 2 : i32
    %dma_start3A_26 = arith.constant 0 : i32
    %dma_start3A_27 = tpu.memref_slice %arg6[%dma_start3A_24, %dma_start3A_26] : memref<10x1000xi32, #tpu.memory_space<vmem>> -> memref<1x1000xi32, #tpu.memory_space<vmem>>
    %dma_start3A_28 = tpu.memref_squeeze %dma_start3A_27 : memref<1x1000xi32, #tpu.memory_space<vmem>> -> memref<1000xi32, #tpu.memory_space<vmem>>
    %dma_start3A_29 = arith.constant 0 : i32
    %dma_start3A_30 = arith.constant 0 : i32
    %dma_start3A_31 = tpu.memref_slice %arg8[%dma_start3A_29, %dma_start3A_30] : memref<10240x16xf32, #tpu.memory_space<vmem_shared>> -> memref<10240x16xf32, #tpu.memory_space<vmem_shared>>
    %dma_start3A_32 = tpu.memref_slice %arg9[%dma_start3A_25] : memref<8x!tpu.dma_semaphore, #tpu.memory_space<semaphore_mem>> -> memref<1x!tpu.dma_semaphore, #tpu.memory_space<semaphore_mem>>
    %dma_start3A_33 = tpu.memref_squeeze %dma_start3A_32 : memref<1x!tpu.dma_semaphore, #tpu.memory_space<semaphore_mem>> -> memref<!tpu.dma_semaphore, #tpu.memory_space<semaphore_mem>>
    tpu.enqueue_indirect_dma source(%arg7 : memref<1000x16xf32, #tpu.memory_space<vmem>>) target(%dma_start3A_31 : memref<10240x16xf32, #tpu.memory_space<vmem_shared>>) offsets(%dma_start3A_28 : memref<1000xi32, #tpu.memory_space<vmem>>) semaphore(%dma_start3A_33 : memref<!tpu.dma_semaphore, #tpu.memory_space<semaphore_mem>>) {add = true}
    %dma_start3A_34 = arith.constant 3 : i32
    %dma_start3A_35 = arith.constant 3 : i32
    %dma_start3A_36 = arith.constant 0 : i32
    %dma_start3A_37 = tpu.memref_slice %arg6[%dma_start3A_34, %dma_start3A_36] : memref<10x1000xi32, #tpu.memory_space<vmem>> -> memref<1x1000xi32, #tpu.memory_space<vmem>>
    %dma_start3A_38 = tpu.memref_squeeze %dma_start3A_37 : memref<1x1000xi32, #tpu.memory_space<vmem>> -> memref<1000xi32, #tpu.memory_space<vmem>>
    %dma_start3A_39 = arith.constant 0 : i32
    %dma_start3A_40 = arith.constant 0 : i32
    %dma_start3A_41 = tpu.memref_slice %arg8[%dma_start3A_39, %dma_start3A_40] : memref<10240x16xf32, #tpu.memory_space<vmem_shared>> -> memref<10240x16xf32, #tpu.memory_space<vmem_shared>>
    %dma_start3A_42 = tpu.memref_slice %arg9[%dma_start3A_35] : memref<8x!tpu.dma_semaphore, #tpu.memory_space<semaphore_mem>> -> memref<1x!tpu.dma_semaphore, #tpu.memory_space<semaphore_mem>>
    %dma_start3A_43 = tpu.memref_squeeze %dma_start3A_42 : memref<1x!tpu.dma_semaphore, #tpu.memory_space<semaphore_mem>> -> memref<!tpu.dma_semaphore, #tpu.memory_space<semaphore_mem>>
    tpu.enqueue_indirect_dma source(%arg7 : memref<1000x16xf32, #tpu.memory_space<vmem>>) target(%dma_start3A_41 : memref<10240x16xf32, #tpu.memory_space<vmem_shared>>) offsets(%dma_start3A_38 : memref<1000xi32, #tpu.memory_space<vmem>>) semaphore(%dma_start3A_43 : memref<!tpu.dma_semaphore, #tpu.memory_space<semaphore_mem>>) {add = true}
    %dma_start3A_44 = arith.constant 4 : i32
    %dma_start3A_45 = arith.constant 4 : i32
    %dma_start3A_46 = arith.constant 0 : i32
    %dma_start3A_47 = tpu.memref_slice %arg6[%dma_start3A_44, %dma_start3A_46] : memref<10x1000xi32, #tpu.memory_space<vmem>> -> memref<1x1000xi32, #tpu.memory_space<vmem>>
    %dma_start3A_48 = tpu.memref_squeeze %dma_start3A_47 : memref<1x1000xi32, #tpu.memory_space<vmem>> -> memref<1000xi32, #tpu.memory_space<vmem>>
    %dma_start3A_49 = arith.constant 0 : i32
    %dma_start3A_50 = arith.constant 0 : i32
    %dma_start3A_51 = tpu.memref_slice %arg8[%dma_start3A_49, %dma_start3A_50] : memref<10240x16xf32, #tpu.memory_space<vmem_shared>> -> memref<10240x16xf32, #tpu.memory_space<vmem_shared>>
    %dma_start3A_52 = tpu.memref_slice %arg9[%dma_start3A_45] : memref<8x!tpu.dma_semaphore, #tpu.memory_space<semaphore_mem>> -> memref<1x!tpu.dma_semaphore, #tpu.memory_space<semaphore_mem>>
    %dma_start3A_53 = tpu.memref_squeeze %dma_start3A_52 : memref<1x!tpu.dma_semaphore, #tpu.memory_space<semaphore_mem>> -> memref<!tpu.dma_semaphore, #tpu.memory_space<semaphore_mem>>
    tpu.enqueue_indirect_dma source(%arg7 : memref<1000x16xf32, #tpu.memory_space<vmem>>) target(%dma_start3A_51 : memref<10240x16xf32, #tpu.memory_space<vmem_shared>>) offsets(%dma_start3A_48 : memref<1000xi32, #tpu.memory_space<vmem>>) semaphore(%dma_start3A_53 : memref<!tpu.dma_semaphore, #tpu.memory_space<semaphore_mem>>) {add = true}
    %dma_start3A_54 = arith.constant 5 : i32
    %dma_start3A_55 = arith.constant 5 : i32
    %dma_start3A_56 = arith.constant 0 : i32
    %dma_start3A_57 = tpu.memref_slice %arg6[%dma_start3A_54, %dma_start3A_56] : memref<10x1000xi32, #tpu.memory_space<vmem>> -> memref<1x1000xi32, #tpu.memory_space<vmem>>
    %dma_start3A_58 = tpu.memref_squeeze %dma_start3A_57 : memref<1x1000xi32, #tpu.memory_space<vmem>> -> memref<1000xi32, #tpu.memory_space<vmem>>
    %dma_start3A_59 = arith.constant 0 : i32
    %dma_start3A_60 = arith.constant 0 : i32
    %dma_start3A_61 = tpu.memref_slice %arg8[%dma_start3A_59, %dma_start3A_60] : memref<10240x16xf32, #tpu.memory_space<vmem_shared>> -> memref<10240x16xf32, #tpu.memory_space<vmem_shared>>
    %dma_start3A_62 = tpu.memref_slice %arg9[%dma_start3A_55] : memref<8x!tpu.dma_semaphore, #tpu.memory_space<semaphore_mem>> -> memref<1x!tpu.dma_semaphore, #tpu.memory_space<semaphore_mem>>
    %dma_start3A_63 = tpu.memref_squeeze %dma_start3A_62 : memref<1x!tpu.dma_semaphore, #tpu.memory_space<semaphore_mem>> -> memref<!tpu.dma_semaphore, #tpu.memory_space<semaphore_mem>>
    tpu.enqueue_indirect_dma source(%arg7 : memref<1000x16xf32, #tpu.memory_space<vmem>>) target(%dma_start3A_61 : memref<10240x16xf32, #tpu.memory_space<vmem_shared>>) offsets(%dma_start3A_58 : memref<1000xi32, #tpu.memory_space<vmem>>) semaphore(%dma_start3A_63 : memref<!tpu.dma_semaphore, #tpu.memory_space<semaphore_mem>>) {add = true}
    %dma_start3A_64 = arith.constant 6 : i32
    %dma_start3A_65 = arith.constant 6 : i32
    %dma_start3A_66 = arith.constant 0 : i32
    %dma_start3A_67 = tpu.memref_slice %arg6[%dma_start3A_64, %dma_start3A_66] : memref<10x1000xi32, #tpu.memory_space<vmem>> -> memref<1x1000xi32, #tpu.memory_space<vmem>>
    %dma_start3A_68 = tpu.memref_squeeze %dma_start3A_67 : memref<1x1000xi32, #tpu.memory_space<vmem>> -> memref<1000xi32, #tpu.memory_space<vmem>>
    %dma_start3A_69 = arith.constant 0 : i32
    %dma_start3A_70 = arith.constant 0 : i32
    %dma_start3A_71 = tpu.memref_slice %arg8[%dma_start3A_69, %dma_start3A_70] : memref<10240x16xf32, #tpu.memory_space<vmem_shared>> -> memref<10240x16xf32, #tpu.memory_space<vmem_shared>>
    %dma_start3A_72 = tpu.memref_slice %arg9[%dma_start3A_65] : memref<8x!tpu.dma_semaphore, #tpu.memory_space<semaphore_mem>> -> memref<1x!tpu.dma_semaphore, #tpu.memory_space<semaphore_mem>>
    %dma_start3A_73 = tpu.memref_squeeze %dma_start3A_72 : memref<1x!tpu.dma_semaphore, #tpu.memory_space<semaphore_mem>> -> memref<!tpu.dma_semaphore, #tpu.memory_space<semaphore_mem>>
    tpu.enqueue_indirect_dma source(%arg7 : memref<1000x16xf32, #tpu.memory_space<vmem>>) target(%dma_start3A_71 : memref<10240x16xf32, #tpu.memory_space<vmem_shared>>) offsets(%dma_start3A_68 : memref<1000xi32, #tpu.memory_space<vmem>>) semaphore(%dma_start3A_73 : memref<!tpu.dma_semaphore, #tpu.memory_space<semaphore_mem>>) {add = true}
    %dma_start3A_74 = arith.constant 7 : i32
    %dma_start3A_75 = arith.constant 7 : i32
    %dma_start3A_76 = arith.constant 0 : i32
    %dma_start3A_77 = tpu.memref_slice %arg6[%dma_start3A_74, %dma_start3A_76] : memref<10x1000xi32, #tpu.memory_space<vmem>> -> memref<1x1000xi32, #tpu.memory_space<vmem>>
    %dma_start3A_78 = tpu.memref_squeeze %dma_start3A_77 : memref<1x1000xi32, #tpu.memory_space<vmem>> -> memref<1000xi32, #tpu.memory_space<vmem>>
    %dma_start3A_79 = arith.constant 0 : i32
    %dma_start3A_80 = arith.constant 0 : i32
    %dma_start3A_81 = tpu.memref_slice %arg8[%dma_start3A_79, %dma_start3A_80] : memref<10240x16xf32, #tpu.memory_space<vmem_shared>> -> memref<10240x16xf32, #tpu.memory_space<vmem_shared>>
    %dma_start3A_82 = tpu.memref_slice %arg9[%dma_start3A_75] : memref<8x!tpu.dma_semaphore, #tpu.memory_space<semaphore_mem>> -> memref<1x!tpu.dma_semaphore, #tpu.memory_space<semaphore_mem>>
    %dma_start3A_83 = tpu.memref_squeeze %dma_start3A_82 : memref<1x!tpu.dma_semaphore, #tpu.memory_space<semaphore_mem>> -> memref<!tpu.dma_semaphore, #tpu.memory_space<semaphore_mem>>
    tpu.enqueue_indirect_dma source(%arg7 : memref<1000x16xf32, #tpu.memory_space<vmem>>) target(%dma_start3A_81 : memref<10240x16xf32, #tpu.memory_space<vmem_shared>>) offsets(%dma_start3A_78 : memref<1000xi32, #tpu.memory_space<vmem>>) semaphore(%dma_start3A_83 : memref<!tpu.dma_semaphore, #tpu.memory_space<semaphore_mem>>) {add = true}
    %dma_start3A_84 = arith.constant 8 : i32
    %dma_start3A_85 = arith.constant 0 : i32
    %dma_start3A_86 = arith.constant 0 : i32
    %dma_start3A_87 = tpu.memref_slice %arg6[%dma_start3A_84, %dma_start3A_86] : memref<10x1000xi32, #tpu.memory_space<vmem>> -> memref<1x1000xi32, #tpu.memory_space<vmem>>
    %dma_start3A_88 = tpu.memref_squeeze %dma_start3A_87 : memref<1x1000xi32, #tpu.memory_space<vmem>> -> memref<1000xi32, #tpu.memory_space<vmem>>
    %dma_start3A_89 = arith.constant 0 : i32
    %dma_start3A_90 = arith.constant 0 : i32
    %dma_start3A_91 = tpu.memref_slice %arg8[%dma_start3A_89, %dma_start3A_90] : memref<10240x16xf32, #tpu.memory_space<vmem_shared>> -> memref<10240x16xf32, #tpu.memory_space<vmem_shared>>
    %dma_start3A_92 = tpu.memref_slice %arg9[%dma_start3A_85] : memref<8x!tpu.dma_semaphore, #tpu.memory_space<semaphore_mem>> -> memref<1x!tpu.dma_semaphore, #tpu.memory_space<semaphore_mem>>
    %dma_start3A_93 = tpu.memref_squeeze %dma_start3A_92 : memref<1x!tpu.dma_semaphore, #tpu.memory_space<semaphore_mem>> -> memref<!tpu.dma_semaphore, #tpu.memory_space<semaphore_mem>>
    tpu.enqueue_indirect_dma source(%arg7 : memref<1000x16xf32, #tpu.memory_space<vmem>>) target(%dma_start3A_91 : memref<10240x16xf32, #tpu.memory_space<vmem_shared>>) offsets(%dma_start3A_88 : memref<1000xi32, #tpu.memory_space<vmem>>) semaphore(%dma_start3A_93 : memref<!tpu.dma_semaphore, #tpu.memory_space<semaphore_mem>>) {add = true}
    %dma_start3A_94 = arith.constant 9 : i32
    %dma_start3A_95 = arith.constant 1 : i32
    %dma_start3A_96 = arith.constant 0 : i32
    %dma_start3A_97 = tpu.memref_slice %arg6[%dma_start3A_94, %dma_start3A_96] : memref<10x1000xi32, #tpu.memory_space<vmem>> -> memref<1x1000xi32, #tpu.memory_space<vmem>>
    %dma_start3A_98 = tpu.memref_squeeze %dma_start3A_97 : memref<1x1000xi32, #tpu.memory_space<vmem>> -> memref<1000xi32, #tpu.memory_space<vmem>>
    %dma_start3A_99 = arith.constant 0 : i32
    %dma_start3A_100 = arith.constant 0 : i32
    %dma_start3A_101 = tpu.memref_slice %arg8[%dma_start3A_99, %dma_start3A_100] : memref<10240x16xf32, #tpu.memory_space<vmem_shared>> -> memref<10240x16xf32, #tpu.memory_space<vmem_shared>>
    %dma_start3A_102 = tpu.memref_slice %arg9[%dma_start3A_95] : memref<8x!tpu.dma_semaphore, #tpu.memory_space<semaphore_mem>> -> memref<1x!tpu.dma_semaphore, #tpu.memory_space<semaphore_mem>>
    %dma_start3A_103 = tpu.memref_squeeze %dma_start3A_102 : memref<1x!tpu.dma_semaphore, #tpu.memory_space<semaphore_mem>> -> memref<!tpu.dma_semaphore, #tpu.memory_space<semaphore_mem>>
    tpu.enqueue_indirect_dma source(%arg7 : memref<1000x16xf32, #tpu.memory_space<vmem>>) target(%dma_start3A_101 : memref<10240x16xf32, #tpu.memory_space<vmem_shared>>) offsets(%dma_start3A_98 : memref<1000xi32, #tpu.memory_space<vmem>>) semaphore(%dma_start3A_103 : memref<!tpu.dma_semaphore, #tpu.memory_space<semaphore_mem>>) {add = true}
    %dma_wait3A = arith.constant 0 : i32
    %dma_wait3A_104 = arith.constant 0 : i32
    %dma_wait3A_105 = arith.constant 0 : i32
    %dma_wait3A_106 = tpu.memref_slice %arg6[%dma_wait3A, %dma_wait3A_105] : memref<10x1000xi32, #tpu.memory_space<vmem>> -> memref<1x1000xi32, #tpu.memory_space<vmem>>
    %dma_wait3A_107 = tpu.memref_squeeze %dma_wait3A_106 : memref<1x1000xi32, #tpu.memory_space<vmem>> -> memref<1000xi32, #tpu.memory_space<vmem>>
    %dma_wait3A_108 = arith.constant 0 : i32
    %dma_wait3A_109 = arith.constant 0 : i32
    %dma_wait3A_110 = tpu.memref_slice %arg8[%dma_wait3A_108, %dma_wait3A_109] : memref<10240x16xf32, #tpu.memory_space<vmem_shared>> -> memref<10240x16xf32, #tpu.memory_space<vmem_shared>>
    %dma_wait3A_111 = tpu.memref_slice %arg9[%dma_wait3A_104] : memref<8x!tpu.dma_semaphore, #tpu.memory_space<semaphore_mem>> -> memref<1x!tpu.dma_semaphore, #tpu.memory_space<semaphore_mem>>
    %dma_wait3A_112 = tpu.memref_squeeze %dma_wait3A_111 : memref<1x!tpu.dma_semaphore, #tpu.memory_space<semaphore_mem>> -> memref<!tpu.dma_semaphore, #tpu.memory_space<semaphore_mem>>
    tpu.wait_indirect_dma semaphore(%dma_wait3A_112 : memref<!tpu.dma_semaphore, #tpu.memory_space<semaphore_mem>>) src(%arg7 : memref<1000x16xf32, #tpu.memory_space<vmem>>) dst(%dma_wait3A_110 : memref<10240x16xf32, #tpu.memory_space<vmem_shared>>)
    %dma_wait3A_113 = arith.constant 1 : i32
    %dma_wait3A_114 = arith.constant 1 : i32
    %dma_wait3A_115 = arith.constant 0 : i32
    %dma_wait3A_116 = tpu.memref_slice %arg6[%dma_wait3A_113, %dma_wait3A_115] : memref<10x1000xi32, #tpu.memory_space<vmem>> -> memref<1x1000xi32, #tpu.memory_space<vmem>>
    %dma_wait3A_117 = tpu.memref_squeeze %dma_wait3A_116 : memref<1x1000xi32, #tpu.memory_space<vmem>> -> memref<1000xi32, #tpu.memory_space<vmem>>
    %dma_wait3A_118 = arith.constant 0 : i32
    %dma_wait3A_119 = arith.constant 0 : i32
    %dma_wait3A_120 = tpu.memref_slice %arg8[%dma_wait3A_118, %dma_wait3A_119] : memref<10240x16xf32, #tpu.memory_space<vmem_shared>> -> memref<10240x16xf32, #tpu.memory_space<vmem_shared>>
    %dma_wait3A_121 = tpu.memref_slice %arg9[%dma_wait3A_114] : memref<8x!tpu.dma_semaphore, #tpu.memory_space<semaphore_mem>> -> memref<1x!tpu.dma_semaphore, #tpu.memory_space<semaphore_mem>>
    %dma_wait3A_122 = tpu.memref_squeeze %dma_wait3A_121 : memref<1x!tpu.dma_semaphore, #tpu.memory_space<semaphore_mem>> -> memref<!tpu.dma_semaphore, #tpu.memory_space<semaphore_mem>>
    tpu.wait_indirect_dma semaphore(%dma_wait3A_122 : memref<!tpu.dma_semaphore, #tpu.memory_space<semaphore_mem>>) src(%arg7 : memref<1000x16xf32, #tpu.memory_space<vmem>>) dst(%dma_wait3A_120 : memref<10240x16xf32, #tpu.memory_space<vmem_shared>>)
    %dma_wait3A_123 = arith.constant 2 : i32
    %dma_wait3A_124 = arith.constant 2 : i32
    %dma_wait3A_125 = arith.constant 0 : i32
    %dma_wait3A_126 = tpu.memref_slice %arg6[%dma_wait3A_123, %dma_wait3A_125] : memref<10x1000xi32, #tpu.memory_space<vmem>> -> memref<1x1000xi32, #tpu.memory_space<vmem>>
    %dma_wait3A_127 = tpu.memref_squeeze %dma_wait3A_126 : memref<1x1000xi32, #tpu.memory_space<vmem>> -> memref<1000xi32, #tpu.memory_space<vmem>>
    %dma_wait3A_128 = arith.constant 0 : i32
    %dma_wait3A_129 = arith.constant 0 : i32
    %dma_wait3A_130 = tpu.memref_slice %arg8[%dma_wait3A_128, %dma_wait3A_129] : memref<10240x16xf32, #tpu.memory_space<vmem_shared>> -> memref<10240x16xf32, #tpu.memory_space<vmem_shared>>
    %dma_wait3A_131 = tpu.memref_slice %arg9[%dma_wait3A_124] : memref<8x!tpu.dma_semaphore, #tpu.memory_space<semaphore_mem>> -> memref<1x!tpu.dma_semaphore, #tpu.memory_space<semaphore_mem>>
    %dma_wait3A_132 = tpu.memref_squeeze %dma_wait3A_131 : memref<1x!tpu.dma_semaphore, #tpu.memory_space<semaphore_mem>> -> memref<!tpu.dma_semaphore, #tpu.memory_space<semaphore_mem>>
    tpu.wait_indirect_dma semaphore(%dma_wait3A_132 : memref<!tpu.dma_semaphore, #tpu.memory_space<semaphore_mem>>) src(%arg7 : memref<1000x16xf32, #tpu.memory_space<vmem>>) dst(%dma_wait3A_130 : memref<10240x16xf32, #tpu.memory_space<vmem_shared>>)
    %dma_wait3A_133 = arith.constant 3 : i32
    %dma_wait3A_134 = arith.constant 3 : i32
    %dma_wait3A_135 = arith.constant 0 : i32
    %dma_wait3A_136 = tpu.memref_slice %arg6[%dma_wait3A_133, %dma_wait3A_135] : memref<10x1000xi32, #tpu.memory_space<vmem>> -> memref<1x1000xi32, #tpu.memory_space<vmem>>
    %dma_wait3A_137 = tpu.memref_squeeze %dma_wait3A_136 : memref<1x1000xi32, #tpu.memory_space<vmem>> -> memref<1000xi32, #tpu.memory_space<vmem>>
    %dma_wait3A_138 = arith.constant 0 : i32
    %dma_wait3A_139 = arith.constant 0 : i32
    %dma_wait3A_140 = tpu.memref_slice %arg8[%dma_wait3A_138, %dma_wait3A_139] : memref<10240x16xf32, #tpu.memory_space<vmem_shared>> -> memref<10240x16xf32, #tpu.memory_space<vmem_shared>>
    %dma_wait3A_141 = tpu.memref_slice %arg9[%dma_wait3A_134] : memref<8x!tpu.dma_semaphore, #tpu.memory_space<semaphore_mem>> -> memref<1x!tpu.dma_semaphore, #tpu.memory_space<semaphore_mem>>
    %dma_wait3A_142 = tpu.memref_squeeze %dma_wait3A_141 : memref<1x!tpu.dma_semaphore, #tpu.memory_space<semaphore_mem>> -> memref<!tpu.dma_semaphore, #tpu.memory_space<semaphore_mem>>
    tpu.wait_indirect_dma semaphore(%dma_wait3A_142 : memref<!tpu.dma_semaphore, #tpu.memory_space<semaphore_mem>>) src(%arg7 : memref<1000x16xf32, #tpu.memory_space<vmem>>) dst(%dma_wait3A_140 : memref<10240x16xf32, #tpu.memory_space<vmem_shared>>)
    %dma_wait3A_143 = arith.constant 4 : i32
    %dma_wait3A_144 = arith.constant 4 : i32
    %dma_wait3A_145 = arith.constant 0 : i32
    %dma_wait3A_146 = tpu.memref_slice %arg6[%dma_wait3A_143, %dma_wait3A_145] : memref<10x1000xi32, #tpu.memory_space<vmem>> -> memref<1x1000xi32, #tpu.memory_space<vmem>>
    %dma_wait3A_147 = tpu.memref_squeeze %dma_wait3A_146 : memref<1x1000xi32, #tpu.memory_space<vmem>> -> memref<1000xi32, #tpu.memory_space<vmem>>
    %dma_wait3A_148 = arith.constant 0 : i32
    %dma_wait3A_149 = arith.constant 0 : i32
    %dma_wait3A_150 = tpu.memref_slice %arg8[%dma_wait3A_148, %dma_wait3A_149] : memref<10240x16xf32, #tpu.memory_space<vmem_shared>> -> memref<10240x16xf32, #tpu.memory_space<vmem_shared>>
    %dma_wait3A_151 = tpu.memref_slice %arg9[%dma_wait3A_144] : memref<8x!tpu.dma_semaphore, #tpu.memory_space<semaphore_mem>> -> memref<1x!tpu.dma_semaphore, #tpu.memory_space<semaphore_mem>>
    %dma_wait3A_152 = tpu.memref_squeeze %dma_wait3A_151 : memref<1x!tpu.dma_semaphore, #tpu.memory_space<semaphore_mem>> -> memref<!tpu.dma_semaphore, #tpu.memory_space<semaphore_mem>>
    tpu.wait_indirect_dma semaphore(%dma_wait3A_152 : memref<!tpu.dma_semaphore, #tpu.memory_space<semaphore_mem>>) src(%arg7 : memref<1000x16xf32, #tpu.memory_space<vmem>>) dst(%dma_wait3A_150 : memref<10240x16xf32, #tpu.memory_space<vmem_shared>>)
    %dma_wait3A_153 = arith.constant 5 : i32
    %dma_wait3A_154 = arith.constant 5 : i32
    %dma_wait3A_155 = arith.constant 0 : i32
    %dma_wait3A_156 = tpu.memref_slice %arg6[%dma_wait3A_153, %dma_wait3A_155] : memref<10x1000xi32, #tpu.memory_space<vmem>> -> memref<1x1000xi32, #tpu.memory_space<vmem>>
    %dma_wait3A_157 = tpu.memref_squeeze %dma_wait3A_156 : memref<1x1000xi32, #tpu.memory_space<vmem>> -> memref<1000xi32, #tpu.memory_space<vmem>>
    %dma_wait3A_158 = arith.constant 0 : i32
    %dma_wait3A_159 = arith.constant 0 : i32
    %dma_wait3A_160 = tpu.memref_slice %arg8[%dma_wait3A_158, %dma_wait3A_159] : memref<10240x16xf32, #tpu.memory_space<vmem_shared>> -> memref<10240x16xf32, #tpu.memory_space<vmem_shared>>
    %dma_wait3A_161 = tpu.memref_slice %arg9[%dma_wait3A_154] : memref<8x!tpu.dma_semaphore, #tpu.memory_space<semaphore_mem>> -> memref<1x!tpu.dma_semaphore, #tpu.memory_space<semaphore_mem>>
    %dma_wait3A_162 = tpu.memref_squeeze %dma_wait3A_161 : memref<1x!tpu.dma_semaphore, #tpu.memory_space<semaphore_mem>> -> memref<!tpu.dma_semaphore, #tpu.memory_space<semaphore_mem>>
    tpu.wait_indirect_dma semaphore(%dma_wait3A_162 : memref<!tpu.dma_semaphore, #tpu.memory_space<semaphore_mem>>) src(%arg7 : memref<1000x16xf32, #tpu.memory_space<vmem>>) dst(%dma_wait3A_160 : memref<10240x16xf32, #tpu.memory_space<vmem_shared>>)
    %dma_wait3A_163 = arith.constant 6 : i32
    %dma_wait3A_164 = arith.constant 6 : i32
    %dma_wait3A_165 = arith.constant 0 : i32
    %dma_wait3A_166 = tpu.memref_slice %arg6[%dma_wait3A_163, %dma_wait3A_165] : memref<10x1000xi32, #tpu.memory_space<vmem>> -> memref<1x1000xi32, #tpu.memory_space<vmem>>
    %dma_wait3A_167 = tpu.memref_squeeze %dma_wait3A_166 : memref<1x1000xi32, #tpu.memory_space<vmem>> -> memref<1000xi32, #tpu.memory_space<vmem>>
    %dma_wait3A_168 = arith.constant 0 : i32
    %dma_wait3A_169 = arith.constant 0 : i32
    %dma_wait3A_170 = tpu.memref_slice %arg8[%dma_wait3A_168, %dma_wait3A_169] : memref<10240x16xf32, #tpu.memory_space<vmem_shared>> -> memref<10240x16xf32, #tpu.memory_space<vmem_shared>>
    %dma_wait3A_171 = tpu.memref_slice %arg9[%dma_wait3A_164] : memref<8x!tpu.dma_semaphore, #tpu.memory_space<semaphore_mem>> -> memref<1x!tpu.dma_semaphore, #tpu.memory_space<semaphore_mem>>
    %dma_wait3A_172 = tpu.memref_squeeze %dma_wait3A_171 : memref<1x!tpu.dma_semaphore, #tpu.memory_space<semaphore_mem>> -> memref<!tpu.dma_semaphore, #tpu.memory_space<semaphore_mem>>
    tpu.wait_indirect_dma semaphore(%dma_wait3A_172 : memref<!tpu.dma_semaphore, #tpu.memory_space<semaphore_mem>>) src(%arg7 : memref<1000x16xf32, #tpu.memory_space<vmem>>) dst(%dma_wait3A_170 : memref<10240x16xf32, #tpu.memory_space<vmem_shared>>)
    %dma_wait3A_173 = arith.constant 7 : i32
    %dma_wait3A_174 = arith.constant 7 : i32
    %dma_wait3A_175 = arith.constant 0 : i32
    %dma_wait3A_176 = tpu.memref_slice %arg6[%dma_wait3A_173, %dma_wait3A_175] : memref<10x1000xi32, #tpu.memory_space<vmem>> -> memref<1x1000xi32, #tpu.memory_space<vmem>>
    %dma_wait3A_177 = tpu.memref_squeeze %dma_wait3A_176 : memref<1x1000xi32, #tpu.memory_space<vmem>> -> memref<1000xi32, #tpu.memory_space<vmem>>
    %dma_wait3A_178 = arith.constant 0 : i32
    %dma_wait3A_179 = arith.constant 0 : i32
    %dma_wait3A_180 = tpu.memref_slice %arg8[%dma_wait3A_178, %dma_wait3A_179] : memref<10240x16xf32, #tpu.memory_space<vmem_shared>> -> memref<10240x16xf32, #tpu.memory_space<vmem_shared>>
    %dma_wait3A_181 = tpu.memref_slice %arg9[%dma_wait3A_174] : memref<8x!tpu.dma_semaphore, #tpu.memory_space<semaphore_mem>> -> memref<1x!tpu.dma_semaphore, #tpu.memory_space<semaphore_mem>>
    %dma_wait3A_182 = tpu.memref_squeeze %dma_wait3A_181 : memref<1x!tpu.dma_semaphore, #tpu.memory_space<semaphore_mem>> -> memref<!tpu.dma_semaphore, #tpu.memory_space<semaphore_mem>>
    tpu.wait_indirect_dma semaphore(%dma_wait3A_182 : memref<!tpu.dma_semaphore, #tpu.memory_space<semaphore_mem>>) src(%arg7 : memref<1000x16xf32, #tpu.memory_space<vmem>>) dst(%dma_wait3A_180 : memref<10240x16xf32, #tpu.memory_space<vmem_shared>>)
    %dma_wait3A_183 = arith.constant 8 : i32
    %dma_wait3A_184 = arith.constant 0 : i32
    %dma_wait3A_185 = arith.constant 0 : i32
    %dma_wait3A_186 = tpu.memref_slice %arg6[%dma_wait3A_183, %dma_wait3A_185] : memref<10x1000xi32, #tpu.memory_space<vmem>> -> memref<1x1000xi32, #tpu.memory_space<vmem>>
    %dma_wait3A_187 = tpu.memref_squeeze %dma_wait3A_186 : memref<1x1000xi32, #tpu.memory_space<vmem>> -> memref<1000xi32, #tpu.memory_space<vmem>>
    %dma_wait3A_188 = arith.constant 0 : i32
    %dma_wait3A_189 = arith.constant 0 : i32
    %dma_wait3A_190 = tpu.memref_slice %arg8[%dma_wait3A_188, %dma_wait3A_189] : memref<10240x16xf32, #tpu.memory_space<vmem_shared>> -> memref<10240x16xf32, #tpu.memory_space<vmem_shared>>
    %dma_wait3A_191 = tpu.memref_slice %arg9[%dma_wait3A_184] : memref<8x!tpu.dma_semaphore, #tpu.memory_space<semaphore_mem>> -> memref<1x!tpu.dma_semaphore, #tpu.memory_space<semaphore_mem>>
    %dma_wait3A_192 = tpu.memref_squeeze %dma_wait3A_191 : memref<1x!tpu.dma_semaphore, #tpu.memory_space<semaphore_mem>> -> memref<!tpu.dma_semaphore, #tpu.memory_space<semaphore_mem>>
    tpu.wait_indirect_dma semaphore(%dma_wait3A_192 : memref<!tpu.dma_semaphore, #tpu.memory_space<semaphore_mem>>) src(%arg7 : memref<1000x16xf32, #tpu.memory_space<vmem>>) dst(%dma_wait3A_190 : memref<10240x16xf32, #tpu.memory_space<vmem_shared>>)
    %dma_wait3A_193 = arith.constant 9 : i32
    %dma_wait3A_194 = arith.constant 1 : i32
    %dma_wait3A_195 = arith.constant 0 : i32
    %dma_wait3A_196 = tpu.memref_slice %arg6[%dma_wait3A_193, %dma_wait3A_195] : memref<10x1000xi32, #tpu.memory_space<vmem>> -> memref<1x1000xi32, #tpu.memory_space<vmem>>
    %dma_wait3A_197 = tpu.memref_squeeze %dma_wait3A_196 : memref<1x1000xi32, #tpu.memory_space<vmem>> -> memref<1000xi32, #tpu.memory_space<vmem>>
    %dma_wait3A_198 = arith.constant 0 : i32
    %dma_wait3A_199 = arith.constant 0 : i32
    %dma_wait3A_200 = tpu.memref_slice %arg8[%dma_wait3A_198, %dma_wait3A_199] : memref<10240x16xf32, #tpu.memory_space<vmem_shared>> -> memref<10240x16xf32, #tpu.memory_space<vmem_shared>>
    %dma_wait3A_201 = tpu.memref_slice %arg9[%dma_wait3A_194] : memref<8x!tpu.dma_semaphore, #tpu.memory_space<semaphore_mem>> -> memref<1x!tpu.dma_semaphore, #tpu.memory_space<semaphore_mem>>
    %dma_wait3A_202 = tpu.memref_squeeze %dma_wait3A_201 : memref<1x!tpu.dma_semaphore, #tpu.memory_space<semaphore_mem>> -> memref<!tpu.dma_semaphore, #tpu.memory_space<semaphore_mem>>
    tpu.wait_indirect_dma semaphore(%dma_wait3A_202 : memref<!tpu.dma_semaphore, #tpu.memory_space<semaphore_mem>>) src(%arg7 : memref<1000x16xf32, #tpu.memory_space<vmem>>) dst(%dma_wait3A_200 : memref<10240x16xf32, #tpu.memory_space<vmem_shared>>)
    %barrier3A_203 = arith.constant 0 : index
    tpu.barrier barrier_id(%barrier3A_203)
    %mul3A_204 = arith.constant 640 : i32
    %mul3A_205 = arith.muli %arg1, %mul3A_204 : i32
    %mul3A_206 = arith.constant 640 : i32
    %mul3A_207 = arith.muli %arg1, %mul3A_206 : i32
    "tpu.region"() ({
      %run_scoped3A_208 = tpu.sem_alloc : memref<!tpu.dma_semaphore, #tpu.memory_space<semaphore_mem>>
      %dma_start3A_209 = arith.constant 0 : i32
      %dma_start3A_210 = tpu.memref_slice %arg5[%arg0, %mul3A_207, %dma_start3A_209] : memref<2x10240x16xf32, #tpu.memory_space<hbm>> -> memref<1x640x16xf32, #tpu.memory_space<hbm>>
      %dma_start3A_211 = tpu.memref_squeeze %dma_start3A_210 : memref<1x640x16xf32, #tpu.memory_space<hbm>> -> memref<640x16xf32, #tpu.memory_space<hbm>>
      %dma_start3A_212 = arith.constant 0 : i32
      %dma_start3A_213 = tpu.memref_slice %arg8[%mul3A_205, %dma_start3A_212] : memref<10240x16xf32, #tpu.memory_space<vmem_shared>> -> memref<640x16xf32, #tpu.memory_space<vmem_shared>>
      tpu.enqueue_dma source(%dma_start3A_213 : memref<640x16xf32, #tpu.memory_space<vmem_shared>>) target(%dma_start3A_211 : memref<640x16xf32, #tpu.memory_space<hbm>>) target_semaphore(%run_scoped3A_208 : memref<!tpu.dma_semaphore, #tpu.memory_space<semaphore_mem>>)
      %dma_wait3A_214 = arith.constant 0 : i32
      %dma_wait3A_215 = tpu.memref_slice %arg5[%arg0, %mul3A_207, %dma_wait3A_214] : memref<2x10240x16xf32, #tpu.memory_space<hbm>> -> memref<1x640x16xf32, #tpu.memory_space<hbm>>
      %dma_wait3A_216 = tpu.memref_squeeze %dma_wait3A_215 : memref<1x640x16xf32, #tpu.memory_space<hbm>> -> memref<640x16xf32, #tpu.memory_space<hbm>>
      %dma_wait3A_217 = arith.constant 0 : i32
      %dma_wait3A_218 = tpu.memref_slice %arg8[%mul3A_205, %dma_wait3A_217] : memref<10240x16xf32, #tpu.memory_space<vmem_shared>> -> memref<640x16xf32, #tpu.memory_space<vmem_shared>>
      tpu.wait_dma2 semaphore(%run_scoped3A_208 : memref<!tpu.dma_semaphore, #tpu.memory_space<semaphore_mem>>) src(%dma_wait3A_218 : memref<640x16xf32, #tpu.memory_space<vmem_shared>>) dst(%dma_wait3A_216 : memref<640x16xf32, #tpu.memory_space<hbm>>)
      tpu.yield
    }) : () -> ()
    return
  }
}

module attributes {stable_mosaic.version = 14 : i64} {
  func.func @_tca_body(%arg0: memref<1250x1024xf32, #tpu.memory_space<vmem>>, %arg1: memref<128x16xf32, #tpu.memory_space<vmem>>, %arg2: memref<1280x128xf32, #tpu.memory_space<vmem>>) attributes {dimension_semantics = [], scalar_prefetch = 0 : i64, scratch_operands = 0 : i64, tpu.core_type = #tpu.core_type<tc>} {
    %get3A = arith.constant 0 : index
    %get3A_0 = arith.constant 0 : index
    %get3A_1 = vector.load %arg1[%get3A, %get3A_0] : memref<128x16xf32, #tpu.memory_space<vmem>>, vector<128x16xf32>
    %tile3A = tpu.concatenate %get3A_1, %get3A_1, %get3A_1, %get3A_1, %get3A_1, %get3A_1, %get3A_1, %get3A_1 in 0 : vector<128x16xf32>, vector<128x16xf32>, vector<128x16xf32>, vector<128x16xf32>, vector<128x16xf32>, vector<128x16xf32>, vector<128x16xf32>, vector<128x16xf32> -> vector<1024x16xf32>
    %tile3A_2 = tpu.concatenate %tile3A, %tile3A, %tile3A, %tile3A, %tile3A, %tile3A, %tile3A, %tile3A in 1 : vector<1024x16xf32>, vector<1024x16xf32>, vector<1024x16xf32>, vector<1024x16xf32>, vector<1024x16xf32>, vector<1024x16xf32>, vector<1024x16xf32>, vector<1024x16xf32> -> vector<1024x128xf32>
    %iota3A = tpu.iota {dimensions = array<i32: 0>} : vector<1024x128xi32>
    %jit3A = arith.constant 128 : i32
    %div3A = vector.broadcast %jit3A : i32 to vector<1024x128xi32>
    %div3A_3 = arith.divsi %iota3A, %div3A : vector<1024x128xi32>
    %sign3A = arith.constant 0 : i32
    %sign3A_4 = vector.broadcast %sign3A : i32 to vector<1024x128xi32>
    %sign3A_5 = arith.cmpi sgt, %iota3A, %sign3A_4 : vector<1024x128xi32>
    %sign3A_6 = arith.extui %sign3A_5 : vector<1024x128xi1> to vector<1024x128xi32>
    %sign3A_7 = arith.constant 0 : i32
    %sign3A_8 = vector.broadcast %sign3A_7 : i32 to vector<1024x128xi32>
    %sign3A_9 = arith.cmpi slt, %iota3A, %sign3A_8 : vector<1024x128xi32>
    %sign3A_10 = arith.extui %sign3A_9 : vector<1024x128xi1> to vector<1024x128xi32>
    %sign3A_11 = arith.subi %sign3A_6, %sign3A_10 : vector<1024x128xi32>
    %sign3A_12 = arith.constant 0 : i32
    %sign3A_13 = arith.cmpi sgt, %jit3A, %sign3A_12 : i32
    %sign3A_14 = arith.extui %sign3A_13 : i1 to i32
    %sign3A_15 = arith.constant 0 : i32
    %sign3A_16 = arith.cmpi slt, %jit3A, %sign3A_15 : i32
    %sign3A_17 = arith.extui %sign3A_16 : i1 to i32
    %sign3A_18 = arith.subi %sign3A_14, %sign3A_17 : i32
    %ne3A = vector.broadcast %sign3A_18 : i32 to vector<1024x128xi32>
    %ne3A_19 = arith.cmpi ne, %sign3A_11, %ne3A : vector<1024x128xi32>
    %rem3A = vector.broadcast %jit3A : i32 to vector<1024x128xi32>
    %rem3A_20 = arith.remsi %iota3A, %rem3A : vector<1024x128xi32>
    %ne3A_21 = arith.constant 0 : i32
    %ne3A_22 = vector.broadcast %ne3A_21 : i32 to vector<1024x128xi32>
    %ne3A_23 = arith.cmpi ne, %rem3A_20, %ne3A_22 : vector<1024x128xi32>
    %and3A = arith.andi %ne3A_19, %ne3A_23 : vector<1024x128xi1>
    %sub3A = arith.constant 1 : i32
    %sub3A_24 = vector.broadcast %sub3A : i32 to vector<1024x128xi32>
    %sub3A_25 = arith.subi %div3A_3, %sub3A_24 : vector<1024x128xi32>
    %select_n3A = arith.select %and3A, %sub3A_25, %div3A_3 : vector<1024x128xi1>, vector<1024x128xi32>
    %iota3A_26 = tpu.iota {dimensions = array<i32: 1>} : vector<1024x128xi32>
    %jit3A_27 = arith.constant 16 : i32
    %div3A_28 = vector.broadcast %jit3A_27 : i32 to vector<1024x128xi32>
    %div3A_29 = arith.divsi %iota3A_26, %div3A_28 : vector<1024x128xi32>
    %sign3A_30 = arith.constant 0 : i32
    %sign3A_31 = vector.broadcast %sign3A_30 : i32 to vector<1024x128xi32>
    %sign3A_32 = arith.cmpi sgt, %iota3A_26, %sign3A_31 : vector<1024x128xi32>
    %sign3A_33 = arith.extui %sign3A_32 : vector<1024x128xi1> to vector<1024x128xi32>
    %sign3A_34 = arith.constant 0 : i32
    %sign3A_35 = vector.broadcast %sign3A_34 : i32 to vector<1024x128xi32>
    %sign3A_36 = arith.cmpi slt, %iota3A_26, %sign3A_35 : vector<1024x128xi32>
    %sign3A_37 = arith.extui %sign3A_36 : vector<1024x128xi1> to vector<1024x128xi32>
    %sign3A_38 = arith.subi %sign3A_33, %sign3A_37 : vector<1024x128xi32>
    %sign3A_39 = arith.constant 0 : i32
    %sign3A_40 = arith.cmpi sgt, %jit3A_27, %sign3A_39 : i32
    %sign3A_41 = arith.extui %sign3A_40 : i1 to i32
    %sign3A_42 = arith.constant 0 : i32
    %sign3A_43 = arith.cmpi slt, %jit3A_27, %sign3A_42 : i32
    %sign3A_44 = arith.extui %sign3A_43 : i1 to i32
    %sign3A_45 = arith.subi %sign3A_41, %sign3A_44 : i32
    %ne3A_46 = vector.broadcast %sign3A_45 : i32 to vector<1024x128xi32>
    %ne3A_47 = arith.cmpi ne, %sign3A_38, %ne3A_46 : vector<1024x128xi32>
    %rem3A_48 = vector.broadcast %jit3A_27 : i32 to vector<1024x128xi32>
    %rem3A_49 = arith.remsi %iota3A_26, %rem3A_48 : vector<1024x128xi32>
    %ne3A_50 = arith.constant 0 : i32
    %ne3A_51 = vector.broadcast %ne3A_50 : i32 to vector<1024x128xi32>
    %ne3A_52 = arith.cmpi ne, %rem3A_49, %ne3A_51 : vector<1024x128xi32>
    %and3A_53 = arith.andi %ne3A_47, %ne3A_52 : vector<1024x128xi1>
    %sub3A_54 = arith.constant 1 : i32
    %sub3A_55 = vector.broadcast %sub3A_54 : i32 to vector<1024x128xi32>
    %sub3A_56 = arith.subi %div3A_29, %sub3A_55 : vector<1024x128xi32>
    %select_n3A_57 = arith.select %and3A_53, %sub3A_56, %div3A_29 : vector<1024x128xi1>, vector<1024x128xi32>
    %eq3A = arith.cmpi eq, %select_n3A, %select_n3A_57 : vector<1024x128xi32>
    %jit3A_58 = arith.constant 0.000000e+00 : f32
    %broadcast_in_dim3A = vector.broadcast %jit3A_58 : f32 to vector<1024x128xf32>
    %select_n3A_59 = arith.select %eq3A, %tile3A_2, %broadcast_in_dim3A : vector<1024x128xi1>, vector<1024x128xf32>
    %get3A_60 = arith.constant 0 : index
    %get3A_61 = arith.constant 0 : index
    %get3A_62 = vector.load %arg0[%get3A_60, %get3A_61] : memref<1250x1024xf32, #tpu.memory_space<vmem>>, vector<1250x1024xf32>
    %dot_general3A = arith.constant dense<0.000000e+00> : vector<1250x128xf32>
    %dot_general3A_63 = tpu.matmul %get3A_62, %select_n3A_59, %dot_general3A {dimension_numbers = #tpu.dot_dimension_numbers<[1], [0], [0], [1], [0, 0, 1, 1], [], []>, transpose_lhs_hint = false} : vector<1250x1024xf32>, vector<1024x128xf32>, vector<1250x128xf32> -> vector<1250x128xf32>
    %broadcast_in_dim3A_64 = arith.constant 0.000000e+00 : f32
    %broadcast_in_dim3A_65 = vector.broadcast %broadcast_in_dim3A_64 : f32 to vector<30x128xf32>
    %concatenate3A = tpu.concatenate %dot_general3A_63, %broadcast_in_dim3A_65 in 0 : vector<1250x128xf32>, vector<30x128xf32> -> vector<1280x128xf32>
    %swap3A = arith.constant 0 : index
    %swap3A_66 = arith.constant 0 : index
    %swap3A_67 = vector.load %arg2[%swap3A, %swap3A_66] : memref<1280x128xf32, #tpu.memory_space<vmem>>, vector<1280x128xf32>
    tpu.vector_store %arg2[%swap3A, %swap3A_66], %concatenate3A {strides = array<i32>} : memref<1280x128xf32, #tpu.memory_space<vmem>>, vector<1280x128xf32>,
    return
  }
}

module attributes {stable_mosaic.version = 14 : i64} {
  func.func @_tcb_body(%arg0: memref<2x1280x128xf32, #tpu.memory_space<vmem>>, %arg1: memref<1280x128xf32, #tpu.memory_space<vmem>>, %arg2: memref<1280x128xf32, #tpu.memory_space<vmem>>, %arg3: memref<1280x128xf32, #tpu.memory_space<vmem>>) attributes {dimension_semantics = [], scalar_prefetch = 0 : i64, scratch_operands = 0 : i64, tpu.core_type = #tpu.core_type<tc>} {
    %get3A = arith.constant 0 : index
    %get3A_0 = arith.constant 0 : index
    %get3A_1 = arith.constant 0 : index
    %get3A_2 = vector.load %arg0[%get3A, %get3A_0, %get3A_1] : memref<2x1280x128xf32, #tpu.memory_space<vmem>>, vector<1x1280x128xf32>
    %get3A_3 = vector.shape_cast %get3A_2 : vector<1x1280x128xf32> to vector<1280x128xf32>
    %get3A_4 = arith.constant 1 : index
    %get3A_5 = arith.constant 0 : index
    %get3A_6 = arith.constant 0 : index
    %get3A_7 = vector.load %arg0[%get3A_4, %get3A_5, %get3A_6] : memref<2x1280x128xf32, #tpu.memory_space<vmem>>, vector<1x1280x128xf32>
    %get3A_8 = vector.shape_cast %get3A_7 : vector<1x1280x128xf32> to vector<1280x128xf32>
    %add3A = arith.addf %get3A_3, %get3A_8 : vector<1280x128xf32>
    %add3A_9 = arith.constant 1.000000e+00 : f32
    %add3A_10 = vector.broadcast %add3A_9 : f32 to vector<1280x128xf32>
    %add3A_11 = arith.addf %add3A, %add3A_10 : vector<1280x128xf32>
    %rsqrt3A = math.rsqrt %add3A_11 : vector<1280x128xf32>
    %swap3A = arith.constant 0 : index
    %swap3A_12 = arith.constant 0 : index
    %swap3A_13 = vector.load %arg2[%swap3A, %swap3A_12] : memref<1280x128xf32, #tpu.memory_space<vmem>>, vector<1280x128xf32>
    tpu.vector_store %arg2[%swap3A, %swap3A_12], %rsqrt3A {strides = array<i32>} : memref<1280x128xf32, #tpu.memory_space<vmem>>, vector<1280x128xf32>,
    %get3A_14 = arith.constant 0 : index
    %get3A_15 = arith.constant 0 : index
    %get3A_16 = vector.load %arg1[%get3A_14, %get3A_15] : memref<1280x128xf32, #tpu.memory_space<vmem>>, vector<1280x128xf32>
    %mul3A = arith.mulf %rsqrt3A, %get3A_16 : vector<1280x128xf32>
    %swap3A_17 = arith.constant 0 : index
    %swap3A_18 = arith.constant 0 : index
    %swap3A_19 = vector.load %arg3[%swap3A_17, %swap3A_18] : memref<1280x128xf32, #tpu.memory_space<vmem>>, vector<1280x128xf32>
    tpu.vector_store %arg3[%swap3A_17, %swap3A_18], %mul3A {strides = array<i32>} : memref<1280x128xf32, #tpu.memory_space<vmem>>, vector<1280x128xf32>,
    return
  }
}

module attributes {stable_mosaic.version = 14 : i64} {
  func.func @_tc2_body(%arg0: memref<2x1280x128xf32, #tpu.memory_space<vmem>>, %arg1: memref<1280x128xf32, #tpu.memory_space<vmem>>, %arg2: memref<1280x128xf32, #tpu.memory_space<vmem>>, %arg3: memref<16x16xf32, #tpu.memory_space<vmem>>, %arg4: memref<1x128xf32, #tpu.memory_space<vmem>>, %arg5: memref<1280x128xf32, #tpu.memory_space<vmem>>) attributes {dimension_semantics = [], scalar_prefetch = 0 : i64, scratch_operands = 0 : i64, tpu.core_type = #tpu.core_type<tc>} {
    %get3A = arith.constant 0 : index
    %get3A_0 = arith.constant 0 : index
    %get3A_1 = vector.load %arg2[%get3A, %get3A_0] : memref<1280x128xf32, #tpu.memory_space<vmem>>, vector<1280x128xf32>
    %get3A_2 = arith.constant 0 : index
    %get3A_3 = arith.constant 0 : index
    %get3A_4 = arith.constant 0 : index
    %get3A_5 = vector.load %arg0[%get3A_2, %get3A_3, %get3A_4] : memref<2x1280x128xf32, #tpu.memory_space<vmem>>, vector<1x1280x128xf32>
    %get3A_6 = vector.shape_cast %get3A_5 : vector<1x1280x128xf32> to vector<1280x128xf32>
    %get3A_7 = arith.constant 1 : index
    %get3A_8 = arith.constant 0 : index
    %get3A_9 = arith.constant 0 : index
    %get3A_10 = vector.load %arg0[%get3A_7, %get3A_8, %get3A_9] : memref<2x1280x128xf32, #tpu.memory_space<vmem>>, vector<1x1280x128xf32>
    %get3A_11 = vector.shape_cast %get3A_10 : vector<1x1280x128xf32> to vector<1280x128xf32>
    %add3A = arith.addf %get3A_6, %get3A_11 : vector<1280x128xf32>
    %get3A_12 = arith.constant 0 : index
    %get3A_13 = arith.constant 0 : index
    %get3A_14 = vector.load %arg1[%get3A_12, %get3A_13] : memref<1280x128xf32, #tpu.memory_space<vmem>>, vector<1280x128xf32>
    %add3A_15 = arith.addf %add3A, %get3A_14 : vector<1280x128xf32>
    %mul3A = arith.mulf %get3A_1, %add3A_15 : vector<1280x128xf32>
    %get3A_16 = arith.constant 0 : index
    %get3A_17 = arith.constant 0 : index
    %get3A_18 = vector.load %arg4[%get3A_16, %get3A_17] : memref<1x128xf32, #tpu.memory_space<vmem>>, vector<1x128xf32>
    %add3A_19 = vector.broadcast %get3A_18 : vector<1x128xf32> to vector<1280x128xf32>
    %add3A_20 = arith.addf %mul3A, %add3A_19 : vector<1280x128xf32>
    %max3A = arith.constant 0.000000e+00 : f32
    %max3A_21 = vector.broadcast %max3A : f32 to vector<1280x128xf32>
    %max3A_22 = arith.maximumf %add3A_20, %max3A_21 : vector<1280x128xf32>
    %get3A_23 = arith.constant 0 : index
    %get3A_24 = arith.constant 0 : index
    %get3A_25 = vector.load %arg3[%get3A_23, %get3A_24] : memref<16x16xf32, #tpu.memory_space<vmem>>, vector<16x16xf32>
    %tile3A = tpu.concatenate %get3A_25, %get3A_25, %get3A_25, %get3A_25, %get3A_25, %get3A_25, %get3A_25, %get3A_25 in 0 : vector<16x16xf32>, vector<16x16xf32>, vector<16x16xf32>, vector<16x16xf32>, vector<16x16xf32>, vector<16x16xf32>, vector<16x16xf32>, vector<16x16xf32> -> vector<128x16xf32>
    %tile3A_26 = tpu.concatenate %tile3A, %tile3A, %tile3A, %tile3A, %tile3A, %tile3A, %tile3A, %tile3A in 1 : vector<128x16xf32>, vector<128x16xf32>, vector<128x16xf32>, vector<128x16xf32>, vector<128x16xf32>, vector<128x16xf32>, vector<128x16xf32>, vector<128x16xf32> -> vector<128x128xf32>
    %iota3A = tpu.iota {dimensions = array<i32: 0>} : vector<128x128xi32>
    %jit3A = arith.constant 16 : i32
    %div3A = vector.broadcast %jit3A : i32 to vector<128x128xi32>
    %div3A_27 = arith.divsi %iota3A, %div3A : vector<128x128xi32>
    %sign3A = arith.constant 0 : i32
    %sign3A_28 = vector.broadcast %sign3A : i32 to vector<128x128xi32>
    %sign3A_29 = arith.cmpi sgt, %iota3A, %sign3A_28 : vector<128x128xi32>
    %sign3A_30 = arith.extui %sign3A_29 : vector<128x128xi1> to vector<128x128xi32>
    %sign3A_31 = arith.constant 0 : i32
    %sign3A_32 = vector.broadcast %sign3A_31 : i32 to vector<128x128xi32>
    %sign3A_33 = arith.cmpi slt, %iota3A, %sign3A_32 : vector<128x128xi32>
    %sign3A_34 = arith.extui %sign3A_33 : vector<128x128xi1> to vector<128x128xi32>
    %sign3A_35 = arith.subi %sign3A_30, %sign3A_34 : vector<128x128xi32>
    %sign3A_36 = arith.constant 0 : i32
    %sign3A_37 = arith.cmpi sgt, %jit3A, %sign3A_36 : i32
    %sign3A_38 = arith.extui %sign3A_37 : i1 to i32
    %sign3A_39 = arith.constant 0 : i32
    %sign3A_40 = arith.cmpi slt, %jit3A, %sign3A_39 : i32
    %sign3A_41 = arith.extui %sign3A_40 : i1 to i32
    %sign3A_42 = arith.subi %sign3A_38, %sign3A_41 : i32
    %ne3A = vector.broadcast %sign3A_42 : i32 to vector<128x128xi32>
    %ne3A_43 = arith.cmpi ne, %sign3A_35, %ne3A : vector<128x128xi32>
    %rem3A = vector.broadcast %jit3A : i32 to vector<128x128xi32>
    %rem3A_44 = arith.remsi %iota3A, %rem3A : vector<128x128xi32>
    %ne3A_45 = arith.constant 0 : i32
    %ne3A_46 = vector.broadcast %ne3A_45 : i32 to vector<128x128xi32>
    %ne3A_47 = arith.cmpi ne, %rem3A_44, %ne3A_46 : vector<128x128xi32>
    %and3A = arith.andi %ne3A_43, %ne3A_47 : vector<128x128xi1>
    %sub3A = arith.constant 1 : i32
    %sub3A_48 = vector.broadcast %sub3A : i32 to vector<128x128xi32>
    %sub3A_49 = arith.subi %div3A_27, %sub3A_48 : vector<128x128xi32>
    %select_n3A = arith.select %and3A, %sub3A_49, %div3A_27 : vector<128x128xi1>, vector<128x128xi32>
    %iota3A_50 = tpu.iota {dimensions = array<i32: 1>} : vector<128x128xi32>
    %jit3A_51 = arith.constant 16 : i32
    %div3A_52 = vector.broadcast %jit3A_51 : i32 to vector<128x128xi32>
    %div3A_53 = arith.divsi %iota3A_50, %div3A_52 : vector<128x128xi32>
    %sign3A_54 = arith.constant 0 : i32
    %sign3A_55 = vector.broadcast %sign3A_54 : i32 to vector<128x128xi32>
    %sign3A_56 = arith.cmpi sgt, %iota3A_50, %sign3A_55 : vector<128x128xi32>
    %sign3A_57 = arith.extui %sign3A_56 : vector<128x128xi1> to vector<128x128xi32>
    %sign3A_58 = arith.constant 0 : i32
    %sign3A_59 = vector.broadcast %sign3A_58 : i32 to vector<128x128xi32>
    %sign3A_60 = arith.cmpi slt, %iota3A_50, %sign3A_59 : vector<128x128xi32>
    %sign3A_61 = arith.extui %sign3A_60 : vector<128x128xi1> to vector<128x128xi32>
    %sign3A_62 = arith.subi %sign3A_57, %sign3A_61 : vector<128x128xi32>
    %sign3A_63 = arith.constant 0 : i32
    %sign3A_64 = arith.cmpi sgt, %jit3A_51, %sign3A_63 : i32
    %sign3A_65 = arith.extui %sign3A_64 : i1 to i32
    %sign3A_66 = arith.constant 0 : i32
    %sign3A_67 = arith.cmpi slt, %jit3A_51, %sign3A_66 : i32
    %sign3A_68 = arith.extui %sign3A_67 : i1 to i32
    %sign3A_69 = arith.subi %sign3A_65, %sign3A_68 : i32
    %ne3A_70 = vector.broadcast %sign3A_69 : i32 to vector<128x128xi32>
    %ne3A_71 = arith.cmpi ne, %sign3A_62, %ne3A_70 : vector<128x128xi32>
    %rem3A_72 = vector.broadcast %jit3A_51 : i32 to vector<128x128xi32>
    %rem3A_73 = arith.remsi %iota3A_50, %rem3A_72 : vector<128x128xi32>
    %ne3A_74 = arith.constant 0 : i32
    %ne3A_75 = vector.broadcast %ne3A_74 : i32 to vector<128x128xi32>
    %ne3A_76 = arith.cmpi ne, %rem3A_73, %ne3A_75 : vector<128x128xi32>
    %and3A_77 = arith.andi %ne3A_71, %ne3A_76 : vector<128x128xi1>
    %sub3A_78 = arith.constant 1 : i32
    %sub3A_79 = vector.broadcast %sub3A_78 : i32 to vector<128x128xi32>
    %sub3A_80 = arith.subi %div3A_53, %sub3A_79 : vector<128x128xi32>
    %select_n3A_81 = arith.select %and3A_77, %sub3A_80, %div3A_53 : vector<128x128xi1>, vector<128x128xi32>
    %eq3A = arith.cmpi eq, %select_n3A, %select_n3A_81 : vector<128x128xi32>
    %jit3A_82 = arith.constant 0.000000e+00 : f32
    %broadcast_in_dim3A = vector.broadcast %jit3A_82 : f32 to vector<128x128xf32>
    %select_n3A_83 = arith.select %eq3A, %tile3A_26, %broadcast_in_dim3A : vector<128x128xi1>, vector<128x128xf32>
    %dot_general3A = arith.constant dense<0.000000e+00> : vector<1280x128xf32>
    %dot_general3A_84 = tpu.matmul %max3A_22, %select_n3A_83, %dot_general3A {dimension_numbers = #tpu.dot_dimension_numbers<[1], [0], [0], [1], [0, 0, 1, 1], [], []>, transpose_lhs_hint = false} : vector<1280x128xf32>, vector<128x128xf32>, vector<1280x128xf32> -> vector<1280x128xf32>
    %mul3A_85 = arith.mulf %get3A_1, %dot_general3A_84 : vector<1280x128xf32>
    %swap3A = arith.constant 0 : index
    %swap3A_86 = arith.constant 0 : index
    %swap3A_87 = vector.load %arg5[%swap3A, %swap3A_86] : memref<1280x128xf32, #tpu.memory_space<vmem>>, vector<1280x128xf32>
    tpu.vector_store %arg5[%swap3A, %swap3A_86], %mul3A_85 {strides = array<i32>} : memref<1280x128xf32, #tpu.memory_space<vmem>>, vector<1280x128xf32>,
    return
  }
}

module attributes {stable_mosaic.version = 14 : i64} {
  func.func @_tc3_body(%arg0: memref<2x128x128xf32, #tpu.memory_space<vmem>>, %arg1: memref<128x128xf32, #tpu.memory_space<vmem>>, %arg2: memref<128x128xf32, #tpu.memory_space<vmem>>, %arg3: memref<1x128xf32, #tpu.memory_space<vmem>>, %arg4: memref<16x16xf32, #tpu.memory_space<vmem>>, %arg5: memref<1024x1024xf32, #tpu.memory_space<vmem>>) attributes {dimension_semantics = [], scalar_prefetch = 0 : i64, scratch_operands = 0 : i64, tpu.core_type = #tpu.core_type<tc>} {
    %get3A = arith.constant 0 : index
    %get3A_0 = arith.constant 0 : index
    %get3A_1 = vector.load %arg2[%get3A, %get3A_0] : memref<128x128xf32, #tpu.memory_space<vmem>>, vector<128x128xf32>
    %get3A_2 = arith.constant 0 : index
    %get3A_3 = arith.constant 0 : index
    %get3A_4 = arith.constant 0 : index
    %get3A_5 = vector.load %arg0[%get3A_2, %get3A_3, %get3A_4] : memref<2x128x128xf32, #tpu.memory_space<vmem>>, vector<1x128x128xf32>
    %get3A_6 = vector.shape_cast %get3A_5 : vector<1x128x128xf32> to vector<128x128xf32>
    %get3A_7 = arith.constant 1 : index
    %get3A_8 = arith.constant 0 : index
    %get3A_9 = arith.constant 0 : index
    %get3A_10 = vector.load %arg0[%get3A_7, %get3A_8, %get3A_9] : memref<2x128x128xf32, #tpu.memory_space<vmem>>, vector<1x128x128xf32>
    %get3A_11 = vector.shape_cast %get3A_10 : vector<1x128x128xf32> to vector<128x128xf32>
    %add3A = arith.addf %get3A_6, %get3A_11 : vector<128x128xf32>
    %get3A_12 = arith.constant 0 : index
    %get3A_13 = arith.constant 0 : index
    %get3A_14 = vector.load %arg1[%get3A_12, %get3A_13] : memref<128x128xf32, #tpu.memory_space<vmem>>, vector<128x128xf32>
    %add3A_15 = arith.addf %add3A, %get3A_14 : vector<128x128xf32>
    %mul3A = arith.mulf %get3A_1, %add3A_15 : vector<128x128xf32>
    %get3A_16 = arith.constant 0 : index
    %get3A_17 = arith.constant 0 : index
    %get3A_18 = vector.load %arg3[%get3A_16, %get3A_17] : memref<1x128xf32, #tpu.memory_space<vmem>>, vector<1x128xf32>
    %add3A_19 = vector.broadcast %get3A_18 : vector<1x128xf32> to vector<128x128xf32>
    %add3A_20 = arith.addf %mul3A, %add3A_19 : vector<128x128xf32>
    %iota3A = tpu.iota {dimensions = array<i32: 0>} : vector<1024x128xi32>
    %iota3A_21 = tpu.iota {dimensions = array<i32: 1>} : vector<1024x128xi32>
    %broadcast_in_dim3A = arith.constant 0.000000e+00 : f32
    %broadcast_in_dim3A_22 = vector.broadcast %broadcast_in_dim3A : f32 to vector<1024x16xf32>
    %jit3A = arith.constant 8 : i32
    %eq3A = arith.constant 0 : i32
    %eq3A_23 = arith.cmpi eq, %jit3A, %eq3A : i32
    %jit3A_24 = arith.constant 1 : i32
    %select_n3A = arith.select %eq3A_23, %jit3A_24, %jit3A : i32
    %rem3A = vector.broadcast %select_n3A : i32 to vector<1024x128xi32>
    %rem3A_25 = arith.remsi %iota3A, %rem3A : vector<1024x128xi32>
    %ne3A = arith.constant 0 : i32
    %ne3A_26 = vector.broadcast %ne3A : i32 to vector<1024x128xi32>
    %ne3A_27 = arith.cmpi ne, %rem3A_25, %ne3A_26 : vector<1024x128xi32>
    %lt3A = arith.constant 0 : i32
    %lt3A_28 = vector.broadcast %lt3A : i32 to vector<1024x128xi32>
    %lt3A_29 = arith.cmpi slt, %rem3A_25, %lt3A_28 : vector<1024x128xi32>
    %lt3A_30 = arith.constant 0 : i32
    %lt3A_31 = arith.cmpi slt, %select_n3A, %lt3A_30 : i32
    %ne3A_32 = vector.broadcast %lt3A_31 : i1 to vector<1024x128xi1>
    %ne3A_33 = vector.broadcast %ne3A_32 : vector<1024x128xi1> to vector<1024x128xi1>
    %ne3A_34 = arith.xori %lt3A_29, %ne3A_33 : vector<1024x128xi1>
    %and3A = arith.andi %ne3A_34, %ne3A_27 : vector<1024x128xi1>
    %add3A_35 = vector.broadcast %select_n3A : i32 to vector<1024x128xi32>
    %add3A_36 = arith.addi %rem3A_25, %add3A_35 : vector<1024x128xi32>
    %select_n3A_37 = arith.select %and3A, %add3A_36, %rem3A_25 : vector<1024x128xi1>, vector<1024x128xi32>
    %eq3A_38 = arith.constant 0 : i32
    %eq3A_39 = vector.broadcast %eq3A_38 : i32 to vector<1024x128xi32>
    %eq3A_40 = arith.cmpi eq, %select_n3A_37, %eq3A_39 : vector<1024x128xi32>
    %jit3A_41 = arith.constant 8 : i32
    %div3A = vector.broadcast %jit3A_41 : i32 to vector<1024x128xi32>
    %div3A_42 = arith.divsi %iota3A, %div3A : vector<1024x128xi32>
    %sign3A = arith.constant 0 : i32
    %sign3A_43 = vector.broadcast %sign3A : i32 to vector<1024x128xi32>
    %sign3A_44 = arith.cmpi sgt, %iota3A, %sign3A_43 : vector<1024x128xi32>
    %sign3A_45 = arith.extui %sign3A_44 : vector<1024x128xi1> to vector<1024x128xi32>
    %sign3A_46 = arith.constant 0 : i32
    %sign3A_47 = vector.broadcast %sign3A_46 : i32 to vector<1024x128xi32>
    %sign3A_48 = arith.cmpi slt, %iota3A, %sign3A_47 : vector<1024x128xi32>
    %sign3A_49 = arith.extui %sign3A_48 : vector<1024x128xi1> to vector<1024x128xi32>
    %sign3A_50 = arith.subi %sign3A_45, %sign3A_49 : vector<1024x128xi32>
    %sign3A_51 = arith.constant 0 : i32
    %sign3A_52 = arith.cmpi sgt, %jit3A_41, %sign3A_51 : i32
    %sign3A_53 = arith.extui %sign3A_52 : i1 to i32
    %sign3A_54 = arith.constant 0 : i32
    %sign3A_55 = arith.cmpi slt, %jit3A_41, %sign3A_54 : i32
    %sign3A_56 = arith.extui %sign3A_55 : i1 to i32
    %sign3A_57 = arith.subi %sign3A_53, %sign3A_56 : i32
    %ne3A_58 = vector.broadcast %sign3A_57 : i32 to vector<1024x128xi32>
    %ne3A_59 = arith.cmpi ne, %sign3A_50, %ne3A_58 : vector<1024x128xi32>
    %rem3A_60 = vector.broadcast %jit3A_41 : i32 to vector<1024x128xi32>
    %rem3A_61 = arith.remsi %iota3A, %rem3A_60 : vector<1024x128xi32>
    %ne3A_62 = arith.constant 0 : i32
    %ne3A_63 = vector.broadcast %ne3A_62 : i32 to vector<1024x128xi32>
    %ne3A_64 = arith.cmpi ne, %rem3A_61, %ne3A_63 : vector<1024x128xi32>
    %and3A_65 = arith.andi %ne3A_59, %ne3A_64 : vector<1024x128xi1>
    %sub3A = arith.constant 1 : i32
    %sub3A_66 = vector.broadcast %sub3A : i32 to vector<1024x128xi32>
    %sub3A_67 = arith.subi %div3A_42, %sub3A_66 : vector<1024x128xi32>
    %select_n3A_68 = arith.select %and3A_65, %sub3A_67, %div3A_42 : vector<1024x128xi1>, vector<1024x128xi32>
    %eq3A_69 = arith.cmpi eq, %select_n3A_68, %iota3A_21 : vector<1024x128xi32>
    %and3A_70 = arith.andi %eq3A_40, %eq3A_69 : vector<1024x128xi1>
    %jit3A_71 = arith.constant 1.000000e+00 : f32
    %jit3A_72 = arith.constant 0.000000e+00 : f32
    %broadcast_in_dim3A_73 = vector.broadcast %jit3A_71 : f32 to vector<1024x128xf32>
    %broadcast_in_dim3A_74 = vector.broadcast %jit3A_72 : f32 to vector<1024x128xf32>
    %select_n3A_75 = arith.select %and3A_70, %broadcast_in_dim3A_73, %broadcast_in_dim3A_74 : vector<1024x128xi1>, vector<1024x128xf32>
    %slice3A = vector.extract_strided_slice %add3A_20 {offsets = [0, 0], sizes = [128, 16], strides = [1, 1]} : vector<128x128xf32> to vector<128x16xf32>
    %dot_general3A = arith.constant dense<0.000000e+00> : vector<1024x16xf32>
    %dot_general3A_76 = tpu.matmul %select_n3A_75, %slice3A, %dot_general3A {dimension_numbers = #tpu.dot_dimension_numbers<[1], [0], [0], [1], [0, 0, 1, 1], [], []>, transpose_lhs_hint = false} : vector<1024x128xf32>, vector<128x16xf32>, vector<1024x16xf32> -> vector<1024x16xf32>
    %add3A_77 = arith.addf %broadcast_in_dim3A_22, %dot_general3A_76 : vector<1024x16xf32>
    %jit3A_78 = arith.constant 8 : i32
    %eq3A_79 = arith.constant 0 : i32
    %eq3A_80 = arith.cmpi eq, %jit3A_78, %eq3A_79 : i32
    %jit3A_81 = arith.constant 1 : i32
    %select_n3A_82 = arith.select %eq3A_80, %jit3A_81, %jit3A_78 : i32
    %rem3A_83 = vector.broadcast %select_n3A_82 : i32 to vector<1024x128xi32>
    %rem3A_84 = arith.remsi %iota3A, %rem3A_83 : vector<1024x128xi32>
    %ne3A_85 = arith.constant 0 : i32
    %ne3A_86 = vector.broadcast %ne3A_85 : i32 to vector<1024x128xi32>
    %ne3A_87 = arith.cmpi ne, %rem3A_84, %ne3A_86 : vector<1024x128xi32>
    %lt3A_88 = arith.constant 0 : i32
    %lt3A_89 = vector.broadcast %lt3A_88 : i32 to vector<1024x128xi32>
    %lt3A_90 = arith.cmpi slt, %rem3A_84, %lt3A_89 : vector<1024x128xi32>
    %lt3A_91 = arith.constant 0 : i32
    %lt3A_92 = arith.cmpi slt, %select_n3A_82, %lt3A_91 : i32
    %ne3A_93 = vector.broadcast %lt3A_92 : i1 to vector<1024x128xi1>
    %ne3A_94 = vector.broadcast %ne3A_93 : vector<1024x128xi1> to vector<1024x128xi1>
    %ne3A_95 = arith.xori %lt3A_90, %ne3A_94 : vector<1024x128xi1>
    %and3A_96 = arith.andi %ne3A_95, %ne3A_87 : vector<1024x128xi1>
    %add3A_97 = vector.broadcast %select_n3A_82 : i32 to vector<1024x128xi32>
    %add3A_98 = arith.addi %rem3A_84, %add3A_97 : vector<1024x128xi32>
    %select_n3A_99 = arith.select %and3A_96, %add3A_98, %rem3A_84 : vector<1024x128xi1>, vector<1024x128xi32>
    %eq3A_100 = arith.constant 1 : i32
    %eq3A_101 = vector.broadcast %eq3A_100 : i32 to vector<1024x128xi32>
    %eq3A_102 = arith.cmpi eq, %select_n3A_99, %eq3A_101 : vector<1024x128xi32>
    %jit3A_103 = arith.constant 8 : i32
    %div3A_104 = vector.broadcast %jit3A_103 : i32 to vector<1024x128xi32>
    %div3A_105 = arith.divsi %iota3A, %div3A_104 : vector<1024x128xi32>
    %sign3A_106 = arith.constant 0 : i32
    %sign3A_107 = vector.broadcast %sign3A_106 : i32 to vector<1024x128xi32>
    %sign3A_108 = arith.cmpi sgt, %iota3A, %sign3A_107 : vector<1024x128xi32>
    %sign3A_109 = arith.extui %sign3A_108 : vector<1024x128xi1> to vector<1024x128xi32>
    %sign3A_110 = arith.constant 0 : i32
    %sign3A_111 = vector.broadcast %sign3A_110 : i32 to vector<1024x128xi32>
    %sign3A_112 = arith.cmpi slt, %iota3A, %sign3A_111 : vector<1024x128xi32>
    %sign3A_113 = arith.extui %sign3A_112 : vector<1024x128xi1> to vector<1024x128xi32>
    %sign3A_114 = arith.subi %sign3A_109, %sign3A_113 : vector<1024x128xi32>
    %sign3A_115 = arith.constant 0 : i32
    %sign3A_116 = arith.cmpi sgt, %jit3A_103, %sign3A_115 : i32
    %sign3A_117 = arith.extui %sign3A_116 : i1 to i32
    %sign3A_118 = arith.constant 0 : i32
    %sign3A_119 = arith.cmpi slt, %jit3A_103, %sign3A_118 : i32
    %sign3A_120 = arith.extui %sign3A_119 : i1 to i32
    %sign3A_121 = arith.subi %sign3A_117, %sign3A_120 : i32
    %ne3A_122 = vector.broadcast %sign3A_121 : i32 to vector<1024x128xi32>
    %ne3A_123 = arith.cmpi ne, %sign3A_114, %ne3A_122 : vector<1024x128xi32>
    %rem3A_124 = vector.broadcast %jit3A_103 : i32 to vector<1024x128xi32>
    %rem3A_125 = arith.remsi %iota3A, %rem3A_124 : vector<1024x128xi32>
    %ne3A_126 = arith.constant 0 : i32
    %ne3A_127 = vector.broadcast %ne3A_126 : i32 to vector<1024x128xi32>
    %ne3A_128 = arith.cmpi ne, %rem3A_125, %ne3A_127 : vector<1024x128xi32>
    %and3A_129 = arith.andi %ne3A_123, %ne3A_128 : vector<1024x128xi1>
    %sub3A_130 = arith.constant 1 : i32
    %sub3A_131 = vector.broadcast %sub3A_130 : i32 to vector<1024x128xi32>
    %sub3A_132 = arith.subi %div3A_105, %sub3A_131 : vector<1024x128xi32>
    %select_n3A_133 = arith.select %and3A_129, %sub3A_132, %div3A_105 : vector<1024x128xi1>, vector<1024x128xi32>
    %eq3A_134 = arith.cmpi eq, %select_n3A_133, %iota3A_21 : vector<1024x128xi32>
    %and3A_135 = arith.andi %eq3A_102, %eq3A_134 : vector<1024x128xi1>
    %jit3A_136 = arith.constant 1.000000e+00 : f32
    %jit3A_137 = arith.constant 0.000000e+00 : f32
    %broadcast_in_dim3A_138 = vector.broadcast %jit3A_136 : f32 to vector<1024x128xf32>
    %broadcast_in_dim3A_139 = vector.broadcast %jit3A_137 : f32 to vector<1024x128xf32>
    %select_n3A_140 = arith.select %and3A_135, %broadcast_in_dim3A_138, %broadcast_in_dim3A_139 : vector<1024x128xi1>, vector<1024x128xf32>
    %slice3A_141 = vector.extract_strided_slice %add3A_20 {offsets = [0, 16], sizes = [128, 16], strides = [1, 1]} : vector<128x128xf32> to vector<128x16xf32>
    %dot_general3A_142 = arith.constant dense<0.000000e+00> : vector<1024x16xf32>
    %dot_general3A_143 = tpu.matmul %select_n3A_140, %slice3A_141, %dot_general3A_142 {dimension_numbers = #tpu.dot_dimension_numbers<[1], [0], [0], [1], [0, 0, 1, 1], [], []>, transpose_lhs_hint = false} : vector<1024x128xf32>, vector<128x16xf32>, vector<1024x16xf32> -> vector<1024x16xf32>
    %add3A_144 = arith.addf %add3A_77, %dot_general3A_143 : vector<1024x16xf32>
    %jit3A_145 = arith.constant 8 : i32
    %eq3A_146 = arith.constant 0 : i32
    %eq3A_147 = arith.cmpi eq, %jit3A_145, %eq3A_146 : i32
    %jit3A_148 = arith.constant 1 : i32
    %select_n3A_149 = arith.select %eq3A_147, %jit3A_148, %jit3A_145 : i32
    %rem3A_150 = vector.broadcast %select_n3A_149 : i32 to vector<1024x128xi32>
    %rem3A_151 = arith.remsi %iota3A, %rem3A_150 : vector<1024x128xi32>
    %ne3A_152 = arith.constant 0 : i32
    %ne3A_153 = vector.broadcast %ne3A_152 : i32 to vector<1024x128xi32>
    %ne3A_154 = arith.cmpi ne, %rem3A_151, %ne3A_153 : vector<1024x128xi32>
    %lt3A_155 = arith.constant 0 : i32
    %lt3A_156 = vector.broadcast %lt3A_155 : i32 to vector<1024x128xi32>
    %lt3A_157 = arith.cmpi slt, %rem3A_151, %lt3A_156 : vector<1024x128xi32>
    %lt3A_158 = arith.constant 0 : i32
    %lt3A_159 = arith.cmpi slt, %select_n3A_149, %lt3A_158 : i32
    %ne3A_160 = vector.broadcast %lt3A_159 : i1 to vector<1024x128xi1>
    %ne3A_161 = vector.broadcast %ne3A_160 : vector<1024x128xi1> to vector<1024x128xi1>
    %ne3A_162 = arith.xori %lt3A_157, %ne3A_161 : vector<1024x128xi1>
    %and3A_163 = arith.andi %ne3A_162, %ne3A_154 : vector<1024x128xi1>
    %add3A_164 = vector.broadcast %select_n3A_149 : i32 to vector<1024x128xi32>
    %add3A_165 = arith.addi %rem3A_151, %add3A_164 : vector<1024x128xi32>
    %select_n3A_166 = arith.select %and3A_163, %add3A_165, %rem3A_151 : vector<1024x128xi1>, vector<1024x128xi32>
    %eq3A_167 = arith.constant 2 : i32
    %eq3A_168 = vector.broadcast %eq3A_167 : i32 to vector<1024x128xi32>
    %eq3A_169 = arith.cmpi eq, %select_n3A_166, %eq3A_168 : vector<1024x128xi32>
    %jit3A_170 = arith.constant 8 : i32
    %div3A_171 = vector.broadcast %jit3A_170 : i32 to vector<1024x128xi32>
    %div3A_172 = arith.divsi %iota3A, %div3A_171 : vector<1024x128xi32>
    %sign3A_173 = arith.constant 0 : i32
    %sign3A_174 = vector.broadcast %sign3A_173 : i32 to vector<1024x128xi32>
    %sign3A_175 = arith.cmpi sgt, %iota3A, %sign3A_174 : vector<1024x128xi32>
    %sign3A_176 = arith.extui %sign3A_175 : vector<1024x128xi1> to vector<1024x128xi32>
    %sign3A_177 = arith.constant 0 : i32
    %sign3A_178 = vector.broadcast %sign3A_177 : i32 to vector<1024x128xi32>
    %sign3A_179 = arith.cmpi slt, %iota3A, %sign3A_178 : vector<1024x128xi32>
    %sign3A_180 = arith.extui %sign3A_179 : vector<1024x128xi1> to vector<1024x128xi32>
    %sign3A_181 = arith.subi %sign3A_176, %sign3A_180 : vector<1024x128xi32>
    %sign3A_182 = arith.constant 0 : i32
    %sign3A_183 = arith.cmpi sgt, %jit3A_170, %sign3A_182 : i32
    %sign3A_184 = arith.extui %sign3A_183 : i1 to i32
    %sign3A_185 = arith.constant 0 : i32
    %sign3A_186 = arith.cmpi slt, %jit3A_170, %sign3A_185 : i32
    %sign3A_187 = arith.extui %sign3A_186 : i1 to i32
    %sign3A_188 = arith.subi %sign3A_184, %sign3A_187 : i32
    %ne3A_189 = vector.broadcast %sign3A_188 : i32 to vector<1024x128xi32>
    %ne3A_190 = arith.cmpi ne, %sign3A_181, %ne3A_189 : vector<1024x128xi32>
    %rem3A_191 = vector.broadcast %jit3A_170 : i32 to vector<1024x128xi32>
    %rem3A_192 = arith.remsi %iota3A, %rem3A_191 : vector<1024x128xi32>
    %ne3A_193 = arith.constant 0 : i32
    %ne3A_194 = vector.broadcast %ne3A_193 : i32 to vector<1024x128xi32>
    %ne3A_195 = arith.cmpi ne, %rem3A_192, %ne3A_194 : vector<1024x128xi32>
    %and3A_196 = arith.andi %ne3A_190, %ne3A_195 : vector<1024x128xi1>
    %sub3A_197 = arith.constant 1 : i32
    %sub3A_198 = vector.broadcast %sub3A_197 : i32 to vector<1024x128xi32>
    %sub3A_199 = arith.subi %div3A_172, %sub3A_198 : vector<1024x128xi32>
    %select_n3A_200 = arith.select %and3A_196, %sub3A_199, %div3A_172 : vector<1024x128xi1>, vector<1024x128xi32>
    %eq3A_201 = arith.cmpi eq, %select_n3A_200, %iota3A_21 : vector<1024x128xi32>
    %and3A_202 = arith.andi %eq3A_169, %eq3A_201 : vector<1024x128xi1>
    %jit3A_203 = arith.constant 1.000000e+00 : f32
    %jit3A_204 = arith.constant 0.000000e+00 : f32
    %broadcast_in_dim3A_205 = vector.broadcast %jit3A_203 : f32 to vector<1024x128xf32>
    %broadcast_in_dim3A_206 = vector.broadcast %jit3A_204 : f32 to vector<1024x128xf32>
    %select_n3A_207 = arith.select %and3A_202, %broadcast_in_dim3A_205, %broadcast_in_dim3A_206 : vector<1024x128xi1>, vector<1024x128xf32>
    %slice3A_208 = vector.extract_strided_slice %add3A_20 {offsets = [0, 32], sizes = [128, 16], strides = [1, 1]} : vector<128x128xf32> to vector<128x16xf32>
    %dot_general3A_209 = arith.constant dense<0.000000e+00> : vector<1024x16xf32>
    %dot_general3A_210 = tpu.matmul %select_n3A_207, %slice3A_208, %dot_general3A_209 {dimension_numbers = #tpu.dot_dimension_numbers<[1], [0], [0], [1], [0, 0, 1, 1], [], []>, transpose_lhs_hint = false} : vector<1024x128xf32>, vector<128x16xf32>, vector<1024x16xf32> -> vector<1024x16xf32>
    %add3A_211 = arith.addf %add3A_144, %dot_general3A_210 : vector<1024x16xf32>
    %jit3A_212 = arith.constant 8 : i32
    %eq3A_213 = arith.constant 0 : i32
    %eq3A_214 = arith.cmpi eq, %jit3A_212, %eq3A_213 : i32
    %jit3A_215 = arith.constant 1 : i32
    %select_n3A_216 = arith.select %eq3A_214, %jit3A_215, %jit3A_212 : i32
    %rem3A_217 = vector.broadcast %select_n3A_216 : i32 to vector<1024x128xi32>
    %rem3A_218 = arith.remsi %iota3A, %rem3A_217 : vector<1024x128xi32>
    %ne3A_219 = arith.constant 0 : i32
    %ne3A_220 = vector.broadcast %ne3A_219 : i32 to vector<1024x128xi32>
    %ne3A_221 = arith.cmpi ne, %rem3A_218, %ne3A_220 : vector<1024x128xi32>
    %lt3A_222 = arith.constant 0 : i32
    %lt3A_223 = vector.broadcast %lt3A_222 : i32 to vector<1024x128xi32>
    %lt3A_224 = arith.cmpi slt, %rem3A_218, %lt3A_223 : vector<1024x128xi32>
    %lt3A_225 = arith.constant 0 : i32
    %lt3A_226 = arith.cmpi slt, %select_n3A_216, %lt3A_225 : i32
    %ne3A_227 = vector.broadcast %lt3A_226 : i1 to vector<1024x128xi1>
    %ne3A_228 = vector.broadcast %ne3A_227 : vector<1024x128xi1> to vector<1024x128xi1>
    %ne3A_229 = arith.xori %lt3A_224, %ne3A_228 : vector<1024x128xi1>
    %and3A_230 = arith.andi %ne3A_229, %ne3A_221 : vector<1024x128xi1>
    %add3A_231 = vector.broadcast %select_n3A_216 : i32 to vector<1024x128xi32>
    %add3A_232 = arith.addi %rem3A_218, %add3A_231 : vector<1024x128xi32>
    %select_n3A_233 = arith.select %and3A_230, %add3A_232, %rem3A_218 : vector<1024x128xi1>, vector<1024x128xi32>
    %eq3A_234 = arith.constant 3 : i32
    %eq3A_235 = vector.broadcast %eq3A_234 : i32 to vector<1024x128xi32>
    %eq3A_236 = arith.cmpi eq, %select_n3A_233, %eq3A_235 : vector<1024x128xi32>
    %jit3A_237 = arith.constant 8 : i32
    %div3A_238 = vector.broadcast %jit3A_237 : i32 to vector<1024x128xi32>
    %div3A_239 = arith.divsi %iota3A, %div3A_238 : vector<1024x128xi32>
    %sign3A_240 = arith.constant 0 : i32
    %sign3A_241 = vector.broadcast %sign3A_240 : i32 to vector<1024x128xi32>
    %sign3A_242 = arith.cmpi sgt, %iota3A, %sign3A_241 : vector<1024x128xi32>
    %sign3A_243 = arith.extui %sign3A_242 : vector<1024x128xi1> to vector<1024x128xi32>
    %sign3A_244 = arith.constant 0 : i32
    %sign3A_245 = vector.broadcast %sign3A_244 : i32 to vector<1024x128xi32>
    %sign3A_246 = arith.cmpi slt, %iota3A, %sign3A_245 : vector<1024x128xi32>
    %sign3A_247 = arith.extui %sign3A_246 : vector<1024x128xi1> to vector<1024x128xi32>
    %sign3A_248 = arith.subi %sign3A_243, %sign3A_247 : vector<1024x128xi32>
    %sign3A_249 = arith.constant 0 : i32
    %sign3A_250 = arith.cmpi sgt, %jit3A_237, %sign3A_249 : i32
    %sign3A_251 = arith.extui %sign3A_250 : i1 to i32
    %sign3A_252 = arith.constant 0 : i32
    %sign3A_253 = arith.cmpi slt, %jit3A_237, %sign3A_252 : i32
    %sign3A_254 = arith.extui %sign3A_253 : i1 to i32
    %sign3A_255 = arith.subi %sign3A_251, %sign3A_254 : i32
    %ne3A_256 = vector.broadcast %sign3A_255 : i32 to vector<1024x128xi32>
    %ne3A_257 = arith.cmpi ne, %sign3A_248, %ne3A_256 : vector<1024x128xi32>
    %rem3A_258 = vector.broadcast %jit3A_237 : i32 to vector<1024x128xi32>
    %rem3A_259 = arith.remsi %iota3A, %rem3A_258 : vector<1024x128xi32>
    %ne3A_260 = arith.constant 0 : i32
    %ne3A_261 = vector.broadcast %ne3A_260 : i32 to vector<1024x128xi32>
    %ne3A_262 = arith.cmpi ne, %rem3A_259, %ne3A_261 : vector<1024x128xi32>
    %and3A_263 = arith.andi %ne3A_257, %ne3A_262 : vector<1024x128xi1>
    %sub3A_264 = arith.constant 1 : i32
    %sub3A_265 = vector.broadcast %sub3A_264 : i32 to vector<1024x128xi32>
    %sub3A_266 = arith.subi %div3A_239, %sub3A_265 : vector<1024x128xi32>
    %select_n3A_267 = arith.select %and3A_263, %sub3A_266, %div3A_239 : vector<1024x128xi1>, vector<1024x128xi32>
    %eq3A_268 = arith.cmpi eq, %select_n3A_267, %iota3A_21 : vector<1024x128xi32>
    %and3A_269 = arith.andi %eq3A_236, %eq3A_268 : vector<1024x128xi1>
    %jit3A_270 = arith.constant 1.000000e+00 : f32
    %jit3A_271 = arith.constant 0.000000e+00 : f32
    %broadcast_in_dim3A_272 = vector.broadcast %jit3A_270 : f32 to vector<1024x128xf32>
    %broadcast_in_dim3A_273 = vector.broadcast %jit3A_271 : f32 to vector<1024x128xf32>
    %select_n3A_274 = arith.select %and3A_269, %broadcast_in_dim3A_272, %broadcast_in_dim3A_273 : vector<1024x128xi1>, vector<1024x128xf32>
    %slice3A_275 = vector.extract_strided_slice %add3A_20 {offsets = [0, 48], sizes = [128, 16], strides = [1, 1]} : vector<128x128xf32> to vector<128x16xf32>
    %dot_general3A_276 = arith.constant dense<0.000000e+00> : vector<1024x16xf32>
    %dot_general3A_277 = tpu.matmul %select_n3A_274, %slice3A_275, %dot_general3A_276 {dimension_numbers = #tpu.dot_dimension_numbers<[1], [0], [0], [1], [0, 0, 1, 1], [], []>, transpose_lhs_hint = false} : vector<1024x128xf32>, vector<128x16xf32>, vector<1024x16xf32> -> vector<1024x16xf32>
    %add3A_278 = arith.addf %add3A_211, %dot_general3A_277 : vector<1024x16xf32>
    %jit3A_279 = arith.constant 8 : i32
    %eq3A_280 = arith.constant 0 : i32
    %eq3A_281 = arith.cmpi eq, %jit3A_279, %eq3A_280 : i32
    %jit3A_282 = arith.constant 1 : i32
    %select_n3A_283 = arith.select %eq3A_281, %jit3A_282, %jit3A_279 : i32
    %rem3A_284 = vector.broadcast %select_n3A_283 : i32 to vector<1024x128xi32>
    %rem3A_285 = arith.remsi %iota3A, %rem3A_284 : vector<1024x128xi32>
    %ne3A_286 = arith.constant 0 : i32
    %ne3A_287 = vector.broadcast %ne3A_286 : i32 to vector<1024x128xi32>
    %ne3A_288 = arith.cmpi ne, %rem3A_285, %ne3A_287 : vector<1024x128xi32>
    %lt3A_289 = arith.constant 0 : i32
    %lt3A_290 = vector.broadcast %lt3A_289 : i32 to vector<1024x128xi32>
    %lt3A_291 = arith.cmpi slt, %rem3A_285, %lt3A_290 : vector<1024x128xi32>
    %lt3A_292 = arith.constant 0 : i32
    %lt3A_293 = arith.cmpi slt, %select_n3A_283, %lt3A_292 : i32
    %ne3A_294 = vector.broadcast %lt3A_293 : i1 to vector<1024x128xi1>
    %ne3A_295 = vector.broadcast %ne3A_294 : vector<1024x128xi1> to vector<1024x128xi1>
    %ne3A_296 = arith.xori %lt3A_291, %ne3A_295 : vector<1024x128xi1>
    %and3A_297 = arith.andi %ne3A_296, %ne3A_288 : vector<1024x128xi1>
    %add3A_298 = vector.broadcast %select_n3A_283 : i32 to vector<1024x128xi32>
    %add3A_299 = arith.addi %rem3A_285, %add3A_298 : vector<1024x128xi32>
    %select_n3A_300 = arith.select %and3A_297, %add3A_299, %rem3A_285 : vector<1024x128xi1>, vector<1024x128xi32>
    %eq3A_301 = arith.constant 4 : i32
    %eq3A_302 = vector.broadcast %eq3A_301 : i32 to vector<1024x128xi32>
    %eq3A_303 = arith.cmpi eq, %select_n3A_300, %eq3A_302 : vector<1024x128xi32>
    %jit3A_304 = arith.constant 8 : i32
    %div3A_305 = vector.broadcast %jit3A_304 : i32 to vector<1024x128xi32>
    %div3A_306 = arith.divsi %iota3A, %div3A_305 : vector<1024x128xi32>
    %sign3A_307 = arith.constant 0 : i32
    %sign3A_308 = vector.broadcast %sign3A_307 : i32 to vector<1024x128xi32>
    %sign3A_309 = arith.cmpi sgt, %iota3A, %sign3A_308 : vector<1024x128xi32>
    %sign3A_310 = arith.extui %sign3A_309 : vector<1024x128xi1> to vector<1024x128xi32>
    %sign3A_311 = arith.constant 0 : i32
    %sign3A_312 = vector.broadcast %sign3A_311 : i32 to vector<1024x128xi32>
    %sign3A_313 = arith.cmpi slt, %iota3A, %sign3A_312 : vector<1024x128xi32>
    %sign3A_314 = arith.extui %sign3A_313 : vector<1024x128xi1> to vector<1024x128xi32>
    %sign3A_315 = arith.subi %sign3A_310, %sign3A_314 : vector<1024x128xi32>
    %sign3A_316 = arith.constant 0 : i32
    %sign3A_317 = arith.cmpi sgt, %jit3A_304, %sign3A_316 : i32
    %sign3A_318 = arith.extui %sign3A_317 : i1 to i32
    %sign3A_319 = arith.constant 0 : i32
    %sign3A_320 = arith.cmpi slt, %jit3A_304, %sign3A_319 : i32
    %sign3A_321 = arith.extui %sign3A_320 : i1 to i32
    %sign3A_322 = arith.subi %sign3A_318, %sign3A_321 : i32
    %ne3A_323 = vector.broadcast %sign3A_322 : i32 to vector<1024x128xi32>
    %ne3A_324 = arith.cmpi ne, %sign3A_315, %ne3A_323 : vector<1024x128xi32>
    %rem3A_325 = vector.broadcast %jit3A_304 : i32 to vector<1024x128xi32>
    %rem3A_326 = arith.remsi %iota3A, %rem3A_325 : vector<1024x128xi32>
    %ne3A_327 = arith.constant 0 : i32
    %ne3A_328 = vector.broadcast %ne3A_327 : i32 to vector<1024x128xi32>
    %ne3A_329 = arith.cmpi ne, %rem3A_326, %ne3A_328 : vector<1024x128xi32>
    %and3A_330 = arith.andi %ne3A_324, %ne3A_329 : vector<1024x128xi1>
    %sub3A_331 = arith.constant 1 : i32
    %sub3A_332 = vector.broadcast %sub3A_331 : i32 to vector<1024x128xi32>
    %sub3A_333 = arith.subi %div3A_306, %sub3A_332 : vector<1024x128xi32>
    %select_n3A_334 = arith.select %and3A_330, %sub3A_333, %div3A_306 : vector<1024x128xi1>, vector<1024x128xi32>
    %eq3A_335 = arith.cmpi eq, %select_n3A_334, %iota3A_21 : vector<1024x128xi32>
    %and3A_336 = arith.andi %eq3A_303, %eq3A_335 : vector<1024x128xi1>
    %jit3A_337 = arith.constant 1.000000e+00 : f32
    %jit3A_338 = arith.constant 0.000000e+00 : f32
    %broadcast_in_dim3A_339 = vector.broadcast %jit3A_337 : f32 to vector<1024x128xf32>
    %broadcast_in_dim3A_340 = vector.broadcast %jit3A_338 : f32 to vector<1024x128xf32>
    %select_n3A_341 = arith.select %and3A_336, %broadcast_in_dim3A_339, %broadcast_in_dim3A_340 : vector<1024x128xi1>, vector<1024x128xf32>
    %slice3A_342 = vector.extract_strided_slice %add3A_20 {offsets = [0, 64], sizes = [128, 16], strides = [1, 1]} : vector<128x128xf32> to vector<128x16xf32>
    %dot_general3A_343 = arith.constant dense<0.000000e+00> : vector<1024x16xf32>
    %dot_general3A_344 = tpu.matmul %select_n3A_341, %slice3A_342, %dot_general3A_343 {dimension_numbers = #tpu.dot_dimension_numbers<[1], [0], [0], [1], [0, 0, 1, 1], [], []>, transpose_lhs_hint = false} : vector<1024x128xf32>, vector<128x16xf32>, vector<1024x16xf32> -> vector<1024x16xf32>
    %add3A_345 = arith.addf %add3A_278, %dot_general3A_344 : vector<1024x16xf32>
    %jit3A_346 = arith.constant 8 : i32
    %eq3A_347 = arith.constant 0 : i32
    %eq3A_348 = arith.cmpi eq, %jit3A_346, %eq3A_347 : i32
    %jit3A_349 = arith.constant 1 : i32
    %select_n3A_350 = arith.select %eq3A_348, %jit3A_349, %jit3A_346 : i32
    %rem3A_351 = vector.broadcast %select_n3A_350 : i32 to vector<1024x128xi32>
    %rem3A_352 = arith.remsi %iota3A, %rem3A_351 : vector<1024x128xi32>
    %ne3A_353 = arith.constant 0 : i32
    %ne3A_354 = vector.broadcast %ne3A_353 : i32 to vector<1024x128xi32>
    %ne3A_355 = arith.cmpi ne, %rem3A_352, %ne3A_354 : vector<1024x128xi32>
    %lt3A_356 = arith.constant 0 : i32
    %lt3A_357 = vector.broadcast %lt3A_356 : i32 to vector<1024x128xi32>
    %lt3A_358 = arith.cmpi slt, %rem3A_352, %lt3A_357 : vector<1024x128xi32>
    %lt3A_359 = arith.constant 0 : i32
    %lt3A_360 = arith.cmpi slt, %select_n3A_350, %lt3A_359 : i32
    %ne3A_361 = vector.broadcast %lt3A_360 : i1 to vector<1024x128xi1>
    %ne3A_362 = vector.broadcast %ne3A_361 : vector<1024x128xi1> to vector<1024x128xi1>
    %ne3A_363 = arith.xori %lt3A_358, %ne3A_362 : vector<1024x128xi1>
    %and3A_364 = arith.andi %ne3A_363, %ne3A_355 : vector<1024x128xi1>
    %add3A_365 = vector.broadcast %select_n3A_350 : i32 to vector<1024x128xi32>
    %add3A_366 = arith.addi %rem3A_352, %add3A_365 : vector<1024x128xi32>
    %select_n3A_367 = arith.select %and3A_364, %add3A_366, %rem3A_352 : vector<1024x128xi1>, vector<1024x128xi32>
    %eq3A_368 = arith.constant 5 : i32
    %eq3A_369 = vector.broadcast %eq3A_368 : i32 to vector<1024x128xi32>
    %eq3A_370 = arith.cmpi eq, %select_n3A_367, %eq3A_369 : vector<1024x128xi32>
    %jit3A_371 = arith.constant 8 : i32
    %div3A_372 = vector.broadcast %jit3A_371 : i32 to vector<1024x128xi32>
    %div3A_373 = arith.divsi %iota3A, %div3A_372 : vector<1024x128xi32>
    %sign3A_374 = arith.constant 0 : i32
    %sign3A_375 = vector.broadcast %sign3A_374 : i32 to vector<1024x128xi32>
    %sign3A_376 = arith.cmpi sgt, %iota3A, %sign3A_375 : vector<1024x128xi32>
    %sign3A_377 = arith.extui %sign3A_376 : vector<1024x128xi1> to vector<1024x128xi32>
    %sign3A_378 = arith.constant 0 : i32
    %sign3A_379 = vector.broadcast %sign3A_378 : i32 to vector<1024x128xi32>
    %sign3A_380 = arith.cmpi slt, %iota3A, %sign3A_379 : vector<1024x128xi32>
    %sign3A_381 = arith.extui %sign3A_380 : vector<1024x128xi1> to vector<1024x128xi32>
    %sign3A_382 = arith.subi %sign3A_377, %sign3A_381 : vector<1024x128xi32>
    %sign3A_383 = arith.constant 0 : i32
    %sign3A_384 = arith.cmpi sgt, %jit3A_371, %sign3A_383 : i32
    %sign3A_385 = arith.extui %sign3A_384 : i1 to i32
    %sign3A_386 = arith.constant 0 : i32
    %sign3A_387 = arith.cmpi slt, %jit3A_371, %sign3A_386 : i32
    %sign3A_388 = arith.extui %sign3A_387 : i1 to i32
    %sign3A_389 = arith.subi %sign3A_385, %sign3A_388 : i32
    %ne3A_390 = vector.broadcast %sign3A_389 : i32 to vector<1024x128xi32>
    %ne3A_391 = arith.cmpi ne, %sign3A_382, %ne3A_390 : vector<1024x128xi32>
    %rem3A_392 = vector.broadcast %jit3A_371 : i32 to vector<1024x128xi32>
    %rem3A_393 = arith.remsi %iota3A, %rem3A_392 : vector<1024x128xi32>
    %ne3A_394 = arith.constant 0 : i32
    %ne3A_395 = vector.broadcast %ne3A_394 : i32 to vector<1024x128xi32>
    %ne3A_396 = arith.cmpi ne, %rem3A_393, %ne3A_395 : vector<1024x128xi32>
    %and3A_397 = arith.andi %ne3A_391, %ne3A_396 : vector<1024x128xi1>
    %sub3A_398 = arith.constant 1 : i32
    %sub3A_399 = vector.broadcast %sub3A_398 : i32 to vector<1024x128xi32>
    %sub3A_400 = arith.subi %div3A_373, %sub3A_399 : vector<1024x128xi32>
    %select_n3A_401 = arith.select %and3A_397, %sub3A_400, %div3A_373 : vector<1024x128xi1>, vector<1024x128xi32>
    %eq3A_402 = arith.cmpi eq, %select_n3A_401, %iota3A_21 : vector<1024x128xi32>
    %and3A_403 = arith.andi %eq3A_370, %eq3A_402 : vector<1024x128xi1>
    %jit3A_404 = arith.constant 1.000000e+00 : f32
    %jit3A_405 = arith.constant 0.000000e+00 : f32
    %broadcast_in_dim3A_406 = vector.broadcast %jit3A_404 : f32 to vector<1024x128xf32>
    %broadcast_in_dim3A_407 = vector.broadcast %jit3A_405 : f32 to vector<1024x128xf32>
    %select_n3A_408 = arith.select %and3A_403, %broadcast_in_dim3A_406, %broadcast_in_dim3A_407 : vector<1024x128xi1>, vector<1024x128xf32>
    %slice3A_409 = vector.extract_strided_slice %add3A_20 {offsets = [0, 80], sizes = [128, 16], strides = [1, 1]} : vector<128x128xf32> to vector<128x16xf32>
    %dot_general3A_410 = arith.constant dense<0.000000e+00> : vector<1024x16xf32>
    %dot_general3A_411 = tpu.matmul %select_n3A_408, %slice3A_409, %dot_general3A_410 {dimension_numbers = #tpu.dot_dimension_numbers<[1], [0], [0], [1], [0, 0, 1, 1], [], []>, transpose_lhs_hint = false} : vector<1024x128xf32>, vector<128x16xf32>, vector<1024x16xf32> -> vector<1024x16xf32>
    %add3A_412 = arith.addf %add3A_345, %dot_general3A_411 : vector<1024x16xf32>
    %jit3A_413 = arith.constant 8 : i32
    %eq3A_414 = arith.constant 0 : i32
    %eq3A_415 = arith.cmpi eq, %jit3A_413, %eq3A_414 : i32
    %jit3A_416 = arith.constant 1 : i32
    %select_n3A_417 = arith.select %eq3A_415, %jit3A_416, %jit3A_413 : i32
    %rem3A_418 = vector.broadcast %select_n3A_417 : i32 to vector<1024x128xi32>
    %rem3A_419 = arith.remsi %iota3A, %rem3A_418 : vector<1024x128xi32>
    %ne3A_420 = arith.constant 0 : i32
    %ne3A_421 = vector.broadcast %ne3A_420 : i32 to vector<1024x128xi32>
    %ne3A_422 = arith.cmpi ne, %rem3A_419, %ne3A_421 : vector<1024x128xi32>
    %lt3A_423 = arith.constant 0 : i32
    %lt3A_424 = vector.broadcast %lt3A_423 : i32 to vector<1024x128xi32>
    %lt3A_425 = arith.cmpi slt, %rem3A_419, %lt3A_424 : vector<1024x128xi32>
    %lt3A_426 = arith.constant 0 : i32
    %lt3A_427 = arith.cmpi slt, %select_n3A_417, %lt3A_426 : i32
    %ne3A_428 = vector.broadcast %lt3A_427 : i1 to vector<1024x128xi1>
    %ne3A_429 = vector.broadcast %ne3A_428 : vector<1024x128xi1> to vector<1024x128xi1>
    %ne3A_430 = arith.xori %lt3A_425, %ne3A_429 : vector<1024x128xi1>
    %and3A_431 = arith.andi %ne3A_430, %ne3A_422 : vector<1024x128xi1>
    %add3A_432 = vector.broadcast %select_n3A_417 : i32 to vector<1024x128xi32>
    %add3A_433 = arith.addi %rem3A_419, %add3A_432 : vector<1024x128xi32>
    %select_n3A_434 = arith.select %and3A_431, %add3A_433, %rem3A_419 : vector<1024x128xi1>, vector<1024x128xi32>
    %eq3A_435 = arith.constant 6 : i32
    %eq3A_436 = vector.broadcast %eq3A_435 : i32 to vector<1024x128xi32>
    %eq3A_437 = arith.cmpi eq, %select_n3A_434, %eq3A_436 : vector<1024x128xi32>
    %jit3A_438 = arith.constant 8 : i32
    %div3A_439 = vector.broadcast %jit3A_438 : i32 to vector<1024x128xi32>
    %div3A_440 = arith.divsi %iota3A, %div3A_439 : vector<1024x128xi32>
    %sign3A_441 = arith.constant 0 : i32
    %sign3A_442 = vector.broadcast %sign3A_441 : i32 to vector<1024x128xi32>
    %sign3A_443 = arith.cmpi sgt, %iota3A, %sign3A_442 : vector<1024x128xi32>
    %sign3A_444 = arith.extui %sign3A_443 : vector<1024x128xi1> to vector<1024x128xi32>
    %sign3A_445 = arith.constant 0 : i32
    %sign3A_446 = vector.broadcast %sign3A_445 : i32 to vector<1024x128xi32>
    %sign3A_447 = arith.cmpi slt, %iota3A, %sign3A_446 : vector<1024x128xi32>
    %sign3A_448 = arith.extui %sign3A_447 : vector<1024x128xi1> to vector<1024x128xi32>
    %sign3A_449 = arith.subi %sign3A_444, %sign3A_448 : vector<1024x128xi32>
    %sign3A_450 = arith.constant 0 : i32
    %sign3A_451 = arith.cmpi sgt, %jit3A_438, %sign3A_450 : i32
    %sign3A_452 = arith.extui %sign3A_451 : i1 to i32
    %sign3A_453 = arith.constant 0 : i32
    %sign3A_454 = arith.cmpi slt, %jit3A_438, %sign3A_453 : i32
    %sign3A_455 = arith.extui %sign3A_454 : i1 to i32
    %sign3A_456 = arith.subi %sign3A_452, %sign3A_455 : i32
    %ne3A_457 = vector.broadcast %sign3A_456 : i32 to vector<1024x128xi32>
    %ne3A_458 = arith.cmpi ne, %sign3A_449, %ne3A_457 : vector<1024x128xi32>
    %rem3A_459 = vector.broadcast %jit3A_438 : i32 to vector<1024x128xi32>
    %rem3A_460 = arith.remsi %iota3A, %rem3A_459 : vector<1024x128xi32>
    %ne3A_461 = arith.constant 0 : i32
    %ne3A_462 = vector.broadcast %ne3A_461 : i32 to vector<1024x128xi32>
    %ne3A_463 = arith.cmpi ne, %rem3A_460, %ne3A_462 : vector<1024x128xi32>
    %and3A_464 = arith.andi %ne3A_458, %ne3A_463 : vector<1024x128xi1>
    %sub3A_465 = arith.constant 1 : i32
    %sub3A_466 = vector.broadcast %sub3A_465 : i32 to vector<1024x128xi32>
    %sub3A_467 = arith.subi %div3A_440, %sub3A_466 : vector<1024x128xi32>
    %select_n3A_468 = arith.select %and3A_464, %sub3A_467, %div3A_440 : vector<1024x128xi1>, vector<1024x128xi32>
    %eq3A_469 = arith.cmpi eq, %select_n3A_468, %iota3A_21 : vector<1024x128xi32>
    %and3A_470 = arith.andi %eq3A_437, %eq3A_469 : vector<1024x128xi1>
    %jit3A_471 = arith.constant 1.000000e+00 : f32
    %jit3A_472 = arith.constant 0.000000e+00 : f32
    %broadcast_in_dim3A_473 = vector.broadcast %jit3A_471 : f32 to vector<1024x128xf32>
    %broadcast_in_dim3A_474 = vector.broadcast %jit3A_472 : f32 to vector<1024x128xf32>
    %select_n3A_475 = arith.select %and3A_470, %broadcast_in_dim3A_473, %broadcast_in_dim3A_474 : vector<1024x128xi1>, vector<1024x128xf32>
    %slice3A_476 = vector.extract_strided_slice %add3A_20 {offsets = [0, 96], sizes = [128, 16], strides = [1, 1]} : vector<128x128xf32> to vector<128x16xf32>
    %dot_general3A_477 = arith.constant dense<0.000000e+00> : vector<1024x16xf32>
    %dot_general3A_478 = tpu.matmul %select_n3A_475, %slice3A_476, %dot_general3A_477 {dimension_numbers = #tpu.dot_dimension_numbers<[1], [0], [0], [1], [0, 0, 1, 1], [], []>, transpose_lhs_hint = false} : vector<1024x128xf32>, vector<128x16xf32>, vector<1024x16xf32> -> vector<1024x16xf32>
    %add3A_479 = arith.addf %add3A_412, %dot_general3A_478 : vector<1024x16xf32>
    %jit3A_480 = arith.constant 8 : i32
    %eq3A_481 = arith.constant 0 : i32
    %eq3A_482 = arith.cmpi eq, %jit3A_480, %eq3A_481 : i32
    %jit3A_483 = arith.constant 1 : i32
    %select_n3A_484 = arith.select %eq3A_482, %jit3A_483, %jit3A_480 : i32
    %rem3A_485 = vector.broadcast %select_n3A_484 : i32 to vector<1024x128xi32>
    %rem3A_486 = arith.remsi %iota3A, %rem3A_485 : vector<1024x128xi32>
    %ne3A_487 = arith.constant 0 : i32
    %ne3A_488 = vector.broadcast %ne3A_487 : i32 to vector<1024x128xi32>
    %ne3A_489 = arith.cmpi ne, %rem3A_486, %ne3A_488 : vector<1024x128xi32>
    %lt3A_490 = arith.constant 0 : i32
    %lt3A_491 = vector.broadcast %lt3A_490 : i32 to vector<1024x128xi32>
    %lt3A_492 = arith.cmpi slt, %rem3A_486, %lt3A_491 : vector<1024x128xi32>
    %lt3A_493 = arith.constant 0 : i32
    %lt3A_494 = arith.cmpi slt, %select_n3A_484, %lt3A_493 : i32
    %ne3A_495 = vector.broadcast %lt3A_494 : i1 to vector<1024x128xi1>
    %ne3A_496 = vector.broadcast %ne3A_495 : vector<1024x128xi1> to vector<1024x128xi1>
    %ne3A_497 = arith.xori %lt3A_492, %ne3A_496 : vector<1024x128xi1>
    %and3A_498 = arith.andi %ne3A_497, %ne3A_489 : vector<1024x128xi1>
    %add3A_499 = vector.broadcast %select_n3A_484 : i32 to vector<1024x128xi32>
    %add3A_500 = arith.addi %rem3A_486, %add3A_499 : vector<1024x128xi32>
    %select_n3A_501 = arith.select %and3A_498, %add3A_500, %rem3A_486 : vector<1024x128xi1>, vector<1024x128xi32>
    %eq3A_502 = arith.constant 7 : i32
    %eq3A_503 = vector.broadcast %eq3A_502 : i32 to vector<1024x128xi32>
    %eq3A_504 = arith.cmpi eq, %select_n3A_501, %eq3A_503 : vector<1024x128xi32>
    %jit3A_505 = arith.constant 8 : i32
    %div3A_506 = vector.broadcast %jit3A_505 : i32 to vector<1024x128xi32>
    %div3A_507 = arith.divsi %iota3A, %div3A_506 : vector<1024x128xi32>
    %sign3A_508 = arith.constant 0 : i32
    %sign3A_509 = vector.broadcast %sign3A_508 : i32 to vector<1024x128xi32>
    %sign3A_510 = arith.cmpi sgt, %iota3A, %sign3A_509 : vector<1024x128xi32>
    %sign3A_511 = arith.extui %sign3A_510 : vector<1024x128xi1> to vector<1024x128xi32>
    %sign3A_512 = arith.constant 0 : i32
    %sign3A_513 = vector.broadcast %sign3A_512 : i32 to vector<1024x128xi32>
    %sign3A_514 = arith.cmpi slt, %iota3A, %sign3A_513 : vector<1024x128xi32>
    %sign3A_515 = arith.extui %sign3A_514 : vector<1024x128xi1> to vector<1024x128xi32>
    %sign3A_516 = arith.subi %sign3A_511, %sign3A_515 : vector<1024x128xi32>
    %sign3A_517 = arith.constant 0 : i32
    %sign3A_518 = arith.cmpi sgt, %jit3A_505, %sign3A_517 : i32
    %sign3A_519 = arith.extui %sign3A_518 : i1 to i32
    %sign3A_520 = arith.constant 0 : i32
    %sign3A_521 = arith.cmpi slt, %jit3A_505, %sign3A_520 : i32
    %sign3A_522 = arith.extui %sign3A_521 : i1 to i32
    %sign3A_523 = arith.subi %sign3A_519, %sign3A_522 : i32
    %ne3A_524 = vector.broadcast %sign3A_523 : i32 to vector<1024x128xi32>
    %ne3A_525 = arith.cmpi ne, %sign3A_516, %ne3A_524 : vector<1024x128xi32>
    %rem3A_526 = vector.broadcast %jit3A_505 : i32 to vector<1024x128xi32>
    %rem3A_527 = arith.remsi %iota3A, %rem3A_526 : vector<1024x128xi32>
    %ne3A_528 = arith.constant 0 : i32
    %ne3A_529 = vector.broadcast %ne3A_528 : i32 to vector<1024x128xi32>
    %ne3A_530 = arith.cmpi ne, %rem3A_527, %ne3A_529 : vector<1024x128xi32>
    %and3A_531 = arith.andi %ne3A_525, %ne3A_530 : vector<1024x128xi1>
    %sub3A_532 = arith.constant 1 : i32
    %sub3A_533 = vector.broadcast %sub3A_532 : i32 to vector<1024x128xi32>
    %sub3A_534 = arith.subi %div3A_507, %sub3A_533 : vector<1024x128xi32>
    %select_n3A_535 = arith.select %and3A_531, %sub3A_534, %div3A_507 : vector<1024x128xi1>, vector<1024x128xi32>
    %eq3A_536 = arith.cmpi eq, %select_n3A_535, %iota3A_21 : vector<1024x128xi32>
    %and3A_537 = arith.andi %eq3A_504, %eq3A_536 : vector<1024x128xi1>
    %jit3A_538 = arith.constant 1.000000e+00 : f32
    %jit3A_539 = arith.constant 0.000000e+00 : f32
    %broadcast_in_dim3A_540 = vector.broadcast %jit3A_538 : f32 to vector<1024x128xf32>
    %broadcast_in_dim3A_541 = vector.broadcast %jit3A_539 : f32 to vector<1024x128xf32>
    %select_n3A_542 = arith.select %and3A_537, %broadcast_in_dim3A_540, %broadcast_in_dim3A_541 : vector<1024x128xi1>, vector<1024x128xf32>
    %slice3A_543 = vector.extract_strided_slice %add3A_20 {offsets = [0, 112], sizes = [128, 16], strides = [1, 1]} : vector<128x128xf32> to vector<128x16xf32>
    %dot_general3A_544 = arith.constant dense<0.000000e+00> : vector<1024x16xf32>
    %dot_general3A_545 = tpu.matmul %select_n3A_542, %slice3A_543, %dot_general3A_544 {dimension_numbers = #tpu.dot_dimension_numbers<[1], [0], [0], [1], [0, 0, 1, 1], [], []>, transpose_lhs_hint = false} : vector<1024x128xf32>, vector<128x16xf32>, vector<1024x16xf32> -> vector<1024x16xf32>
    %add3A_546 = arith.addf %add3A_479, %dot_general3A_545 : vector<1024x16xf32>
    %get3A_547 = arith.constant 0 : index
    %get3A_548 = arith.constant 0 : index
    %get3A_549 = vector.load %arg4[%get3A_547, %get3A_548] : memref<16x16xf32, #tpu.memory_space<vmem>>, vector<16x16xf32>
    %dot_general3A_550 = arith.constant dense<0.000000e+00> : vector<1024x16xf32>
    %dot_general3A_551 = tpu.matmul %add3A_546, %get3A_549, %dot_general3A_550 {dimension_numbers = #tpu.dot_dimension_numbers<[1], [0], [0], [1], [0, 0, 1, 1], [], []>, transpose_lhs_hint = false} : vector<1024x16xf32>, vector<16x16xf32>, vector<1024x16xf32> -> vector<1024x16xf32>
    %dot_general3A_552 = arith.constant dense<0.000000e+00> : vector<1024x1024xf32>
    %dot_general3A_553 = tpu.matmul %dot_general3A_551, %add3A_546, %dot_general3A_552 {dimension_numbers = #tpu.dot_dimension_numbers<[1], [1], [0], [0], [0, 0, 1, 0], [], []>, transpose_lhs_hint = false} : vector<1024x16xf32>, vector<1024x16xf32>, vector<1024x1024xf32> -> vector<1024x1024xf32>
    %swap3A = arith.constant 0 : index
    %swap3A_554 = arith.constant 0 : index
    %swap3A_555 = vector.load %arg5[%swap3A, %swap3A_554] : memref<1024x1024xf32, #tpu.memory_space<vmem>>, vector<1024x1024xf32>
    tpu.vector_store %arg5[%swap3A, %swap3A_554], %dot_general3A_553 {strides = array<i32>} : memref<1024x1024xf32, #tpu.memory_space<vmem>>, vector<1024x1024xf32>,
    return
  }
}

</mosaic_0001>

<sc_bundles>
// kernel: kernel.12.cloned.1.call-start
scs
__scs_entry_jumppad:
0x0: {  	(pc) =	sbr.rel $0x88, $3  }
0x1: {  	(tag) =	ssettag $0x0;
	lr =	simm.s32 $0x1  }
0x2: {  	[smem:$0x3F9A] =	sst lr;
	_ =	strace $0xD0000000  }
0x3: {  	_ = 	snop  }
0x4: {  	_ = 	snop  }
0x5: {  	_ = 	snop  }
0x6: {  	_ = 	snop  }
0x7: {  	_ = 	snop  }
__scs_overlays_trampoline_lowered:
0x8: {  	[smem:$0x3FA9] =	sst s0  }
0x9: {  	[smem:$0x3FAA] =	sst s1  }
0xa: {  	[smem:$0x3FAB] =	sst s2  }
0xb: {  	[smem:$0x3FAC] =	sst s3  }
0xc: {  	[smem:$0x3FAD] =	sst s4  }
0xd: {  	[smem:$0x3FAE] =	sst s5  }
0xe: {  	[smem:$0x3FAF] =	sst s6  }
0xf: {  	[smem:$0x3FB0] =	sst s7  }
0x10: {  	[smem:$0x3FB1] =	sst s8  }
0x11: {  	[smem:$0x3FB2] =	sst s9;
	s0 =	simm.s32 @!p0 $0x0  }
0x12: {  	s1 =	sld [smem:$0x3F98];
	s0 =	simm.s32 @p0 $0x1  }
0x13: {  	[smem:$0x3FB3] =	sst s0;
	s0 =	simm.s32 @!p1 $0x0  }
0x14: {  	s2 =	sld [smem:$0x3F97];
	s0 =	simm.s32 @p1 $0x1  }
0x15: {  	[smem:$0x3FB4] =	sst s0;
	s0 =	simm.s32 @!p2 $0x0  }
0x16: {  	s3 =	sld [smem:$0x3FDB];
	s0 =	simm.s32 @p2 $0x1  }
0x17: {  	s4 =	simm.s32 $0x1BF5;
	[smem:$0x3FB6] =	sst s0  }
0x18: {  	s0 =	sld [smem:$0x3F99];
	_ =	swait.ge [sflag:s4], $0x0  }
0x19: {  	s7 =	sld [smem:$0x3F9A]  }
0x1a: {  	s8 =	sadd.s32 $0xFFFFE003, lr  }
0x1b: {  	s9 =	sadd.s32 $0xFFFFFEF7, lr;
	s5 =	simm.s32 $0xFFFFFFFF;
	p2 =	slt.u32 s8, $0xFFFFF086  }
0x1c: {  	p1 =	slt.u32 s9, $0xF7A;
	s5 =	simm.s32 @!p2 $0x0  }
0x1d: {  	s5 =	simm.s32 @p1 $0x1;
	p0 =	seq.s32 s7, s2  }
0x1e: {  	s7 =	smul.u32 @!p0 $0xF7A, s2;
	p2 =	seq.s32 @!p0 s5, $0x0  }
0x1f: {  	s9 =	smul.u32 $0xF7A, s1;
	s8 =	simm.s32 @!p0 $0x1BF5;
	p2 =	por !p2, p0  }
0x20: {  	[sflag:s8] =	ssyncset.s32 @!p0 $0xFFFFF086;
	s6 =	sadd.s32 @!p0 s3, s7;
	s7 =	simm.s32 @!p0 $0x108  }
0x21: {  	s3 =	sadd.s32 s3, s9;
	s6 =	sadd.s32 @!p0 $0x88, s6;
	s7 =	simm.s32 @p2 $0x1082  }
0x22: {  	[simem:s7], [sflag:s8] =	dma.local @!p0 [hbm:s6], $0xF7A  }
0x23: {  	s9 =	sor.u32 $0xD0000000, s2;
	s6 =	simm.s32 $0x108;
	_ =	swait.ge @!p0 [sflag:s8], $0x0  }
0x24: {  	s3 =	sadd.s32 $0x88, s3;
	s6 =	simm.s32 @!p1 $0x1082;
	[sflag:s4] =	ssyncset.s32 $0xFFFFF086  }
0x25: {  	[simem:s6], [sflag:s4] =	dma.local [hbm:s3], $0xF7A  }
0x26: {  	[smem:$0x3F9A] =	sst s1;
	(tag) =	ssettag s2;
	_ =	strace s9  }
0x27: {  	s1 =	sld [smem:$0x3FAA]  }
0x28: {  	s2 =	sld [smem:$0x3FAB]  }
0x29: {  	s4 =	sld [smem:$0x3FAD]  }
0x2a: {  	p0 =	seq.s32 s5, $0x0;
	s5 =	sld [smem:$0x3FAE]  }
0x2b: {  	s6 =	sld [smem:$0x3FAF]  }
0x2c: {  	s7 =	sld [smem:$0x3FB0]  }
0x2d: {  	s3 =	simm.s32 $0x108;
	s8 =	sld [smem:$0x3FB1]  }
0x2e: {  	s3 =	simm.s32 @!p0 $0x1082;
	s9 =	sld [smem:$0x3FB2]  }
0x2f: {  	lr =	sadd.s32 s0, s3;
	s0 =	sld [smem:$0x3FA9]  }
0x30: {  	s3 =	sld [smem:$0x3FAC]  }
0x31: {  	[smem:$0x3FB5] =	sst s10  }
0x32: {  	s10 =	sld [smem:$0x3FB3];
	_ =	sdelay $0x3  }
0x33: {  	p0 =	seq.s32 s10, $0x1;
	s10 =	sld [smem:$0x3FB5];
	_ =	sdelay $0x3  }
0x34: {  	[smem:$0x3FB5] =	sst s10  }
0x35: {  	s10 =	sld [smem:$0x3FB4];
	_ =	sdelay $0x3  }
0x36: {  	p1 =	seq.s32 s10, $0x1;
	s10 =	sld [smem:$0x3FB5];
	_ =	sdelay $0x3  }
0x37: {  	[smem:$0x3FB5] =	sst s10  }
0x38: {  	s10 =	sld [smem:$0x3FB6]  }
0x39: {  	_ = 	snop;
	(pc) =	sbr.ind lr, $3  }
0x3a: {  	_ = 	snop  }
0x3b: {  	_ = 	snop  }
0x3c: {  	p2 =	seq.s32 s10, $0x1;
	s10 =	sld [smem:$0x3FB5]  }
0x3d: {  	_ =	shalt  }
0x3e: {  	_ =	shalt  }
0x3f: {  	_ =	shalt  }
0x40: {  	_ =	shalt  }
0x41: {  	_ =	shalt  }
0x42: {  	_ =	shalt  }
0x43: {  	_ =	shalt  }
0x44: {  	_ =	shalt  }
0x45: {  	_ =	shalt  }
0x46: {  	_ =	shalt  }
0x47: {  	_ =	shalt  }
0x48: {  	_ =	shalt  }
0x49: {  	_ =	shalt  }
0x4a: {  	_ =	shalt  }
0x4b: {  	_ =	shalt  }
0x4c: {  	_ =	shalt  }
0x4d: {  	_ =	shalt  }
0x4e: {  	_ =	shalt  }
0x4f: {  	_ =	shalt  }
0x50: {  	_ =	shalt  }
0x51: {  	_ =	shalt  }
0x52: {  	_ =	shalt  }
0x53: {  	_ =	shalt  }
0x54: {  	_ =	shalt  }
0x55: {  	_ =	shalt  }
0x56: {  	_ =	shalt  }
0x57: {  	_ =	shalt  }
0x58: {  	_ =	shalt  }
0x59: {  	_ =	shalt  }
0x5a: {  	_ =	shalt  }
0x5b: {  	_ =	shalt  }
0x5c: {  	_ =	shalt  }
0x5d: {  	_ =	shalt  }
0x5e: {  	_ =	shalt  }
0x5f: {  	_ =	shalt  }
0x60: {  	_ =	shalt  }
0x61: {  	_ =	shalt  }
0x62: {  	_ =	shalt  }
0x63: {  	_ =	shalt  }
0x64: {  	_ =	shalt  }
0x65: {  	_ =	shalt  }
0x66: {  	_ =	shalt  }
0x67: {  	_ =	shalt  }
0x68: {  	_ =	shalt  }
0x69: {  	_ =	shalt  }
0x6a: {  	_ =	shalt  }
0x6b: {  	_ =	shalt  }
0x6c: {  	_ =	shalt  }
0x6d: {  	_ =	shalt  }
0x6e: {  	_ =	shalt  }
0x6f: {  	_ =	shalt  }
0x70: {  	_ =	shalt  }
0x71: {  	_ =	shalt  }
0x72: {  	_ =	shalt  }
0x73: {  	_ =	shalt  }
0x74: {  	_ =	shalt  }
0x75: {  	_ =	shalt  }
0x76: {  	_ =	shalt  }
0x77: {  	_ =	shalt  }
0x78: {  	_ =	shalt  }
0x79: {  	_ =	shalt  }
0x7a: {  	_ =	shalt  }
0x7b: {  	_ =	shalt  }
0x7c: {  	_ =	shalt  }
0x7d: {  	_ =	shalt  }
0x7e: {  	_ =	shalt  }
0x7f: {  	_ =	shalt  }
0x80: {  	_ =	shalt  }
0x81: {  	_ =	shalt  }
0x82: {  	_ =	shalt  }
0x83: {  	_ =	shalt  }
0x84: {  	_ =	shalt  }
0x85: {  	_ =	shalt  }
0x86: {  	_ =	shalt  }
0x87: {  	_ =	shalt  }
.Lfunc_end0:
.L_simem_size_0:
called_computation.1_lowered:
.L_overlay_start_0:
0x88: {  	s2 =	sld [smem:$0x3FD9]  }
0x89: {  	s3 =	sld [smem:$0x3FFE];
	_ =	sdelay $0x1  }
0x8a: {  	s1 =	srdreg.scid  }
0x8b: {  	s0 =	sand.u32 $0x1, s1  }
0x8c: {  	s17 =	sshll.u32 s0, $0xA;
	s2 =	sadd.s32 s3, s2  }
0x8d: {  	s2 =	sadd.s32 s2, s17  }
0x8e: {  	[smem:$0x3FC1] =	sst s2  }
0x8f: {  	_ = 	snop  }
0x90: {  	s2 =	sld [smem:$0x3FD0];
	(tm) =	ssettm $0x1  }
0x91: {  	s18 =	sld [smem:$0x3FFB];
	_ =	sdelay $0x3  }
0x92: {  	_ =	strace s18  }
0x93: {  	s3 =	sld [smem:$0x3FFC];
	_ =	sdelay $0x3  }
0x94: {  	_ =	strace s3  }
0x95: {  	s3 =	sld [smem:$0x3FFD];
	_ =	sdelay $0x3  }
0x96: {  	_ =	strace s3  }
0x97: {  	_ =	strace $0x8FFFFFFF  }
0x98: {  	s19 =	sld [smem:$0x3FDB];
	_ =	sdelay $0x1  }
0x99: {  	s4 =	simm.s32 $_scs_section_size  }
0x9a: {  	s5 =	simm.s32 $_size__tile_overlayer_lowered;
	s6 =	simm.s32 $_tile_overlayer_lowered  }
0x9b: {  	s22 =	simm.s32 $0x1BFF;
	s21 =	sshll.u32 s6, $0x1;
	s3 =	sadd.s32 s4, s19  }
0x9c: {  	s7 =	simm.s32 $0x0;
	s20 =	sshll.u32 s5, $0x1;
	s5 =	sadd.s32 s21, s3  }
0x9d: {  	[timem:s7], [sflag:s22] =	dma.local [hbm:s5], s20  }
0x9e: {  	_ =	swait.ge [sflag:s22], s20  }
0x9f: {  	s4 =	ssub.s32 $0x0, s20;
	[sflag:s22] =	ssyncset.done $0x0  }
0xa0: {  	[sflag:s22] =	ssyncadd.s32 s4;
	_ =	sdelay $0x1  }
0xa1: {  	s23 =	simm.s32 $0x1B8B  }
0xa2: {  	_ =	swait.ge [sflag:s23], $0x1  }
0xa3: {  	[sflag:s23] =	ssyncset.done $0x0  }
0xa4: {  	s25 =	simm.s32 $0x1B8E;
	s24 =	sld [smem:$0x3FFE];
	[sflag:s23] =	ssyncadd.s32 $0xFFFFFFFF  }
0xa5: {  	s26 =	simm.s32 $execute0_lowered;
	[smem:$0x3FD2] =	sst s25  }
0xa6: {  	s5 =	sshll.u32 s26, $0x1;
	_ =	strace $0x80000049;
	[dreg:$0x1] =	wrdreg $0xFFFFFFFF  }
0xa7: {  	s28 =	simm.s32 $_size_execute0_lowered;
	s3 =	sadd.s32 s3, s5;
	[dreg:$0x0] =	wrdreg $0x0  }
0xa8: {  	s5 =	sshll.u32 s28, $0x1;
	[dreg:$0x2] =	wrdreg s3  }
0xa9: {  	[dreg:$0x3] =	wrdreg s5  }
0xaa: {  	[dreg:$0x4] =	wrdreg $0xC0  }
0xab: {  	_ =	task [dreg:s7], $0x5FFFF  }
0xac: {  	[dreg:$0x1] =	wrdreg $0xFFFFFFFF  }
0xad: {  	[dreg:$0x0] =	wrdreg $0x60  }
0xae: {  	[dreg:$0x2] =	wrdreg s24  }
0xaf: {  	[dreg:$0x3] =	wrdreg s2  }
0xb0: {  	[dreg:$0x4] =	wrdreg $0x1C5200  }
0xb1: {  	[dreg:$0x5] =	wrdreg $0x9  }
0xb2: {  	_ =	task.clear_ibuf [dreg:s7], $0x6FFFF;
	_ =	strace $0x90000049  }
0xb3: {  	s29 =	simm.s32 $0x9;
	_ =	strace $0x8000004B  }
0xb4: {  	_ =	swait.ge [sflag:s29], $0x1  }
0xb5: {  	[sflag:s29] =	ssyncadd.s32 $0xFFFFFFFF  }
0xb6: {  	_ =	strace $0x9000004B  }
0xb7: {  	_ =	sfence  }
0xb8: {  	s30 =	sld [smem:$0x0];
	_ =	sdelay $0x2  }
0xb9: {  	s31 =	sshll.u32 s1, $0xD;
	s1 =	sshrl.u32 s1, $0x2  }
0xba: {  	s3 =	sand.u32 $0x4000, s31;
	s1 =	sadd.s32 s1, s30  }
0xbb: {  	s0 =	sor.u32 s3, s0;
	s1 =	sshll.u32 s1, $0x11  }
0xbc: {  	s0 =	sor.u32 s1, s0  }
0xbd: {  	s0 =	sadd.s32 $0x8F2B, s0  }
0xbe: {  	[sflag:s0] =	ssyncadd.remote.s32 $0x1  }
0xbf: {  	_ =	sfence.sel $0xFFFF  }
0xc0: {  	[dreg:$0x0] =	wrdreg $0xFFFFFFFF;
	(pc) =	sbr.abs _section_cstart, $3  }
0xc1: {  	[dreg:$0x1] =	wrdreg $0xFFFFFFFF  }
0xc2: {  	_ =	task.clear_ibuf [dreg:s7], $0x2FFFF;
	_ =	strace $0x9FFFFFFF  }
0xc3: {  	(tm) =	ssettm $0x7FFFFFFF  }
tec
execute0_lowered:
.L_overlay_start_1:
0x0: {  	(tag) =	ssettag $0x1  }
0x1: {  	s0 =	rddreg [dreg:$0x0]  }
0x2: {  	s1 =	rddreg [dreg:$0x1]  }
0x3: {  	s2 =	rddreg [dreg:$0x2]  }
0x4: {  	s24 =	rddreg [dreg:$0x3];
	s20 =	simm.s32 $0x0  }
0x5: {  	s3 =	srdreg.scid;
	s9 =	stileid.u32;
	s28 =	simm.s32 $0x2710  }
0x6: {  	s16 =	simm.s32 $0x7D0;
	s17 =	simm.s32 $0xBB8;
	s18 =	simm.s32 $0xFA0  }
0x7: {  	s10 =	simm.s32 $0x8CA0;
	s19 =	simm.s32 $0x1388;
	s21 =	simm.s32 $0x2AF8  }
0x8: {  	s22 =	simm.s32 $0x2EE0;
	s25 =	simm.s32 $0x14820;
	s23 =	simm.s32 $0x32C8  }
0x9: {  	s26 =	simm.s32 $0x1770;
	[smem:$0x7FF] =	sst s20;
	s8 =	sadd.s32 $0x2A00, s0  }
0xa: {  	s31 =	simm.s32 $0x5;
	_ =	strace $0x8000004A;
	[dreg:$0x4] =	wrdreg s8  }
0xb: {  	s29 =	simm.s32 $0x6;
	p0 =	por $0x0, $0x0;
	[dreg:$0x7] =	wrdreg s16  }
0xc: {  	s3 =	sand.u32 $0x1, s3;
	s4 =	smul.u32 $0x2800, s9;
	[dreg:$0x8] =	wrdreg s17  }
0xd: {  	s5 =	sshll.u32 s9, $0x1;
	s6 =	sadd.s32 $0x3000, s0;
	[dreg:$0x9] =	wrdreg s18  }
0xe: {  	s14 =	sshll.u32 s9, $0x6;
	s9 =	simm.s32 $0xCB20;
	[dreg:$0xa] =	wrdreg s19  }
0xf: {  	s7 =	smul.u32 $0x28000, s3;
	s5 =	sor.u32 s3, s5;
	[dreg:$0xb] =	wrdreg s21  }
0x10: {  	s3 =	ssub.s32 $0x2, s3;
	s8 =	simm.s32 $0x109A0;
	[dreg:$0xc] =	wrdreg s22  }
0x11: {  	s21 =	simm.s32 $0x186A0;
	[dreg:$0xd] =	wrdreg s23;
	s19 =	simm.s32 $0x1  }
0x12: {  	[dreg:$0xe] =	wrdreg s26;
	s18 =	simm.s32 $0x2;
	s17 =	simm.s32 $0x1F40  }
0x13: {  	s16 =	simm.s32 $0x3;
	s22 =	simm.s32 $0x3E80;
	[dreg:$0x12] =	wrdreg s17  }
0x14: {  	s23 =	simm.s32 $0x2328;
	s26 =	simm.s32 $0x4268;
	[dreg:$0x13] =	wrdreg s22  }
0x15: {  	s5 =	smul.u32 $0x2710, s5;
	s11 =	sshrl.u32 s3, $0x1;
	[dreg:$0x14] =	wrdreg s23  }
0x16: {  	s13 =	sadd.s32 s4, s2;
	[dreg:$0x15] =	wrdreg s26;
	s17 =	simm.s32 $0x9  }
0x17: {  	s26 =	simm.s32 $0x4A38;
	s23 =	simm.s32 $0xB;
	s7 =	sadd.s32 s4, s7  }
0x18: {  	s22 =	simm.s32 $0xC;
	s12 =	ssub.s32 s3, s11;
	s7 =	sshrl.u32 s7, $0x3  }
0x19: {  	s3 =	sor.u32 $0x1C0D, s14;
	s4 =	simm.s32 $0xD;
	s0 =	sadd.s32 s7, s0  }
0x1a: {  	s11 =	simm.s32 $0x4E20;
	s14 =	simm.s32 $0x3A98;
	s0 =	sadd.s32 $0x8000, s0  }
0x1b: {  	s5 =	sshrl.u32 s5, $0x3;
	[dreg:$0x6] =	wrdreg s0;
	s0 =	smax.u32 s12, $0x1  }
0x1c: {  	[dreg:$0x11] =	wrdreg s14;
	s14 =	simm.s32 $0xA;
	p1 =	sne.s32 s0, $0x1  }
.Ltmp0:
0x1d: {  	s30 =	sadd.s32 s1, s5;
	s5 =	sshrl.u32 s13, $0x3;
	(pc) =	sbr.rel @!p1 .LBB2_1-.Ltmp0, $4  }
0x1e: {  	s7 =	simm.s32 $0x3E8;
	s13 =	simm.s32 $0x1B58;
	s1 =	rddreg [dreg:$0x4]  }
0x1f: {  	s15 =	sadd.s32 $0x9C40, s30;
	[dreg:$0x10] =	wrdreg s13;
	s13 =	simm.s32 $0x8  }
0x20: {  	[dreg:$0x5] =	wrdreg s15;
	s12 =	simm.s32 $0x36B0;
	s15 =	simm.s32 $0x4  }
0x21: {  	[dreg:$0xf] =	wrdreg s12;
	s12 =	simm.s32 $0x7;
	s0 =	sadd.s32 $0xFFFFFFFF, s0  }
0x22: {  	[spmem:s5], [sflag:s3] =	dma.local [hbm:s1], $0x500  }
0x23: {  	_ =	swait.ge [sflag:s4], $0x500  }
0x24: {  	[sflag:s4] =	ssyncset.done $0x0  }
0x25: {  	[sflag:s4] =	ssyncadd.s32 $0xFFFFFB00  }
0x26: {  	[tilespmem:s20], [sflag:$0xD] =	stream.linear.gather [hbm4b:s30+s20], $0x2710, $0x38;
	[tilespmem:$0x1ED20] =	vst v63  }
0x27: {  	_ =	swait.ge [sflag:s4], $0x2710  }
0x28: {  	[sflag:s4] =	ssyncset.done $0x0  }
0x29: {  	s24 =	rddreg [dreg:$0x5];
	[sflag:s4] =	ssyncadd.s32 $0xFFFFD8F0  }
0x2a: {  	[tilespmem:s28], [sflag:$0xD] =	stream.linear.gather [hbm4b:s24+s20], $0x2710, $0x38;
	[tilespmem:$0x1ED20] =	vst v63  }
0x2b: {  	_ =	swait.ge [sflag:s4], $0x2710  }
0x2c: {  	[sflag:s4] =	ssyncset.done $0x0  }
0x2d: {  	[sflag:s4] =	ssyncadd.s32 $0xFFFFD8F0  }
0x2e: {  	[bflag:$0x0] =	sbarrier.arrive $0xFFFF  }
0x2f: {  	[tilespmem:s11], [sflag:$0x1] =	stream.indirect.gather [hbm4b:s6+s7], $0x10, s20, s7, $0xb8;
	[tilespmem:$0x1ED20] =	vst v63  }
0x30: {  	_ = 	snop  }
0x31: {  	[tilespmem:s10], [sflag:$0x2] =	stream.indirect.gather [hbm4b:s6+s7], $0x10, s7, s7, $0xb8;
	[tilespmem:$0x1ED20] =	vst v63  }
0x32: {  	s1 =	rddreg [dreg:$0x7]  }
0x33: {  	[tilespmem:s9], [sflag:$0x3] =	stream.indirect.gather [hbm4b:s6+s7], $0x10, s1, s7, $0xb8;
	[tilespmem:$0x1ED20] =	vst v63  }
0x34: {  	s24 =	smov.u32 s0;
	s0 =	rddreg [dreg:$0x8]  }
0x35: {  	[tilespmem:s8], [sflag:$0x4] =	stream.indirect.gather [hbm4b:s6+s7], $0x10, s0, s7, $0xb8;
	[tilespmem:$0x1ED20] =	vst v63  }
0x36: {  	s1 =	rddreg [dreg:$0x9]  }
0x37: {  	[tilespmem:s25], [sflag:$0x5] =	stream.indirect.gather [hbm4b:s6+s7], $0x10, s1, s7, $0xb8;
	[tilespmem:$0x1ED20] =	vst v63  }
0x38: {  	s0 =	rddreg [dreg:$0xa]  }
0x39: {  	[tilespmem:s21], [sflag:$0x6] =	stream.indirect.gather [hbm4b:s6+s7], $0x10, s0, s7, $0xb8;
	[tilespmem:$0x1ED20] =	vst v63  }
0x3a: {  	_ =	swait.ge [sflag:s19], $0x3E80  }
0x3b: {  	[sflag:s19] =	ssyncset.done $0x0  }
0x3c: {  	[sflag:s19] =	ssyncadd.s32 $0xFFFFC180  }
0x3d: {  	[spmem:s2] =	stream.indirect.scatter.add.f32 [tilespmem:s11], [sflag:$0x7], $0x10, s28, s7, $0xb8;
	[tilespmem:$0x1ED20] =	vst v63  }
0x3e: {  	_ =	swait.ge [sflag:s18], $0x3E80  }
0x3f: {  	[sflag:s18] =	ssyncset.done $0x0  }
0x40: {  	s1 =	rddreg [dreg:$0xb];
	[sflag:s18] =	ssyncadd.s32 $0xFFFFC180  }
0x41: {  	[spmem:s2] =	stream.indirect.scatter.add.f32 [tilespmem:s10], [sflag:$0x8], $0x10, s1, s7, $0xb8;
	[tilespmem:$0x1ED20] =	vst v63  }
0x42: {  	_ =	swait.ge [sflag:s16], $0x3E80  }
0x43: {  	[sflag:s16] =	ssyncset.done $0x0  }
0x44: {  	s1 =	rddreg [dreg:$0xc];
	[sflag:s16] =	ssyncadd.s32 $0xFFFFC180  }
0x45: {  	[spmem:s2] =	stream.indirect.scatter.add.f32 [tilespmem:s9], [sflag:$0x9], $0x10, s1, s7, $0xb8;
	[tilespmem:$0x1ED20] =	vst v63  }
0x46: {  	_ =	swait.ge [sflag:s15], $0x3E80  }
0x47: {  	[sflag:s15] =	ssyncset.done $0x0  }
0x48: {  	s1 =	rddreg [dreg:$0xd];
	[sflag:s15] =	ssyncadd.s32 $0xFFFFC180  }
0x49: {  	[spmem:s2] =	stream.indirect.scatter.add.f32 [tilespmem:s8], [sflag:$0xA], $0x10, s1, s7, $0xb8;
	[tilespmem:$0x1ED20] =	vst v63  }
0x4a: {  	_ =	swait.ge [sflag:s12], $0x3E80  }
0x4b: {  	[sflag:s12] =	ssyncset.done $0x0  }
0x4c: {  	s1 =	rddreg [dreg:$0xe];
	[sflag:s12] =	ssyncadd.s32 $0xFFFFC180  }
0x4d: {  	[tilespmem:s11], [sflag:$0x1] =	stream.indirect.gather [hbm4b:s6+s7], $0x10, s1, s7, $0xb8;
	[tilespmem:$0x1ED20] =	vst v63  }
0x4e: {  	_ =	swait.ge [sflag:s31], $0x3E80  }
0x4f: {  	[sflag:s31] =	ssyncset.done $0x0  }
0x50: {  	s1 =	rddreg [dreg:$0xf];
	[sflag:s31] =	ssyncadd.s32 $0xFFFFC180  }
0x51: {  	[spmem:s2] =	stream.indirect.scatter.add.f32 [tilespmem:s25], [sflag:$0xB], $0x10, s1, s7, $0xb8;
	[tilespmem:$0x1ED20] =	vst v63  }
0x52: {  	_ =	swait.ge [sflag:s13], $0x3E80  }
0x53: {  	[sflag:s13] =	ssyncset.done $0x0  }
0x54: {  	s1 =	rddreg [dreg:$0x10];
	[sflag:s13] =	ssyncadd.s32 $0xFFFFC180  }
0x55: {  	[tilespmem:s10], [sflag:$0x2] =	stream.indirect.gather [hbm4b:s6+s7], $0x10, s1, s7, $0xb8;
	[tilespmem:$0x1ED20] =	vst v63  }
0x56: {  	_ =	swait.ge [sflag:s29], $0x3E80  }
0x57: {  	[sflag:s29] =	ssyncset.done $0x0  }
0x58: {  	s1 =	rddreg [dreg:$0x11];
	[sflag:s29] =	ssyncadd.s32 $0xFFFFC180  }
0x59: {  	[spmem:s2] =	stream.indirect.scatter.add.f32 [tilespmem:s21], [sflag:$0xC], $0x10, s1, s7, $0xb8;
	[tilespmem:$0x1ED20] =	vst v63  }
0x5a: {  	_ =	swait.ge [sflag:s17], $0x3E80  }
0x5b: {  	[sflag:s17] =	ssyncset.done $0x0  }
0x5c: {  	s1 =	rddreg [dreg:$0x12];
	[sflag:s17] =	ssyncadd.s32 $0xFFFFC180  }
0x5d: {  	[tilespmem:s9], [sflag:$0x3] =	stream.indirect.gather [hbm4b:s6+s7], $0x10, s1, s7, $0xb8;
	[tilespmem:$0x1ED20] =	vst v63  }
0x5e: {  	_ =	swait.ge [sflag:s19], $0x3E80  }
0x5f: {  	[sflag:s19] =	ssyncset.done $0x0  }
0x60: {  	s1 =	rddreg [dreg:$0x13];
	[sflag:s19] =	ssyncadd.s32 $0xFFFFC180  }
0x61: {  	[spmem:s2] =	stream.indirect.scatter.add.f32 [tilespmem:s11], [sflag:$0x7], $0x10, s1, s7, $0xb8;
	[tilespmem:$0x1ED20] =	vst v63  }
0x62: {  	_ =	swait.ge [sflag:s14], $0x3E80  }
0x63: {  	[sflag:s14] =	ssyncset.done $0x0  }
0x64: {  	s1 =	rddreg [dreg:$0x14];
	[sflag:s14] =	ssyncadd.s32 $0xFFFFC180  }
0x65: {  	[tilespmem:s8], [sflag:$0x4] =	stream.indirect.gather [hbm4b:s6+s7], $0x10, s1, s7, $0xb8;
	[tilespmem:$0x1ED20] =	vst v63  }
0x66: {  	_ =	swait.ge [sflag:s18], $0x3E80  }
0x67: {  	[sflag:s18] =	ssyncset.done $0x0  }
0x68: {  	s1 =	rddreg [dreg:$0x15];
	[sflag:s18] =	ssyncadd.s32 $0xFFFFC180  }
0x69: {  	[spmem:s2] =	stream.indirect.scatter.add.f32 [tilespmem:s10], [sflag:$0x8], $0x10, s1, s7, $0xb8;
	[tilespmem:$0x1ED20] =	vst v63  }
0x6a: {  	_ =	swait.ge [sflag:s16], $0x3E80  }
0x6b: {  	[sflag:s16] =	ssyncset.done $0x0  }
0x6c: {  	s1 =	simm.s32 $0x4650;
	[sflag:s16] =	ssyncadd.s32 $0xFFFFC180  }
0x6d: {  	[spmem:s2] =	stream.indirect.scatter.add.f32 [tilespmem:s9], [sflag:$0x9], $0x10, s1, s7, $0xb8;
	[tilespmem:$0x1ED20] =	vst v63  }
0x6e: {  	_ =	swait.ge [sflag:s15], $0x3E80  }
0x6f: {  	[sflag:s15] =	ssyncset.done $0x0  }
0x70: {  	[sflag:s15] =	ssyncadd.s32 $0xFFFFC180  }
0x71: {  	[spmem:s2] =	stream.indirect.scatter.add.f32 [tilespmem:s8], [sflag:$0xA], $0x10, s26, s7, $0xb8;
	[tilespmem:$0x1ED20] =	vst v63  }
0x72: {  	_ =	swait.ge [sflag:s23], $0x3E80  }
0x73: {  	[sflag:s23] =	ssyncset.done $0x0  }
0x74: {  	[sflag:s23] =	ssyncadd.s32 $0xFFFFC180  }
0x75: {  	_ =	swait.ge [sflag:s22], $0x3E80  }
0x76: {  	[sflag:s22] =	ssyncset.done $0x0  }
0x77: {  	[sflag:s22] =	ssyncadd.s32 $0xFFFFC180  }
0x78: {  	_ =	swait.ge [sflag:s12], $0x3E80  }
0x79: {  	[sflag:s12] =	ssyncset.done $0x0  }
0x7a: {  	[sflag:s12] =	ssyncadd.s32 $0xFFFFC180  }
0x7b: {  	_ =	swait.ge [sflag:s13], $0x3E80  }
0x7c: {  	[sflag:s13] =	ssyncset.done $0x0  }
0x7d: {  	[sflag:s13] =	ssyncadd.s32 $0xFFFFC180  }
0x7e: {  	_ =	swait.ge [sflag:s17], $0x3E80  }
0x7f: {  	[sflag:s17] =	ssyncset.done $0x0  }
0x80: {  	[sflag:s17] =	ssyncadd.s32 $0xFFFFC180  }
0x81: {  	_ =	swait.ge [sflag:s14], $0x3E80  }
0x82: {  	[sflag:s14] =	ssyncset.done $0x0  }
0x83: {  	p1 =	sne.s32 s24, $0x1;
	[sflag:s14] =	ssyncadd.s32 $0xFFFFC180  }
.Ltmp1:
0x84: {  	[bflag:$0x0] =	sbarrier.arrive $0xFFFF;
	(pc) =	sbr.rel @!p1 .LBB2_3-.Ltmp1, $4  }
0x85: {  	s1 =	rddreg [dreg:$0x6]  }
0x86: {  	[hbm:s1], [sflag:s3] =	dma.local [spmem:s5], $0x500  }
0x87: {  	p0 =	por $0x1, $0x1;
	_ =	swait.ge [sflag:s4], $0x500  }
0x88: {  	s0 =	sadd.s32 $0xFFFFFFFF, s24;
	s1 =	rddreg [dreg:$0x4];
	[sflag:s4] =	ssyncset.done $0x0  }
.LBB2_4:
0x89: {  	[sflag:s4] =	ssyncadd.s32 $0xFFFFFB00  }
0x8a: {  	[spmem:s5], [sflag:s3] =	dma.local [hbm:s1], $0x500  }
0x8b: {  	_ =	swait.ge [sflag:s4], $0x500  }
0x8c: {  	[sflag:s4] =	ssyncset.done $0x0  }
0x8d: {  	[sflag:s4] =	ssyncadd.s32 $0xFFFFFB00  }
0x8e: {  	[tilespmem:s20], [sflag:$0xD] =	stream.linear.gather [hbm4b:s30+s20], $0x2710, $0x38;
	[tilespmem:$0x1ED20] =	vst v63  }
0x8f: {  	_ =	swait.ge [sflag:s4], $0x2710  }
0x90: {  	[sflag:s4] =	ssyncset.done $0x0  }
0x91: {  	s24 =	rddreg [dreg:$0x5];
	[sflag:s4] =	ssyncadd.s32 $0xFFFFD8F0  }
0x92: {  	[tilespmem:s28], [sflag:$0xD] =	stream.linear.gather [hbm4b:s24+s20], $0x2710, $0x38;
	[tilespmem:$0x1ED20] =	vst v63  }
0x93: {  	_ =	swait.ge [sflag:s4], $0x2710  }
0x94: {  	[sflag:s4] =	ssyncset.done $0x0  }
0x95: {  	[sflag:s4] =	ssyncadd.s32 $0xFFFFD8F0  }
0x96: {  	[bflag:$0x0] =	sbarrier.arrive $0xFFFF  }
0x97: {  	[tilespmem:s11], [sflag:$0x1] =	stream.indirect.gather [hbm4b:s6+s7], $0x10, s20, s7, $0xb8;
	[tilespmem:$0x1ED20] =	vst v63  }
0x98: {  	_ = 	snop  }
0x99: {  	[tilespmem:s10], [sflag:$0x2] =	stream.indirect.gather [hbm4b:s6+s7], $0x10, s7, s7, $0xb8;
	[tilespmem:$0x1ED20] =	vst v63  }
0x9a: {  	s1 =	rddreg [dreg:$0x7]  }
0x9b: {  	[tilespmem:s9], [sflag:$0x3] =	stream.indirect.gather [hbm4b:s6+s7], $0x10, s1, s7, $0xb8;
	[tilespmem:$0x1ED20] =	vst v63  }
0x9c: {  	s24 =	rddreg [dreg:$0x8]  }
0x9d: {  	[tilespmem:s8], [sflag:$0x4] =	stream.indirect.gather [hbm4b:s6+s7], $0x10, s24, s7, $0xb8;
	[tilespmem:$0x1ED20] =	vst v63  }
0x9e: {  	s1 =	rddreg [dreg:$0x9]  }
0x9f: {  	[tilespmem:s25], [sflag:$0x5] =	stream.indirect.gather [hbm4b:s6+s7], $0x10, s1, s7, $0xb8;
	[tilespmem:$0x1ED20] =	vst v63  }
0xa0: {  	s24 =	rddreg [dreg:$0xa]  }
0xa1: {  	[tilespmem:s21], [sflag:$0x6] =	stream.indirect.gather [hbm4b:s6+s7], $0x10, s24, s7, $0xb8;
	[tilespmem:$0x1ED20] =	vst v63  }
0xa2: {  	_ =	swait.ge [sflag:s19], $0x3E80  }
0xa3: {  	[sflag:s19] =	ssyncset.done $0x0  }
0xa4: {  	[sflag:s19] =	ssyncadd.s32 $0xFFFFC180  }
0xa5: {  	[spmem:s2] =	stream.indirect.scatter.add.f32 [tilespmem:s11], [sflag:$0x7], $0x10, s28, s7, $0xb8;
	[tilespmem:$0x1ED20] =	vst v63  }
0xa6: {  	_ =	swait.ge [sflag:s18], $0x3E80  }
0xa7: {  	[sflag:s18] =	ssyncset.done $0x0  }
0xa8: {  	s24 =	rddreg [dreg:$0xb];
	[sflag:s18] =	ssyncadd.s32 $0xFFFFC180  }
0xa9: {  	[spmem:s2] =	stream.indirect.scatter.add.f32 [tilespmem:s10], [sflag:$0x8], $0x10, s24, s7, $0xb8;
	[tilespmem:$0x1ED20] =	vst v63  }
0xaa: {  	_ =	swait.ge [sflag:s16], $0x3E80  }
0xab: {  	[sflag:s16] =	ssyncset.done $0x0  }
0xac: {  	s24 =	rddreg [dreg:$0xc];
	[sflag:s16] =	ssyncadd.s32 $0xFFFFC180  }
0xad: {  	[spmem:s2] =	stream.indirect.scatter.add.f32 [tilespmem:s9], [sflag:$0x9], $0x10, s24, s7, $0xb8;
	[tilespmem:$0x1ED20] =	vst v63  }
0xae: {  	_ =	swait.ge [sflag:s15], $0x3E80  }
0xaf: {  	[sflag:s15] =	ssyncset.done $0x0  }
0xb0: {  	s24 =	rddreg [dreg:$0xd];
	[sflag:s15] =	ssyncadd.s32 $0xFFFFC180  }
0xb1: {  	[spmem:s2] =	stream.indirect.scatter.add.f32 [tilespmem:s8], [sflag:$0xA], $0x10, s24, s7, $0xb8;
	[tilespmem:$0x1ED20] =	vst v63  }
0xb2: {  	_ =	swait.ge [sflag:s12], $0x3E80  }
0xb3: {  	[sflag:s12] =	ssyncset.done $0x0  }
0xb4: {  	s24 =	rddreg [dreg:$0xe];
	[sflag:s12] =	ssyncadd.s32 $0xFFFFC180  }
0xb5: {  	[tilespmem:s11], [sflag:$0x1] =	stream.indirect.gather [hbm4b:s6+s7], $0x10, s24, s7, $0xb8;
	[tilespmem:$0x1ED20] =	vst v63  }
0xb6: {  	_ =	swait.ge [sflag:s31], $0x3E80  }
0xb7: {  	[sflag:s31] =	ssyncset.done $0x0  }
0xb8: {  	s24 =	rddreg [dreg:$0xf];
	[sflag:s31] =	ssyncadd.s32 $0xFFFFC180  }
0xb9: {  	[spmem:s2] =	stream.indirect.scatter.add.f32 [tilespmem:s25], [sflag:$0xB], $0x10, s24, s7, $0xb8;
	[tilespmem:$0x1ED20] =	vst v63  }
0xba: {  	_ =	swait.ge [sflag:s13], $0x3E80  }
0xbb: {  	[sflag:s13] =	ssyncset.done $0x0  }
0xbc: {  	s24 =	rddreg [dreg:$0x10];
	[sflag:s13] =	ssyncadd.s32 $0xFFFFC180  }
0xbd: {  	[tilespmem:s10], [sflag:$0x2] =	stream.indirect.gather [hbm4b:s6+s7], $0x10, s24, s7, $0xb8;
	[tilespmem:$0x1ED20] =	vst v63  }
0xbe: {  	_ =	swait.ge [sflag:s29], $0x3E80  }
0xbf: {  	[sflag:s29] =	ssyncset.done $0x0  }
0xc0: {  	s24 =	rddreg [dreg:$0x11];
	[sflag:s29] =	ssyncadd.s32 $0xFFFFC180  }
0xc1: {  	[spmem:s2] =	stream.indirect.scatter.add.f32 [tilespmem:s21], [sflag:$0xC], $0x10, s24, s7, $0xb8;
	[tilespmem:$0x1ED20] =	vst v63  }
0xc2: {  	_ =	swait.ge [sflag:s17], $0x3E80  }
0xc3: {  	[sflag:s17] =	ssyncset.done $0x0  }
0xc4: {  	s24 =	rddreg [dreg:$0x12];
	[sflag:s17] =	ssyncadd.s32 $0xFFFFC180  }
0xc5: {  	[tilespmem:s9], [sflag:$0x3] =	stream.indirect.gather [hbm4b:s6+s7], $0x10, s24, s7, $0xb8;
	[tilespmem:$0x1ED20] =	vst v63  }
0xc6: {  	_ =	swait.ge [sflag:s19], $0x3E80  }
0xc7: {  	[sflag:s19] =	ssyncset.done $0x0  }
0xc8: {  	s24 =	rddreg [dreg:$0x13];
	[sflag:s19] =	ssyncadd.s32 $0xFFFFC180  }
0xc9: {  	[spmem:s2] =	stream.indirect.scatter.add.f32 [tilespmem:s11], [sflag:$0x7], $0x10, s24, s7, $0xb8;
	[tilespmem:$0x1ED20] =	vst v63  }
0xca: {  	_ =	swait.ge [sflag:s14], $0x3E80  }
0xcb: {  	[sflag:s14] =	ssyncset.done $0x0  }
0xcc: {  	s24 =	rddreg [dreg:$0x14];
	[sflag:s14] =	ssyncadd.s32 $0xFFFFC180  }
0xcd: {  	[tilespmem:s8], [sflag:$0x4] =	stream.indirect.gather [hbm4b:s6+s7], $0x10, s24, s7, $0xb8;
	[tilespmem:$0x1ED20] =	vst v63  }
0xce: {  	_ =	swait.ge [sflag:s18], $0x3E80  }
0xcf: {  	[sflag:s18] =	ssyncset.done $0x0  }
0xd0: {  	s24 =	rddreg [dreg:$0x15];
	[sflag:s18] =	ssyncadd.s32 $0xFFFFC180  }
0xd1: {  	[spmem:s2] =	stream.indirect.scatter.add.f32 [tilespmem:s10], [sflag:$0x8], $0x10, s24, s7, $0xb8;
	[tilespmem:$0x1ED20] =	vst v63  }
0xd2: {  	_ =	swait.ge [sflag:s16], $0x3E80  }
0xd3: {  	[sflag:s16] =	ssyncset.done $0x0  }
0xd4: {  	s24 =	simm.s32 $0x4650;
	[sflag:s16] =	ssyncadd.s32 $0xFFFFC180  }
0xd5: {  	[spmem:s2] =	stream.indirect.scatter.add.f32 [tilespmem:s9], [sflag:$0x9], $0x10, s24, s7, $0xb8;
	[tilespmem:$0x1ED20] =	vst v63  }
0xd6: {  	_ =	swait.ge [sflag:s15], $0x3E80  }
0xd7: {  	[sflag:s15] =	ssyncset.done $0x0  }
0xd8: {  	[sflag:s15] =	ssyncadd.s32 $0xFFFFC180  }
0xd9: {  	[spmem:s2] =	stream.indirect.scatter.add.f32 [tilespmem:s8], [sflag:$0xA], $0x10, s26, s7, $0xb8;
	[tilespmem:$0x1ED20] =	vst v63  }
0xda: {  	_ =	swait.ge [sflag:s23], $0x3E80  }
0xdb: {  	[sflag:s23] =	ssyncset.done $0x0  }
0xdc: {  	[sflag:s23] =	ssyncadd.s32 $0xFFFFC180  }
0xdd: {  	_ =	swait.ge [sflag:s22], $0x3E80  }
0xde: {  	[sflag:s22] =	ssyncset.done $0x0  }
0xdf: {  	[sflag:s22] =	ssyncadd.s32 $0xFFFFC180  }
0xe0: {  	_ =	swait.ge [sflag:s12], $0x3E80  }
0xe1: {  	[sflag:s12] =	ssyncset.done $0x0  }
0xe2: {  	[sflag:s12] =	ssyncadd.s32 $0xFFFFC180  }
0xe3: {  	_ =	swait.ge [sflag:s13], $0x3E80  }
0xe4: {  	[sflag:s13] =	ssyncset.done $0x0  }
0xe5: {  	[sflag:s13] =	ssyncadd.s32 $0xFFFFC180  }
0xe6: {  	_ =	swait.ge [sflag:s17], $0x3E80  }
0xe7: {  	[sflag:s17] =	ssyncset.done $0x0  }
0xe8: {  	[sflag:s17] =	ssyncadd.s32 $0xFFFFC180  }
0xe9: {  	_ =	swait.ge [sflag:s14], $0x3E80  }
0xea: {  	[sflag:s14] =	ssyncset.done $0x0  }
0xeb: {  	p1 =	sne.s32 s0, $0x1;
	[sflag:s14] =	ssyncadd.s32 $0xFFFFC180  }
.Ltmp2:
0xec: {  	[bflag:$0x0] =	sbarrier.arrive $0xFFFF;
	(pc) =	sbr.rel @p1 .LBB2_4-.Ltmp2, $4  }
0xed: {  	s24 =	rddreg [dreg:$0x6]  }
0xee: {  	[hbm:s24], [sflag:s3] =	dma.local [spmem:s5], $0x500  }
0xef: {  	_ =	swait.ge [sflag:s4], $0x500  }
0xf0: {  	s0 =	sadd.s32 $0xFFFFFFFF, s0;
	s1 =	rddreg [dreg:$0x4];
	[sflag:s4] =	ssyncset.done $0x0  }
0xf1: {  	s26 =	simm.s32 $0x4650;
	s24 =	rddreg [dreg:$0x3]  }
.LBB2_6:
0xf2: {  	[sflag:s4] =	ssyncadd.s32 @p0 $0xFFFFFB00  }
0xf3: {  	[spmem:s5], [sflag:s3] =	dma.local [hbm:s1], $0x500  }
0xf4: {  	_ =	swait.ge [sflag:s4], $0x500  }
0xf5: {  	[sflag:s4] =	ssyncset.done $0x0  }
0xf6: {  	[sflag:s4] =	ssyncadd.s32 $0xFFFFFB00  }
0xf7: {  	[tilespmem:s20], [sflag:$0xD] =	stream.linear.gather [hbm4b:s30+s20], $0x2710, $0x38;
	[tilespmem:$0x1ED20] =	vst v63  }
0xf8: {  	_ =	swait.ge [sflag:s4], $0x2710  }
0xf9: {  	[sflag:s4] =	ssyncset.done $0x0  }
0xfa: {  	s0 =	rddreg [dreg:$0x5];
	[sflag:s4] =	ssyncadd.s32 $0xFFFFD8F0  }
0xfb: {  	[tilespmem:s28], [sflag:$0xD] =	stream.linear.gather [hbm4b:s0+s20], $0x2710, $0x38;
	[tilespmem:$0x1ED20] =	vst v63  }
0xfc: {  	_ =	swait.ge [sflag:s4], $0x2710  }
0xfd: {  	[sflag:s4] =	ssyncset.done $0x0  }
0xfe: {  	[sflag:s4] =	ssyncadd.s32 $0xFFFFD8F0  }
0xff: {  	[bflag:$0x0] =	sbarrier.arrive $0xFFFF  }
0x100: {  	[tilespmem:s11], [sflag:$0x1] =	stream.indirect.gather [hbm4b:s6+s7], $0x10, s20, s7, $0xb8;
	[tilespmem:$0x1ED20] =	vst v63  }
0x101: {  	_ = 	snop  }
0x102: {  	[tilespmem:s10], [sflag:$0x2] =	stream.indirect.gather [hbm4b:s6+s7], $0x10, s7, s7, $0xb8;
	[tilespmem:$0x1ED20] =	vst v63  }
0x103: {  	s1 =	rddreg [dreg:$0x7]  }
0x104: {  	[tilespmem:s9], [sflag:$0x3] =	stream.indirect.gather [hbm4b:s6+s7], $0x10, s1, s7, $0xb8;
	[tilespmem:$0x1ED20] =	vst v63  }
0x105: {  	s20 =	rddreg [dreg:$0x8]  }
0x106: {  	[tilespmem:s8], [sflag:$0x4] =	stream.indirect.gather [hbm4b:s6+s7], $0x10, s20, s7, $0xb8;
	[tilespmem:$0x1ED20] =	vst v63  }
0x107: {  	s30 =	rddreg [dreg:$0x9]  }
0x108: {  	[tilespmem:s25], [sflag:$0x5] =	stream.indirect.gather [hbm4b:s6+s7], $0x10, s30, s7, $0xb8;
	[tilespmem:$0x1ED20] =	vst v63  }
0x109: {  	s20 =	rddreg [dreg:$0xa]  }
0x10a: {  	[tilespmem:s21], [sflag:$0x6] =	stream.indirect.gather [hbm4b:s6+s7], $0x10, s20, s7, $0xb8;
	[tilespmem:$0x1ED20] =	vst v63  }
0x10b: {  	_ =	swait.ge [sflag:s19], $0x3E80  }
0x10c: {  	[sflag:s19] =	ssyncset.done $0x0  }
0x10d: {  	[sflag:s19] =	ssyncadd.s32 $0xFFFFC180  }
0x10e: {  	[spmem:s2] =	stream.indirect.scatter.add.f32 [tilespmem:s11], [sflag:$0x7], $0x10, s28, s7, $0xb8;
	[tilespmem:$0x1ED20] =	vst v63  }
0x10f: {  	_ =	swait.ge [sflag:s18], $0x3E80  }
0x110: {  	[sflag:s18] =	ssyncset.done $0x0  }
0x111: {  	s30 =	rddreg [dreg:$0xb];
	[sflag:s18] =	ssyncadd.s32 $0xFFFFC180  }
0x112: {  	[spmem:s2] =	stream.indirect.scatter.add.f32 [tilespmem:s10], [sflag:$0x8], $0x10, s30, s7, $0xb8;
	[tilespmem:$0x1ED20] =	vst v63  }
0x113: {  	_ =	swait.ge [sflag:s16], $0x3E80  }
0x114: {  	[sflag:s16] =	ssyncset.done $0x0  }
0x115: {  	s1 =	rddreg [dreg:$0xc];
	[sflag:s16] =	ssyncadd.s32 $0xFFFFC180  }
0x116: {  	[spmem:s2] =	stream.indirect.scatter.add.f32 [tilespmem:s9], [sflag:$0x9], $0x10, s1, s7, $0xb8;
	[tilespmem:$0x1ED20] =	vst v63  }
0x117: {  	_ =	swait.ge [sflag:s15], $0x3E80  }
0x118: {  	[sflag:s15] =	ssyncset.done $0x0  }
0x119: {  	s20 =	rddreg [dreg:$0xd];
	[sflag:s15] =	ssyncadd.s32 $0xFFFFC180  }
0x11a: {  	[spmem:s2] =	stream.indirect.scatter.add.f32 [tilespmem:s8], [sflag:$0xA], $0x10, s20, s7, $0xb8;
	[tilespmem:$0x1ED20] =	vst v63  }
0x11b: {  	_ =	swait.ge [sflag:s12], $0x3E80  }
0x11c: {  	[sflag:s12] =	ssyncset.done $0x0  }
0x11d: {  	s28 =	rddreg [dreg:$0xe];
	[sflag:s12] =	ssyncadd.s32 $0xFFFFC180  }
0x11e: {  	[tilespmem:s11], [sflag:$0x1] =	stream.indirect.gather [hbm4b:s6+s7], $0x10, s28, s7, $0xb8;
	[tilespmem:$0x1ED20] =	vst v63  }
0x11f: {  	_ =	swait.ge [sflag:s31], $0x3E80  }
0x120: {  	[sflag:s31] =	ssyncset.done $0x0  }
0x121: {  	s30 =	rddreg [dreg:$0xf];
	[sflag:s31] =	ssyncadd.s32 $0xFFFFC180  }
0x122: {  	[spmem:s2] =	stream.indirect.scatter.add.f32 [tilespmem:s25], [sflag:$0xB], $0x10, s30, s7, $0xb8;
	[tilespmem:$0x1ED20] =	vst v63  }
0x123: {  	_ =	swait.ge [sflag:s13], $0x3E80  }
0x124: {  	[sflag:s13] =	ssyncset.done $0x0  }
0x125: {  	s31 =	rddreg [dreg:$0x10];
	[sflag:s13] =	ssyncadd.s32 $0xFFFFC180  }
0x126: {  	[tilespmem:s10], [sflag:$0x2] =	stream.indirect.gather [hbm4b:s6+s7], $0x10, s31, s7, $0xb8;
	[tilespmem:$0x1ED20] =	vst v63  }
0x127: {  	_ =	swait.ge [sflag:s29], $0x3E80  }
0x128: {  	[sflag:s29] =	ssyncset.done $0x0  }
0x129: {  	s1 =	rddreg [dreg:$0x11];
	[sflag:s29] =	ssyncadd.s32 $0xFFFFC180  }
0x12a: {  	[spmem:s2] =	stream.indirect.scatter.add.f32 [tilespmem:s21], [sflag:$0xC], $0x10, s1, s7, $0xb8;
	[tilespmem:$0x1ED20] =	vst v63  }
0x12b: {  	_ =	swait.ge [sflag:s17], $0x3E80  }
0x12c: {  	[sflag:s17] =	ssyncset.done $0x0  }
0x12d: {  	s20 =	rddreg [dreg:$0x12];
	[sflag:s17] =	ssyncadd.s32 $0xFFFFC180  }
0x12e: {  	[tilespmem:s9], [sflag:$0x3] =	stream.indirect.gather [hbm4b:s6+s7], $0x10, s20, s7, $0xb8;
	[tilespmem:$0x1ED20] =	vst v63  }
0x12f: {  	_ =	swait.ge [sflag:s19], $0x3E80  }
0x130: {  	[sflag:s19] =	ssyncset.done $0x0  }
0x131: {  	s21 =	rddreg [dreg:$0x13];
	[sflag:s19] =	ssyncadd.s32 $0xFFFFC180  }
0x132: {  	[spmem:s2] =	stream.indirect.scatter.add.f32 [tilespmem:s11], [sflag:$0x7], $0x10, s21, s7, $0xb8;
	[tilespmem:$0x1ED20] =	vst v63  }
0x133: {  	_ =	swait.ge [sflag:s14], $0x3E80  }
0x134: {  	[sflag:s14] =	ssyncset.done $0x0  }
0x135: {  	s25 =	rddreg [dreg:$0x14];
	[sflag:s14] =	ssyncadd.s32 $0xFFFFC180  }
0x136: {  	[tilespmem:s8], [sflag:$0x4] =	stream.indirect.gather [hbm4b:s6+s7], $0x10, s25, s7, $0xb8;
	[tilespmem:$0x1ED20] =	vst v63  }
0x137: {  	_ =	swait.ge [sflag:s18], $0x3E80  }
0x138: {  	[sflag:s18] =	ssyncset.done $0x0  }
0x139: {  	s28 =	rddreg [dreg:$0x15];
	[sflag:s18] =	ssyncadd.s32 $0xFFFFC180  }
0x13a: {  	[spmem:s2] =	stream.indirect.scatter.add.f32 [tilespmem:s10], [sflag:$0x8], $0x10, s28, s7, $0xb8;
	[tilespmem:$0x1ED20] =	vst v63  }
0x13b: {  	_ =	swait.ge [sflag:s16], $0x3E80  }
0x13c: {  	[sflag:s16] =	ssyncset.done $0x0  }
0x13d: {  	[sflag:s16] =	ssyncadd.s32 $0xFFFFC180  }
0x13e: {  	[spmem:s2] =	stream.indirect.scatter.add.f32 [tilespmem:s9], [sflag:$0x9], $0x10, s26, s7, $0xb8;
	[tilespmem:$0x1ED20] =	vst v63  }
0x13f: {  	_ =	swait.ge [sflag:s15], $0x3E80  }
0x140: {  	[sflag:s15] =	ssyncset.done $0x0  }
0x141: {  	s29 =	simm.s32 $0x4A38;
	[sflag:s15] =	ssyncadd.s32 $0xFFFFC180  }
0x142: {  	[spmem:s2] =	stream.indirect.scatter.add.f32 [tilespmem:s8], [sflag:$0xA], $0x10, s29, s7, $0xb8;
	[tilespmem:$0x1ED20] =	vst v63  }
0x143: {  	_ =	swait.ge [sflag:s23], $0x3E80  }
0x144: {  	[sflag:s23] =	ssyncset.done $0x0  }
0x145: {  	[sflag:s23] =	ssyncadd.s32 $0xFFFFC180  }
0x146: {  	_ =	swait.ge [sflag:s22], $0x3E80  }
0x147: {  	[sflag:s22] =	ssyncset.done $0x0  }
0x148: {  	[sflag:s22] =	ssyncadd.s32 $0xFFFFC180  }
0x149: {  	_ =	swait.ge [sflag:s12], $0x3E80  }
0x14a: {  	[sflag:s12] =	ssyncset.done $0x0  }
0x14b: {  	[sflag:s12] =	ssyncadd.s32 $0xFFFFC180  }
0x14c: {  	_ =	swait.ge [sflag:s13], $0x3E80  }
0x14d: {  	[sflag:s13] =	ssyncset.done $0x0  }
0x14e: {  	[sflag:s13] =	ssyncadd.s32 $0xFFFFC180  }
0x14f: {  	_ =	swait.ge [sflag:s17], $0x3E80  }
0x150: {  	[sflag:s17] =	ssyncset.done $0x0  }
0x151: {  	[sflag:s17] =	ssyncadd.s32 $0xFFFFC180  }
0x152: {  	_ =	swait.ge [sflag:s14], $0x3E80  }
0x153: {  	[sflag:s14] =	ssyncset.done $0x0  }
0x154: {  	[sflag:s14] =	ssyncadd.s32 $0xFFFFC180  }
0x155: {  	[bflag:$0x0] =	sbarrier.arrive $0xFFFF  }
0x156: {  	s30 =	rddreg [dreg:$0x6]  }
0x157: {  	[hbm:s30], [sflag:s3] =	dma.local [spmem:s5], $0x500  }
0x158: {  	_ =	swait.ge [sflag:s4], $0x500  }
0x159: {  	[sflag:s4] =	ssyncset.done $0x0  }
0x15a: {  	[sflag:s4] =	ssyncadd.s32 $0xFFFFFB00  }
0x15b: {  	_ =	sfence.sel $0x180000  }
0x15c: {  	s31 =	stileid.u32;
	[bflag:$0x0] =	sbarrier.arrive $0xFFFF  }
0x15d: {  	p0 =	sne.s32 s31, $0x0;
	_ =	strace $0x9000004A  }
0x15e: {  	s0 =	sadd.s32 @!p0 $0x100000, s24;
	[bflag:$0x2] =	sbarrier.arrive $0xFFFF  }
0x15f: {  	[sflag:s0] =	ssyncadd.tile.s32 @!p0 $0x1;
	_ =	shalt  }
.LBB2_1:
.Ltmp3:
0x160: {  	(pc) =	sbr.rel .LBB2_6-.Ltmp3, $2  }
0x161: {  	_ =	sdelay $0x2  }
0x162: {  	s26 =	simm.s32 $0x4650  }
.LBB2_3:
.Ltmp4:
0x163: {  	(pc) =	sbr.rel .LBB2_6-.Ltmp4, $2  }
0x164: {  	_ =	sdelay $0x2  }
0x165: {  	s26 =	simm.s32 $0x4650;
	s24 =	rddreg [dreg:$0x3]  }
.Lfunc_end2:
_tile_overlayer_lowered:
.L_overlay_start_2:
0x166: {  	(tag) =	ssettag $0x2  }
0x167: {  	s0 =	rddreg [dreg:$0x0];
	s2 =	stileid.u32  }
0x168: {  	s1 =	rddreg [dreg:$0x1];
	p0 =	sne.s32 s2, $0x0  }
0x169: {  	s3 =	rddreg [dreg:$0x2];
	[bflag:$0x3] =	sbarrier.arrive $0xFFFF;
	s2 =	simm.s32 @!p0 $0x1C0D  }
0x16a: {  	[timem:s3], [sflag:s2] =	dma.local @!p0 [hbm:s0], s1  }
0x16b: {  	s0 =	simm.s32 @!p0 $0xD  }
0x16c: {  	_ =	swait.ge @!p0 [sflag:s0], s1  }
0x16d: {  	s1 =	ssub.s32 @!p0 $0x0, s1;
	[sflag:s0] =	ssyncset.done @!p0 $0x0  }
0x16e: {  	[sflag:s0] =	ssyncadd.s32 @!p0 s1  }
0x16f: {  	[bflag:$0x3] =	sbarrier.arrive $0xFFFF  }
0x170: {  	_ =	shalt  }

// kernel: kernel.15.cloned.1.call-start
scs
__scs_entry_jumppad:
0x0: {  	(pc) =	sbr.rel $0x88, $3  }
0x1: {  	(tag) =	ssettag $0x0;
	lr =	simm.s32 $0x1  }
0x2: {  	[smem:$0x3F9A] =	sst lr;
	_ =	strace $0xD0000000  }
0x3: {  	_ = 	snop  }
0x4: {  	_ = 	snop  }
0x5: {  	_ = 	snop  }
0x6: {  	_ = 	snop  }
0x7: {  	_ = 	snop  }
__scs_overlays_trampoline_lowered:
0x8: {  	[smem:$0x3FA9] =	sst s0  }
0x9: {  	[smem:$0x3FAA] =	sst s1  }
0xa: {  	[smem:$0x3FAB] =	sst s2  }
0xb: {  	[smem:$0x3FAC] =	sst s3  }
0xc: {  	[smem:$0x3FAD] =	sst s4  }
0xd: {  	[smem:$0x3FAE] =	sst s5  }
0xe: {  	[smem:$0x3FAF] =	sst s6  }
0xf: {  	[smem:$0x3FB0] =	sst s7  }
0x10: {  	[smem:$0x3FB1] =	sst s8  }
0x11: {  	[smem:$0x3FB2] =	sst s9;
	s0 =	simm.s32 @!p0 $0x0  }
0x12: {  	s1 =	sld [smem:$0x3F98];
	s0 =	simm.s32 @p0 $0x1  }
0x13: {  	[smem:$0x3FB3] =	sst s0;
	s0 =	simm.s32 @!p1 $0x0  }
0x14: {  	s2 =	sld [smem:$0x3F97];
	s0 =	simm.s32 @p1 $0x1  }
0x15: {  	[smem:$0x3FB4] =	sst s0;
	s0 =	simm.s32 @!p2 $0x0  }
0x16: {  	s3 =	sld [smem:$0x3FDB];
	s0 =	simm.s32 @p2 $0x1  }
0x17: {  	s4 =	simm.s32 $0x1BF5;
	[smem:$0x3FB6] =	sst s0  }
0x18: {  	s0 =	sld [smem:$0x3F99];
	_ =	swait.ge [sflag:s4], $0x0  }
0x19: {  	s7 =	sld [smem:$0x3F9A]  }
0x1a: {  	s8 =	sadd.s32 $0xFFFFE003, lr  }
0x1b: {  	s9 =	sadd.s32 $0xFFFFFEF7, lr;
	s5 =	simm.s32 $0xFFFFFFFF;
	p2 =	slt.u32 s8, $0xFFFFF086  }
0x1c: {  	p1 =	slt.u32 s9, $0xF7A;
	s5 =	simm.s32 @!p2 $0x0  }
0x1d: {  	s5 =	simm.s32 @p1 $0x1;
	p0 =	seq.s32 s7, s2  }
0x1e: {  	s7 =	smul.u32 @!p0 $0xF7A, s2;
	p2 =	seq.s32 @!p0 s5, $0x0  }
0x1f: {  	s9 =	smul.u32 $0xF7A, s1;
	s8 =	simm.s32 @!p0 $0x1BF5;
	p2 =	por !p2, p0  }
0x20: {  	[sflag:s8] =	ssyncset.s32 @!p0 $0xFFFFF086;
	s6 =	sadd.s32 @!p0 s3, s7;
	s7 =	simm.s32 @!p0 $0x108  }
0x21: {  	s3 =	sadd.s32 s3, s9;
	s6 =	sadd.s32 @!p0 $0x88, s6;
	s7 =	simm.s32 @p2 $0x1082  }
0x22: {  	[simem:s7], [sflag:s8] =	dma.local @!p0 [hbm:s6], $0xF7A  }
0x23: {  	s9 =	sor.u32 $0xD0000000, s2;
	s6 =	simm.s32 $0x108;
	_ =	swait.ge @!p0 [sflag:s8], $0x0  }
0x24: {  	s3 =	sadd.s32 $0x88, s3;
	s6 =	simm.s32 @!p1 $0x1082;
	[sflag:s4] =	ssyncset.s32 $0xFFFFF086  }
0x25: {  	[simem:s6], [sflag:s4] =	dma.local [hbm:s3], $0xF7A  }
0x26: {  	[smem:$0x3F9A] =	sst s1;
	(tag) =	ssettag s2;
	_ =	strace s9  }
0x27: {  	s1 =	sld [smem:$0x3FAA]  }
0x28: {  	s2 =	sld [smem:$0x3FAB]  }
0x29: {  	s4 =	sld [smem:$0x3FAD]  }
0x2a: {  	p0 =	seq.s32 s5, $0x0;
	s5 =	sld [smem:$0x3FAE]  }
0x2b: {  	s6 =	sld [smem:$0x3FAF]  }
0x2c: {  	s7 =	sld [smem:$0x3FB0]  }
0x2d: {  	s3 =	simm.s32 $0x108;
	s8 =	sld [smem:$0x3FB1]  }
0x2e: {  	s3 =	simm.s32 @!p0 $0x1082;
	s9 =	sld [smem:$0x3FB2]  }
0x2f: {  	lr =	sadd.s32 s0, s3;
	s0 =	sld [smem:$0x3FA9]  }
0x30: {  	s3 =	sld [smem:$0x3FAC]  }
0x31: {  	[smem:$0x3FB5] =	sst s10  }
0x32: {  	s10 =	sld [smem:$0x3FB3];
	_ =	sdelay $0x3  }
0x33: {  	p0 =	seq.s32 s10, $0x1;
	s10 =	sld [smem:$0x3FB5];
	_ =	sdelay $0x3  }
0x34: {  	[smem:$0x3FB5] =	sst s10  }
0x35: {  	s10 =	sld [smem:$0x3FB4];
	_ =	sdelay $0x3  }
0x36: {  	p1 =	seq.s32 s10, $0x1;
	s10 =	sld [smem:$0x3FB5];
	_ =	sdelay $0x3  }
0x37: {  	[smem:$0x3FB5] =	sst s10  }
0x38: {  	s10 =	sld [smem:$0x3FB6]  }
0x39: {  	_ = 	snop;
	(pc) =	sbr.ind lr, $3  }
0x3a: {  	_ = 	snop  }
0x3b: {  	_ = 	snop  }
0x3c: {  	p2 =	seq.s32 s10, $0x1;
	s10 =	sld [smem:$0x3FB5]  }
0x3d: {  	_ =	shalt  }
0x3e: {  	_ =	shalt  }
0x3f: {  	_ =	shalt  }
0x40: {  	_ =	shalt  }
0x41: {  	_ =	shalt  }
0x42: {  	_ =	shalt  }
0x43: {  	_ =	shalt  }
0x44: {  	_ =	shalt  }
0x45: {  	_ =	shalt  }
0x46: {  	_ =	shalt  }
0x47: {  	_ =	shalt  }
0x48: {  	_ =	shalt  }
0x49: {  	_ =	shalt  }
0x4a: {  	_ =	shalt  }
0x4b: {  	_ =	shalt  }
0x4c: {  	_ =	shalt  }
0x4d: {  	_ =	shalt  }
0x4e: {  	_ =	shalt  }
0x4f: {  	_ =	shalt  }
0x50: {  	_ =	shalt  }
0x51: {  	_ =	shalt  }
0x52: {  	_ =	shalt  }
0x53: {  	_ =	shalt  }
0x54: {  	_ =	shalt  }
0x55: {  	_ =	shalt  }
0x56: {  	_ =	shalt  }
0x57: {  	_ =	shalt  }
0x58: {  	_ =	shalt  }
0x59: {  	_ =	shalt  }
0x5a: {  	_ =	shalt  }
0x5b: {  	_ =	shalt  }
0x5c: {  	_ =	shalt  }
0x5d: {  	_ =	shalt  }
0x5e: {  	_ =	shalt  }
0x5f: {  	_ =	shalt  }
0x60: {  	_ =	shalt  }
0x61: {  	_ =	shalt  }
0x62: {  	_ =	shalt  }
0x63: {  	_ =	shalt  }
0x64: {  	_ =	shalt  }
0x65: {  	_ =	shalt  }
0x66: {  	_ =	shalt  }
0x67: {  	_ =	shalt  }
0x68: {  	_ =	shalt  }
0x69: {  	_ =	shalt  }
0x6a: {  	_ =	shalt  }
0x6b: {  	_ =	shalt  }
0x6c: {  	_ =	shalt  }
0x6d: {  	_ =	shalt  }
0x6e: {  	_ =	shalt  }
0x6f: {  	_ =	shalt  }
0x70: {  	_ =	shalt  }
0x71: {  	_ =	shalt  }
0x72: {  	_ =	shalt  }
0x73: {  	_ =	shalt  }
0x74: {  	_ =	shalt  }
0x75: {  	_ =	shalt  }
0x76: {  	_ =	shalt  }
0x77: {  	_ =	shalt  }
0x78: {  	_ =	shalt  }
0x79: {  	_ =	shalt  }
0x7a: {  	_ =	shalt  }
0x7b: {  	_ =	shalt  }
0x7c: {  	_ =	shalt  }
0x7d: {  	_ =	shalt  }
0x7e: {  	_ =	shalt  }
0x7f: {  	_ =	shalt  }
0x80: {  	_ =	shalt  }
0x81: {  	_ =	shalt  }
0x82: {  	_ =	shalt  }
0x83: {  	_ =	shalt  }
0x84: {  	_ =	shalt  }
0x85: {  	_ =	shalt  }
0x86: {  	_ =	shalt  }
0x87: {  	_ =	shalt  }
.Lfunc_end0:
.L_simem_size_0:
called_computation.2_lowered:
.L_overlay_start_0:
0x88: {  	s2 =	sld [smem:$0x3FD9]  }
0x89: {  	s3 =	sld [smem:$0x3FFE];
	_ =	sdelay $0x1  }
0x8a: {  	s1 =	srdreg.scid  }
0x8b: {  	s0 =	sand.u32 $0x1, s1  }
0x8c: {  	s17 =	sshll.u32 s0, $0xA;
	s2 =	sadd.s32 s3, s2  }
0x8d: {  	s2 =	sadd.s32 s2, s17  }
0x8e: {  	[smem:$0x3FC1] =	sst s2  }
0x8f: {  	_ = 	snop  }
0x90: {  	s2 =	sld [smem:$0x3FD0];
	(tm) =	ssettm $0x1  }
0x91: {  	s18 =	sld [smem:$0x3FFB];
	_ =	sdelay $0x3  }
0x92: {  	_ =	strace s18  }
0x93: {  	s3 =	sld [smem:$0x3FFC];
	_ =	sdelay $0x3  }
0x94: {  	_ =	strace s3  }
0x95: {  	s3 =	sld [smem:$0x3FFD];
	_ =	sdelay $0x3  }
0x96: {  	_ =	strace s3  }
0x97: {  	_ =	strace $0x8FFFFFFF  }
0x98: {  	s19 =	sld [smem:$0x3FDB];
	_ =	sdelay $0x1  }
0x99: {  	s4 =	simm.s32 $_scs_section_size  }
0x9a: {  	s5 =	simm.s32 $_size__tile_overlayer_lowered;
	s6 =	simm.s32 $_tile_overlayer_lowered  }
0x9b: {  	s22 =	simm.s32 $0x1BFF;
	s21 =	sshll.u32 s6, $0x1;
	s3 =	sadd.s32 s4, s19  }
0x9c: {  	s7 =	simm.s32 $0x0;
	s20 =	sshll.u32 s5, $0x1;
	s5 =	sadd.s32 s21, s3  }
0x9d: {  	[timem:s7], [sflag:s22] =	dma.local [hbm:s5], s20  }
0x9e: {  	_ =	swait.ge [sflag:s22], s20  }
0x9f: {  	s4 =	ssub.s32 $0x0, s20;
	[sflag:s22] =	ssyncset.done $0x0  }
0xa0: {  	[sflag:s22] =	ssyncadd.s32 s4;
	_ =	sdelay $0x1  }
0xa1: {  	s23 =	simm.s32 $0x1B8B  }
0xa2: {  	_ =	swait.ge [sflag:s23], $0x1  }
0xa3: {  	[sflag:s23] =	ssyncset.done $0x0  }
0xa4: {  	s25 =	simm.s32 $0x1B8E;
	s24 =	sld [smem:$0x3FFE];
	[sflag:s23] =	ssyncadd.s32 $0xFFFFFFFF  }
0xa5: {  	s26 =	simm.s32 $execute0_lowered;
	[smem:$0x3FD2] =	sst s25  }
0xa6: {  	s5 =	sshll.u32 s26, $0x1;
	_ =	strace $0x8000004C;
	[dreg:$0x1] =	wrdreg $0xFFFFFFFF  }
0xa7: {  	s28 =	simm.s32 $_size_execute0_lowered;
	s3 =	sadd.s32 s3, s5;
	[dreg:$0x0] =	wrdreg $0x0  }
0xa8: {  	s5 =	sshll.u32 s28, $0x1;
	[dreg:$0x2] =	wrdreg s3  }
0xa9: {  	[dreg:$0x3] =	wrdreg s5  }
0xaa: {  	[dreg:$0x4] =	wrdreg $0xC0  }
0xab: {  	_ =	task [dreg:s7], $0x5FFFF  }
0xac: {  	[dreg:$0x1] =	wrdreg $0xFFFFFFFF  }
0xad: {  	[dreg:$0x0] =	wrdreg $0x60  }
0xae: {  	[dreg:$0x2] =	wrdreg s24  }
0xaf: {  	[dreg:$0x3] =	wrdreg s2  }
0xb0: {  	[dreg:$0x4] =	wrdreg $0x1C5200  }
0xb1: {  	[dreg:$0x5] =	wrdreg $0x9  }
0xb2: {  	_ =	task.clear_ibuf [dreg:s7], $0x6FFFF;
	_ =	strace $0x9000004C  }
0xb3: {  	s29 =	simm.s32 $0x9;
	_ =	strace $0x8000004E  }
0xb4: {  	_ =	swait.ge [sflag:s29], $0x1  }
0xb5: {  	[sflag:s29] =	ssyncadd.s32 $0xFFFFFFFF  }
0xb6: {  	_ =	strace $0x9000004E  }
0xb7: {  	_ =	sfence  }
0xb8: {  	s30 =	sld [smem:$0x0];
	_ =	sdelay $0x2  }
0xb9: {  	s31 =	sshll.u32 s1, $0xD;
	s1 =	sshrl.u32 s1, $0x2  }
0xba: {  	s3 =	sand.u32 $0x4000, s31;
	s1 =	sadd.s32 s1, s30  }
0xbb: {  	s0 =	sor.u32 s3, s0;
	s1 =	sshll.u32 s1, $0x11  }
0xbc: {  	s0 =	sor.u32 s1, s0  }
0xbd: {  	s0 =	sadd.s32 $0x8F2B, s0  }
0xbe: {  	[sflag:s0] =	ssyncadd.remote.s32 $0x1  }
0xbf: {  	_ =	sfence.sel $0xFFFF  }
0xc0: {  	[dreg:$0x0] =	wrdreg $0xFFFFFFFF;
	(pc) =	sbr.abs _section_cstart, $3  }
0xc1: {  	[dreg:$0x1] =	wrdreg $0xFFFFFFFF  }
0xc2: {  	_ =	task.clear_ibuf [dreg:s7], $0x2FFFF;
	_ =	strace $0x9FFFFFFF  }
0xc3: {  	(tm) =	ssettm $0x7FFFFFFF  }
tec
execute0_lowered:
.L_overlay_start_1:
0x0: {  	(tag) =	ssettag $0x1  }
0x1: {  	s0 =	rddreg [dreg:$0x0]  }
0x2: {  	s1 =	rddreg [dreg:$0x1]  }
0x3: {  	s2 =	rddreg [dreg:$0x2]  }
0x4: {  	s24 =	rddreg [dreg:$0x3];
	s20 =	simm.s32 $0x0  }
0x5: {  	s3 =	srdreg.scid;
	s9 =	stileid.u32;
	s28 =	simm.s32 $0x2710  }
0x6: {  	s16 =	simm.s32 $0x7D0;
	s17 =	simm.s32 $0xBB8;
	s18 =	simm.s32 $0xFA0  }
0x7: {  	s10 =	simm.s32 $0x8CA0;
	s19 =	simm.s32 $0x1388;
	s21 =	simm.s32 $0x2AF8  }
0x8: {  	s22 =	simm.s32 $0x2EE0;
	s25 =	simm.s32 $0x14820;
	s23 =	simm.s32 $0x32C8  }
0x9: {  	s26 =	simm.s32 $0x1770;
	[smem:$0x7FF] =	sst s20;
	s8 =	sadd.s32 $0x2A00, s0  }
0xa: {  	s31 =	simm.s32 $0x5;
	_ =	strace $0x8000004D;
	[dreg:$0x4] =	wrdreg s8  }
0xb: {  	s29 =	simm.s32 $0x6;
	p0 =	por $0x0, $0x0;
	[dreg:$0x7] =	wrdreg s16  }
0xc: {  	s3 =	sand.u32 $0x1, s3;
	s4 =	smul.u32 $0x2800, s9;
	[dreg:$0x8] =	wrdreg s17  }
0xd: {  	s5 =	sshll.u32 s9, $0x1;
	s6 =	sadd.s32 $0x3000, s0;
	[dreg:$0x9] =	wrdreg s18  }
0xe: {  	s14 =	sshll.u32 s9, $0x6;
	s9 =	simm.s32 $0xCB20;
	[dreg:$0xa] =	wrdreg s19  }
0xf: {  	s7 =	smul.u32 $0x28000, s3;
	s5 =	sor.u32 s3, s5;
	[dreg:$0xb] =	wrdreg s21  }
0x10: {  	s3 =	ssub.s32 $0x2, s3;
	s8 =	simm.s32 $0x109A0;
	[dreg:$0xc] =	wrdreg s22  }
0x11: {  	s21 =	simm.s32 $0x186A0;
	[dreg:$0xd] =	wrdreg s23;
	s19 =	simm.s32 $0x1  }
0x12: {  	[dreg:$0xe] =	wrdreg s26;
	s18 =	simm.s32 $0x2;
	s17 =	simm.s32 $0x1F40  }
0x13: {  	s16 =	simm.s32 $0x3;
	s22 =	simm.s32 $0x3E80;
	[dreg:$0x12] =	wrdreg s17  }
0x14: {  	s23 =	simm.s32 $0x2328;
	s26 =	simm.s32 $0x4268;
	[dreg:$0x13] =	wrdreg s22  }
0x15: {  	s5 =	smul.u32 $0x2710, s5;
	s11 =	sshrl.u32 s3, $0x1;
	[dreg:$0x14] =	wrdreg s23  }
0x16: {  	s13 =	sadd.s32 s4, s2;
	[dreg:$0x15] =	wrdreg s26;
	s17 =	simm.s32 $0x9  }
0x17: {  	s26 =	simm.s32 $0x4A38;
	s23 =	simm.s32 $0xB;
	s7 =	sadd.s32 s4, s7  }
0x18: {  	s22 =	simm.s32 $0xC;
	s12 =	ssub.s32 s3, s11;
	s7 =	sshrl.u32 s7, $0x3  }
0x19: {  	s3 =	sor.u32 $0x1C0D, s14;
	s4 =	simm.s32 $0xD;
	s0 =	sadd.s32 s7, s0  }
0x1a: {  	s11 =	simm.s32 $0x4E20;
	s14 =	simm.s32 $0x3A98;
	s0 =	sadd.s32 $0x8000, s0  }
0x1b: {  	s5 =	sshrl.u32 s5, $0x3;
	[dreg:$0x6] =	wrdreg s0;
	s0 =	smax.u32 s12, $0x1  }
0x1c: {  	[dreg:$0x11] =	wrdreg s14;
	s14 =	simm.s32 $0xA;
	p1 =	sne.s32 s0, $0x1  }
.Ltmp0:
0x1d: {  	s30 =	sadd.s32 s1, s5;
	s5 =	sshrl.u32 s13, $0x3;
	(pc) =	sbr.rel @!p1 .LBB2_1-.Ltmp0, $4  }
0x1e: {  	s7 =	simm.s32 $0x3E8;
	s13 =	simm.s32 $0x1B58;
	s1 =	rddreg [dreg:$0x4]  }
0x1f: {  	s15 =	sadd.s32 $0x9C40, s30;
	[dreg:$0x10] =	wrdreg s13;
	s13 =	simm.s32 $0x8  }
0x20: {  	[dreg:$0x5] =	wrdreg s15;
	s12 =	simm.s32 $0x36B0;
	s15 =	simm.s32 $0x4  }
0x21: {  	[dreg:$0xf] =	wrdreg s12;
	s12 =	simm.s32 $0x7;
	s0 =	sadd.s32 $0xFFFFFFFF, s0  }
0x22: {  	[spmem:s5], [sflag:s3] =	dma.local [hbm:s1], $0x500  }
0x23: {  	_ =	swait.ge [sflag:s4], $0x500  }
0x24: {  	[sflag:s4] =	ssyncset.done $0x0  }
0x25: {  	[sflag:s4] =	ssyncadd.s32 $0xFFFFFB00  }
0x26: {  	[tilespmem:s20], [sflag:$0xD] =	stream.linear.gather [hbm4b:s30+s20], $0x2710, $0x38;
	[tilespmem:$0x1ED20] =	vst v63  }
0x27: {  	_ =	swait.ge [sflag:s4], $0x2710  }
0x28: {  	[sflag:s4] =	ssyncset.done $0x0  }
0x29: {  	s24 =	rddreg [dreg:$0x5];
	[sflag:s4] =	ssyncadd.s32 $0xFFFFD8F0  }
0x2a: {  	[tilespmem:s28], [sflag:$0xD] =	stream.linear.gather [hbm4b:s24+s20], $0x2710, $0x38;
	[tilespmem:$0x1ED20] =	vst v63  }
0x2b: {  	_ =	swait.ge [sflag:s4], $0x2710  }
0x2c: {  	[sflag:s4] =	ssyncset.done $0x0  }
0x2d: {  	[sflag:s4] =	ssyncadd.s32 $0xFFFFD8F0  }
0x2e: {  	[bflag:$0x0] =	sbarrier.arrive $0xFFFF  }
0x2f: {  	[tilespmem:s11], [sflag:$0x1] =	stream.indirect.gather [hbm4b:s6+s7], $0x10, s20, s7, $0xb8;
	[tilespmem:$0x1ED20] =	vst v63  }
0x30: {  	_ = 	snop  }
0x31: {  	[tilespmem:s10], [sflag:$0x2] =	stream.indirect.gather [hbm4b:s6+s7], $0x10, s7, s7, $0xb8;
	[tilespmem:$0x1ED20] =	vst v63  }
0x32: {  	s1 =	rddreg [dreg:$0x7]  }
0x33: {  	[tilespmem:s9], [sflag:$0x3] =	stream.indirect.gather [hbm4b:s6+s7], $0x10, s1, s7, $0xb8;
	[tilespmem:$0x1ED20] =	vst v63  }
0x34: {  	s24 =	smov.u32 s0;
	s0 =	rddreg [dreg:$0x8]  }
0x35: {  	[tilespmem:s8], [sflag:$0x4] =	stream.indirect.gather [hbm4b:s6+s7], $0x10, s0, s7, $0xb8;
	[tilespmem:$0x1ED20] =	vst v63  }
0x36: {  	s1 =	rddreg [dreg:$0x9]  }
0x37: {  	[tilespmem:s25], [sflag:$0x5] =	stream.indirect.gather [hbm4b:s6+s7], $0x10, s1, s7, $0xb8;
	[tilespmem:$0x1ED20] =	vst v63  }
0x38: {  	s0 =	rddreg [dreg:$0xa]  }
0x39: {  	[tilespmem:s21], [sflag:$0x6] =	stream.indirect.gather [hbm4b:s6+s7], $0x10, s0, s7, $0xb8;
	[tilespmem:$0x1ED20] =	vst v63  }
0x3a: {  	_ =	swait.ge [sflag:s19], $0x3E80  }
0x3b: {  	[sflag:s19] =	ssyncset.done $0x0  }
0x3c: {  	[sflag:s19] =	ssyncadd.s32 $0xFFFFC180  }
0x3d: {  	[spmem:s2] =	stream.indirect.scatter.add.f32 [tilespmem:s11], [sflag:$0x7], $0x10, s28, s7, $0xb8;
	[tilespmem:$0x1ED20] =	vst v63  }
0x3e: {  	_ =	swait.ge [sflag:s18], $0x3E80  }
0x3f: {  	[sflag:s18] =	ssyncset.done $0x0  }
0x40: {  	s1 =	rddreg [dreg:$0xb];
	[sflag:s18] =	ssyncadd.s32 $0xFFFFC180  }
0x41: {  	[spmem:s2] =	stream.indirect.scatter.add.f32 [tilespmem:s10], [sflag:$0x8], $0x10, s1, s7, $0xb8;
	[tilespmem:$0x1ED20] =	vst v63  }
0x42: {  	_ =	swait.ge [sflag:s16], $0x3E80  }
0x43: {  	[sflag:s16] =	ssyncset.done $0x0  }
0x44: {  	s1 =	rddreg [dreg:$0xc];
	[sflag:s16] =	ssyncadd.s32 $0xFFFFC180  }
0x45: {  	[spmem:s2] =	stream.indirect.scatter.add.f32 [tilespmem:s9], [sflag:$0x9], $0x10, s1, s7, $0xb8;
	[tilespmem:$0x1ED20] =	vst v63  }
0x46: {  	_ =	swait.ge [sflag:s15], $0x3E80  }
0x47: {  	[sflag:s15] =	ssyncset.done $0x0  }
0x48: {  	s1 =	rddreg [dreg:$0xd];
	[sflag:s15] =	ssyncadd.s32 $0xFFFFC180  }
0x49: {  	[spmem:s2] =	stream.indirect.scatter.add.f32 [tilespmem:s8], [sflag:$0xA], $0x10, s1, s7, $0xb8;
	[tilespmem:$0x1ED20] =	vst v63  }
0x4a: {  	_ =	swait.ge [sflag:s12], $0x3E80  }
0x4b: {  	[sflag:s12] =	ssyncset.done $0x0  }
0x4c: {  	s1 =	rddreg [dreg:$0xe];
	[sflag:s12] =	ssyncadd.s32 $0xFFFFC180  }
0x4d: {  	[tilespmem:s11], [sflag:$0x1] =	stream.indirect.gather [hbm4b:s6+s7], $0x10, s1, s7, $0xb8;
	[tilespmem:$0x1ED20] =	vst v63  }
0x4e: {  	_ =	swait.ge [sflag:s31], $0x3E80  }
0x4f: {  	[sflag:s31] =	ssyncset.done $0x0  }
0x50: {  	s1 =	rddreg [dreg:$0xf];
	[sflag:s31] =	ssyncadd.s32 $0xFFFFC180  }
0x51: {  	[spmem:s2] =	stream.indirect.scatter.add.f32 [tilespmem:s25], [sflag:$0xB], $0x10, s1, s7, $0xb8;
	[tilespmem:$0x1ED20] =	vst v63  }
0x52: {  	_ =	swait.ge [sflag:s13], $0x3E80  }
0x53: {  	[sflag:s13] =	ssyncset.done $0x0  }
0x54: {  	s1 =	rddreg [dreg:$0x10];
	[sflag:s13] =	ssyncadd.s32 $0xFFFFC180  }
0x55: {  	[tilespmem:s10], [sflag:$0x2] =	stream.indirect.gather [hbm4b:s6+s7], $0x10, s1, s7, $0xb8;
	[tilespmem:$0x1ED20] =	vst v63  }
0x56: {  	_ =	swait.ge [sflag:s29], $0x3E80  }
0x57: {  	[sflag:s29] =	ssyncset.done $0x0  }
0x58: {  	s1 =	rddreg [dreg:$0x11];
	[sflag:s29] =	ssyncadd.s32 $0xFFFFC180  }
0x59: {  	[spmem:s2] =	stream.indirect.scatter.add.f32 [tilespmem:s21], [sflag:$0xC], $0x10, s1, s7, $0xb8;
	[tilespmem:$0x1ED20] =	vst v63  }
0x5a: {  	_ =	swait.ge [sflag:s17], $0x3E80  }
0x5b: {  	[sflag:s17] =	ssyncset.done $0x0  }
0x5c: {  	s1 =	rddreg [dreg:$0x12];
	[sflag:s17] =	ssyncadd.s32 $0xFFFFC180  }
0x5d: {  	[tilespmem:s9], [sflag:$0x3] =	stream.indirect.gather [hbm4b:s6+s7], $0x10, s1, s7, $0xb8;
	[tilespmem:$0x1ED20] =	vst v63  }
0x5e: {  	_ =	swait.ge [sflag:s19], $0x3E80  }
0x5f: {  	[sflag:s19] =	ssyncset.done $0x0  }
0x60: {  	s1 =	rddreg [dreg:$0x13];
	[sflag:s19] =	ssyncadd.s32 $0xFFFFC180  }
0x61: {  	[spmem:s2] =	stream.indirect.scatter.add.f32 [tilespmem:s11], [sflag:$0x7], $0x10, s1, s7, $0xb8;
	[tilespmem:$0x1ED20] =	vst v63  }
0x62: {  	_ =	swait.ge [sflag:s14], $0x3E80  }
0x63: {  	[sflag:s14] =	ssyncset.done $0x0  }
0x64: {  	s1 =	rddreg [dreg:$0x14];
	[sflag:s14] =	ssyncadd.s32 $0xFFFFC180  }
0x65: {  	[tilespmem:s8], [sflag:$0x4] =	stream.indirect.gather [hbm4b:s6+s7], $0x10, s1, s7, $0xb8;
	[tilespmem:$0x1ED20] =	vst v63  }
0x66: {  	_ =	swait.ge [sflag:s18], $0x3E80  }
0x67: {  	[sflag:s18] =	ssyncset.done $0x0  }
0x68: {  	s1 =	rddreg [dreg:$0x15];
	[sflag:s18] =	ssyncadd.s32 $0xFFFFC180  }
0x69: {  	[spmem:s2] =	stream.indirect.scatter.add.f32 [tilespmem:s10], [sflag:$0x8], $0x10, s1, s7, $0xb8;
	[tilespmem:$0x1ED20] =	vst v63  }
0x6a: {  	_ =	swait.ge [sflag:s16], $0x3E80  }
0x6b: {  	[sflag:s16] =	ssyncset.done $0x0  }
0x6c: {  	s1 =	simm.s32 $0x4650;
	[sflag:s16] =	ssyncadd.s32 $0xFFFFC180  }
0x6d: {  	[spmem:s2] =	stream.indirect.scatter.add.f32 [tilespmem:s9], [sflag:$0x9], $0x10, s1, s7, $0xb8;
	[tilespmem:$0x1ED20] =	vst v63  }
0x6e: {  	_ =	swait.ge [sflag:s15], $0x3E80  }
0x6f: {  	[sflag:s15] =	ssyncset.done $0x0  }
0x70: {  	[sflag:s15] =	ssyncadd.s32 $0xFFFFC180  }
0x71: {  	[spmem:s2] =	stream.indirect.scatter.add.f32 [tilespmem:s8], [sflag:$0xA], $0x10, s26, s7, $0xb8;
	[tilespmem:$0x1ED20] =	vst v63  }
0x72: {  	_ =	swait.ge [sflag:s23], $0x3E80  }
0x73: {  	[sflag:s23] =	ssyncset.done $0x0  }
0x74: {  	[sflag:s23] =	ssyncadd.s32 $0xFFFFC180  }
0x75: {  	_ =	swait.ge [sflag:s22], $0x3E80  }
0x76: {  	[sflag:s22] =	ssyncset.done $0x0  }
0x77: {  	[sflag:s22] =	ssyncadd.s32 $0xFFFFC180  }
0x78: {  	_ =	swait.ge [sflag:s12], $0x3E80  }
0x79: {  	[sflag:s12] =	ssyncset.done $0x0  }
0x7a: {  	[sflag:s12] =	ssyncadd.s32 $0xFFFFC180  }
0x7b: {  	_ =	swait.ge [sflag:s13], $0x3E80  }
0x7c: {  	[sflag:s13] =	ssyncset.done $0x0  }
0x7d: {  	[sflag:s13] =	ssyncadd.s32 $0xFFFFC180  }
0x7e: {  	_ =	swait.ge [sflag:s17], $0x3E80  }
0x7f: {  	[sflag:s17] =	ssyncset.done $0x0  }
0x80: {  	[sflag:s17] =	ssyncadd.s32 $0xFFFFC180  }
0x81: {  	_ =	swait.ge [sflag:s14], $0x3E80  }
0x82: {  	[sflag:s14] =	ssyncset.done $0x0  }
0x83: {  	p1 =	sne.s32 s24, $0x1;
	[sflag:s14] =	ssyncadd.s32 $0xFFFFC180  }
.Ltmp1:
0x84: {  	[bflag:$0x0] =	sbarrier.arrive $0xFFFF;
	(pc) =	sbr.rel @!p1 .LBB2_3-.Ltmp1, $4  }
0x85: {  	s1 =	rddreg [dreg:$0x6]  }
0x86: {  	[hbm:s1], [sflag:s3] =	dma.local [spmem:s5], $0x500  }
0x87: {  	p0 =	por $0x1, $0x1;
	_ =	swait.ge [sflag:s4], $0x500  }
0x88: {  	s0 =	sadd.s32 $0xFFFFFFFF, s24;
	s1 =	rddreg [dreg:$0x4];
	[sflag:s4] =	ssyncset.done $0x0  }
.LBB2_4:
0x89: {  	[sflag:s4] =	ssyncadd.s32 $0xFFFFFB00  }
0x8a: {  	[spmem:s5], [sflag:s3] =	dma.local [hbm:s1], $0x500  }
0x8b: {  	_ =	swait.ge [sflag:s4], $0x500  }
0x8c: {  	[sflag:s4] =	ssyncset.done $0x0  }
0x8d: {  	[sflag:s4] =	ssyncadd.s32 $0xFFFFFB00  }
0x8e: {  	[tilespmem:s20], [sflag:$0xD] =	stream.linear.gather [hbm4b:s30+s20], $0x2710, $0x38;
	[tilespmem:$0x1ED20] =	vst v63  }
0x8f: {  	_ =	swait.ge [sflag:s4], $0x2710  }
0x90: {  	[sflag:s4] =	ssyncset.done $0x0  }
0x91: {  	s24 =	rddreg [dreg:$0x5];
	[sflag:s4] =	ssyncadd.s32 $0xFFFFD8F0  }
0x92: {  	[tilespmem:s28], [sflag:$0xD] =	stream.linear.gather [hbm4b:s24+s20], $0x2710, $0x38;
	[tilespmem:$0x1ED20] =	vst v63  }
0x93: {  	_ =	swait.ge [sflag:s4], $0x2710  }
0x94: {  	[sflag:s4] =	ssyncset.done $0x0  }
0x95: {  	[sflag:s4] =	ssyncadd.s32 $0xFFFFD8F0  }
0x96: {  	[bflag:$0x0] =	sbarrier.arrive $0xFFFF  }
0x97: {  	[tilespmem:s11], [sflag:$0x1] =	stream.indirect.gather [hbm4b:s6+s7], $0x10, s20, s7, $0xb8;
	[tilespmem:$0x1ED20] =	vst v63  }
0x98: {  	_ = 	snop  }
0x99: {  	[tilespmem:s10], [sflag:$0x2] =	stream.indirect.gather [hbm4b:s6+s7], $0x10, s7, s7, $0xb8;
	[tilespmem:$0x1ED20] =	vst v63  }
0x9a: {  	s1 =	rddreg [dreg:$0x7]  }
0x9b: {  	[tilespmem:s9], [sflag:$0x3] =	stream.indirect.gather [hbm4b:s6+s7], $0x10, s1, s7, $0xb8;
	[tilespmem:$0x1ED20] =	vst v63  }
0x9c: {  	s24 =	rddreg [dreg:$0x8]  }
0x9d: {  	[tilespmem:s8], [sflag:$0x4] =	stream.indirect.gather [hbm4b:s6+s7], $0x10, s24, s7, $0xb8;
	[tilespmem:$0x1ED20] =	vst v63  }
0x9e: {  	s1 =	rddreg [dreg:$0x9]  }
0x9f: {  	[tilespmem:s25], [sflag:$0x5] =	stream.indirect.gather [hbm4b:s6+s7], $0x10, s1, s7, $0xb8;
	[tilespmem:$0x1ED20] =	vst v63  }
0xa0: {  	s24 =	rddreg [dreg:$0xa]  }
0xa1: {  	[tilespmem:s21], [sflag:$0x6] =	stream.indirect.gather [hbm4b:s6+s7], $0x10, s24, s7, $0xb8;
	[tilespmem:$0x1ED20] =	vst v63  }
0xa2: {  	_ =	swait.ge [sflag:s19], $0x3E80  }
0xa3: {  	[sflag:s19] =	ssyncset.done $0x0  }
0xa4: {  	[sflag:s19] =	ssyncadd.s32 $0xFFFFC180  }
0xa5: {  	[spmem:s2] =	stream.indirect.scatter.add.f32 [tilespmem:s11], [sflag:$0x7], $0x10, s28, s7, $0xb8;
	[tilespmem:$0x1ED20] =	vst v63  }
0xa6: {  	_ =	swait.ge [sflag:s18], $0x3E80  }
0xa7: {  	[sflag:s18] =	ssyncset.done $0x0  }
0xa8: {  	s24 =	rddreg [dreg:$0xb];
	[sflag:s18] =	ssyncadd.s32 $0xFFFFC180  }
0xa9: {  	[spmem:s2] =	stream.indirect.scatter.add.f32 [tilespmem:s10], [sflag:$0x8], $0x10, s24, s7, $0xb8;
	[tilespmem:$0x1ED20] =	vst v63  }
0xaa: {  	_ =	swait.ge [sflag:s16], $0x3E80  }
0xab: {  	[sflag:s16] =	ssyncset.done $0x0  }
0xac: {  	s24 =	rddreg [dreg:$0xc];
	[sflag:s16] =	ssyncadd.s32 $0xFFFFC180  }
0xad: {  	[spmem:s2] =	stream.indirect.scatter.add.f32 [tilespmem:s9], [sflag:$0x9], $0x10, s24, s7, $0xb8;
	[tilespmem:$0x1ED20] =	vst v63  }
0xae: {  	_ =	swait.ge [sflag:s15], $0x3E80  }
0xaf: {  	[sflag:s15] =	ssyncset.done $0x0  }
0xb0: {  	s24 =	rddreg [dreg:$0xd];
	[sflag:s15] =	ssyncadd.s32 $0xFFFFC180  }
0xb1: {  	[spmem:s2] =	stream.indirect.scatter.add.f32 [tilespmem:s8], [sflag:$0xA], $0x10, s24, s7, $0xb8;
	[tilespmem:$0x1ED20] =	vst v63  }
0xb2: {  	_ =	swait.ge [sflag:s12], $0x3E80  }
0xb3: {  	[sflag:s12] =	ssyncset.done $0x0  }
0xb4: {  	s24 =	rddreg [dreg:$0xe];
	[sflag:s12] =	ssyncadd.s32 $0xFFFFC180  }
0xb5: {  	[tilespmem:s11], [sflag:$0x1] =	stream.indirect.gather [hbm4b:s6+s7], $0x10, s24, s7, $0xb8;
	[tilespmem:$0x1ED20] =	vst v63  }
0xb6: {  	_ =	swait.ge [sflag:s31], $0x3E80  }
0xb7: {  	[sflag:s31] =	ssyncset.done $0x0  }
0xb8: {  	s24 =	rddreg [dreg:$0xf];
	[sflag:s31] =	ssyncadd.s32 $0xFFFFC180  }
0xb9: {  	[spmem:s2] =	stream.indirect.scatter.add.f32 [tilespmem:s25], [sflag:$0xB], $0x10, s24, s7, $0xb8;
	[tilespmem:$0x1ED20] =	vst v63  }
0xba: {  	_ =	swait.ge [sflag:s13], $0x3E80  }
0xbb: {  	[sflag:s13] =	ssyncset.done $0x0  }
0xbc: {  	s24 =	rddreg [dreg:$0x10];
	[sflag:s13] =	ssyncadd.s32 $0xFFFFC180  }
0xbd: {  	[tilespmem:s10], [sflag:$0x2] =	stream.indirect.gather [hbm4b:s6+s7], $0x10, s24, s7, $0xb8;
	[tilespmem:$0x1ED20] =	vst v63  }
0xbe: {  	_ =	swait.ge [sflag:s29], $0x3E80  }
0xbf: {  	[sflag:s29] =	ssyncset.done $0x0  }
0xc0: {  	s24 =	rddreg [dreg:$0x11];
	[sflag:s29] =	ssyncadd.s32 $0xFFFFC180  }
0xc1: {  	[spmem:s2] =	stream.indirect.scatter.add.f32 [tilespmem:s21], [sflag:$0xC], $0x10, s24, s7, $0xb8;
	[tilespmem:$0x1ED20] =	vst v63  }
0xc2: {  	_ =	swait.ge [sflag:s17], $0x3E80  }
0xc3: {  	[sflag:s17] =	ssyncset.done $0x0  }
0xc4: {  	s24 =	rddreg [dreg:$0x12];
	[sflag:s17] =	ssyncadd.s32 $0xFFFFC180  }
0xc5: {  	[tilespmem:s9], [sflag:$0x3] =	stream.indirect.gather [hbm4b:s6+s7], $0x10, s24, s7, $0xb8;
	[tilespmem:$0x1ED20] =	vst v63  }
0xc6: {  	_ =	swait.ge [sflag:s19], $0x3E80  }
0xc7: {  	[sflag:s19] =	ssyncset.done $0x0  }
0xc8: {  	s24 =	rddreg [dreg:$0x13];
	[sflag:s19] =	ssyncadd.s32 $0xFFFFC180  }
0xc9: {  	[spmem:s2] =	stream.indirect.scatter.add.f32 [tilespmem:s11], [sflag:$0x7], $0x10, s24, s7, $0xb8;
	[tilespmem:$0x1ED20] =	vst v63  }
0xca: {  	_ =	swait.ge [sflag:s14], $0x3E80  }
0xcb: {  	[sflag:s14] =	ssyncset.done $0x0  }
0xcc: {  	s24 =	rddreg [dreg:$0x14];
	[sflag:s14] =	ssyncadd.s32 $0xFFFFC180  }
0xcd: {  	[tilespmem:s8], [sflag:$0x4] =	stream.indirect.gather [hbm4b:s6+s7], $0x10, s24, s7, $0xb8;
	[tilespmem:$0x1ED20] =	vst v63  }
0xce: {  	_ =	swait.ge [sflag:s18], $0x3E80  }
0xcf: {  	[sflag:s18] =	ssyncset.done $0x0  }
0xd0: {  	s24 =	rddreg [dreg:$0x15];
	[sflag:s18] =	ssyncadd.s32 $0xFFFFC180  }
0xd1: {  	[spmem:s2] =	stream.indirect.scatter.add.f32 [tilespmem:s10], [sflag:$0x8], $0x10, s24, s7, $0xb8;
	[tilespmem:$0x1ED20] =	vst v63  }
0xd2: {  	_ =	swait.ge [sflag:s16], $0x3E80  }
0xd3: {  	[sflag:s16] =	ssyncset.done $0x0  }
0xd4: {  	s24 =	simm.s32 $0x4650;
	[sflag:s16] =	ssyncadd.s32 $0xFFFFC180  }
0xd5: {  	[spmem:s2] =	stream.indirect.scatter.add.f32 [tilespmem:s9], [sflag:$0x9], $0x10, s24, s7, $0xb8;
	[tilespmem:$0x1ED20] =	vst v63  }
0xd6: {  	_ =	swait.ge [sflag:s15], $0x3E80  }
0xd7: {  	[sflag:s15] =	ssyncset.done $0x0  }
0xd8: {  	[sflag:s15] =	ssyncadd.s32 $0xFFFFC180  }
0xd9: {  	[spmem:s2] =	stream.indirect.scatter.add.f32 [tilespmem:s8], [sflag:$0xA], $0x10, s26, s7, $0xb8;
	[tilespmem:$0x1ED20] =	vst v63  }
0xda: {  	_ =	swait.ge [sflag:s23], $0x3E80  }
0xdb: {  	[sflag:s23] =	ssyncset.done $0x0  }
0xdc: {  	[sflag:s23] =	ssyncadd.s32 $0xFFFFC180  }
0xdd: {  	_ =	swait.ge [sflag:s22], $0x3E80  }
0xde: {  	[sflag:s22] =	ssyncset.done $0x0  }
0xdf: {  	[sflag:s22] =	ssyncadd.s32 $0xFFFFC180  }
0xe0: {  	_ =	swait.ge [sflag:s12], $0x3E80  }
0xe1: {  	[sflag:s12] =	ssyncset.done $0x0  }
0xe2: {  	[sflag:s12] =	ssyncadd.s32 $0xFFFFC180  }
0xe3: {  	_ =	swait.ge [sflag:s13], $0x3E80  }
0xe4: {  	[sflag:s13] =	ssyncset.done $0x0  }
0xe5: {  	[sflag:s13] =	ssyncadd.s32 $0xFFFFC180  }
0xe6: {  	_ =	swait.ge [sflag:s17], $0x3E80  }
0xe7: {  	[sflag:s17] =	ssyncset.done $0x0  }
0xe8: {  	[sflag:s17] =	ssyncadd.s32 $0xFFFFC180  }
0xe9: {  	_ =	swait.ge [sflag:s14], $0x3E80  }
0xea: {  	[sflag:s14] =	ssyncset.done $0x0  }
0xeb: {  	p1 =	sne.s32 s0, $0x1;
	[sflag:s14] =	ssyncadd.s32 $0xFFFFC180  }
.Ltmp2:
0xec: {  	[bflag:$0x0] =	sbarrier.arrive $0xFFFF;
	(pc) =	sbr.rel @p1 .LBB2_4-.Ltmp2, $4  }
0xed: {  	s24 =	rddreg [dreg:$0x6]  }
0xee: {  	[hbm:s24], [sflag:s3] =	dma.local [spmem:s5], $0x500  }
0xef: {  	_ =	swait.ge [sflag:s4], $0x500  }
0xf0: {  	s0 =	sadd.s32 $0xFFFFFFFF, s0;
	s1 =	rddreg [dreg:$0x4];
	[sflag:s4] =	ssyncset.done $0x0  }
0xf1: {  	s26 =	simm.s32 $0x4650;
	s24 =	rddreg [dreg:$0x3]  }
.LBB2_6:
0xf2: {  	[sflag:s4] =	ssyncadd.s32 @p0 $0xFFFFFB00  }
0xf3: {  	[spmem:s5], [sflag:s3] =	dma.local [hbm:s1], $0x500  }
0xf4: {  	_ =	swait.ge [sflag:s4], $0x500  }
0xf5: {  	[sflag:s4] =	ssyncset.done $0x0  }
0xf6: {  	[sflag:s4] =	ssyncadd.s32 $0xFFFFFB00  }
0xf7: {  	[tilespmem:s20], [sflag:$0xD] =	stream.linear.gather [hbm4b:s30+s20], $0x2710, $0x38;
	[tilespmem:$0x1ED20] =	vst v63  }
0xf8: {  	_ =	swait.ge [sflag:s4], $0x2710  }
0xf9: {  	[sflag:s4] =	ssyncset.done $0x0  }
0xfa: {  	s0 =	rddreg [dreg:$0x5];
	[sflag:s4] =	ssyncadd.s32 $0xFFFFD8F0  }
0xfb: {  	[tilespmem:s28], [sflag:$0xD] =	stream.linear.gather [hbm4b:s0+s20], $0x2710, $0x38;
	[tilespmem:$0x1ED20] =	vst v63  }
0xfc: {  	_ =	swait.ge [sflag:s4], $0x2710  }
0xfd: {  	[sflag:s4] =	ssyncset.done $0x0  }
0xfe: {  	[sflag:s4] =	ssyncadd.s32 $0xFFFFD8F0  }
0xff: {  	[bflag:$0x0] =	sbarrier.arrive $0xFFFF  }
0x100: {  	[tilespmem:s11], [sflag:$0x1] =	stream.indirect.gather [hbm4b:s6+s7], $0x10, s20, s7, $0xb8;
	[tilespmem:$0x1ED20] =	vst v63  }
0x101: {  	_ = 	snop  }
0x102: {  	[tilespmem:s10], [sflag:$0x2] =	stream.indirect.gather [hbm4b:s6+s7], $0x10, s7, s7, $0xb8;
	[tilespmem:$0x1ED20] =	vst v63  }
0x103: {  	s1 =	rddreg [dreg:$0x7]  }
0x104: {  	[tilespmem:s9], [sflag:$0x3] =	stream.indirect.gather [hbm4b:s6+s7], $0x10, s1, s7, $0xb8;
	[tilespmem:$0x1ED20] =	vst v63  }
0x105: {  	s20 =	rddreg [dreg:$0x8]  }
0x106: {  	[tilespmem:s8], [sflag:$0x4] =	stream.indirect.gather [hbm4b:s6+s7], $0x10, s20, s7, $0xb8;
	[tilespmem:$0x1ED20] =	vst v63  }
0x107: {  	s30 =	rddreg [dreg:$0x9]  }
0x108: {  	[tilespmem:s25], [sflag:$0x5] =	stream.indirect.gather [hbm4b:s6+s7], $0x10, s30, s7, $0xb8;
	[tilespmem:$0x1ED20] =	vst v63  }
0x109: {  	s20 =	rddreg [dreg:$0xa]  }
0x10a: {  	[tilespmem:s21], [sflag:$0x6] =	stream.indirect.gather [hbm4b:s6+s7], $0x10, s20, s7, $0xb8;
	[tilespmem:$0x1ED20] =	vst v63  }
0x10b: {  	_ =	swait.ge [sflag:s19], $0x3E80  }
0x10c: {  	[sflag:s19] =	ssyncset.done $0x0  }
0x10d: {  	[sflag:s19] =	ssyncadd.s32 $0xFFFFC180  }
0x10e: {  	[spmem:s2] =	stream.indirect.scatter.add.f32 [tilespmem:s11], [sflag:$0x7], $0x10, s28, s7, $0xb8;
	[tilespmem:$0x1ED20] =	vst v63  }
0x10f: {  	_ =	swait.ge [sflag:s18], $0x3E80  }
0x110: {  	[sflag:s18] =	ssyncset.done $0x0  }
0x111: {  	s30 =	rddreg [dreg:$0xb];
	[sflag:s18] =	ssyncadd.s32 $0xFFFFC180  }
0x112: {  	[spmem:s2] =	stream.indirect.scatter.add.f32 [tilespmem:s10], [sflag:$0x8], $0x10, s30, s7, $0xb8;
	[tilespmem:$0x1ED20] =	vst v63  }
0x113: {  	_ =	swait.ge [sflag:s16], $0x3E80  }
0x114: {  	[sflag:s16] =	ssyncset.done $0x0  }
0x115: {  	s1 =	rddreg [dreg:$0xc];
	[sflag:s16] =	ssyncadd.s32 $0xFFFFC180  }
0x116: {  	[spmem:s2] =	stream.indirect.scatter.add.f32 [tilespmem:s9], [sflag:$0x9], $0x10, s1, s7, $0xb8;
	[tilespmem:$0x1ED20] =	vst v63  }
0x117: {  	_ =	swait.ge [sflag:s15], $0x3E80  }
0x118: {  	[sflag:s15] =	ssyncset.done $0x0  }
0x119: {  	s20 =	rddreg [dreg:$0xd];
	[sflag:s15] =	ssyncadd.s32 $0xFFFFC180  }
0x11a: {  	[spmem:s2] =	stream.indirect.scatter.add.f32 [tilespmem:s8], [sflag:$0xA], $0x10, s20, s7, $0xb8;
	[tilespmem:$0x1ED20] =	vst v63  }
0x11b: {  	_ =	swait.ge [sflag:s12], $0x3E80  }
0x11c: {  	[sflag:s12] =	ssyncset.done $0x0  }
0x11d: {  	s28 =	rddreg [dreg:$0xe];
	[sflag:s12] =	ssyncadd.s32 $0xFFFFC180  }
0x11e: {  	[tilespmem:s11], [sflag:$0x1] =	stream.indirect.gather [hbm4b:s6+s7], $0x10, s28, s7, $0xb8;
	[tilespmem:$0x1ED20] =	vst v63  }
0x11f: {  	_ =	swait.ge [sflag:s31], $0x3E80  }
0x120: {  	[sflag:s31] =	ssyncset.done $0x0  }
0x121: {  	s30 =	rddreg [dreg:$0xf];
	[sflag:s31] =	ssyncadd.s32 $0xFFFFC180  }
0x122: {  	[spmem:s2] =	stream.indirect.scatter.add.f32 [tilespmem:s25], [sflag:$0xB], $0x10, s30, s7, $0xb8;
	[tilespmem:$0x1ED20] =	vst v63  }
0x123: {  	_ =	swait.ge [sflag:s13], $0x3E80  }
0x124: {  	[sflag:s13] =	ssyncset.done $0x0  }
0x125: {  	s31 =	rddreg [dreg:$0x10];
	[sflag:s13] =	ssyncadd.s32 $0xFFFFC180  }
0x126: {  	[tilespmem:s10], [sflag:$0x2] =	stream.indirect.gather [hbm4b:s6+s7], $0x10, s31, s7, $0xb8;
	[tilespmem:$0x1ED20] =	vst v63  }
0x127: {  	_ =	swait.ge [sflag:s29], $0x3E80  }
0x128: {  	[sflag:s29] =	ssyncset.done $0x0  }
0x129: {  	s1 =	rddreg [dreg:$0x11];
	[sflag:s29] =	ssyncadd.s32 $0xFFFFC180  }
0x12a: {  	[spmem:s2] =	stream.indirect.scatter.add.f32 [tilespmem:s21], [sflag:$0xC], $0x10, s1, s7, $0xb8;
	[tilespmem:$0x1ED20] =	vst v63  }
0x12b: {  	_ =	swait.ge [sflag:s17], $0x3E80  }
0x12c: {  	[sflag:s17] =	ssyncset.done $0x0  }
0x12d: {  	s20 =	rddreg [dreg:$0x12];
	[sflag:s17] =	ssyncadd.s32 $0xFFFFC180  }
0x12e: {  	[tilespmem:s9], [sflag:$0x3] =	stream.indirect.gather [hbm4b:s6+s7], $0x10, s20, s7, $0xb8;
	[tilespmem:$0x1ED20] =	vst v63  }
0x12f: {  	_ =	swait.ge [sflag:s19], $0x3E80  }
0x130: {  	[sflag:s19] =	ssyncset.done $0x0  }
0x131: {  	s21 =	rddreg [dreg:$0x13];
	[sflag:s19] =	ssyncadd.s32 $0xFFFFC180  }
0x132: {  	[spmem:s2] =	stream.indirect.scatter.add.f32 [tilespmem:s11], [sflag:$0x7], $0x10, s21, s7, $0xb8;
	[tilespmem:$0x1ED20] =	vst v63  }
0x133: {  	_ =	swait.ge [sflag:s14], $0x3E80  }
0x134: {  	[sflag:s14] =	ssyncset.done $0x0  }
0x135: {  	s25 =	rddreg [dreg:$0x14];
	[sflag:s14] =	ssyncadd.s32 $0xFFFFC180  }
0x136: {  	[tilespmem:s8], [sflag:$0x4] =	stream.indirect.gather [hbm4b:s6+s7], $0x10, s25, s7, $0xb8;
	[tilespmem:$0x1ED20] =	vst v63  }
0x137: {  	_ =	swait.ge [sflag:s18], $0x3E80  }
0x138: {  	[sflag:s18] =	ssyncset.done $0x0  }
0x139: {  	s28 =	rddreg [dreg:$0x15];
	[sflag:s18] =	ssyncadd.s32 $0xFFFFC180  }
0x13a: {  	[spmem:s2] =	stream.indirect.scatter.add.f32 [tilespmem:s10], [sflag:$0x8], $0x10, s28, s7, $0xb8;
	[tilespmem:$0x1ED20] =	vst v63  }
0x13b: {  	_ =	swait.ge [sflag:s16], $0x3E80  }
0x13c: {  	[sflag:s16] =	ssyncset.done $0x0  }
0x13d: {  	[sflag:s16] =	ssyncadd.s32 $0xFFFFC180  }
0x13e: {  	[spmem:s2] =	stream.indirect.scatter.add.f32 [tilespmem:s9], [sflag:$0x9], $0x10, s26, s7, $0xb8;
	[tilespmem:$0x1ED20] =	vst v63  }
0x13f: {  	_ =	swait.ge [sflag:s15], $0x3E80  }
0x140: {  	[sflag:s15] =	ssyncset.done $0x0  }
0x141: {  	s29 =	simm.s32 $0x4A38;
	[sflag:s15] =	ssyncadd.s32 $0xFFFFC180  }
0x142: {  	[spmem:s2] =	stream.indirect.scatter.add.f32 [tilespmem:s8], [sflag:$0xA], $0x10, s29, s7, $0xb8;
	[tilespmem:$0x1ED20] =	vst v63  }
0x143: {  	_ =	swait.ge [sflag:s23], $0x3E80  }
0x144: {  	[sflag:s23] =	ssyncset.done $0x0  }
0x145: {  	[sflag:s23] =	ssyncadd.s32 $0xFFFFC180  }
0x146: {  	_ =	swait.ge [sflag:s22], $0x3E80  }
0x147: {  	[sflag:s22] =	ssyncset.done $0x0  }
0x148: {  	[sflag:s22] =	ssyncadd.s32 $0xFFFFC180  }
0x149: {  	_ =	swait.ge [sflag:s12], $0x3E80  }
0x14a: {  	[sflag:s12] =	ssyncset.done $0x0  }
0x14b: {  	[sflag:s12] =	ssyncadd.s32 $0xFFFFC180  }
0x14c: {  	_ =	swait.ge [sflag:s13], $0x3E80  }
0x14d: {  	[sflag:s13] =	ssyncset.done $0x0  }
0x14e: {  	[sflag:s13] =	ssyncadd.s32 $0xFFFFC180  }
0x14f: {  	_ =	swait.ge [sflag:s17], $0x3E80  }
0x150: {  	[sflag:s17] =	ssyncset.done $0x0  }
0x151: {  	[sflag:s17] =	ssyncadd.s32 $0xFFFFC180  }
0x152: {  	_ =	swait.ge [sflag:s14], $0x3E80  }
0x153: {  	[sflag:s14] =	ssyncset.done $0x0  }
0x154: {  	[sflag:s14] =	ssyncadd.s32 $0xFFFFC180  }
0x155: {  	[bflag:$0x0] =	sbarrier.arrive $0xFFFF  }
0x156: {  	s30 =	rddreg [dreg:$0x6]  }
0x157: {  	[hbm:s30], [sflag:s3] =	dma.local [spmem:s5], $0x500  }
0x158: {  	_ =	swait.ge [sflag:s4], $0x500  }
0x159: {  	[sflag:s4] =	ssyncset.done $0x0  }
0x15a: {  	[sflag:s4] =	ssyncadd.s32 $0xFFFFFB00  }
0x15b: {  	_ =	sfence.sel $0x180000  }
0x15c: {  	s31 =	stileid.u32;
	[bflag:$0x0] =	sbarrier.arrive $0xFFFF  }
0x15d: {  	p0 =	sne.s32 s31, $0x0;
	_ =	strace $0x9000004D  }
0x15e: {  	s0 =	sadd.s32 @!p0 $0x100000, s24;
	[bflag:$0x2] =	sbarrier.arrive $0xFFFF  }
0x15f: {  	[sflag:s0] =	ssyncadd.tile.s32 @!p0 $0x1;
	_ =	shalt  }
.LBB2_1:
.Ltmp3:
0x160: {  	(pc) =	sbr.rel .LBB2_6-.Ltmp3, $2  }
0x161: {  	_ =	sdelay $0x2  }
0x162: {  	s26 =	simm.s32 $0x4650  }
.LBB2_3:
.Ltmp4:
0x163: {  	(pc) =	sbr.rel .LBB2_6-.Ltmp4, $2  }
0x164: {  	_ =	sdelay $0x2  }
0x165: {  	s26 =	simm.s32 $0x4650;
	s24 =	rddreg [dreg:$0x3]  }
.Lfunc_end2:
_tile_overlayer_lowered:
.L_overlay_start_2:
0x166: {  	(tag) =	ssettag $0x2  }
0x167: {  	s0 =	rddreg [dreg:$0x0];
	s2 =	stileid.u32  }
0x168: {  	s1 =	rddreg [dreg:$0x1];
	p0 =	sne.s32 s2, $0x0  }
0x169: {  	s3 =	rddreg [dreg:$0x2];
	[bflag:$0x3] =	sbarrier.arrive $0xFFFF;
	s2 =	simm.s32 @!p0 $0x1C0D  }
0x16a: {  	[timem:s3], [sflag:s2] =	dma.local @!p0 [hbm:s0], s1  }
0x16b: {  	s0 =	simm.s32 @!p0 $0xD  }
0x16c: {  	_ =	swait.ge @!p0 [sflag:s0], s1  }
0x16d: {  	s1 =	ssub.s32 @!p0 $0x0, s1;
	[sflag:s0] =	ssyncset.done @!p0 $0x0  }
0x16e: {  	[sflag:s0] =	ssyncadd.s32 @!p0 s1  }
0x16f: {  	[bflag:$0x3] =	sbarrier.arrive $0xFFFF  }
0x170: {  	_ =	shalt  }

// kernel: kernel.9.cloned.1.call-start
scs
__scs_entry_jumppad:
0x0: {  	(pc) =	sbr.rel $0x88, $3  }
0x1: {  	(tag) =	ssettag $0x0;
	lr =	simm.s32 $0x1  }
0x2: {  	[smem:$0x3F9A] =	sst lr;
	_ =	strace $0xD0000000  }
0x3: {  	_ = 	snop  }
0x4: {  	_ = 	snop  }
0x5: {  	_ = 	snop  }
0x6: {  	_ = 	snop  }
0x7: {  	_ = 	snop  }
__scs_overlays_trampoline_lowered:
0x8: {  	[smem:$0x3FA9] =	sst s0  }
0x9: {  	[smem:$0x3FAA] =	sst s1  }
0xa: {  	[smem:$0x3FAB] =	sst s2  }
0xb: {  	[smem:$0x3FAC] =	sst s3  }
0xc: {  	[smem:$0x3FAD] =	sst s4  }
0xd: {  	[smem:$0x3FAE] =	sst s5  }
0xe: {  	[smem:$0x3FAF] =	sst s6  }
0xf: {  	[smem:$0x3FB0] =	sst s7  }
0x10: {  	[smem:$0x3FB1] =	sst s8  }
0x11: {  	[smem:$0x3FB2] =	sst s9;
	s0 =	simm.s32 @!p0 $0x0  }
0x12: {  	s1 =	sld [smem:$0x3F98];
	s0 =	simm.s32 @p0 $0x1  }
0x13: {  	[smem:$0x3FB3] =	sst s0;
	s0 =	simm.s32 @!p1 $0x0  }
0x14: {  	s2 =	sld [smem:$0x3F97];
	s0 =	simm.s32 @p1 $0x1  }
0x15: {  	[smem:$0x3FB4] =	sst s0;
	s0 =	simm.s32 @!p2 $0x0  }
0x16: {  	s3 =	sld [smem:$0x3FDB];
	s0 =	simm.s32 @p2 $0x1  }
0x17: {  	s4 =	simm.s32 $0x1BF5;
	[smem:$0x3FB6] =	sst s0  }
0x18: {  	s0 =	sld [smem:$0x3F99];
	_ =	swait.ge [sflag:s4], $0x0  }
0x19: {  	s7 =	sld [smem:$0x3F9A]  }
0x1a: {  	s8 =	sadd.s32 $0xFFFFE003, lr  }
0x1b: {  	s9 =	sadd.s32 $0xFFFFFEF7, lr;
	s5 =	simm.s32 $0xFFFFFFFF;
	p2 =	slt.u32 s8, $0xFFFFF086  }
0x1c: {  	p1 =	slt.u32 s9, $0xF7A;
	s5 =	simm.s32 @!p2 $0x0  }
0x1d: {  	s5 =	simm.s32 @p1 $0x1;
	p0 =	seq.s32 s7, s2  }
0x1e: {  	s7 =	smul.u32 @!p0 $0xF7A, s2;
	p2 =	seq.s32 @!p0 s5, $0x0  }
0x1f: {  	s9 =	smul.u32 $0xF7A, s1;
	s8 =	simm.s32 @!p0 $0x1BF5;
	p2 =	por !p2, p0  }
0x20: {  	[sflag:s8] =	ssyncset.s32 @!p0 $0xFFFFF086;
	s6 =	sadd.s32 @!p0 s3, s7;
	s7 =	simm.s32 @!p0 $0x108  }
0x21: {  	s3 =	sadd.s32 s3, s9;
	s6 =	sadd.s32 @!p0 $0x88, s6;
	s7 =	simm.s32 @p2 $0x1082  }
0x22: {  	[simem:s7], [sflag:s8] =	dma.local @!p0 [hbm:s6], $0xF7A  }
0x23: {  	s9 =	sor.u32 $0xD0000000, s2;
	s6 =	simm.s32 $0x108;
	_ =	swait.ge @!p0 [sflag:s8], $0x0  }
0x24: {  	s3 =	sadd.s32 $0x88, s3;
	s6 =	simm.s32 @!p1 $0x1082;
	[sflag:s4] =	ssyncset.s32 $0xFFFFF086  }
0x25: {  	[simem:s6], [sflag:s4] =	dma.local [hbm:s3], $0xF7A  }
0x26: {  	[smem:$0x3F9A] =	sst s1;
	(tag) =	ssettag s2;
	_ =	strace s9  }
0x27: {  	s1 =	sld [smem:$0x3FAA]  }
0x28: {  	s2 =	sld [smem:$0x3FAB]  }
0x29: {  	s4 =	sld [smem:$0x3FAD]  }
0x2a: {  	p0 =	seq.s32 s5, $0x0;
	s5 =	sld [smem:$0x3FAE]  }
0x2b: {  	s6 =	sld [smem:$0x3FAF]  }
0x2c: {  	s7 =	sld [smem:$0x3FB0]  }
0x2d: {  	s3 =	simm.s32 $0x108;
	s8 =	sld [smem:$0x3FB1]  }
0x2e: {  	s3 =	simm.s32 @!p0 $0x1082;
	s9 =	sld [smem:$0x3FB2]  }
0x2f: {  	lr =	sadd.s32 s0, s3;
	s0 =	sld [smem:$0x3FA9]  }
0x30: {  	s3 =	sld [smem:$0x3FAC]  }
0x31: {  	[smem:$0x3FB5] =	sst s10  }
0x32: {  	s10 =	sld [smem:$0x3FB3];
	_ =	sdelay $0x3  }
0x33: {  	p0 =	seq.s32 s10, $0x1;
	s10 =	sld [smem:$0x3FB5];
	_ =	sdelay $0x3  }
0x34: {  	[smem:$0x3FB5] =	sst s10  }
0x35: {  	s10 =	sld [smem:$0x3FB4];
	_ =	sdelay $0x3  }
0x36: {  	p1 =	seq.s32 s10, $0x1;
	s10 =	sld [smem:$0x3FB5];
	_ =	sdelay $0x3  }
0x37: {  	[smem:$0x3FB5] =	sst s10  }
0x38: {  	s10 =	sld [smem:$0x3FB6]  }
0x39: {  	_ = 	snop;
	(pc) =	sbr.ind lr, $3  }
0x3a: {  	_ = 	snop  }
0x3b: {  	_ = 	snop  }
0x3c: {  	p2 =	seq.s32 s10, $0x1;
	s10 =	sld [smem:$0x3FB5]  }
0x3d: {  	_ =	shalt  }
0x3e: {  	_ =	shalt  }
0x3f: {  	_ =	shalt  }
0x40: {  	_ =	shalt  }
0x41: {  	_ =	shalt  }
0x42: {  	_ =	shalt  }
0x43: {  	_ =	shalt  }
0x44: {  	_ =	shalt  }
0x45: {  	_ =	shalt  }
0x46: {  	_ =	shalt  }
0x47: {  	_ =	shalt  }
0x48: {  	_ =	shalt  }
0x49: {  	_ =	shalt  }
0x4a: {  	_ =	shalt  }
0x4b: {  	_ =	shalt  }
0x4c: {  	_ =	shalt  }
0x4d: {  	_ =	shalt  }
0x4e: {  	_ =	shalt  }
0x4f: {  	_ =	shalt  }
0x50: {  	_ =	shalt  }
0x51: {  	_ =	shalt  }
0x52: {  	_ =	shalt  }
0x53: {  	_ =	shalt  }
0x54: {  	_ =	shalt  }
0x55: {  	_ =	shalt  }
0x56: {  	_ =	shalt  }
0x57: {  	_ =	shalt  }
0x58: {  	_ =	shalt  }
0x59: {  	_ =	shalt  }
0x5a: {  	_ =	shalt  }
0x5b: {  	_ =	shalt  }
0x5c: {  	_ =	shalt  }
0x5d: {  	_ =	shalt  }
0x5e: {  	_ =	shalt  }
0x5f: {  	_ =	shalt  }
0x60: {  	_ =	shalt  }
0x61: {  	_ =	shalt  }
0x62: {  	_ =	shalt  }
0x63: {  	_ =	shalt  }
0x64: {  	_ =	shalt  }
0x65: {  	_ =	shalt  }
0x66: {  	_ =	shalt  }
0x67: {  	_ =	shalt  }
0x68: {  	_ =	shalt  }
0x69: {  	_ =	shalt  }
0x6a: {  	_ =	shalt  }
0x6b: {  	_ =	shalt  }
0x6c: {  	_ =	shalt  }
0x6d: {  	_ =	shalt  }
0x6e: {  	_ =	shalt  }
0x6f: {  	_ =	shalt  }
0x70: {  	_ =	shalt  }
0x71: {  	_ =	shalt  }
0x72: {  	_ =	shalt  }
0x73: {  	_ =	shalt  }
0x74: {  	_ =	shalt  }
0x75: {  	_ =	shalt  }
0x76: {  	_ =	shalt  }
0x77: {  	_ =	shalt  }
0x78: {  	_ =	shalt  }
0x79: {  	_ =	shalt  }
0x7a: {  	_ =	shalt  }
0x7b: {  	_ =	shalt  }
0x7c: {  	_ =	shalt  }
0x7d: {  	_ =	shalt  }
0x7e: {  	_ =	shalt  }
0x7f: {  	_ =	shalt  }
0x80: {  	_ =	shalt  }
0x81: {  	_ =	shalt  }
0x82: {  	_ =	shalt  }
0x83: {  	_ =	shalt  }
0x84: {  	_ =	shalt  }
0x85: {  	_ =	shalt  }
0x86: {  	_ =	shalt  }
0x87: {  	_ =	shalt  }
.Lfunc_end0:
.L_simem_size_0:
called_computation_lowered:
.L_overlay_start_0:
0x88: {  	s2 =	sld [smem:$0x3FD9]  }
0x89: {  	s3 =	sld [smem:$0x3FFE];
	_ =	sdelay $0x1  }
0x8a: {  	s1 =	srdreg.scid  }
0x8b: {  	s0 =	sand.u32 $0x1, s1  }
0x8c: {  	s17 =	sshll.u32 s0, $0xA;
	s2 =	sadd.s32 s3, s2  }
0x8d: {  	s2 =	sadd.s32 s2, s17  }
0x8e: {  	[smem:$0x3FC1] =	sst s2  }
0x8f: {  	_ = 	snop  }
0x90: {  	s2 =	sld [smem:$0x3FD0];
	(tm) =	ssettm $0x1  }
0x91: {  	s18 =	sld [smem:$0x3FFB];
	_ =	sdelay $0x3  }
0x92: {  	_ =	strace s18  }
0x93: {  	s3 =	sld [smem:$0x3FFC];
	_ =	sdelay $0x3  }
0x94: {  	_ =	strace s3  }
0x95: {  	s3 =	sld [smem:$0x3FFD];
	_ =	sdelay $0x3  }
0x96: {  	_ =	strace s3  }
0x97: {  	_ =	strace $0x8FFFFFFF  }
0x98: {  	s19 =	sld [smem:$0x3FDB];
	_ =	sdelay $0x1  }
0x99: {  	s4 =	simm.s32 $_scs_section_size  }
0x9a: {  	s5 =	simm.s32 $_size__tile_overlayer_lowered;
	s6 =	simm.s32 $_tile_overlayer_lowered  }
0x9b: {  	s22 =	simm.s32 $0x1BFF;
	s21 =	sshll.u32 s6, $0x1;
	s3 =	sadd.s32 s4, s19  }
0x9c: {  	s7 =	simm.s32 $0x0;
	s20 =	sshll.u32 s5, $0x1;
	s5 =	sadd.s32 s21, s3  }
0x9d: {  	[timem:s7], [sflag:s22] =	dma.local [hbm:s5], s20  }
0x9e: {  	_ =	swait.ge [sflag:s22], s20  }
0x9f: {  	s4 =	ssub.s32 $0x0, s20;
	[sflag:s22] =	ssyncset.done $0x0  }
0xa0: {  	[sflag:s22] =	ssyncadd.s32 s4;
	_ =	sdelay $0x1  }
0xa1: {  	s23 =	simm.s32 $0x1B8B  }
0xa2: {  	_ =	swait.ge [sflag:s23], $0x1  }
0xa3: {  	[sflag:s23] =	ssyncset.done $0x0  }
0xa4: {  	s25 =	simm.s32 $0x1B8E;
	s24 =	sld [smem:$0x3FFE];
	[sflag:s23] =	ssyncadd.s32 $0xFFFFFFFF  }
0xa5: {  	s26 =	simm.s32 $execute0_lowered;
	[smem:$0x3FD2] =	sst s25  }
0xa6: {  	s5 =	sshll.u32 s26, $0x1;
	_ =	strace $0x80000046;
	[dreg:$0x1] =	wrdreg $0xFFFFFFFF  }
0xa7: {  	s28 =	simm.s32 $_size_execute0_lowered;
	s3 =	sadd.s32 s3, s5;
	[dreg:$0x0] =	wrdreg $0x0  }
0xa8: {  	s5 =	sshll.u32 s28, $0x1;
	[dreg:$0x2] =	wrdreg s3  }
0xa9: {  	[dreg:$0x3] =	wrdreg s5  }
0xaa: {  	[dreg:$0x4] =	wrdreg $0xC0  }
0xab: {  	_ =	task [dreg:s7], $0x5FFFF  }
0xac: {  	[dreg:$0x1] =	wrdreg $0xFFFFFFFF  }
0xad: {  	[dreg:$0x0] =	wrdreg $0x60  }
0xae: {  	[dreg:$0x2] =	wrdreg s2  }
0xaf: {  	[dreg:$0x3] =	wrdreg s24  }
0xb0: {  	[dreg:$0x4] =	wrdreg $0x65900  }
0xb1: {  	[dreg:$0x5] =	wrdreg $0x9  }
0xb2: {  	_ =	task.clear_ibuf [dreg:s7], $0x6FFFF;
	_ =	strace $0x90000046  }
0xb3: {  	s29 =	simm.s32 $0x9;
	_ =	strace $0x80000048  }
0xb4: {  	_ =	swait.ge [sflag:s29], $0x1  }
0xb5: {  	[sflag:s29] =	ssyncadd.s32 $0xFFFFFFFF  }
0xb6: {  	_ =	strace $0x90000048  }
0xb7: {  	_ =	sfence  }
0xb8: {  	s30 =	sld [smem:$0x0];
	_ =	sdelay $0x2  }
0xb9: {  	s31 =	sshll.u32 s1, $0xD;
	s1 =	sshrl.u32 s1, $0x2  }
0xba: {  	s3 =	sand.u32 $0x4000, s31;
	s1 =	sadd.s32 s1, s30  }
0xbb: {  	s0 =	sor.u32 s3, s0;
	s1 =	sshll.u32 s1, $0x11  }
0xbc: {  	s0 =	sor.u32 s1, s0  }
0xbd: {  	s0 =	sadd.s32 $0x8F2B, s0  }
0xbe: {  	[sflag:s0] =	ssyncadd.remote.s32 $0x1  }
0xbf: {  	_ =	sfence.sel $0xFFFF  }
0xc0: {  	[dreg:$0x0] =	wrdreg $0xFFFFFFFF;
	(pc) =	sbr.abs _section_cstart, $3  }
0xc1: {  	[dreg:$0x1] =	wrdreg $0xFFFFFFFF  }
0xc2: {  	_ =	task.clear_ibuf [dreg:s7], $0x2FFFF;
	_ =	strace $0x9FFFFFFF  }
0xc3: {  	(tm) =	ssettm $0x7FFFFFFF  }
tec
execute0_lowered:
.L_overlay_start_1:
0x0: {  	(tag) =	ssettag $0x1  }
0x1: {  	s8 =	rddreg [dreg:$0x0]  }
0x2: {  	s29 =	rddreg [dreg:$0x1]  }
0x3: {  	s2 =	rddreg [dreg:$0x2];
	s3 =	simm.s32 $0x0;
	s1 =	stileid.u32  }
0x4: {  	s5 =	srdreg.scid;
	[smem:$0x7FF] =	sst s3  }
0x5: {  	s4 =	sadd.s32 $0x2A00, s29;
	s31 =	smul.u32 $0x2800, s1;
	s30 =	sand.u32 $0x1, s5  }
0x6: {  	s26 =	sshll.u32 s1, $0x6;
	s6 =	sshll.u32 s1, $0x1;
	_ =	strace $0x80000047  }
0x7: {  	s5 =	sor.u32 $0x1C09, s26;
	s6 =	sor.u32 s30, s6;
	s7 =	sadd.s32 s31, s2  }
0x8: {  	s9 =	smul.u32 $0x2710, s6;
	s6 =	simm.s32 $0x9;
	s7 =	sshrl.u32 s7, $0x3  }
0x9: {  	[spmem:s7], [sflag:s5] =	dma.local [hbm:s4], $0x500  }
0xa: {  	s9 =	sshrl.u32 s9, $0x3;
	_ =	swait.ge [sflag:s6], $0x500  }
0xb: {  	s8 =	sadd.s32 s8, s9;
	[sflag:s6] =	ssyncset.done $0x0  }
0xc: {  	s8 =	sadd.s32 $0x9C40, s8;
	[sflag:s6] =	ssyncadd.s32 $0xFFFFFB00  }
0xd: {  	[tilespmem:s3], [sflag:$0x9] =	stream.linear.gather [hbm4b:s8+s3], $0x2710, $0x38;
	[tilespmem:$0x8D90] =	vst v63  }
0xe: {  	_ =	swait.ge [sflag:s6], $0x2710  }
0xf: {  	[sflag:s6] =	ssyncset.done $0x0  }
0x10: {  	s10 =	simm.s32 $0x2710;
	s9 =	sadd.s32 $0x3000, s29;
	[sflag:s6] =	ssyncadd.s32 $0xFFFFD8F0  }
0x11: {  	[tilespmem:s10], [sflag:$0x9] =	stream.linear.gather [hbm4b:s9+s3], $0x3E80, $0x38;
	[tilespmem:$0x8D90] =	vst v63  }
0x12: {  	_ =	swait.ge [sflag:s6], $0x3E80  }
0x13: {  	[sflag:s6] =	ssyncset.done $0x0  }
0x14: {  	[sflag:s6] =	ssyncadd.s32 $0xFFFFC180  }
0x15: {  	s11 =	simm.s32 $0x3E8;
	[bflag:$0x0] =	sbarrier.arrive $0xFFFF  }
0x16: {  	[spmem:s2] =	stream.indirect.scatter.add.f32 [tilespmem:s10], [sflag:$0x1], $0x10, s3, s11, $0xb8;
	[tilespmem:$0x8D90] =	vst v63  }
0x17: {  	_ = 	snop  }
0x18: {  	[spmem:s2] =	stream.indirect.scatter.add.f32 [tilespmem:s10], [sflag:$0x2], $0x10, s11, s11, $0xb8;
	[tilespmem:$0x8D90] =	vst v63  }
0x19: {  	s12 =	simm.s32 $0x7D0  }
0x1a: {  	[spmem:s2] =	stream.indirect.scatter.add.f32 [tilespmem:s10], [sflag:$0x3], $0x10, s12, s11, $0xb8;
	[tilespmem:$0x8D90] =	vst v63  }
0x1b: {  	s13 =	simm.s32 $0xBB8  }
0x1c: {  	[spmem:s2] =	stream.indirect.scatter.add.f32 [tilespmem:s10], [sflag:$0x4], $0x10, s13, s11, $0xb8;
	[tilespmem:$0x8D90] =	vst v63  }
0x1d: {  	s14 =	simm.s32 $0xFA0  }
0x1e: {  	[spmem:s2] =	stream.indirect.scatter.add.f32 [tilespmem:s10], [sflag:$0x5], $0x10, s14, s11, $0xb8;
	[tilespmem:$0x8D90] =	vst v63  }
0x1f: {  	s15 =	simm.s32 $0x1388  }
0x20: {  	[spmem:s2] =	stream.indirect.scatter.add.f32 [tilespmem:s10], [sflag:$0x6], $0x10, s15, s11, $0xb8;
	[tilespmem:$0x8D90] =	vst v63  }
0x21: {  	s16 =	simm.s32 $0x1770  }
0x22: {  	[spmem:s2] =	stream.indirect.scatter.add.f32 [tilespmem:s10], [sflag:$0x7], $0x10, s16, s11, $0xb8;
	[tilespmem:$0x8D90] =	vst v63  }
0x23: {  	s17 =	simm.s32 $0x1B58  }
0x24: {  	[spmem:s2] =	stream.indirect.scatter.add.f32 [tilespmem:s10], [sflag:$0x8], $0x10, s17, s11, $0xb8;
	[tilespmem:$0x8D90] =	vst v63  }
0x25: {  	s18 =	simm.s32 $0x1F40  }
0x26: {  	[spmem:s2] =	stream.indirect.scatter.add.f32 [tilespmem:s10], [sflag:$0x1], $0x10, s18, s11, $0xb8;
	[tilespmem:$0x8D90] =	vst v63  }
0x27: {  	s19 =	simm.s32 $0x2328;
	s20 =	simm.s32 $0x1  }
0x28: {  	[spmem:s2] =	stream.indirect.scatter.add.f32 [tilespmem:s10], [sflag:$0x2], $0x10, s19, s11, $0xb8;
	[tilespmem:$0x8D90] =	vst v63  }
0x29: {  	_ =	swait.ge [sflag:s20], $0x3E80  }
0x2a: {  	[sflag:s20] =	ssyncset.done $0x0  }
0x2b: {  	s21 =	simm.s32 $0x2;
	[sflag:s20] =	ssyncadd.s32 $0xFFFFC180  }
0x2c: {  	_ =	swait.ge [sflag:s21], $0x3E80  }
0x2d: {  	[sflag:s21] =	ssyncset.done $0x0  }
0x2e: {  	s22 =	simm.s32 $0x3;
	[sflag:s21] =	ssyncadd.s32 $0xFFFFC180  }
0x2f: {  	_ =	swait.ge [sflag:s22], $0x3E80  }
0x30: {  	[sflag:s22] =	ssyncset.done $0x0  }
0x31: {  	s23 =	simm.s32 $0x4;
	[sflag:s22] =	ssyncadd.s32 $0xFFFFC180  }
0x32: {  	_ =	swait.ge [sflag:s23], $0x3E80  }
0x33: {  	[sflag:s23] =	ssyncset.done $0x0  }
0x34: {  	s24 =	simm.s32 $0x5;
	[sflag:s23] =	ssyncadd.s32 $0xFFFFC180  }
0x35: {  	_ =	swait.ge [sflag:s24], $0x3E80  }
0x36: {  	[sflag:s24] =	ssyncset.done $0x0  }
0x37: {  	s25 =	simm.s32 $0x6;
	[sflag:s24] =	ssyncadd.s32 $0xFFFFC180  }
0x38: {  	_ =	swait.ge [sflag:s25], $0x3E80  }
0x39: {  	[sflag:s25] =	ssyncset.done $0x0  }
0x3a: {  	s26 =	simm.s32 $0x7;
	[sflag:s25] =	ssyncadd.s32 $0xFFFFC180  }
0x3b: {  	_ =	swait.ge [sflag:s26], $0x3E80  }
0x3c: {  	[sflag:s26] =	ssyncset.done $0x0  }
0x3d: {  	s28 =	simm.s32 $0x8;
	[sflag:s26] =	ssyncadd.s32 $0xFFFFC180  }
0x3e: {  	_ =	swait.ge [sflag:s28], $0x3E80  }
0x3f: {  	[sflag:s28] =	ssyncset.done $0x0  }
0x40: {  	s0 =	smul.u32 $0x28000, s30;
	[sflag:s28] =	ssyncadd.s32 $0xFFFFC180  }
0x41: {  	s30 =	ssub.s32 $0x2, s30;
	_ =	swait.ge [sflag:s20], $0x3E80  }
0x42: {  	s0 =	sadd.s32 s31, s0;
	s31 =	sshrl.u32 s30, $0x1;
	[sflag:s20] =	ssyncset.done $0x0  }
0x43: {  	s30 =	ssub.s32 s30, s31;
	[sflag:s20] =	ssyncadd.s32 $0xFFFFC180  }
0x44: {  	s31 =	smax.u32 s30, $0x1;
	_ =	swait.ge [sflag:s21], $0x3E80  }
0x45: {  	s0 =	sshrl.u32 s0, $0x3;
	p0 =	sne.s32 s31, $0x1;
	[sflag:s21] =	ssyncset.done $0x0  }
.Ltmp0:
0x46: {  	s0 =	sadd.s32 s0, s29;
	[sflag:s21] =	ssyncadd.s32 $0xFFFFC180;
	(pc) =	sbr.rel @!p0 .LBB2_2-.Ltmp0, $4  }
0x47: {  	s29 =	sadd.s32 $0x3800, s0;
	[bflag:$0x0] =	sbarrier.arrive $0xFFFF  }
0x48: {  	[hbm:s29], [sflag:s5] =	dma.local [spmem:s7], $0x500  }
0x49: {  	_ =	swait.ge [sflag:s6], $0x500  }
0x4a: {  	s30 =	sadd.s32 $0xFFFFFFFF, s31;
	[sflag:s6] =	ssyncset.done $0x0  }
.LBB2_1:
0x4b: {  	p0 =	sne.s32 s30, $0x1;
	s30 =	sadd.s32 $0xFFFFFFFF, s30;
	[sflag:s6] =	ssyncadd.s32 $0xFFFFFB00  }
0x4c: {  	[spmem:s7], [sflag:s5] =	dma.local [hbm:s4], $0x500  }
0x4d: {  	_ =	swait.ge [sflag:s6], $0x500  }
0x4e: {  	[sflag:s6] =	ssyncset.done $0x0  }
0x4f: {  	[sflag:s6] =	ssyncadd.s32 $0xFFFFFB00  }
0x50: {  	[tilespmem:s3], [sflag:$0x9] =	stream.linear.gather [hbm4b:s8+s3], $0x2710, $0x38;
	[tilespmem:$0x8D90] =	vst v63  }
0x51: {  	_ =	swait.ge [sflag:s6], $0x2710  }
0x52: {  	[sflag:s6] =	ssyncset.done $0x0  }
0x53: {  	[sflag:s6] =	ssyncadd.s32 $0xFFFFD8F0  }
0x54: {  	[tilespmem:s10], [sflag:$0x9] =	stream.linear.gather [hbm4b:s9+s3], $0x3E80, $0x38;
	[tilespmem:$0x8D90] =	vst v63  }
0x55: {  	_ =	swait.ge [sflag:s6], $0x3E80  }
0x56: {  	[sflag:s6] =	ssyncset.done $0x0  }
0x57: {  	[sflag:s6] =	ssyncadd.s32 $0xFFFFC180  }
0x58: {  	[bflag:$0x0] =	sbarrier.arrive $0xFFFF  }
0x59: {  	[spmem:s2] =	stream.indirect.scatter.add.f32 [tilespmem:s10], [sflag:$0x1], $0x10, s3, s11, $0xb8;
	[tilespmem:$0x8D90] =	vst v63  }
0x5a: {  	_ = 	snop  }
0x5b: {  	[spmem:s2] =	stream.indirect.scatter.add.f32 [tilespmem:s10], [sflag:$0x2], $0x10, s11, s11, $0xb8;
	[tilespmem:$0x8D90] =	vst v63  }
0x5c: {  	_ = 	snop  }
0x5d: {  	[spmem:s2] =	stream.indirect.scatter.add.f32 [tilespmem:s10], [sflag:$0x3], $0x10, s12, s11, $0xb8;
	[tilespmem:$0x8D90] =	vst v63  }
0x5e: {  	_ = 	snop  }
0x5f: {  	[spmem:s2] =	stream.indirect.scatter.add.f32 [tilespmem:s10], [sflag:$0x4], $0x10, s13, s11, $0xb8;
	[tilespmem:$0x8D90] =	vst v63  }
0x60: {  	_ = 	snop  }
0x61: {  	[spmem:s2] =	stream.indirect.scatter.add.f32 [tilespmem:s10], [sflag:$0x5], $0x10, s14, s11, $0xb8;
	[tilespmem:$0x8D90] =	vst v63  }
0x62: {  	_ = 	snop  }
0x63: {  	[spmem:s2] =	stream.indirect.scatter.add.f32 [tilespmem:s10], [sflag:$0x6], $0x10, s15, s11, $0xb8;
	[tilespmem:$0x8D90] =	vst v63  }
0x64: {  	_ = 	snop  }
0x65: {  	[spmem:s2] =	stream.indirect.scatter.add.f32 [tilespmem:s10], [sflag:$0x7], $0x10, s16, s11, $0xb8;
	[tilespmem:$0x8D90] =	vst v63  }
0x66: {  	_ = 	snop  }
0x67: {  	[spmem:s2] =	stream.indirect.scatter.add.f32 [tilespmem:s10], [sflag:$0x8], $0x10, s17, s11, $0xb8;
	[tilespmem:$0x8D90] =	vst v63  }
0x68: {  	_ = 	snop  }
0x69: {  	[spmem:s2] =	stream.indirect.scatter.add.f32 [tilespmem:s10], [sflag:$0x1], $0x10, s18, s11, $0xb8;
	[tilespmem:$0x8D90] =	vst v63  }
0x6a: {  	_ = 	snop  }
0x6b: {  	[spmem:s2] =	stream.indirect.scatter.add.f32 [tilespmem:s10], [sflag:$0x2], $0x10, s19, s11, $0xb8;
	[tilespmem:$0x8D90] =	vst v63  }
0x6c: {  	_ =	swait.ge [sflag:s20], $0x3E80  }
0x6d: {  	[sflag:s20] =	ssyncset.done $0x0  }
0x6e: {  	[sflag:s20] =	ssyncadd.s32 $0xFFFFC180  }
0x6f: {  	_ =	swait.ge [sflag:s21], $0x3E80  }
0x70: {  	[sflag:s21] =	ssyncset.done $0x0  }
0x71: {  	[sflag:s21] =	ssyncadd.s32 $0xFFFFC180  }
0x72: {  	_ =	swait.ge [sflag:s22], $0x3E80  }
0x73: {  	[sflag:s22] =	ssyncset.done $0x0  }
0x74: {  	[sflag:s22] =	ssyncadd.s32 $0xFFFFC180  }
0x75: {  	_ =	swait.ge [sflag:s23], $0x3E80  }
0x76: {  	[sflag:s23] =	ssyncset.done $0x0  }
0x77: {  	[sflag:s23] =	ssyncadd.s32 $0xFFFFC180  }
0x78: {  	_ =	swait.ge [sflag:s24], $0x3E80  }
0x79: {  	[sflag:s24] =	ssyncset.done $0x0  }
0x7a: {  	[sflag:s24] =	ssyncadd.s32 $0xFFFFC180  }
0x7b: {  	_ =	swait.ge [sflag:s25], $0x3E80  }
0x7c: {  	[sflag:s25] =	ssyncset.done $0x0  }
0x7d: {  	[sflag:s25] =	ssyncadd.s32 $0xFFFFC180  }
0x7e: {  	_ =	swait.ge [sflag:s26], $0x3E80  }
0x7f: {  	[sflag:s26] =	ssyncset.done $0x0  }
0x80: {  	[sflag:s26] =	ssyncadd.s32 $0xFFFFC180  }
0x81: {  	_ =	swait.ge [sflag:s28], $0x3E80  }
0x82: {  	[sflag:s28] =	ssyncset.done $0x0  }
0x83: {  	[sflag:s28] =	ssyncadd.s32 $0xFFFFC180  }
0x84: {  	_ =	swait.ge [sflag:s20], $0x3E80  }
0x85: {  	[sflag:s20] =	ssyncset.done $0x0  }
0x86: {  	[sflag:s20] =	ssyncadd.s32 $0xFFFFC180  }
0x87: {  	_ =	swait.ge [sflag:s21], $0x3E80  }
0x88: {  	[sflag:s21] =	ssyncset.done $0x0  }
.Ltmp1:
0x89: {  	[sflag:s21] =	ssyncadd.s32 $0xFFFFC180;
	(pc) =	sbr.rel @p0 .LBB2_1-.Ltmp1, $4  }
0x8a: {  	[bflag:$0x0] =	sbarrier.arrive $0xFFFF  }
0x8b: {  	[hbm:s29], [sflag:s5] =	dma.local [spmem:s7], $0x500  }
0x8c: {  	_ =	swait.ge [sflag:s6], $0x500  }
0x8d: {  	[sflag:s6] =	ssyncset.done $0x0  }
.LBB2_2:
0x8e: {  	[sflag:s6] =	ssyncadd.s32 $0xFFFFFB00  }
0x8f: {  	_ =	sfence.sel $0x180000  }
0x90: {  	[bflag:$0x0] =	sbarrier.arrive $0xFFFF  }
0x91: {  	_ =	strace $0x90000047  }
0x92: {  	[bflag:$0x2] =	sbarrier.arrive $0xFFFF  }
0x93: {  	p0 =	sne.s32 s1, $0x0;
	s0 =	rddreg [dreg:$0x3]  }
0x94: {  	s0 =	sadd.s32 @!p0 $0x100000, s0  }
0x95: {  	[sflag:s0] =	ssyncadd.tile.s32 @!p0 $0x1;
	_ =	shalt  }
.Lfunc_end2:
_tile_overlayer_lowered:
.L_overlay_start_2:
0x96: {  	(tag) =	ssettag $0x2  }
0x97: {  	s0 =	rddreg [dreg:$0x0];
	s2 =	stileid.u32  }
0x98: {  	s1 =	rddreg [dreg:$0x1];
	p0 =	sne.s32 s2, $0x0  }
0x99: {  	s3 =	rddreg [dreg:$0x2];
	[bflag:$0x3] =	sbarrier.arrive $0xFFFF;
	s2 =	simm.s32 @!p0 $0x1C09  }
0x9a: {  	[timem:s3], [sflag:s2] =	dma.local @!p0 [hbm:s0], s1  }
0x9b: {  	s0 =	simm.s32 @!p0 $0x9  }
0x9c: {  	_ =	swait.ge @!p0 [sflag:s0], s1  }
0x9d: {  	s1 =	ssub.s32 @!p0 $0x0, s1;
	[sflag:s0] =	ssyncset.done @!p0 $0x0  }
0x9e: {  	[sflag:s0] =	ssyncadd.s32 @!p0 s1  }
0x9f: {  	[bflag:$0x3] =	sbarrier.arrive $0xFFFF  }
0xa0: {  	_ =	shalt  }

</sc_bundles>
